<compile_context>
chip_gen: v7x
topology: tpu7x:2x2x1
jax: 0.10.2.dev20260603
libtpu: 0.0.44.dev20260713+nightly
codegen_flags: <defaults>
</compile_context>

<pallas_src>
import functools

import jax
import jax.numpy as jnp
from jax import lax
from jax.experimental import pallas as pl
from jax.experimental.pallas import tpu as pltpu
from jax.experimental.pallas import tpu_sc as plsc

_COARSE = 0.3
_MEDIUM = 0.4
_N16 = 256 * 32 * 32
_N8 = 256 * 64 * 64
_K1 = round(_N16 * _COARSE)
_K2 = round(4 * _N16 * _COARSE + _N8 * _MEDIUM)


def _count_less(arrs, t):
    s = jnp.int32(0)
    for a in arrs:
        s = s + jnp.sum((a < t).astype(jnp.int32))
    return s


def _bisect_kth(arrs, k):
    lo = jnp.int32(0)
    for r in range(15):
        w = 1 << (28 - 2 * r)
        t1 = lo + w
        t2 = lo + 2 * w
        t3 = lo + 3 * w
        s1 = _count_less(arrs, t1)
        s2 = _count_less(arrs, t2)
        s3 = _count_less(arrs, t3)
        lo = jnp.where(k <= s1, lo,
                       jnp.where(k <= s2, t1,
                                 jnp.where(k <= s3, t2, t3)))
    return lo


def _select_body(x16_ref, x8_ref, oc_ref, om_ref):
    v16 = lax.bitcast_convert_type(x16_ref[...], jnp.int32)
    c_bits = _bisect_kth([v16], _K1)

    m16 = (v16 < c_bits).astype(jnp.bfloat16)

    x8v = x8_ref[...]
    row = lax.broadcasted_iota(jnp.int32, (128, 128), 0)
    col = lax.broadcasted_iota(jnp.int32, (128, 128), 1)
    masked = []
    for r in range(4):
        p_r = (row == (32 * r + (col % 64) // 2)).astype(jnp.bfloat16)
        mcols = jnp.dot(m16, p_r, preferred_element_type=jnp.float32)
        vals = jnp.where(mcols > 0.5, 0.0, x8v[:, 128 * r:128 * (r + 1)])
        masked.append(lax.bitcast_convert_type(vals, jnp.int32))
    m_bits = _bisect_kth(masked, _K2)

    oc_ref[0, 0] = c_bits
    om_ref[0, 0] = m_bits


def _expand(rows, cols):
    return (rows[:, None] == cols[None, :]).astype(jnp.bfloat16)


def _gates_body(x16_ref, x8_ref, ct_ref, mt_ref, gf_ref, gl_ref):
    cthr = ct_ref[0, 0]
    mthr = mt_ref[0, 0]
    x16 = x16_ref[...].reshape(256, 32)
    x8 = x8_ref[...].reshape(512, 64)

    i128 = lax.iota(jnp.int32, 128)
    i64 = lax.iota(jnp.int32, 64)
    i32 = lax.iota(jnp.int32, 32)

    gcf = (x16 < cthr).astype(jnp.bfloat16)

    c2c = _expand(i32, i64 // 2)
    gc2 = jnp.dot(jnp.repeat(gcf, 2, axis=0), c2c,
                  preferred_element_type=jnp.float32)

    gmf = ((x8 < mthr) & (gc2 < 0.5)).astype(jnp.bfloat16)

    c4c = _expand(i32, i128 // 4)
    gc4 = jnp.dot(jnp.repeat(gcf, 4, axis=0), c4c,
                  preferred_element_type=jnp.float32)

    c2f = _expand(i64, i128 // 2)
    gm2 = jnp.dot(jnp.repeat(gmf, 2, axis=0), c2f,
                  preferred_element_type=jnp.float32)

    gff = 1.0 - gc4 - gm2
    gf_ref[...] = gff.astype(jnp.int32).reshape(8, 128, 128)

    gl_ref[:, 0] = gc4.astype(jnp.int32).reshape(8, 128, 128)
    gl_ref[:, 1] = gm2.astype(jnp.int32).reshape(8, 128, 128)
    gl_ref[:, 2] = gff.astype(jnp.int32).reshape(8, 128, 128)


def _sc_small_gates(x16t, x8t, ct16, mt16):
    mesh = plsc.VectorSubcoreMesh(core_axis_name="c", subcore_axis_name="s")

    @functools.partial(
        pl.kernel,
        mesh=mesh,
        out_type=(jax.ShapeDtypeStruct((262144,), jnp.int32),
                  jax.ShapeDtypeStruct((1048576,), jnp.int32)),
        scratch_types=[pltpu.VMEM((16,), jnp.float32),
                       pltpu.VMEM((16,), jnp.float32),
                       pltpu.VMEM((8192,), jnp.float32),
                       pltpu.VMEM((32768,), jnp.float32),
                       pltpu.VMEM((8192,), jnp.int32),
                       pltpu.VMEM((32768,), jnp.int32)],
    )
    def run(x16_hbm, x8_hbm, ct_hbm, mt_hbm, gct_hbm, gmt_hbm,
            ct_v, mt_v, x16_v, x8_v, gct_v, gmt_v):
        w = lax.axis_index("s") * 2 + lax.axis_index("c")
        b16 = w * 8192
        b8 = w * 32768
        pltpu.sync_copy(ct_hbm, ct_v)
        pltpu.sync_copy(mt_hbm, mt_v)
        pltpu.sync_copy(x16_hbm.at[pl.ds(b16, 8192)], x16_v)
        pltpu.sync_copy(x8_hbm.at[pl.ds(b8, 32768)], x8_v)
        ctv = ct_v[...]
        mtv = mt_v[...]

        def body16(i, carry):
            v = x16_v[pl.ds(i * 16, 16)]
            gct_v[pl.ds(i * 16, 16)] = jnp.where(v < ctv, 1, 0)
            return carry

        lax.fori_loop(0, 512, body16, 0, unroll=8)

        def body8(i, carry):
            p0 = i * 16
            j8 = (p0 // 256) % 64
            par = gct_v[pl.ds((j8 // 2) * 256 + p0 % 256, 16)]
            v = x8_v[pl.ds(p0, 16)]
            gmt_v[pl.ds(p0, 16)] = jnp.where((v < mtv) & (par == 0), 1, 0)
            return carry

        lax.fori_loop(0, 2048, body8, 0, unroll=8)
        pltpu.sync_copy(gct_v, gct_hbm.at[pl.ds(b16, 8192)])
        pltpu.sync_copy(gmt_v, gmt_hbm.at[pl.ds(b8, 32768)])

    return run(x16t, x8t, ct16, mt16)


@jax.jit
def kernel(x_entropy_p16, x_entropy_p8):
    x16f = x_entropy_p16.reshape(2048, 128)
    x8f = x_entropy_p8.reshape(2048, 512)

    c_bits, m_bits = pl.pallas_call(
        _select_body,
        out_specs=(pl.BlockSpec(memory_space=pltpu.SMEM),
                   pl.BlockSpec(memory_space=pltpu.SMEM)),
        out_shape=(jax.ShapeDtypeStruct((1, 1), jnp.int32),
                   jax.ShapeDtypeStruct((1, 1), jnp.int32)),
    )(x16f, x8f)
    cthr = lax.bitcast_convert_type(c_bits, jnp.float32)
    mthr = lax.bitcast_convert_type(m_bits, jnp.float32)

    ct16 = jnp.broadcast_to(cthr.reshape(1), (16,))
    mt16 = jnp.broadcast_to(mthr.reshape(1), (16,))
    gct, gmt = _sc_small_gates(
        x_entropy_p16.transpose(1, 2, 0).reshape(-1),
        x_entropy_p8.transpose(1, 2, 0).reshape(-1), ct16, mt16)
    gct = gct.reshape(32, 32, 256)
    gmt = gmt.reshape(64, 64, 256)

    gf, gl = pl.pallas_call(
        _gates_body,
        grid=(32,),
        in_specs=[
            pl.BlockSpec((8, 32, 32), lambda b: (b, 0, 0)),
            pl.BlockSpec((8, 64, 64), lambda b: (b, 0, 0)),
            pl.BlockSpec((1, 1), lambda b: (0, 0)),
            pl.BlockSpec((1, 1), lambda b: (0, 0)),
        ],
        out_specs=[
            pl.BlockSpec((8, 128, 128), lambda b: (b, 0, 0)),
            pl.BlockSpec((8, 3, 128, 128), lambda b: (b, 0, 0, 0)),
        ],
        out_shape=(
            jax.ShapeDtypeStruct((256, 128, 128), jnp.int32),
            jax.ShapeDtypeStruct((256, 3, 128, 128), jnp.int32),
        ),
    )(x_entropy_p16, x_entropy_p8, cthr, mthr)
    return (gct.transpose(2, 0, 1), gmt.transpose(2, 0, 1), gf,
            gl.transpose(0, 2, 3, 1))

# --- scband reference (transcript-rebuilt; emitter-appended) ---
"""Pipeline reference for scband-triple-grain-fixed-entropy-router-35923106464025 (READ-ONLY COPY).

The authoritative reference and input builder live on the scoring server;
editing this copy changes nothing except your own understanding.
"""

import jax, jax.numpy as jnp
import numpy as np

COARSE = 0.3
MEDIUM = 0.4

def up2(a):
    return jnp.repeat(jnp.repeat(a, 2, axis=-1), 2, axis=-2)

def up4(a):
    return jnp.repeat(jnp.repeat(a, 4, axis=-1), 4, axis=-2)

def setup_inputs(seed: int = 0) -> dict:
    key = jax.random.key(seed)
    k1, k2 = jax.random.split(key)
    x_entropy_p16 = jax.random.uniform(k1, (256, 32, 32), dtype=jnp.float32)
    x_entropy_p8 = jax.random.uniform(k2, (256, 64, 64), dtype=jnp.float32)
    return {"x_entropy_p16": x_entropy_p16, "x_entropy_p8": x_entropy_p8}

def reference(x_entropy_p16, x_entropy_p8):
    # mode 0: all three ratios nonzero (coarse=0.3, medium=0.4, fine=0.3)
    n16 = int(np.prod(x_entropy_p16.shape))
    n8 = int(np.prod(x_entropy_p8.shape))
    p16_sorted = jnp.sort(x_entropy_p16.reshape(-1))
    k_coarse = round(n16 * COARSE)
    coarse_thr = p16_sorted[k_coarse - 1 if k_coarse != 0 else k_coarse]
    gate_coarse = jnp.where(x_entropy_p16 < coarse_thr, 1, 0).astype(jnp.int32)
    p8_masked = (x_entropy_p8 * (1 - up2(gate_coarse)).astype(x_entropy_p8.dtype)).reshape(-1)
    p8_sorted = jnp.sort(p8_masked)
    k_medium_4coarse = round(4 * n16 * COARSE + n8 * MEDIUM)
    medium_thr = p8_sorted[k_medium_4coarse - 1 if k_medium_4coarse != 0 else k_medium_4coarse]
    gate_medium = jnp.where(x_entropy_p8 < medium_thr, 1, 0) * jnp.where((1 - up2(gate_coarse)) != 0, 1, 0)
    gate_medium = gate_medium.astype(jnp.int32)
    gate_fine = 1 - up4(gate_coarse) - up2(gate_medium)
    gate = jnp.concatenate([
        up4(gate_coarse)[..., None],
        up2(gate_medium)[..., None],
        gate_fine[..., None],
    ], axis=-1)
    return (gate_coarse, gate_medium, gate_fine, gate)

if __name__ == "__main__":
    import jax
    _d = setup_inputs()
    print(jax.jit(kernel)(*tuple(_d.values())))

</pallas_src>

<mosaic_0001>
#map = affine_map<(d0, d1) -> (0)>
module attributes {stable_mosaic.version = 14 : i64} {
  func.func @run(%arg0: i32, %arg1: i32, %arg2: memref<262144xf32, #tpu.memory_space<hbm>>, %arg3: memref<1048576xf32, #tpu.memory_space<hbm>>, %arg4: memref<16xf32, #tpu.memory_space<hbm>>, %arg5: memref<16xf32, #tpu.memory_space<hbm>>, %arg6: memref<262144xi32, #tpu.memory_space<hbm>>, %arg7: memref<1048576xi32, #tpu.memory_space<hbm>>, %arg8: memref<16xf32, #tpu.memory_space<vmem>>, %arg9: memref<16xf32, #tpu.memory_space<vmem>>, %arg10: memref<8192xf32, #tpu.memory_space<vmem>>, %arg11: memref<32768xf32, #tpu.memory_space<vmem>>, %arg12: memref<8192xi32, #tpu.memory_space<vmem>>, %arg13: memref<32768xi32, #tpu.memory_space<vmem>>) attributes {dimension_semantics = [#tpu.dimension_semantics<core_parallel>, #tpu.dimension_semantics<subcore_parallel>], iteration_bounds = array<i64: 2, 16>, scalar_prefetch = 0 : i64, scratch_operands = 6 : i64, tpu.core_type = #tpu.core_type<sc_vector_subcore>, window_params = [{transform_indices = #map}, {transform_indices = #map}, {transform_indices = #map}, {transform_indices = #map}, {transform_indices = #map}, {transform_indices = #map}]} {
    %mul3A = arith.constant 2 : i32
    %mul3A_0 = arith.muli %arg1, %mul3A : i32
    %add3A = arith.addi %mul3A_0, %arg0 : i32
    %mul3A_1 = arith.constant 8192 : i32
    %mul3A_2 = arith.muli %add3A, %mul3A_1 : i32
    %mul3A_3 = arith.constant 32768 : i32
    %mul3A_4 = arith.muli %add3A, %mul3A_3 : i32
    "tpu.region"() ({
      %run_scoped3A = tpu.sem_alloc : memref<!tpu.dma_semaphore, #tpu.memory_space<semaphore_mem>>
      tpu.enqueue_dma source(%arg4 : memref<16xf32, #tpu.memory_space<hbm>>) target(%arg8 : memref<16xf32, #tpu.memory_space<vmem>>) target_semaphore(%run_scoped3A : memref<!tpu.dma_semaphore, #tpu.memory_space<semaphore_mem>>)
      tpu.wait_dma2 semaphore(%run_scoped3A : memref<!tpu.dma_semaphore, #tpu.memory_space<semaphore_mem>>) src(%arg4 : memref<16xf32, #tpu.memory_space<hbm>>) dst(%arg8 : memref<16xf32, #tpu.memory_space<vmem>>)
      tpu.yield
    }) : () -> ()
    "tpu.region"() ({
      %run_scoped3A = tpu.sem_alloc : memref<!tpu.dma_semaphore, #tpu.memory_space<semaphore_mem>>
      tpu.enqueue_dma source(%arg5 : memref<16xf32, #tpu.memory_space<hbm>>) target(%arg9 : memref<16xf32, #tpu.memory_space<vmem>>) target_semaphore(%run_scoped3A : memref<!tpu.dma_semaphore, #tpu.memory_space<semaphore_mem>>)
      tpu.wait_dma2 semaphore(%run_scoped3A : memref<!tpu.dma_semaphore, #tpu.memory_space<semaphore_mem>>) src(%arg5 : memref<16xf32, #tpu.memory_space<hbm>>) dst(%arg9 : memref<16xf32, #tpu.memory_space<vmem>>)
      tpu.yield
    }) : () -> ()
    "tpu.region"() ({
      %run_scoped3A = tpu.sem_alloc : memref<!tpu.dma_semaphore, #tpu.memory_space<semaphore_mem>>
      %dma_start3A = tpu.memref_slice %arg2[%mul3A_2] : memref<262144xf32, #tpu.memory_space<hbm>> -> memref<8192xf32, #tpu.memory_space<hbm>>
      %dma_start3A_21 = tpu.memref_slice %arg2[%mul3A_2] : memref<262144xf32, #tpu.memory_space<hbm>> -> memref<8192xf32, #tpu.memory_space<hbm>>
      tpu.enqueue_dma source(%dma_start3A_21 : memref<8192xf32, #tpu.memory_space<hbm>>) target(%arg10 : memref<8192xf32, #tpu.memory_space<vmem>>) target_semaphore(%run_scoped3A : memref<!tpu.dma_semaphore, #tpu.memory_space<semaphore_mem>>)
      %dma_wait3A = tpu.memref_slice %arg2[%mul3A_2] : memref<262144xf32, #tpu.memory_space<hbm>> -> memref<8192xf32, #tpu.memory_space<hbm>>
      %dma_wait3A_22 = tpu.memref_slice %arg2[%mul3A_2] : memref<262144xf32, #tpu.memory_space<hbm>> -> memref<8192xf32, #tpu.memory_space<hbm>>
      tpu.wait_dma2 semaphore(%run_scoped3A : memref<!tpu.dma_semaphore, #tpu.memory_space<semaphore_mem>>) src(%dma_wait3A_22 : memref<8192xf32, #tpu.memory_space<hbm>>) dst(%arg10 : memref<8192xf32, #tpu.memory_space<vmem>>)
      tpu.yield
    }) : () -> ()
    "tpu.region"() ({
      %run_scoped3A = tpu.sem_alloc : memref<!tpu.dma_semaphore, #tpu.memory_space<semaphore_mem>>
      %dma_start3A = tpu.memref_slice %arg3[%mul3A_4] : memref<1048576xf32, #tpu.memory_space<hbm>> -> memref<32768xf32, #tpu.memory_space<hbm>>
      %dma_start3A_21 = tpu.memref_slice %arg3[%mul3A_4] : memref<1048576xf32, #tpu.memory_space<hbm>> -> memref<32768xf32, #tpu.memory_space<hbm>>
      tpu.enqueue_dma source(%dma_start3A_21 : memref<32768xf32, #tpu.memory_space<hbm>>) target(%arg11 : memref<32768xf32, #tpu.memory_space<vmem>>) target_semaphore(%run_scoped3A : memref<!tpu.dma_semaphore, #tpu.memory_space<semaphore_mem>>)
      %dma_wait3A = tpu.memref_slice %arg3[%mul3A_4] : memref<1048576xf32, #tpu.memory_space<hbm>> -> memref<32768xf32, #tpu.memory_space<hbm>>
      %dma_wait3A_22 = tpu.memref_slice %arg3[%mul3A_4] : memref<1048576xf32, #tpu.memory_space<hbm>> -> memref<32768xf32, #tpu.memory_space<hbm>>
      tpu.wait_dma2 semaphore(%run_scoped3A : memref<!tpu.dma_semaphore, #tpu.memory_space<semaphore_mem>>) src(%dma_wait3A_22 : memref<32768xf32, #tpu.memory_space<hbm>>) dst(%arg11 : memref<32768xf32, #tpu.memory_space<vmem>>)
      tpu.yield
    }) : () -> ()
    %get3A = arith.constant 0 : index
    %get3A_5 = tpu.vector_load %arg8[%get3A] {strides = array<i32>} : memref<16xf32, #tpu.memory_space<vmem>>, vector<16xf32>,
    %get3A_6 = vector.shape_cast %get3A_5 : vector<16xf32> to vector<16xf32>
    %get3A_7 = arith.constant 0 : index
    %get3A_8 = tpu.vector_load %arg9[%get3A_7] {strides = array<i32>} : memref<16xf32, #tpu.memory_space<vmem>>, vector<16xf32>,
    %get3A_9 = vector.shape_cast %get3A_8 : vector<16xf32> to vector<16xf32>
    %scan3A = arith.constant 0 : i32
    %scan3A_10 = arith.constant 0 : i32
    %scan3A_11 = arith.constant 512 : i32
    %scan3A_12 = arith.addi %scan3A_10, %scan3A_11 : i32
    %scan3A_13 = arith.constant 8 : i32
    scf.for %scan3A_21 = %scan3A_10 to %scan3A_12 step %scan3A_13  : i32 {
      %mul3A_22 = arith.constant 16 : i32
      %mul3A_23 = arith.muli %scan3A_21, %mul3A_22 : i32
      %get3A_24 = arith.index_cast %mul3A_23 : i32 to index
      %get3A_25 = tpu.vector_load %arg10[%get3A_24] {strides = array<i32>} : memref<8192xf32, #tpu.memory_space<vmem>>, vector<16xf32>,
      %get3A_26 = vector.shape_cast %get3A_25 : vector<16xf32> to vector<16xf32>
      %lt3A = arith.cmpf olt, %get3A_26, %get3A_6 : vector<16xf32>
      %jit3A = arith.constant 1 : i32
      %jit3A_27 = arith.constant 0 : i32
      %broadcast_in_dim3A = vector.broadcast %jit3A : i32 to vector<16xi32>
      %broadcast_in_dim3A_28 = vector.broadcast %jit3A_27 : i32 to vector<16xi32>
      %select_n3A = arith.select %lt3A, %broadcast_in_dim3A, %broadcast_in_dim3A_28 : vector<16xi1>, vector<16xi32>
      %mul3A_29 = arith.constant 16 : i32
      %mul3A_30 = arith.muli %scan3A_21, %mul3A_29 : i32
      %swap3A = arith.index_cast %mul3A_30 : i32 to index
      %swap3A_31 = tpu.vector_load %arg12[%swap3A] {strides = array<i32>} : memref<8192xi32, #tpu.memory_space<vmem>>, vector<16xi32>,
      %swap3A_32 = vector.shape_cast %swap3A_31 : vector<16xi32> to vector<16xi32>
      %swap3A_33 = vector.shape_cast %select_n3A : vector<16xi32> to vector<16xi32>
      tpu.vector_store %arg12[%swap3A], %swap3A_33 {strides = array<i32>} : memref<8192xi32, #tpu.memory_space<vmem>>, vector<16xi32>,
      %scan3A_34 = arith.constant 1 : i32
      %scan3A_35 = arith.addi %scan3A_21, %scan3A_34 : i32
      %mul3A_36 = arith.constant 16 : i32
      %mul3A_37 = arith.muli %scan3A_35, %mul3A_36 : i32
      %get3A_38 = arith.index_cast %mul3A_37 : i32 to index
      %get3A_39 = tpu.vector_load %arg10[%get3A_38] {strides = array<i32>} : memref<8192xf32, #tpu.memory_space<vmem>>, vector<16xf32>,
      %get3A_40 = vector.shape_cast %get3A_39 : vector<16xf32> to vector<16xf32>
      %lt3A_41 = arith.cmpf olt, %get3A_40, %get3A_6 : vector<16xf32>
      %jit3A_42 = arith.constant 1 : i32
      %jit3A_43 = arith.constant 0 : i32
      %broadcast_in_dim3A_44 = vector.broadcast %jit3A_42 : i32 to vector<16xi32>
      %broadcast_in_dim3A_45 = vector.broadcast %jit3A_43 : i32 to vector<16xi32>
      %select_n3A_46 = arith.select %lt3A_41, %broadcast_in_dim3A_44, %broadcast_in_dim3A_45 : vector<16xi1>, vector<16xi32>
      %mul3A_47 = arith.constant 16 : i32
      %mul3A_48 = arith.muli %scan3A_35, %mul3A_47 : i32
      %swap3A_49 = arith.index_cast %mul3A_48 : i32 to index
      %swap3A_50 = tpu.vector_load %arg12[%swap3A_49] {strides = array<i32>} : memref<8192xi32, #tpu.memory_space<vmem>>, vector<16xi32>,
      %swap3A_51 = vector.shape_cast %swap3A_50 : vector<16xi32> to vector<16xi32>
      %swap3A_52 = vector.shape_cast %select_n3A_46 : vector<16xi32> to vector<16xi32>
      tpu.vector_store %arg12[%swap3A_49], %swap3A_52 {strides = array<i32>} : memref<8192xi32, #tpu.memory_space<vmem>>, vector<16xi32>,
      %scan3A_53 = arith.constant 2 : i32
      %scan3A_54 = arith.addi %scan3A_21, %scan3A_53 : i32
      %mul3A_55 = arith.constant 16 : i32
      %mul3A_56 = arith.muli %scan3A_54, %mul3A_55 : i32
      %get3A_57 = arith.index_cast %mul3A_56 : i32 to index
      %get3A_58 = tpu.vector_load %arg10[%get3A_57] {strides = array<i32>} : memref<8192xf32, #tpu.memory_space<vmem>>, vector<16xf32>,
      %get3A_59 = vector.shape_cast %get3A_58 : vector<16xf32> to vector<16xf32>
      %lt3A_60 = arith.cmpf olt, %get3A_59, %get3A_6 : vector<16xf32>
      %jit3A_61 = arith.constant 1 : i32
      %jit3A_62 = arith.constant 0 : i32
      %broadcast_in_dim3A_63 = vector.broadcast %jit3A_61 : i32 to vector<16xi32>
      %broadcast_in_dim3A_64 = vector.broadcast %jit3A_62 : i32 to vector<16xi32>
      %select_n3A_65 = arith.select %lt3A_60, %broadcast_in_dim3A_63, %broadcast_in_dim3A_64 : vector<16xi1>, vector<16xi32>
      %mul3A_66 = arith.constant 16 : i32
      %mul3A_67 = arith.muli %scan3A_54, %mul3A_66 : i32
      %swap3A_68 = arith.index_cast %mul3A_67 : i32 to index
      %swap3A_69 = tpu.vector_load %arg12[%swap3A_68] {strides = array<i32>} : memref<8192xi32, #tpu.memory_space<vmem>>, vector<16xi32>,
      %swap3A_70 = vector.shape_cast %swap3A_69 : vector<16xi32> to vector<16xi32>
      %swap3A_71 = vector.shape_cast %select_n3A_65 : vector<16xi32> to vector<16xi32>
      tpu.vector_store %arg12[%swap3A_68], %swap3A_71 {strides = array<i32>} : memref<8192xi32, #tpu.memory_space<vmem>>, vector<16xi32>,
      %scan3A_72 = arith.constant 3 : i32
      %scan3A_73 = arith.addi %scan3A_21, %scan3A_72 : i32
      %mul3A_74 = arith.constant 16 : i32
      %mul3A_75 = arith.muli %scan3A_73, %mul3A_74 : i32
      %get3A_76 = arith.index_cast %mul3A_75 : i32 to index
      %get3A_77 = tpu.vector_load %arg10[%get3A_76] {strides = array<i32>} : memref<8192xf32, #tpu.memory_space<vmem>>, vector<16xf32>,
      %get3A_78 = vector.shape_cast %get3A_77 : vector<16xf32> to vector<16xf32>
      %lt3A_79 = arith.cmpf olt, %get3A_78, %get3A_6 : vector<16xf32>
      %jit3A_80 = arith.constant 1 : i32
      %jit3A_81 = arith.constant 0 : i32
      %broadcast_in_dim3A_82 = vector.broadcast %jit3A_80 : i32 to vector<16xi32>
      %broadcast_in_dim3A_83 = vector.broadcast %jit3A_81 : i32 to vector<16xi32>
      %select_n3A_84 = arith.select %lt3A_79, %broadcast_in_dim3A_82, %broadcast_in_dim3A_83 : vector<16xi1>, vector<16xi32>
      %mul3A_85 = arith.constant 16 : i32
      %mul3A_86 = arith.muli %scan3A_73, %mul3A_85 : i32
      %swap3A_87 = arith.index_cast %mul3A_86 : i32 to index
      %swap3A_88 = tpu.vector_load %arg12[%swap3A_87] {strides = array<i32>} : memref<8192xi32, #tpu.memory_space<vmem>>, vector<16xi32>,
      %swap3A_89 = vector.shape_cast %swap3A_88 : vector<16xi32> to vector<16xi32>
      %swap3A_90 = vector.shape_cast %select_n3A_84 : vector<16xi32> to vector<16xi32>
      tpu.vector_store %arg12[%swap3A_87], %swap3A_90 {strides = array<i32>} : memref<8192xi32, #tpu.memory_space<vmem>>, vector<16xi32>,
      %scan3A_91 = arith.constant 4 : i32
      %scan3A_92 = arith.addi %scan3A_21, %scan3A_91 : i32
      %mul3A_93 = arith.constant 16 : i32
      %mul3A_94 = arith.muli %scan3A_92, %mul3A_93 : i32
      %get3A_95 = arith.index_cast %mul3A_94 : i32 to index
      %get3A_96 = tpu.vector_load %arg10[%get3A_95] {strides = array<i32>} : memref<8192xf32, #tpu.memory_space<vmem>>, vector<16xf32>,
      %get3A_97 = vector.shape_cast %get3A_96 : vector<16xf32> to vector<16xf32>
      %lt3A_98 = arith.cmpf olt, %get3A_97, %get3A_6 : vector<16xf32>
      %jit3A_99 = arith.constant 1 : i32
      %jit3A_100 = arith.constant 0 : i32
      %broadcast_in_dim3A_101 = vector.broadcast %jit3A_99 : i32 to vector<16xi32>
      %broadcast_in_dim3A_102 = vector.broadcast %jit3A_100 : i32 to vector<16xi32>
      %select_n3A_103 = arith.select %lt3A_98, %broadcast_in_dim3A_101, %broadcast_in_dim3A_102 : vector<16xi1>, vector<16xi32>
      %mul3A_104 = arith.constant 16 : i32
      %mul3A_105 = arith.muli %scan3A_92, %mul3A_104 : i32
      %swap3A_106 = arith.index_cast %mul3A_105 : i32 to index
      %swap3A_107 = tpu.vector_load %arg12[%swap3A_106] {strides = array<i32>} : memref<8192xi32, #tpu.memory_space<vmem>>, vector<16xi32>,
      %swap3A_108 = vector.shape_cast %swap3A_107 : vector<16xi32> to vector<16xi32>
      %swap3A_109 = vector.shape_cast %select_n3A_103 : vector<16xi32> to vector<16xi32>
      tpu.vector_store %arg12[%swap3A_106], %swap3A_109 {strides = array<i32>} : memref<8192xi32, #tpu.memory_space<vmem>>, vector<16xi32>,
      %scan3A_110 = arith.constant 5 : i32
      %scan3A_111 = arith.addi %scan3A_21, %scan3A_110 : i32
      %mul3A_112 = arith.constant 16 : i32
      %mul3A_113 = arith.muli %scan3A_111, %mul3A_112 : i32
      %get3A_114 = arith.index_cast %mul3A_113 : i32 to index
      %get3A_115 = tpu.vector_load %arg10[%get3A_114] {strides = array<i32>} : memref<8192xf32, #tpu.memory_space<vmem>>, vector<16xf32>,
      %get3A_116 = vector.shape_cast %get3A_115 : vector<16xf32> to vector<16xf32>
      %lt3A_117 = arith.cmpf olt, %get3A_116, %get3A_6 : vector<16xf32>
      %jit3A_118 = arith.constant 1 : i32
      %jit3A_119 = arith.constant 0 : i32
      %broadcast_in_dim3A_120 = vector.broadcast %jit3A_118 : i32 to vector<16xi32>
      %broadcast_in_dim3A_121 = vector.broadcast %jit3A_119 : i32 to vector<16xi32>
      %select_n3A_122 = arith.select %lt3A_117, %broadcast_in_dim3A_120, %broadcast_in_dim3A_121 : vector<16xi1>, vector<16xi32>
      %mul3A_123 = arith.constant 16 : i32
      %mul3A_124 = arith.muli %scan3A_111, %mul3A_123 : i32
      %swap3A_125 = arith.index_cast %mul3A_124 : i32 to index
      %swap3A_126 = tpu.vector_load %arg12[%swap3A_125] {strides = array<i32>} : memref<8192xi32, #tpu.memory_space<vmem>>, vector<16xi32>,
      %swap3A_127 = vector.shape_cast %swap3A_126 : vector<16xi32> to vector<16xi32>
      %swap3A_128 = vector.shape_cast %select_n3A_122 : vector<16xi32> to vector<16xi32>
      tpu.vector_store %arg12[%swap3A_125], %swap3A_128 {strides = array<i32>} : memref<8192xi32, #tpu.memory_space<vmem>>, vector<16xi32>,
      %scan3A_129 = arith.constant 6 : i32
      %scan3A_130 = arith.addi %scan3A_21, %scan3A_129 : i32
      %mul3A_131 = arith.constant 16 : i32
      %mul3A_132 = arith.muli %scan3A_130, %mul3A_131 : i32
      %get3A_133 = arith.index_cast %mul3A_132 : i32 to index
      %get3A_134 = tpu.vector_load %arg10[%get3A_133] {strides = array<i32>} : memref<8192xf32, #tpu.memory_space<vmem>>, vector<16xf32>,
      %get3A_135 = vector.shape_cast %get3A_134 : vector<16xf32> to vector<16xf32>
      %lt3A_136 = arith.cmpf olt, %get3A_135, %get3A_6 : vector<16xf32>
      %jit3A_137 = arith.constant 1 : i32
      %jit3A_138 = arith.constant 0 : i32
      %broadcast_in_dim3A_139 = vector.broadcast %jit3A_137 : i32 to vector<16xi32>
      %broadcast_in_dim3A_140 = vector.broadcast %jit3A_138 : i32 to vector<16xi32>
      %select_n3A_141 = arith.select %lt3A_136, %broadcast_in_dim3A_139, %broadcast_in_dim3A_140 : vector<16xi1>, vector<16xi32>
      %mul3A_142 = arith.constant 16 : i32
      %mul3A_143 = arith.muli %scan3A_130, %mul3A_142 : i32
      %swap3A_144 = arith.index_cast %mul3A_143 : i32 to index
      %swap3A_145 = tpu.vector_load %arg12[%swap3A_144] {strides = array<i32>} : memref<8192xi32, #tpu.memory_space<vmem>>, vector<16xi32>,
      %swap3A_146 = vector.shape_cast %swap3A_145 : vector<16xi32> to vector<16xi32>
      %swap3A_147 = vector.shape_cast %select_n3A_141 : vector<16xi32> to vector<16xi32>
      tpu.vector_store %arg12[%swap3A_144], %swap3A_147 {strides = array<i32>} : memref<8192xi32, #tpu.memory_space<vmem>>, vector<16xi32>,
      %scan3A_148 = arith.constant 7 : i32
      %scan3A_149 = arith.addi %scan3A_21, %scan3A_148 : i32
      %mul3A_150 = arith.constant 16 : i32
      %mul3A_151 = arith.muli %scan3A_149, %mul3A_150 : i32
      %get3A_152 = arith.index_cast %mul3A_151 : i32 to index
      %get3A_153 = tpu.vector_load %arg10[%get3A_152] {strides = array<i32>} : memref<8192xf32, #tpu.memory_space<vmem>>, vector<16xf32>,
      %get3A_154 = vector.shape_cast %get3A_153 : vector<16xf32> to vector<16xf32>
      %lt3A_155 = arith.cmpf olt, %get3A_154, %get3A_6 : vector<16xf32>
      %jit3A_156 = arith.constant 1 : i32
      %jit3A_157 = arith.constant 0 : i32
      %broadcast_in_dim3A_158 = vector.broadcast %jit3A_156 : i32 to vector<16xi32>
      %broadcast_in_dim3A_159 = vector.broadcast %jit3A_157 : i32 to vector<16xi32>
      %select_n3A_160 = arith.select %lt3A_155, %broadcast_in_dim3A_158, %broadcast_in_dim3A_159 : vector<16xi1>, vector<16xi32>
      %mul3A_161 = arith.constant 16 : i32
      %mul3A_162 = arith.muli %scan3A_149, %mul3A_161 : i32
      %swap3A_163 = arith.index_cast %mul3A_162 : i32 to index
      %swap3A_164 = tpu.vector_load %arg12[%swap3A_163] {strides = array<i32>} : memref<8192xi32, #tpu.memory_space<vmem>>, vector<16xi32>,
      %swap3A_165 = vector.shape_cast %swap3A_164 : vector<16xi32> to vector<16xi32>
      %swap3A_166 = vector.shape_cast %select_n3A_160 : vector<16xi32> to vector<16xi32>
      tpu.vector_store %arg12[%swap3A_163], %swap3A_166 {strides = array<i32>} : memref<8192xi32, #tpu.memory_space<vmem>>, vector<16xi32>,
    }
    %scan3A_14 = arith.constant 512 : i32
    %scan3A_15 = arith.constant 0 : i32
    %scan3A_16 = arith.constant 0 : i32
    %scan3A_17 = arith.constant 2048 : i32
    %scan3A_18 = arith.addi %scan3A_16, %scan3A_17 : i32
    %scan3A_19 = arith.constant 8 : i32
    scf.for %scan3A_21 = %scan3A_16 to %scan3A_18 step %scan3A_19  : i32 {
      %mul3A_22 = arith.constant 16 : i32
      %mul3A_23 = arith.muli %scan3A_21, %mul3A_22 : i32
      %jit3A = arith.constant 256 : i32
      %div3A = arith.divsi %mul3A_23, %jit3A : i32
      %sign3A = arith.constant 0 : i32
      %sign3A_24 = arith.cmpi sgt, %mul3A_23, %sign3A : i32
      %sign3A_25 = arith.extui %sign3A_24 : i1 to i32
      %sign3A_26 = arith.constant 0 : i32
      %sign3A_27 = arith.cmpi slt, %mul3A_23, %sign3A_26 : i32
      %sign3A_28 = arith.extui %sign3A_27 : i1 to i32
      %sign3A_29 = arith.subi %sign3A_25, %sign3A_28 : i32
      %sign3A_30 = arith.constant 0 : i32
      %sign3A_31 = arith.cmpi sgt, %jit3A, %sign3A_30 : i32
      %sign3A_32 = arith.extui %sign3A_31 : i1 to i32
      %sign3A_33 = arith.constant 0 : i32
      %sign3A_34 = arith.cmpi slt, %jit3A, %sign3A_33 : i32
      %sign3A_35 = arith.extui %sign3A_34 : i1 to i32
      %sign3A_36 = arith.subi %sign3A_32, %sign3A_35 : i32
      %ne3A = arith.cmpi ne, %sign3A_29, %sign3A_36 : i32
      %rem3A = arith.remsi %mul3A_23, %jit3A : i32
      %ne3A_37 = arith.constant 0 : i32
      %ne3A_38 = arith.cmpi ne, %rem3A, %ne3A_37 : i32
      %and3A = arith.andi %ne3A, %ne3A_38 : i1
      %sub3A = arith.constant 1 : i32
      %sub3A_39 = arith.subi %div3A, %sub3A : i32
      %select_n3A = arith.select %and3A, %sub3A_39, %div3A : i32
      %jit3A_40 = arith.constant 64 : i32
      %eq3A = arith.constant 0 : i32
      %eq3A_41 = arith.cmpi eq, %jit3A_40, %eq3A : i32
      %jit3A_42 = arith.constant 1 : i32
      %select_n3A_43 = arith.select %eq3A_41, %jit3A_42, %jit3A_40 : i32
      %rem3A_44 = arith.remsi %select_n3A, %select_n3A_43 : i32
      %ne3A_45 = arith.constant 0 : i32
      %ne3A_46 = arith.cmpi ne, %rem3A_44, %ne3A_45 : i32
      %lt3A = arith.constant 0 : i32
      %lt3A_47 = arith.cmpi slt, %rem3A_44, %lt3A : i32
      %lt3A_48 = arith.constant 0 : i32
      %lt3A_49 = arith.cmpi slt, %select_n3A_43, %lt3A_48 : i32
      %ne3A_50 = arith.xori %lt3A_47, %lt3A_49 : i1
      %and3A_51 = arith.andi %ne3A_50, %ne3A_46 : i1
      %add3A_52 = arith.addi %rem3A_44, %select_n3A_43 : i32
      %select_n3A_53 = arith.select %and3A_51, %add3A_52, %rem3A_44 : i32
      %jit3A_54 = arith.constant 2 : i32
      %div3A_55 = arith.divsi %select_n3A_53, %jit3A_54 : i32
      %sign3A_56 = arith.constant 0 : i32
      %sign3A_57 = arith.cmpi sgt, %select_n3A_53, %sign3A_56 : i32
      %sign3A_58 = arith.extui %sign3A_57 : i1 to i32
      %sign3A_59 = arith.constant 0 : i32
      %sign3A_60 = arith.cmpi slt, %select_n3A_53, %sign3A_59 : i32
      %sign3A_61 = arith.extui %sign3A_60 : i1 to i32
      %sign3A_62 = arith.subi %sign3A_58, %sign3A_61 : i32
      %sign3A_63 = arith.constant 0 : i32
      %sign3A_64 = arith.cmpi sgt, %jit3A_54, %sign3A_63 : i32
      %sign3A_65 = arith.extui %sign3A_64 : i1 to i32
      %sign3A_66 = arith.constant 0 : i32
      %sign3A_67 = arith.cmpi slt, %jit3A_54, %sign3A_66 : i32
      %sign3A_68 = arith.extui %sign3A_67 : i1 to i32
      %sign3A_69 = arith.subi %sign3A_65, %sign3A_68 : i32
      %ne3A_70 = arith.cmpi ne, %sign3A_62, %sign3A_69 : i32
      %rem3A_71 = arith.remsi %select_n3A_53, %jit3A_54 : i32
      %ne3A_72 = arith.constant 0 : i32
      %ne3A_73 = arith.cmpi ne, %rem3A_71, %ne3A_72 : i32
      %and3A_74 = arith.andi %ne3A_70, %ne3A_73 : i1
      %sub3A_75 = arith.constant 1 : i32
      %sub3A_76 = arith.subi %div3A_55, %sub3A_75 : i32
      %select_n3A_77 = arith.select %and3A_74, %sub3A_76, %div3A_55 : i32
      %mul3A_78 = arith.constant 256 : i32
      %mul3A_79 = arith.muli %select_n3A_77, %mul3A_78 : i32
      %jit3A_80 = arith.constant 256 : i32
      %eq3A_81 = arith.constant 0 : i32
      %eq3A_82 = arith.cmpi eq, %jit3A_80, %eq3A_81 : i32
      %jit3A_83 = arith.constant 1 : i32
      %select_n3A_84 = arith.select %eq3A_82, %jit3A_83, %jit3A_80 : i32
      %rem3A_85 = arith.remsi %mul3A_23, %select_n3A_84 : i32
      %ne3A_86 = arith.constant 0 : i32
      %ne3A_87 = arith.cmpi ne, %rem3A_85, %ne3A_86 : i32
      %lt3A_88 = arith.constant 0 : i32
      %lt3A_89 = arith.cmpi slt, %rem3A_85, %lt3A_88 : i32
      %lt3A_90 = arith.constant 0 : i32
      %lt3A_91 = arith.cmpi slt, %select_n3A_84, %lt3A_90 : i32
      %ne3A_92 = arith.xori %lt3A_89, %lt3A_91 : i1
      %and3A_93 = arith.andi %ne3A_92, %ne3A_87 : i1
      %add3A_94 = arith.addi %rem3A_85, %select_n3A_84 : i32
      %select_n3A_95 = arith.select %and3A_93, %add3A_94, %rem3A_85 : i32
      %add3A_96 = arith.addi %mul3A_79, %select_n3A_95 : i32
      %get3A_97 = arith.index_cast %add3A_96 : i32 to index
      %get3A_98 = tpu.vector_load %arg12[%get3A_97] {strides = array<i32>} : memref<8192xi32, #tpu.memory_space<vmem>>, vector<16xi32>,
      %get3A_99 = vector.shape_cast %get3A_98 : vector<16xi32> to vector<16xi32>
      %get3A_100 = arith.index_cast %mul3A_23 : i32 to index
      %get3A_101 = tpu.vector_load %arg11[%get3A_100] {strides = array<i32>} : memref<32768xf32, #tpu.memory_space<vmem>>, vector<16xf32>,
      %get3A_102 = vector.shape_cast %get3A_101 : vector<16xf32> to vector<16xf32>
      %lt3A_103 = arith.cmpf olt, %get3A_102, %get3A_9 : vector<16xf32>
      %eq3A_104 = arith.constant 0 : i32
      %eq3A_105 = vector.broadcast %eq3A_104 : i32 to vector<16xi32>
      %eq3A_106 = arith.cmpi eq, %get3A_99, %eq3A_105 : vector<16xi32>
      %and3A_107 = arith.andi %lt3A_103, %eq3A_106 : vector<16xi1>
      %jit3A_108 = arith.constant 1 : i32
      %jit3A_109 = arith.constant 0 : i32
      %broadcast_in_dim3A = vector.broadcast %jit3A_108 : i32 to vector<16xi32>
      %broadcast_in_dim3A_110 = vector.broadcast %jit3A_109 : i32 to vector<16xi32>
      %select_n3A_111 = arith.select %and3A_107, %broadcast_in_dim3A, %broadcast_in_dim3A_110 : vector<16xi1>, vector<16xi32>
      %swap3A = arith.index_cast %mul3A_23 : i32 to index
      %swap3A_112 = tpu.vector_load %arg13[%swap3A] {strides = array<i32>} : memref<32768xi32, #tpu.memory_space<vmem>>, vector<16xi32>,
      %swap3A_113 = vector.shape_cast %swap3A_112 : vector<16xi32> to vector<16xi32>
      %swap3A_114 = vector.shape_cast %select_n3A_111 : vector<16xi32> to vector<16xi32>
      tpu.vector_store %arg13[%swap3A], %swap3A_114 {strides = array<i32>} : memref<32768xi32, #tpu.memory_space<vmem>>, vector<16xi32>,
      %scan3A_115 = arith.constant 1 : i32
      %scan3A_116 = arith.addi %scan3A_21, %scan3A_115 : i32
      %mul3A_117 = arith.constant 16 : i32
      %mul3A_118 = arith.muli %scan3A_116, %mul3A_117 : i32
      %jit3A_119 = arith.constant 256 : i32
      %div3A_120 = arith.divsi %mul3A_118, %jit3A_119 : i32
      %sign3A_121 = arith.constant 0 : i32
      %sign3A_122 = arith.cmpi sgt, %mul3A_118, %sign3A_121 : i32
      %sign3A_123 = arith.extui %sign3A_122 : i1 to i32
      %sign3A_124 = arith.constant 0 : i32
      %sign3A_125 = arith.cmpi slt, %mul3A_118, %sign3A_124 : i32
      %sign3A_126 = arith.extui %sign3A_125 : i1 to i32
      %sign3A_127 = arith.subi %sign3A_123, %sign3A_126 : i32
      %sign3A_128 = arith.constant 0 : i32
      %sign3A_129 = arith.cmpi sgt, %jit3A_119, %sign3A_128 : i32
      %sign3A_130 = arith.extui %sign3A_129 : i1 to i32
      %sign3A_131 = arith.constant 0 : i32
      %sign3A_132 = arith.cmpi slt, %jit3A_119, %sign3A_131 : i32
      %sign3A_133 = arith.extui %sign3A_132 : i1 to i32
      %sign3A_134 = arith.subi %sign3A_130, %sign3A_133 : i32
      %ne3A_135 = arith.cmpi ne, %sign3A_127, %sign3A_134 : i32
      %rem3A_136 = arith.remsi %mul3A_118, %jit3A_119 : i32
      %ne3A_137 = arith.constant 0 : i32
      %ne3A_138 = arith.cmpi ne, %rem3A_136, %ne3A_137 : i32
      %and3A_139 = arith.andi %ne3A_135, %ne3A_138 : i1
      %sub3A_140 = arith.constant 1 : i32
      %sub3A_141 = arith.subi %div3A_120, %sub3A_140 : i32
      %select_n3A_142 = arith.select %and3A_139, %sub3A_141, %div3A_120 : i32
      %jit3A_143 = arith.constant 64 : i32
      %eq3A_144 = arith.constant 0 : i32
      %eq3A_145 = arith.cmpi eq, %jit3A_143, %eq3A_144 : i32
      %jit3A_146 = arith.constant 1 : i32
      %select_n3A_147 = arith.select %eq3A_145, %jit3A_146, %jit3A_143 : i32
      %rem3A_148 = arith.remsi %select_n3A_142, %select_n3A_147 : i32
      %ne3A_149 = arith.constant 0 : i32
      %ne3A_150 = arith.cmpi ne, %rem3A_148, %ne3A_149 : i32
      %lt3A_151 = arith.constant 0 : i32
      %lt3A_152 = arith.cmpi slt, %rem3A_148, %lt3A_151 : i32
      %lt3A_153 = arith.constant 0 : i32
      %lt3A_154 = arith.cmpi slt, %select_n3A_147, %lt3A_153 : i32
      %ne3A_155 = arith.xori %lt3A_152, %lt3A_154 : i1
      %and3A_156 = arith.andi %ne3A_155, %ne3A_150 : i1
      %add3A_157 = arith.addi %rem3A_148, %select_n3A_147 : i32
      %select_n3A_158 = arith.select %and3A_156, %add3A_157, %rem3A_148 : i32
      %jit3A_159 = arith.constant 2 : i32
      %div3A_160 = arith.divsi %select_n3A_158, %jit3A_159 : i32
      %sign3A_161 = arith.constant 0 : i32
      %sign3A_162 = arith.cmpi sgt, %select_n3A_158, %sign3A_161 : i32
      %sign3A_163 = arith.extui %sign3A_162 : i1 to i32
      %sign3A_164 = arith.constant 0 : i32
      %sign3A_165 = arith.cmpi slt, %select_n3A_158, %sign3A_164 : i32
      %sign3A_166 = arith.extui %sign3A_165 : i1 to i32
      %sign3A_167 = arith.subi %sign3A_163, %sign3A_166 : i32
      %sign3A_168 = arith.constant 0 : i32
      %sign3A_169 = arith.cmpi sgt, %jit3A_159, %sign3A_168 : i32
      %sign3A_170 = arith.extui %sign3A_169 : i1 to i32
      %sign3A_171 = arith.constant 0 : i32
      %sign3A_172 = arith.cmpi slt, %jit3A_159, %sign3A_171 : i32
      %sign3A_173 = arith.extui %sign3A_172 : i1 to i32
      %sign3A_174 = arith.subi %sign3A_170, %sign3A_173 : i32
      %ne3A_175 = arith.cmpi ne, %sign3A_167, %sign3A_174 : i32
      %rem3A_176 = arith.remsi %select_n3A_158, %jit3A_159 : i32
      %ne3A_177 = arith.constant 0 : i32
      %ne3A_178 = arith.cmpi ne, %rem3A_176, %ne3A_177 : i32
      %and3A_179 = arith.andi %ne3A_175, %ne3A_178 : i1
      %sub3A_180 = arith.constant 1 : i32
      %sub3A_181 = arith.subi %div3A_160, %sub3A_180 : i32
      %select_n3A_182 = arith.select %and3A_179, %sub3A_181, %div3A_160 : i32
      %mul3A_183 = arith.constant 256 : i32
      %mul3A_184 = arith.muli %select_n3A_182, %mul3A_183 : i32
      %jit3A_185 = arith.constant 256 : i32
      %eq3A_186 = arith.constant 0 : i32
      %eq3A_187 = arith.cmpi eq, %jit3A_185, %eq3A_186 : i32
      %jit3A_188 = arith.constant 1 : i32
      %select_n3A_189 = arith.select %eq3A_187, %jit3A_188, %jit3A_185 : i32
      %rem3A_190 = arith.remsi %mul3A_118, %select_n3A_189 : i32
      %ne3A_191 = arith.constant 0 : i32
      %ne3A_192 = arith.cmpi ne, %rem3A_190, %ne3A_191 : i32
      %lt3A_193 = arith.constant 0 : i32
      %lt3A_194 = arith.cmpi slt, %rem3A_190, %lt3A_193 : i32
      %lt3A_195 = arith.constant 0 : i32
      %lt3A_196 = arith.cmpi slt, %select_n3A_189, %lt3A_195 : i32
      %ne3A_197 = arith.xori %lt3A_194, %lt3A_196 : i1
      %and3A_198 = arith.andi %ne3A_197, %ne3A_192 : i1
      %add3A_199 = arith.addi %rem3A_190, %select_n3A_189 : i32
      %select_n3A_200 = arith.select %and3A_198, %add3A_199, %rem3A_190 : i32
      %add3A_201 = arith.addi %mul3A_184, %select_n3A_200 : i32
      %get3A_202 = arith.index_cast %add3A_201 : i32 to index
      %get3A_203 = tpu.vector_load %arg12[%get3A_202] {strides = array<i32>} : memref<8192xi32, #tpu.memory_space<vmem>>, vector<16xi32>,
      %get3A_204 = vector.shape_cast %get3A_203 : vector<16xi32> to vector<16xi32>
      %get3A_205 = arith.index_cast %mul3A_118 : i32 to index
      %get3A_206 = tpu.vector_load %arg11[%get3A_205] {strides = array<i32>} : memref<32768xf32, #tpu.memory_space<vmem>>, vector<16xf32>,
      %get3A_207 = vector.shape_cast %get3A_206 : vector<16xf32> to vector<16xf32>
      %lt3A_208 = arith.cmpf olt, %get3A_207, %get3A_9 : vector<16xf32>
      %eq3A_209 = arith.constant 0 : i32
      %eq3A_210 = vector.broadcast %eq3A_209 : i32 to vector<16xi32>
      %eq3A_211 = arith.cmpi eq, %get3A_204, %eq3A_210 : vector<16xi32>
      %and3A_212 = arith.andi %lt3A_208, %eq3A_211 : vector<16xi1>
      %jit3A_213 = arith.constant 1 : i32
      %jit3A_214 = arith.constant 0 : i32
      %broadcast_in_dim3A_215 = vector.broadcast %jit3A_213 : i32 to vector<16xi32>
      %broadcast_in_dim3A_216 = vector.broadcast %jit3A_214 : i32 to vector<16xi32>
      %select_n3A_217 = arith.select %and3A_212, %broadcast_in_dim3A_215, %broadcast_in_dim3A_216 : vector<16xi1>, vector<16xi32>
      %swap3A_218 = arith.index_cast %mul3A_118 : i32 to index
      %swap3A_219 = tpu.vector_load %arg13[%swap3A_218] {strides = array<i32>} : memref<32768xi32, #tpu.memory_space<vmem>>, vector<16xi32>,
      %swap3A_220 = vector.shape_cast %swap3A_219 : vector<16xi32> to vector<16xi32>
      %swap3A_221 = vector.shape_cast %select_n3A_217 : vector<16xi32> to vector<16xi32>
      tpu.vector_store %arg13[%swap3A_218], %swap3A_221 {strides = array<i32>} : memref<32768xi32, #tpu.memory_space<vmem>>, vector<16xi32>,
      %scan3A_222 = arith.constant 2 : i32
      %scan3A_223 = arith.addi %scan3A_21, %scan3A_222 : i32
      %mul3A_224 = arith.constant 16 : i32
      %mul3A_225 = arith.muli %scan3A_223, %mul3A_224 : i32
      %jit3A_226 = arith.constant 256 : i32
      %div3A_227 = arith.divsi %mul3A_225, %jit3A_226 : i32
      %sign3A_228 = arith.constant 0 : i32
      %sign3A_229 = arith.cmpi sgt, %mul3A_225, %sign3A_228 : i32
      %sign3A_230 = arith.extui %sign3A_229 : i1 to i32
      %sign3A_231 = arith.constant 0 : i32
      %sign3A_232 = arith.cmpi slt, %mul3A_225, %sign3A_231 : i32
      %sign3A_233 = arith.extui %sign3A_232 : i1 to i32
      %sign3A_234 = arith.subi %sign3A_230, %sign3A_233 : i32
      %sign3A_235 = arith.constant 0 : i32
      %sign3A_236 = arith.cmpi sgt, %jit3A_226, %sign3A_235 : i32
      %sign3A_237 = arith.extui %sign3A_236 : i1 to i32
      %sign3A_238 = arith.constant 0 : i32
      %sign3A_239 = arith.cmpi slt, %jit3A_226, %sign3A_238 : i32
      %sign3A_240 = arith.extui %sign3A_239 : i1 to i32
      %sign3A_241 = arith.subi %sign3A_237, %sign3A_240 : i32
      %ne3A_242 = arith.cmpi ne, %sign3A_234, %sign3A_241 : i32
      %rem3A_243 = arith.remsi %mul3A_225, %jit3A_226 : i32
      %ne3A_244 = arith.constant 0 : i32
      %ne3A_245 = arith.cmpi ne, %rem3A_243, %ne3A_244 : i32
      %and3A_246 = arith.andi %ne3A_242, %ne3A_245 : i1
      %sub3A_247 = arith.constant 1 : i32
      %sub3A_248 = arith.subi %div3A_227, %sub3A_247 : i32
      %select_n3A_249 = arith.select %and3A_246, %sub3A_248, %div3A_227 : i32
      %jit3A_250 = arith.constant 64 : i32
      %eq3A_251 = arith.constant 0 : i32
      %eq3A_252 = arith.cmpi eq, %jit3A_250, %eq3A_251 : i32
      %jit3A_253 = arith.constant 1 : i32
      %select_n3A_254 = arith.select %eq3A_252, %jit3A_253, %jit3A_250 : i32
      %rem3A_255 = arith.remsi %select_n3A_249, %select_n3A_254 : i32
      %ne3A_256 = arith.constant 0 : i32
      %ne3A_257 = arith.cmpi ne, %rem3A_255, %ne3A_256 : i32
      %lt3A_258 = arith.constant 0 : i32
      %lt3A_259 = arith.cmpi slt, %rem3A_255, %lt3A_258 : i32
      %lt3A_260 = arith.constant 0 : i32
      %lt3A_261 = arith.cmpi slt, %select_n3A_254, %lt3A_260 : i32
      %ne3A_262 = arith.xori %lt3A_259, %lt3A_261 : i1
      %and3A_263 = arith.andi %ne3A_262, %ne3A_257 : i1
      %add3A_264 = arith.addi %rem3A_255, %select_n3A_254 : i32
      %select_n3A_265 = arith.select %and3A_263, %add3A_264, %rem3A_255 : i32
      %jit3A_266 = arith.constant 2 : i32
      %div3A_267 = arith.divsi %select_n3A_265, %jit3A_266 : i32
      %sign3A_268 = arith.constant 0 : i32
      %sign3A_269 = arith.cmpi sgt, %select_n3A_265, %sign3A_268 : i32
      %sign3A_270 = arith.extui %sign3A_269 : i1 to i32
      %sign3A_271 = arith.constant 0 : i32
      %sign3A_272 = arith.cmpi slt, %select_n3A_265, %sign3A_271 : i32
      %sign3A_273 = arith.extui %sign3A_272 : i1 to i32
      %sign3A_274 = arith.subi %sign3A_270, %sign3A_273 : i32
      %sign3A_275 = arith.constant 0 : i32
      %sign3A_276 = arith.cmpi sgt, %jit3A_266, %sign3A_275 : i32
      %sign3A_277 = arith.extui %sign3A_276 : i1 to i32
      %sign3A_278 = arith.constant 0 : i32
      %sign3A_279 = arith.cmpi slt, %jit3A_266, %sign3A_278 : i32
      %sign3A_280 = arith.extui %sign3A_279 : i1 to i32
      %sign3A_281 = arith.subi %sign3A_277, %sign3A_280 : i32
      %ne3A_282 = arith.cmpi ne, %sign3A_274, %sign3A_281 : i32
      %rem3A_283 = arith.remsi %select_n3A_265, %jit3A_266 : i32
      %ne3A_284 = arith.constant 0 : i32
      %ne3A_285 = arith.cmpi ne, %rem3A_283, %ne3A_284 : i32
      %and3A_286 = arith.andi %ne3A_282, %ne3A_285 : i1
      %sub3A_287 = arith.constant 1 : i32
      %sub3A_288 = arith.subi %div3A_267, %sub3A_287 : i32
      %select_n3A_289 = arith.select %and3A_286, %sub3A_288, %div3A_267 : i32
      %mul3A_290 = arith.constant 256 : i32
      %mul3A_291 = arith.muli %select_n3A_289, %mul3A_290 : i32
      %jit3A_292 = arith.constant 256 : i32
      %eq3A_293 = arith.constant 0 : i32
      %eq3A_294 = arith.cmpi eq, %jit3A_292, %eq3A_293 : i32
      %jit3A_295 = arith.constant 1 : i32
      %select_n3A_296 = arith.select %eq3A_294, %jit3A_295, %jit3A_292 : i32
      %rem3A_297 = arith.remsi %mul3A_225, %select_n3A_296 : i32
      %ne3A_298 = arith.constant 0 : i32
      %ne3A_299 = arith.cmpi ne, %rem3A_297, %ne3A_298 : i32
      %lt3A_300 = arith.constant 0 : i32
      %lt3A_301 = arith.cmpi slt, %rem3A_297, %lt3A_300 : i32
      %lt3A_302 = arith.constant 0 : i32
      %lt3A_303 = arith.cmpi slt, %select_n3A_296, %lt3A_302 : i32
      %ne3A_304 = arith.xori %lt3A_301, %lt3A_303 : i1
      %and3A_305 = arith.andi %ne3A_304, %ne3A_299 : i1
      %add3A_306 = arith.addi %rem3A_297, %select_n3A_296 : i32
      %select_n3A_307 = arith.select %and3A_305, %add3A_306, %rem3A_297 : i32
      %add3A_308 = arith.addi %mul3A_291, %select_n3A_307 : i32
      %get3A_309 = arith.index_cast %add3A_308 : i32 to index
      %get3A_310 = tpu.vector_load %arg12[%get3A_309] {strides = array<i32>} : memref<8192xi32, #tpu.memory_space<vmem>>, vector<16xi32>,
      %get3A_311 = vector.shape_cast %get3A_310 : vector<16xi32> to vector<16xi32>
      %get3A_312 = arith.index_cast %mul3A_225 : i32 to index
      %get3A_313 = tpu.vector_load %arg11[%get3A_312] {strides = array<i32>} : memref<32768xf32, #tpu.memory_space<vmem>>, vector<16xf32>,
      %get3A_314 = vector.shape_cast %get3A_313 : vector<16xf32> to vector<16xf32>
      %lt3A_315 = arith.cmpf olt, %get3A_314, %get3A_9 : vector<16xf32>
      %eq3A_316 = arith.constant 0 : i32
      %eq3A_317 = vector.broadcast %eq3A_316 : i32 to vector<16xi32>
      %eq3A_318 = arith.cmpi eq, %get3A_311, %eq3A_317 : vector<16xi32>
      %and3A_319 = arith.andi %lt3A_315, %eq3A_318 : vector<16xi1>
      %jit3A_320 = arith.constant 1 : i32
      %jit3A_321 = arith.constant 0 : i32
      %broadcast_in_dim3A_322 = vector.broadcast %jit3A_320 : i32 to vector<16xi32>
      %broadcast_in_dim3A_323 = vector.broadcast %jit3A_321 : i32 to vector<16xi32>
      %select_n3A_324 = arith.select %and3A_319, %broadcast_in_dim3A_322, %broadcast_in_dim3A_323 : vector<16xi1>, vector<16xi32>
      %swap3A_325 = arith.index_cast %mul3A_225 : i32 to index
      %swap3A_326 = tpu.vector_load %arg13[%swap3A_325] {strides = array<i32>} : memref<32768xi32, #tpu.memory_space<vmem>>, vector<16xi32>,
      %swap3A_327 = vector.shape_cast %swap3A_326 : vector<16xi32> to vector<16xi32>
      %swap3A_328 = vector.shape_cast %select_n3A_324 : vector<16xi32> to vector<16xi32>
      tpu.vector_store %arg13[%swap3A_325], %swap3A_328 {strides = array<i32>} : memref<32768xi32, #tpu.memory_space<vmem>>, vector<16xi32>,
      %scan3A_329 = arith.constant 3 : i32
      %scan3A_330 = arith.addi %scan3A_21, %scan3A_329 : i32
      %mul3A_331 = arith.constant 16 : i32
      %mul3A_332 = arith.muli %scan3A_330, %mul3A_331 : i32
      %jit3A_333 = arith.constant 256 : i32
      %div3A_334 = arith.divsi %mul3A_332, %jit3A_333 : i32
      %sign3A_335 = arith.constant 0 : i32
      %sign3A_336 = arith.cmpi sgt, %mul3A_332, %sign3A_335 : i32
      %sign3A_337 = arith.extui %sign3A_336 : i1 to i32
      %sign3A_338 = arith.constant 0 : i32
      %sign3A_339 = arith.cmpi slt, %mul3A_332, %sign3A_338 : i32
      %sign3A_340 = arith.extui %sign3A_339 : i1 to i32
      %sign3A_341 = arith.subi %sign3A_337, %sign3A_340 : i32
      %sign3A_342 = arith.constant 0 : i32
      %sign3A_343 = arith.cmpi sgt, %jit3A_333, %sign3A_342 : i32
      %sign3A_344 = arith.extui %sign3A_343 : i1 to i32
      %sign3A_345 = arith.constant 0 : i32
      %sign3A_346 = arith.cmpi slt, %jit3A_333, %sign3A_345 : i32
      %sign3A_347 = arith.extui %sign3A_346 : i1 to i32
      %sign3A_348 = arith.subi %sign3A_344, %sign3A_347 : i32
      %ne3A_349 = arith.cmpi ne, %sign3A_341, %sign3A_348 : i32
      %rem3A_350 = arith.remsi %mul3A_332, %jit3A_333 : i32
      %ne3A_351 = arith.constant 0 : i32
      %ne3A_352 = arith.cmpi ne, %rem3A_350, %ne3A_351 : i32
      %and3A_353 = arith.andi %ne3A_349, %ne3A_352 : i1
      %sub3A_354 = arith.constant 1 : i32
      %sub3A_355 = arith.subi %div3A_334, %sub3A_354 : i32
      %select_n3A_356 = arith.select %and3A_353, %sub3A_355, %div3A_334 : i32
      %jit3A_357 = arith.constant 64 : i32
      %eq3A_358 = arith.constant 0 : i32
      %eq3A_359 = arith.cmpi eq, %jit3A_357, %eq3A_358 : i32
      %jit3A_360 = arith.constant 1 : i32
      %select_n3A_361 = arith.select %eq3A_359, %jit3A_360, %jit3A_357 : i32
      %rem3A_362 = arith.remsi %select_n3A_356, %select_n3A_361 : i32
      %ne3A_363 = arith.constant 0 : i32
      %ne3A_364 = arith.cmpi ne, %rem3A_362, %ne3A_363 : i32
      %lt3A_365 = arith.constant 0 : i32
      %lt3A_366 = arith.cmpi slt, %rem3A_362, %lt3A_365 : i32
      %lt3A_367 = arith.constant 0 : i32
      %lt3A_368 = arith.cmpi slt, %select_n3A_361, %lt3A_367 : i32
      %ne3A_369 = arith.xori %lt3A_366, %lt3A_368 : i1
      %and3A_370 = arith.andi %ne3A_369, %ne3A_364 : i1
      %add3A_371 = arith.addi %rem3A_362, %select_n3A_361 : i32
      %select_n3A_372 = arith.select %and3A_370, %add3A_371, %rem3A_362 : i32
      %jit3A_373 = arith.constant 2 : i32
      %div3A_374 = arith.divsi %select_n3A_372, %jit3A_373 : i32
      %sign3A_375 = arith.constant 0 : i32
      %sign3A_376 = arith.cmpi sgt, %select_n3A_372, %sign3A_375 : i32
      %sign3A_377 = arith.extui %sign3A_376 : i1 to i32
      %sign3A_378 = arith.constant 0 : i32
      %sign3A_379 = arith.cmpi slt, %select_n3A_372, %sign3A_378 : i32
      %sign3A_380 = arith.extui %sign3A_379 : i1 to i32
      %sign3A_381 = arith.subi %sign3A_377, %sign3A_380 : i32
      %sign3A_382 = arith.constant 0 : i32
      %sign3A_383 = arith.cmpi sgt, %jit3A_373, %sign3A_382 : i32
      %sign3A_384 = arith.extui %sign3A_383 : i1 to i32
      %sign3A_385 = arith.constant 0 : i32
      %sign3A_386 = arith.cmpi slt, %jit3A_373, %sign3A_385 : i32
      %sign3A_387 = arith.extui %sign3A_386 : i1 to i32
      %sign3A_388 = arith.subi %sign3A_384, %sign3A_387 : i32
      %ne3A_389 = arith.cmpi ne, %sign3A_381, %sign3A_388 : i32
      %rem3A_390 = arith.remsi %select_n3A_372, %jit3A_373 : i32
      %ne3A_391 = arith.constant 0 : i32
      %ne3A_392 = arith.cmpi ne, %rem3A_390, %ne3A_391 : i32
      %and3A_393 = arith.andi %ne3A_389, %ne3A_392 : i1
      %sub3A_394 = arith.constant 1 : i32
      %sub3A_395 = arith.subi %div3A_374, %sub3A_394 : i32
      %select_n3A_396 = arith.select %and3A_393, %sub3A_395, %div3A_374 : i32
      %mul3A_397 = arith.constant 256 : i32
      %mul3A_398 = arith.muli %select_n3A_396, %mul3A_397 : i32
      %jit3A_399 = arith.constant 256 : i32
      %eq3A_400 = arith.constant 0 : i32
      %eq3A_401 = arith.cmpi eq, %jit3A_399, %eq3A_400 : i32
      %jit3A_402 = arith.constant 1 : i32
      %select_n3A_403 = arith.select %eq3A_401, %jit3A_402, %jit3A_399 : i32
      %rem3A_404 = arith.remsi %mul3A_332, %select_n3A_403 : i32
      %ne3A_405 = arith.constant 0 : i32
      %ne3A_406 = arith.cmpi ne, %rem3A_404, %ne3A_405 : i32
      %lt3A_407 = arith.constant 0 : i32
      %lt3A_408 = arith.cmpi slt, %rem3A_404, %lt3A_407 : i32
      %lt3A_409 = arith.constant 0 : i32
      %lt3A_410 = arith.cmpi slt, %select_n3A_403, %lt3A_409 : i32
      %ne3A_411 = arith.xori %lt3A_408, %lt3A_410 : i1
      %and3A_412 = arith.andi %ne3A_411, %ne3A_406 : i1
      %add3A_413 = arith.addi %rem3A_404, %select_n3A_403 : i32
      %select_n3A_414 = arith.select %and3A_412, %add3A_413, %rem3A_404 : i32
      %add3A_415 = arith.addi %mul3A_398, %select_n3A_414 : i32
      %get3A_416 = arith.index_cast %add3A_415 : i32 to index
      %get3A_417 = tpu.vector_load %arg12[%get3A_416] {strides = array<i32>} : memref<8192xi32, #tpu.memory_space<vmem>>, vector<16xi32>,
      %get3A_418 = vector.shape_cast %get3A_417 : vector<16xi32> to vector<16xi32>
      %get3A_419 = arith.index_cast %mul3A_332 : i32 to index
      %get3A_420 = tpu.vector_load %arg11[%get3A_419] {strides = array<i32>} : memref<32768xf32, #tpu.memory_space<vmem>>, vector<16xf32>,
      %get3A_421 = vector.shape_cast %get3A_420 : vector<16xf32> to vector<16xf32>
      %lt3A_422 = arith.cmpf olt, %get3A_421, %get3A_9 : vector<16xf32>
      %eq3A_423 = arith.constant 0 : i32
      %eq3A_424 = vector.broadcast %eq3A_423 : i32 to vector<16xi32>
      %eq3A_425 = arith.cmpi eq, %get3A_418, %eq3A_424 : vector<16xi32>
      %and3A_426 = arith.andi %lt3A_422, %eq3A_425 : vector<16xi1>
      %jit3A_427 = arith.constant 1 : i32
      %jit3A_428 = arith.constant 0 : i32
      %broadcast_in_dim3A_429 = vector.broadcast %jit3A_427 : i32 to vector<16xi32>
      %broadcast_in_dim3A_430 = vector.broadcast %jit3A_428 : i32 to vector<16xi32>
      %select_n3A_431 = arith.select %and3A_426, %broadcast_in_dim3A_429, %broadcast_in_dim3A_430 : vector<16xi1>, vector<16xi32>
      %swap3A_432 = arith.index_cast %mul3A_332 : i32 to index
      %swap3A_433 = tpu.vector_load %arg13[%swap3A_432] {strides = array<i32>} : memref<32768xi32, #tpu.memory_space<vmem>>, vector<16xi32>,
      %swap3A_434 = vector.shape_cast %swap3A_433 : vector<16xi32> to vector<16xi32>
      %swap3A_435 = vector.shape_cast %select_n3A_431 : vector<16xi32> to vector<16xi32>
      tpu.vector_store %arg13[%swap3A_432], %swap3A_435 {strides = array<i32>} : memref<32768xi32, #tpu.memory_space<vmem>>, vector<16xi32>,
      %scan3A_436 = arith.constant 4 : i32
      %scan3A_437 = arith.addi %scan3A_21, %scan3A_436 : i32
      %mul3A_438 = arith.constant 16 : i32
      %mul3A_439 = arith.muli %scan3A_437, %mul3A_438 : i32
      %jit3A_440 = arith.constant 256 : i32
      %div3A_441 = arith.divsi %mul3A_439, %jit3A_440 : i32
      %sign3A_442 = arith.constant 0 : i32
      %sign3A_443 = arith.cmpi sgt, %mul3A_439, %sign3A_442 : i32
      %sign3A_444 = arith.extui %sign3A_443 : i1 to i32
      %sign3A_445 = arith.constant 0 : i32
      %sign3A_446 = arith.cmpi slt, %mul3A_439, %sign3A_445 : i32
      %sign3A_447 = arith.extui %sign3A_446 : i1 to i32
      %sign3A_448 = arith.subi %sign3A_444, %sign3A_447 : i32
      %sign3A_449 = arith.constant 0 : i32
      %sign3A_450 = arith.cmpi sgt, %jit3A_440, %sign3A_449 : i32
      %sign3A_451 = arith.extui %sign3A_450 : i1 to i32
      %sign3A_452 = arith.constant 0 : i32
      %sign3A_453 = arith.cmpi slt, %jit3A_440, %sign3A_452 : i32
      %sign3A_454 = arith.extui %sign3A_453 : i1 to i32
      %sign3A_455 = arith.subi %sign3A_451, %sign3A_454 : i32
      %ne3A_456 = arith.cmpi ne, %sign3A_448, %sign3A_455 : i32
      %rem3A_457 = arith.remsi %mul3A_439, %jit3A_440 : i32
      %ne3A_458 = arith.constant 0 : i32
      %ne3A_459 = arith.cmpi ne, %rem3A_457, %ne3A_458 : i32
      %and3A_460 = arith.andi %ne3A_456, %ne3A_459 : i1
      %sub3A_461 = arith.constant 1 : i32
      %sub3A_462 = arith.subi %div3A_441, %sub3A_461 : i32
      %select_n3A_463 = arith.select %and3A_460, %sub3A_462, %div3A_441 : i32
      %jit3A_464 = arith.constant 64 : i32
      %eq3A_465 = arith.constant 0 : i32
      %eq3A_466 = arith.cmpi eq, %jit3A_464, %eq3A_465 : i32
      %jit3A_467 = arith.constant 1 : i32
      %select_n3A_468 = arith.select %eq3A_466, %jit3A_467, %jit3A_464 : i32
      %rem3A_469 = arith.remsi %select_n3A_463, %select_n3A_468 : i32
      %ne3A_470 = arith.constant 0 : i32
      %ne3A_471 = arith.cmpi ne, %rem3A_469, %ne3A_470 : i32
      %lt3A_472 = arith.constant 0 : i32
      %lt3A_473 = arith.cmpi slt, %rem3A_469, %lt3A_472 : i32
      %lt3A_474 = arith.constant 0 : i32
      %lt3A_475 = arith.cmpi slt, %select_n3A_468, %lt3A_474 : i32
      %ne3A_476 = arith.xori %lt3A_473, %lt3A_475 : i1
      %and3A_477 = arith.andi %ne3A_476, %ne3A_471 : i1
      %add3A_478 = arith.addi %rem3A_469, %select_n3A_468 : i32
      %select_n3A_479 = arith.select %and3A_477, %add3A_478, %rem3A_469 : i32
      %jit3A_480 = arith.constant 2 : i32
      %div3A_481 = arith.divsi %select_n3A_479, %jit3A_480 : i32
      %sign3A_482 = arith.constant 0 : i32
      %sign3A_483 = arith.cmpi sgt, %select_n3A_479, %sign3A_482 : i32
      %sign3A_484 = arith.extui %sign3A_483 : i1 to i32
      %sign3A_485 = arith.constant 0 : i32
      %sign3A_486 = arith.cmpi slt, %select_n3A_479, %sign3A_485 : i32
      %sign3A_487 = arith.extui %sign3A_486 : i1 to i32
      %sign3A_488 = arith.subi %sign3A_484, %sign3A_487 : i32
      %sign3A_489 = arith.constant 0 : i32
      %sign3A_490 = arith.cmpi sgt, %jit3A_480, %sign3A_489 : i32
      %sign3A_491 = arith.extui %sign3A_490 : i1 to i32
      %sign3A_492 = arith.constant 0 : i32
      %sign3A_493 = arith.cmpi slt, %jit3A_480, %sign3A_492 : i32
      %sign3A_494 = arith.extui %sign3A_493 : i1 to i32
      %sign3A_495 = arith.subi %sign3A_491, %sign3A_494 : i32
      %ne3A_496 = arith.cmpi ne, %sign3A_488, %sign3A_495 : i32
      %rem3A_497 = arith.remsi %select_n3A_479, %jit3A_480 : i32
      %ne3A_498 = arith.constant 0 : i32
      %ne3A_499 = arith.cmpi ne, %rem3A_497, %ne3A_498 : i32
      %and3A_500 = arith.andi %ne3A_496, %ne3A_499 : i1
      %sub3A_501 = arith.constant 1 : i32
      %sub3A_502 = arith.subi %div3A_481, %sub3A_501 : i32
      %select_n3A_503 = arith.select %and3A_500, %sub3A_502, %div3A_481 : i32
      %mul3A_504 = arith.constant 256 : i32
      %mul3A_505 = arith.muli %select_n3A_503, %mul3A_504 : i32
      %jit3A_506 = arith.constant 256 : i32
      %eq3A_507 = arith.constant 0 : i32
      %eq3A_508 = arith.cmpi eq, %jit3A_506, %eq3A_507 : i32
      %jit3A_509 = arith.constant 1 : i32
      %select_n3A_510 = arith.select %eq3A_508, %jit3A_509, %jit3A_506 : i32
      %rem3A_511 = arith.remsi %mul3A_439, %select_n3A_510 : i32
      %ne3A_512 = arith.constant 0 : i32
      %ne3A_513 = arith.cmpi ne, %rem3A_511, %ne3A_512 : i32
      %lt3A_514 = arith.constant 0 : i32
      %lt3A_515 = arith.cmpi slt, %rem3A_511, %lt3A_514 : i32
      %lt3A_516 = arith.constant 0 : i32
      %lt3A_517 = arith.cmpi slt, %select_n3A_510, %lt3A_516 : i32
      %ne3A_518 = arith.xori %lt3A_515, %lt3A_517 : i1
      %and3A_519 = arith.andi %ne3A_518, %ne3A_513 : i1
      %add3A_520 = arith.addi %rem3A_511, %select_n3A_510 : i32
      %select_n3A_521 = arith.select %and3A_519, %add3A_520, %rem3A_511 : i32
      %add3A_522 = arith.addi %mul3A_505, %select_n3A_521 : i32
      %get3A_523 = arith.index_cast %add3A_522 : i32 to index
      %get3A_524 = tpu.vector_load %arg12[%get3A_523] {strides = array<i32>} : memref<8192xi32, #tpu.memory_space<vmem>>, vector<16xi32>,
      %get3A_525 = vector.shape_cast %get3A_524 : vector<16xi32> to vector<16xi32>
      %get3A_526 = arith.index_cast %mul3A_439 : i32 to index
      %get3A_527 = tpu.vector_load %arg11[%get3A_526] {strides = array<i32>} : memref<32768xf32, #tpu.memory_space<vmem>>, vector<16xf32>,
      %get3A_528 = vector.shape_cast %get3A_527 : vector<16xf32> to vector<16xf32>
      %lt3A_529 = arith.cmpf olt, %get3A_528, %get3A_9 : vector<16xf32>
      %eq3A_530 = arith.constant 0 : i32
      %eq3A_531 = vector.broadcast %eq3A_530 : i32 to vector<16xi32>
      %eq3A_532 = arith.cmpi eq, %get3A_525, %eq3A_531 : vector<16xi32>
      %and3A_533 = arith.andi %lt3A_529, %eq3A_532 : vector<16xi1>
      %jit3A_534 = arith.constant 1 : i32
      %jit3A_535 = arith.constant 0 : i32
      %broadcast_in_dim3A_536 = vector.broadcast %jit3A_534 : i32 to vector<16xi32>
      %broadcast_in_dim3A_537 = vector.broadcast %jit3A_535 : i32 to vector<16xi32>
      %select_n3A_538 = arith.select %and3A_533, %broadcast_in_dim3A_536, %broadcast_in_dim3A_537 : vector<16xi1>, vector<16xi32>
      %swap3A_539 = arith.index_cast %mul3A_439 : i32 to index
      %swap3A_540 = tpu.vector_load %arg13[%swap3A_539] {strides = array<i32>} : memref<32768xi32, #tpu.memory_space<vmem>>, vector<16xi32>,
      %swap3A_541 = vector.shape_cast %swap3A_540 : vector<16xi32> to vector<16xi32>
      %swap3A_542 = vector.shape_cast %select_n3A_538 : vector<16xi32> to vector<16xi32>
      tpu.vector_store %arg13[%swap3A_539], %swap3A_542 {strides = array<i32>} : memref<32768xi32, #tpu.memory_space<vmem>>, vector<16xi32>,
      %scan3A_543 = arith.constant 5 : i32
      %scan3A_544 = arith.addi %scan3A_21, %scan3A_543 : i32
      %mul3A_545 = arith.constant 16 : i32
      %mul3A_546 = arith.muli %scan3A_544, %mul3A_545 : i32
      %jit3A_547 = arith.constant 256 : i32
      %div3A_548 = arith.divsi %mul3A_546, %jit3A_547 : i32
      %sign3A_549 = arith.constant 0 : i32
      %sign3A_550 = arith.cmpi sgt, %mul3A_546, %sign3A_549 : i32
      %sign3A_551 = arith.extui %sign3A_550 : i1 to i32
      %sign3A_552 = arith.constant 0 : i32
      %sign3A_553 = arith.cmpi slt, %mul3A_546, %sign3A_552 : i32
      %sign3A_554 = arith.extui %sign3A_553 : i1 to i32
      %sign3A_555 = arith.subi %sign3A_551, %sign3A_554 : i32
      %sign3A_556 = arith.constant 0 : i32
      %sign3A_557 = arith.cmpi sgt, %jit3A_547, %sign3A_556 : i32
      %sign3A_558 = arith.extui %sign3A_557 : i1 to i32
      %sign3A_559 = arith.constant 0 : i32
      %sign3A_560 = arith.cmpi slt, %jit3A_547, %sign3A_559 : i32
      %sign3A_561 = arith.extui %sign3A_560 : i1 to i32
      %sign3A_562 = arith.subi %sign3A_558, %sign3A_561 : i32
      %ne3A_563 = arith.cmpi ne, %sign3A_555, %sign3A_562 : i32
      %rem3A_564 = arith.remsi %mul3A_546, %jit3A_547 : i32
      %ne3A_565 = arith.constant 0 : i32
      %ne3A_566 = arith.cmpi ne, %rem3A_564, %ne3A_565 : i32
      %and3A_567 = arith.andi %ne3A_563, %ne3A_566 : i1
      %sub3A_568 = arith.constant 1 : i32
      %sub3A_569 = arith.subi %div3A_548, %sub3A_568 : i32
      %select_n3A_570 = arith.select %and3A_567, %sub3A_569, %div3A_548 : i32
      %jit3A_571 = arith.constant 64 : i32
      %eq3A_572 = arith.constant 0 : i32
      %eq3A_573 = arith.cmpi eq, %jit3A_571, %eq3A_572 : i32
      %jit3A_574 = arith.constant 1 : i32
      %select_n3A_575 = arith.select %eq3A_573, %jit3A_574, %jit3A_571 : i32
      %rem3A_576 = arith.remsi %select_n3A_570, %select_n3A_575 : i32
      %ne3A_577 = arith.constant 0 : i32
      %ne3A_578 = arith.cmpi ne, %rem3A_576, %ne3A_577 : i32
      %lt3A_579 = arith.constant 0 : i32
      %lt3A_580 = arith.cmpi slt, %rem3A_576, %lt3A_579 : i32
      %lt3A_581 = arith.constant 0 : i32
      %lt3A_582 = arith.cmpi slt, %select_n3A_575, %lt3A_581 : i32
      %ne3A_583 = arith.xori %lt3A_580, %lt3A_582 : i1
      %and3A_584 = arith.andi %ne3A_583, %ne3A_578 : i1
      %add3A_585 = arith.addi %rem3A_576, %select_n3A_575 : i32
      %select_n3A_586 = arith.select %and3A_584, %add3A_585, %rem3A_576 : i32
      %jit3A_587 = arith.constant 2 : i32
      %div3A_588 = arith.divsi %select_n3A_586, %jit3A_587 : i32
      %sign3A_589 = arith.constant 0 : i32
      %sign3A_590 = arith.cmpi sgt, %select_n3A_586, %sign3A_589 : i32
      %sign3A_591 = arith.extui %sign3A_590 : i1 to i32
      %sign3A_592 = arith.constant 0 : i32
      %sign3A_593 = arith.cmpi slt, %select_n3A_586, %sign3A_592 : i32
      %sign3A_594 = arith.extui %sign3A_593 : i1 to i32
      %sign3A_595 = arith.subi %sign3A_591, %sign3A_594 : i32
      %sign3A_596 = arith.constant 0 : i32
      %sign3A_597 = arith.cmpi sgt, %jit3A_587, %sign3A_596 : i32
      %sign3A_598 = arith.extui %sign3A_597 : i1 to i32
      %sign3A_599 = arith.constant 0 : i32
      %sign3A_600 = arith.cmpi slt, %jit3A_587, %sign3A_599 : i32
      %sign3A_601 = arith.extui %sign3A_600 : i1 to i32
      %sign3A_602 = arith.subi %sign3A_598, %sign3A_601 : i32
      %ne3A_603 = arith.cmpi ne, %sign3A_595, %sign3A_602 : i32
      %rem3A_604 = arith.remsi %select_n3A_586, %jit3A_587 : i32
      %ne3A_605 = arith.constant 0 : i32
      %ne3A_606 = arith.cmpi ne, %rem3A_604, %ne3A_605 : i32
      %and3A_607 = arith.andi %ne3A_603, %ne3A_606 : i1
      %sub3A_608 = arith.constant 1 : i32
      %sub3A_609 = arith.subi %div3A_588, %sub3A_608 : i32
      %select_n3A_610 = arith.select %and3A_607, %sub3A_609, %div3A_588 : i32
      %mul3A_611 = arith.constant 256 : i32
      %mul3A_612 = arith.muli %select_n3A_610, %mul3A_611 : i32
      %jit3A_613 = arith.constant 256 : i32
      %eq3A_614 = arith.constant 0 : i32
      %eq3A_615 = arith.cmpi eq, %jit3A_613, %eq3A_614 : i32
      %jit3A_616 = arith.constant 1 : i32
      %select_n3A_617 = arith.select %eq3A_615, %jit3A_616, %jit3A_613 : i32
      %rem3A_618 = arith.remsi %mul3A_546, %select_n3A_617 : i32
      %ne3A_619 = arith.constant 0 : i32
      %ne3A_620 = arith.cmpi ne, %rem3A_618, %ne3A_619 : i32
      %lt3A_621 = arith.constant 0 : i32
      %lt3A_622 = arith.cmpi slt, %rem3A_618, %lt3A_621 : i32
      %lt3A_623 = arith.constant 0 : i32
      %lt3A_624 = arith.cmpi slt, %select_n3A_617, %lt3A_623 : i32
      %ne3A_625 = arith.xori %lt3A_622, %lt3A_624 : i1
      %and3A_626 = arith.andi %ne3A_625, %ne3A_620 : i1
      %add3A_627 = arith.addi %rem3A_618, %select_n3A_617 : i32
      %select_n3A_628 = arith.select %and3A_626, %add3A_627, %rem3A_618 : i32
      %add3A_629 = arith.addi %mul3A_612, %select_n3A_628 : i32
      %get3A_630 = arith.index_cast %add3A_629 : i32 to index
      %get3A_631 = tpu.vector_load %arg12[%get3A_630] {strides = array<i32>} : memref<8192xi32, #tpu.memory_space<vmem>>, vector<16xi32>,
      %get3A_632 = vector.shape_cast %get3A_631 : vector<16xi32> to vector<16xi32>
      %get3A_633 = arith.index_cast %mul3A_546 : i32 to index
      %get3A_634 = tpu.vector_load %arg11[%get3A_633] {strides = array<i32>} : memref<32768xf32, #tpu.memory_space<vmem>>, vector<16xf32>,
      %get3A_635 = vector.shape_cast %get3A_634 : vector<16xf32> to vector<16xf32>
      %lt3A_636 = arith.cmpf olt, %get3A_635, %get3A_9 : vector<16xf32>
      %eq3A_637 = arith.constant 0 : i32
      %eq3A_638 = vector.broadcast %eq3A_637 : i32 to vector<16xi32>
      %eq3A_639 = arith.cmpi eq, %get3A_632, %eq3A_638 : vector<16xi32>
      %and3A_640 = arith.andi %lt3A_636, %eq3A_639 : vector<16xi1>
      %jit3A_641 = arith.constant 1 : i32
      %jit3A_642 = arith.constant 0 : i32
      %broadcast_in_dim3A_643 = vector.broadcast %jit3A_641 : i32 to vector<16xi32>
      %broadcast_in_dim3A_644 = vector.broadcast %jit3A_642 : i32 to vector<16xi32>
      %select_n3A_645 = arith.select %and3A_640, %broadcast_in_dim3A_643, %broadcast_in_dim3A_644 : vector<16xi1>, vector<16xi32>
      %swap3A_646 = arith.index_cast %mul3A_546 : i32 to index
      %swap3A_647 = tpu.vector_load %arg13[%swap3A_646] {strides = array<i32>} : memref<32768xi32, #tpu.memory_space<vmem>>, vector<16xi32>,
      %swap3A_648 = vector.shape_cast %swap3A_647 : vector<16xi32> to vector<16xi32>
      %swap3A_649 = vector.shape_cast %select_n3A_645 : vector<16xi32> to vector<16xi32>
      tpu.vector_store %arg13[%swap3A_646], %swap3A_649 {strides = array<i32>} : memref<32768xi32, #tpu.memory_space<vmem>>, vector<16xi32>,
      %scan3A_650 = arith.constant 6 : i32
      %scan3A_651 = arith.addi %scan3A_21, %scan3A_650 : i32
      %mul3A_652 = arith.constant 16 : i32
      %mul3A_653 = arith.muli %scan3A_651, %mul3A_652 : i32
      %jit3A_654 = arith.constant 256 : i32
      %div3A_655 = arith.divsi %mul3A_653, %jit3A_654 : i32
      %sign3A_656 = arith.constant 0 : i32
      %sign3A_657 = arith.cmpi sgt, %mul3A_653, %sign3A_656 : i32
      %sign3A_658 = arith.extui %sign3A_657 : i1 to i32
      %sign3A_659 = arith.constant 0 : i32
      %sign3A_660 = arith.cmpi slt, %mul3A_653, %sign3A_659 : i32
      %sign3A_661 = arith.extui %sign3A_660 : i1 to i32
      %sign3A_662 = arith.subi %sign3A_658, %sign3A_661 : i32
      %sign3A_663 = arith.constant 0 : i32
      %sign3A_664 = arith.cmpi sgt, %jit3A_654, %sign3A_663 : i32
      %sign3A_665 = arith.extui %sign3A_664 : i1 to i32
      %sign3A_666 = arith.constant 0 : i32
      %sign3A_667 = arith.cmpi slt, %jit3A_654, %sign3A_666 : i32
      %sign3A_668 = arith.extui %sign3A_667 : i1 to i32
      %sign3A_669 = arith.subi %sign3A_665, %sign3A_668 : i32
      %ne3A_670 = arith.cmpi ne, %sign3A_662, %sign3A_669 : i32
      %rem3A_671 = arith.remsi %mul3A_653, %jit3A_654 : i32
      %ne3A_672 = arith.constant 0 : i32
      %ne3A_673 = arith.cmpi ne, %rem3A_671, %ne3A_672 : i32
      %and3A_674 = arith.andi %ne3A_670, %ne3A_673 : i1
      %sub3A_675 = arith.constant 1 : i32
      %sub3A_676 = arith.subi %div3A_655, %sub3A_675 : i32
      %select_n3A_677 = arith.select %and3A_674, %sub3A_676, %div3A_655 : i32
      %jit3A_678 = arith.constant 64 : i32
      %eq3A_679 = arith.constant 0 : i32
      %eq3A_680 = arith.cmpi eq, %jit3A_678, %eq3A_679 : i32
      %jit3A_681 = arith.constant 1 : i32
      %select_n3A_682 = arith.select %eq3A_680, %jit3A_681, %jit3A_678 : i32
      %rem3A_683 = arith.remsi %select_n3A_677, %select_n3A_682 : i32
      %ne3A_684 = arith.constant 0 : i32
      %ne3A_685 = arith.cmpi ne, %rem3A_683, %ne3A_684 : i32
      %lt3A_686 = arith.constant 0 : i32
      %lt3A_687 = arith.cmpi slt, %rem3A_683, %lt3A_686 : i32
      %lt3A_688 = arith.constant 0 : i32
      %lt3A_689 = arith.cmpi slt, %select_n3A_682, %lt3A_688 : i32
      %ne3A_690 = arith.xori %lt3A_687, %lt3A_689 : i1
      %and3A_691 = arith.andi %ne3A_690, %ne3A_685 : i1
      %add3A_692 = arith.addi %rem3A_683, %select_n3A_682 : i32
      %select_n3A_693 = arith.select %and3A_691, %add3A_692, %rem3A_683 : i32
      %jit3A_694 = arith.constant 2 : i32
      %div3A_695 = arith.divsi %select_n3A_693, %jit3A_694 : i32
      %sign3A_696 = arith.constant 0 : i32
      %sign3A_697 = arith.cmpi sgt, %select_n3A_693, %sign3A_696 : i32
      %sign3A_698 = arith.extui %sign3A_697 : i1 to i32
      %sign3A_699 = arith.constant 0 : i32
      %sign3A_700 = arith.cmpi slt, %select_n3A_693, %sign3A_699 : i32
      %sign3A_701 = arith.extui %sign3A_700 : i1 to i32
      %sign3A_702 = arith.subi %sign3A_698, %sign3A_701 : i32
      %sign3A_703 = arith.constant 0 : i32
      %sign3A_704 = arith.cmpi sgt, %jit3A_694, %sign3A_703 : i32
      %sign3A_705 = arith.extui %sign3A_704 : i1 to i32
      %sign3A_706 = arith.constant 0 : i32
      %sign3A_707 = arith.cmpi slt, %jit3A_694, %sign3A_706 : i32
      %sign3A_708 = arith.extui %sign3A_707 : i1 to i32
      %sign3A_709 = arith.subi %sign3A_705, %sign3A_708 : i32
      %ne3A_710 = arith.cmpi ne, %sign3A_702, %sign3A_709 : i32
      %rem3A_711 = arith.remsi %select_n3A_693, %jit3A_694 : i32
      %ne3A_712 = arith.constant 0 : i32
      %ne3A_713 = arith.cmpi ne, %rem3A_711, %ne3A_712 : i32
      %and3A_714 = arith.andi %ne3A_710, %ne3A_713 : i1
      %sub3A_715 = arith.constant 1 : i32
      %sub3A_716 = arith.subi %div3A_695, %sub3A_715 : i32
      %select_n3A_717 = arith.select %and3A_714, %sub3A_716, %div3A_695 : i32
      %mul3A_718 = arith.constant 256 : i32
      %mul3A_719 = arith.muli %select_n3A_717, %mul3A_718 : i32
      %jit3A_720 = arith.constant 256 : i32
      %eq3A_721 = arith.constant 0 : i32
      %eq3A_722 = arith.cmpi eq, %jit3A_720, %eq3A_721 : i32
      %jit3A_723 = arith.constant 1 : i32
      %select_n3A_724 = arith.select %eq3A_722, %jit3A_723, %jit3A_720 : i32
      %rem3A_725 = arith.remsi %mul3A_653, %select_n3A_724 : i32
      %ne3A_726 = arith.constant 0 : i32
      %ne3A_727 = arith.cmpi ne, %rem3A_725, %ne3A_726 : i32
      %lt3A_728 = arith.constant 0 : i32
      %lt3A_729 = arith.cmpi slt, %rem3A_725, %lt3A_728 : i32
      %lt3A_730 = arith.constant 0 : i32
      %lt3A_731 = arith.cmpi slt, %select_n3A_724, %lt3A_730 : i32
      %ne3A_732 = arith.xori %lt3A_729, %lt3A_731 : i1
      %and3A_733 = arith.andi %ne3A_732, %ne3A_727 : i1
      %add3A_734 = arith.addi %rem3A_725, %select_n3A_724 : i32
      %select_n3A_735 = arith.select %and3A_733, %add3A_734, %rem3A_725 : i32
      %add3A_736 = arith.addi %mul3A_719, %select_n3A_735 : i32
      %get3A_737 = arith.index_cast %add3A_736 : i32 to index
      %get3A_738 = tpu.vector_load %arg12[%get3A_737] {strides = array<i32>} : memref<8192xi32, #tpu.memory_space<vmem>>, vector<16xi32>,
      %get3A_739 = vector.shape_cast %get3A_738 : vector<16xi32> to vector<16xi32>
      %get3A_740 = arith.index_cast %mul3A_653 : i32 to index
      %get3A_741 = tpu.vector_load %arg11[%get3A_740] {strides = array<i32>} : memref<32768xf32, #tpu.memory_space<vmem>>, vector<16xf32>,
      %get3A_742 = vector.shape_cast %get3A_741 : vector<16xf32> to vector<16xf32>
      %lt3A_743 = arith.cmpf olt, %get3A_742, %get3A_9 : vector<16xf32>
      %eq3A_744 = arith.constant 0 : i32
      %eq3A_745 = vector.broadcast %eq3A_744 : i32 to vector<16xi32>
      %eq3A_746 = arith.cmpi eq, %get3A_739, %eq3A_745 : vector<16xi32>
      %and3A_747 = arith.andi %lt3A_743, %eq3A_746 : vector<16xi1>
      %jit3A_748 = arith.constant 1 : i32
      %jit3A_749 = arith.constant 0 : i32
      %broadcast_in_dim3A_750 = vector.broadcast %jit3A_748 : i32 to vector<16xi32>
      %broadcast_in_dim3A_751 = vector.broadcast %jit3A_749 : i32 to vector<16xi32>
      %select_n3A_752 = arith.select %and3A_747, %broadcast_in_dim3A_750, %broadcast_in_dim3A_751 : vector<16xi1>, vector<16xi32>
      %swap3A_753 = arith.index_cast %mul3A_653 : i32 to index
      %swap3A_754 = tpu.vector_load %arg13[%swap3A_753] {strides = array<i32>} : memref<32768xi32, #tpu.memory_space<vmem>>, vector<16xi32>,
      %swap3A_755 = vector.shape_cast %swap3A_754 : vector<16xi32> to vector<16xi32>
      %swap3A_756 = vector.shape_cast %select_n3A_752 : vector<16xi32> to vector<16xi32>
      tpu.vector_store %arg13[%swap3A_753], %swap3A_756 {strides = array<i32>} : memref<32768xi32, #tpu.memory_space<vmem>>, vector<16xi32>,
      %scan3A_757 = arith.constant 7 : i32
      %scan3A_758 = arith.addi %scan3A_21, %scan3A_757 : i32
      %mul3A_759 = arith.constant 16 : i32
      %mul3A_760 = arith.muli %scan3A_758, %mul3A_759 : i32
      %jit3A_761 = arith.constant 256 : i32
      %div3A_762 = arith.divsi %mul3A_760, %jit3A_761 : i32
      %sign3A_763 = arith.constant 0 : i32
      %sign3A_764 = arith.cmpi sgt, %mul3A_760, %sign3A_763 : i32
      %sign3A_765 = arith.extui %sign3A_764 : i1 to i32
      %sign3A_766 = arith.constant 0 : i32
      %sign3A_767 = arith.cmpi slt, %mul3A_760, %sign3A_766 : i32
      %sign3A_768 = arith.extui %sign3A_767 : i1 to i32
      %sign3A_769 = arith.subi %sign3A_765, %sign3A_768 : i32
      %sign3A_770 = arith.constant 0 : i32
      %sign3A_771 = arith.cmpi sgt, %jit3A_761, %sign3A_770 : i32
      %sign3A_772 = arith.extui %sign3A_771 : i1 to i32
      %sign3A_773 = arith.constant 0 : i32
      %sign3A_774 = arith.cmpi slt, %jit3A_761, %sign3A_773 : i32
      %sign3A_775 = arith.extui %sign3A_774 : i1 to i32
      %sign3A_776 = arith.subi %sign3A_772, %sign3A_775 : i32
      %ne3A_777 = arith.cmpi ne, %sign3A_769, %sign3A_776 : i32
      %rem3A_778 = arith.remsi %mul3A_760, %jit3A_761 : i32
      %ne3A_779 = arith.constant 0 : i32
      %ne3A_780 = arith.cmpi ne, %rem3A_778, %ne3A_779 : i32
      %and3A_781 = arith.andi %ne3A_777, %ne3A_780 : i1
      %sub3A_782 = arith.constant 1 : i32
      %sub3A_783 = arith.subi %div3A_762, %sub3A_782 : i32
      %select_n3A_784 = arith.select %and3A_781, %sub3A_783, %div3A_762 : i32
      %jit3A_785 = arith.constant 64 : i32
      %eq3A_786 = arith.constant 0 : i32
      %eq3A_787 = arith.cmpi eq, %jit3A_785, %eq3A_786 : i32
      %jit3A_788 = arith.constant 1 : i32
      %select_n3A_789 = arith.select %eq3A_787, %jit3A_788, %jit3A_785 : i32
      %rem3A_790 = arith.remsi %select_n3A_784, %select_n3A_789 : i32
      %ne3A_791 = arith.constant 0 : i32
      %ne3A_792 = arith.cmpi ne, %rem3A_790, %ne3A_791 : i32
      %lt3A_793 = arith.constant 0 : i32
      %lt3A_794 = arith.cmpi slt, %rem3A_790, %lt3A_793 : i32
      %lt3A_795 = arith.constant 0 : i32
      %lt3A_796 = arith.cmpi slt, %select_n3A_789, %lt3A_795 : i32
      %ne3A_797 = arith.xori %lt3A_794, %lt3A_796 : i1
      %and3A_798 = arith.andi %ne3A_797, %ne3A_792 : i1
      %add3A_799 = arith.addi %rem3A_790, %select_n3A_789 : i32
      %select_n3A_800 = arith.select %and3A_798, %add3A_799, %rem3A_790 : i32
      %jit3A_801 = arith.constant 2 : i32
      %div3A_802 = arith.divsi %select_n3A_800, %jit3A_801 : i32
      %sign3A_803 = arith.constant 0 : i32
      %sign3A_804 = arith.cmpi sgt, %select_n3A_800, %sign3A_803 : i32
      %sign3A_805 = arith.extui %sign3A_804 : i1 to i32
      %sign3A_806 = arith.constant 0 : i32
      %sign3A_807 = arith.cmpi slt, %select_n3A_800, %sign3A_806 : i32
      %sign3A_808 = arith.extui %sign3A_807 : i1 to i32
      %sign3A_809 = arith.subi %sign3A_805, %sign3A_808 : i32
      %sign3A_810 = arith.constant 0 : i32
      %sign3A_811 = arith.cmpi sgt, %jit3A_801, %sign3A_810 : i32
      %sign3A_812 = arith.extui %sign3A_811 : i1 to i32
      %sign3A_813 = arith.constant 0 : i32
      %sign3A_814 = arith.cmpi slt, %jit3A_801, %sign3A_813 : i32
      %sign3A_815 = arith.extui %sign3A_814 : i1 to i32
      %sign3A_816 = arith.subi %sign3A_812, %sign3A_815 : i32
      %ne3A_817 = arith.cmpi ne, %sign3A_809, %sign3A_816 : i32
      %rem3A_818 = arith.remsi %select_n3A_800, %jit3A_801 : i32
      %ne3A_819 = arith.constant 0 : i32
      %ne3A_820 = arith.cmpi ne, %rem3A_818, %ne3A_819 : i32
      %and3A_821 = arith.andi %ne3A_817, %ne3A_820 : i1
      %sub3A_822 = arith.constant 1 : i32
      %sub3A_823 = arith.subi %div3A_802, %sub3A_822 : i32
      %select_n3A_824 = arith.select %and3A_821, %sub3A_823, %div3A_802 : i32
      %mul3A_825 = arith.constant 256 : i32
      %mul3A_826 = arith.muli %select_n3A_824, %mul3A_825 : i32
      %jit3A_827 = arith.constant 256 : i32
      %eq3A_828 = arith.constant 0 : i32
      %eq3A_829 = arith.cmpi eq, %jit3A_827, %eq3A_828 : i32
      %jit3A_830 = arith.constant 1 : i32
      %select_n3A_831 = arith.select %eq3A_829, %jit3A_830, %jit3A_827 : i32
      %rem3A_832 = arith.remsi %mul3A_760, %select_n3A_831 : i32
      %ne3A_833 = arith.constant 0 : i32
      %ne3A_834 = arith.cmpi ne, %rem3A_832, %ne3A_833 : i32
      %lt3A_835 = arith.constant 0 : i32
      %lt3A_836 = arith.cmpi slt, %rem3A_832, %lt3A_835 : i32
      %lt3A_837 = arith.constant 0 : i32
      %lt3A_838 = arith.cmpi slt, %select_n3A_831, %lt3A_837 : i32
      %ne3A_839 = arith.xori %lt3A_836, %lt3A_838 : i1
      %and3A_840 = arith.andi %ne3A_839, %ne3A_834 : i1
      %add3A_841 = arith.addi %rem3A_832, %select_n3A_831 : i32
      %select_n3A_842 = arith.select %and3A_840, %add3A_841, %rem3A_832 : i32
      %add3A_843 = arith.addi %mul3A_826, %select_n3A_842 : i32
      %get3A_844 = arith.index_cast %add3A_843 : i32 to index
      %get3A_845 = tpu.vector_load %arg12[%get3A_844] {strides = array<i32>} : memref<8192xi32, #tpu.memory_space<vmem>>, vector<16xi32>,
      %get3A_846 = vector.shape_cast %get3A_845 : vector<16xi32> to vector<16xi32>
      %get3A_847 = arith.index_cast %mul3A_760 : i32 to index
      %get3A_848 = tpu.vector_load %arg11[%get3A_847] {strides = array<i32>} : memref<32768xf32, #tpu.memory_space<vmem>>, vector<16xf32>,
      %get3A_849 = vector.shape_cast %get3A_848 : vector<16xf32> to vector<16xf32>
      %lt3A_850 = arith.cmpf olt, %get3A_849, %get3A_9 : vector<16xf32>
      %eq3A_851 = arith.constant 0 : i32
      %eq3A_852 = vector.broadcast %eq3A_851 : i32 to vector<16xi32>
      %eq3A_853 = arith.cmpi eq, %get3A_846, %eq3A_852 : vector<16xi32>
      %and3A_854 = arith.andi %lt3A_850, %eq3A_853 : vector<16xi1>
      %jit3A_855 = arith.constant 1 : i32
      %jit3A_856 = arith.constant 0 : i32
      %broadcast_in_dim3A_857 = vector.broadcast %jit3A_855 : i32 to vector<16xi32>
      %broadcast_in_dim3A_858 = vector.broadcast %jit3A_856 : i32 to vector<16xi32>
      %select_n3A_859 = arith.select %and3A_854, %broadcast_in_dim3A_857, %broadcast_in_dim3A_858 : vector<16xi1>, vector<16xi32>
      %swap3A_860 = arith.index_cast %mul3A_760 : i32 to index
      %swap3A_861 = tpu.vector_load %arg13[%swap3A_860] {strides = array<i32>} : memref<32768xi32, #tpu.memory_space<vmem>>, vector<16xi32>,
      %swap3A_862 = vector.shape_cast %swap3A_861 : vector<16xi32> to vector<16xi32>
      %swap3A_863 = vector.shape_cast %select_n3A_859 : vector<16xi32> to vector<16xi32>
      tpu.vector_store %arg13[%swap3A_860], %swap3A_863 {strides = array<i32>} : memref<32768xi32, #tpu.memory_space<vmem>>, vector<16xi32>,
    }
    %scan3A_20 = arith.constant 2048 : i32
    "tpu.region"() ({
      %run_scoped3A = tpu.sem_alloc : memref<!tpu.dma_semaphore, #tpu.memory_space<semaphore_mem>>
      %dma_start3A = tpu.memref_slice %arg6[%mul3A_2] : memref<262144xi32, #tpu.memory_space<hbm>> -> memref<8192xi32, #tpu.memory_space<hbm>>
      %dma_start3A_21 = tpu.memref_slice %arg6[%mul3A_2] : memref<262144xi32, #tpu.memory_space<hbm>> -> memref<8192xi32, #tpu.memory_space<hbm>>
      tpu.enqueue_dma source(%arg12 : memref<8192xi32, #tpu.memory_space<vmem>>) target(%dma_start3A_21 : memref<8192xi32, #tpu.memory_space<hbm>>) target_semaphore(%run_scoped3A : memref<!tpu.dma_semaphore, #tpu.memory_space<semaphore_mem>>)
      %dma_wait3A = tpu.memref_slice %arg6[%mul3A_2] : memref<262144xi32, #tpu.memory_space<hbm>> -> memref<8192xi32, #tpu.memory_space<hbm>>
      %dma_wait3A_22 = tpu.memref_slice %arg6[%mul3A_2] : memref<262144xi32, #tpu.memory_space<hbm>> -> memref<8192xi32, #tpu.memory_space<hbm>>
      tpu.wait_dma2 semaphore(%run_scoped3A : memref<!tpu.dma_semaphore, #tpu.memory_space<semaphore_mem>>) src(%arg12 : memref<8192xi32, #tpu.memory_space<vmem>>) dst(%dma_wait3A_22 : memref<8192xi32, #tpu.memory_space<hbm>>)
      tpu.yield
    }) : () -> ()
    "tpu.region"() ({
      %run_scoped3A = tpu.sem_alloc : memref<!tpu.dma_semaphore, #tpu.memory_space<semaphore_mem>>
      %dma_start3A = tpu.memref_slice %arg7[%mul3A_4] : memref<1048576xi32, #tpu.memory_space<hbm>> -> memref<32768xi32, #tpu.memory_space<hbm>>
      %dma_start3A_21 = tpu.memref_slice %arg7[%mul3A_4] : memref<1048576xi32, #tpu.memory_space<hbm>> -> memref<32768xi32, #tpu.memory_space<hbm>>
      tpu.enqueue_dma source(%arg13 : memref<32768xi32, #tpu.memory_space<vmem>>) target(%dma_start3A_21 : memref<32768xi32, #tpu.memory_space<hbm>>) target_semaphore(%run_scoped3A : memref<!tpu.dma_semaphore, #tpu.memory_space<semaphore_mem>>)
      %dma_wait3A = tpu.memref_slice %arg7[%mul3A_4] : memref<1048576xi32, #tpu.memory_space<hbm>> -> memref<32768xi32, #tpu.memory_space<hbm>>
      %dma_wait3A_22 = tpu.memref_slice %arg7[%mul3A_4] : memref<1048576xi32, #tpu.memory_space<hbm>> -> memref<32768xi32, #tpu.memory_space<hbm>>
      tpu.wait_dma2 semaphore(%run_scoped3A : memref<!tpu.dma_semaphore, #tpu.memory_space<semaphore_mem>>) src(%arg13 : memref<32768xi32, #tpu.memory_space<vmem>>) dst(%dma_wait3A_22 : memref<32768xi32, #tpu.memory_space<hbm>>)
      tpu.yield
    }) : () -> ()
    return
  }
}

module attributes {stable_mosaic.version = 14 : i64} {
  func.func @_select_body(%arg0: memref<2048x128xf32, #tpu.memory_space<vmem>>, %arg1: memref<2048x512xf32, #tpu.memory_space<vmem>>, %arg2: memref<1x1xi32, #tpu.memory_space<smem>>, %arg3: memref<1x1xi32, #tpu.memory_space<smem>>) attributes {dimension_semantics = [], scalar_prefetch = 0 : i64, scratch_operands = 0 : i64, tpu.core_type = #tpu.core_type<tc>} {
    %get3A = arith.constant 0 : index
    %get3A_0 = arith.constant 0 : index
    %get3A_1 = vector.load %arg0[%get3A, %get3A_0] : memref<2048x128xf32, #tpu.memory_space<vmem>>, vector<2048x128xf32>
    %bitcast_convert_type3A = tpu.bitcast %get3A_1 : vector<2048x128xf32> -> vector<2048x128xi32>
    %add3A = arith.constant 0 : i32
    %add3A_2 = arith.constant 268435456 : i32
    %add3A_3 = arith.addi %add3A, %add3A_2 : i32
    %add3A_4 = arith.constant 0 : i32
    %add3A_5 = arith.constant 536870912 : i32
    %add3A_6 = arith.addi %add3A_4, %add3A_5 : i32
    %add3A_7 = arith.constant 0 : i32
    %add3A_8 = arith.constant 805306368 : i32
    %add3A_9 = arith.addi %add3A_7, %add3A_8 : i32
    %lt3A = vector.broadcast %add3A_3 : i32 to vector<2048x128xi32>
    %lt3A_10 = arith.cmpi slt, %bitcast_convert_type3A, %lt3A : vector<2048x128xi32>
    %convert_element_type3A = arith.extui %lt3A_10 : vector<2048x128xi1> to vector<2048x128xi32>
    %reduce_sum3A = vector.shape_cast %convert_element_type3A : vector<2048x128xi32> to vector<1x2048x128xi32>
    %reduce_sum3A_11 = arith.constant dense<0> : vector<1xi32>
    %reduce_sum3A_12 = vector.multi_reduction <add>, %reduce_sum3A, %reduce_sum3A_11 [1, 2] : vector<1x2048x128xi32> to vector<1xi32>
    %reduce_sum3A_13 = vector.shape_cast %reduce_sum3A_12 : vector<1xi32> to vector<1x1x1xi32>
    %reduce_sum3A_14 = vector.extract %reduce_sum3A_13[0, 0, 0] : i32 from vector<1x1x1xi32>
    %add3A_15 = arith.constant 0 : i32
    %add3A_16 = arith.addi %add3A_15, %reduce_sum3A_14 : i32
    %lt3A_17 = vector.broadcast %add3A_6 : i32 to vector<2048x128xi32>
    %lt3A_18 = arith.cmpi slt, %bitcast_convert_type3A, %lt3A_17 : vector<2048x128xi32>
    %convert_element_type3A_19 = arith.extui %lt3A_18 : vector<2048x128xi1> to vector<2048x128xi32>
    %reduce_sum3A_20 = vector.shape_cast %convert_element_type3A_19 : vector<2048x128xi32> to vector<1x2048x128xi32>
    %reduce_sum3A_21 = arith.constant dense<0> : vector<1xi32>
    %reduce_sum3A_22 = vector.multi_reduction <add>, %reduce_sum3A_20, %reduce_sum3A_21 [1, 2] : vector<1x2048x128xi32> to vector<1xi32>
    %reduce_sum3A_23 = vector.shape_cast %reduce_sum3A_22 : vector<1xi32> to vector<1x1x1xi32>
    %reduce_sum3A_24 = vector.extract %reduce_sum3A_23[0, 0, 0] : i32 from vector<1x1x1xi32>
    %add3A_25 = arith.constant 0 : i32
    %add3A_26 = arith.addi %add3A_25, %reduce_sum3A_24 : i32
    %lt3A_27 = vector.broadcast %add3A_9 : i32 to vector<2048x128xi32>
    %lt3A_28 = arith.cmpi slt, %bitcast_convert_type3A, %lt3A_27 : vector<2048x128xi32>
    %convert_element_type3A_29 = arith.extui %lt3A_28 : vector<2048x128xi1> to vector<2048x128xi32>
    %reduce_sum3A_30 = vector.shape_cast %convert_element_type3A_29 : vector<2048x128xi32> to vector<1x2048x128xi32>
    %reduce_sum3A_31 = arith.constant dense<0> : vector<1xi32>
    %reduce_sum3A_32 = vector.multi_reduction <add>, %reduce_sum3A_30, %reduce_sum3A_31 [1, 2] : vector<1x2048x128xi32> to vector<1xi32>
    %reduce_sum3A_33 = vector.shape_cast %reduce_sum3A_32 : vector<1xi32> to vector<1x1x1xi32>
    %reduce_sum3A_34 = vector.extract %reduce_sum3A_33[0, 0, 0] : i32 from vector<1x1x1xi32>
    %add3A_35 = arith.constant 0 : i32
    %add3A_36 = arith.addi %add3A_35, %reduce_sum3A_34 : i32
    %ge3A = arith.constant 78643 : i32
    %ge3A_37 = arith.cmpi sge, %add3A_16, %ge3A : i32
    %ge3A_38 = arith.constant 78643 : i32
    %ge3A_39 = arith.cmpi sge, %add3A_26, %ge3A_38 : i32
    %ge3A_40 = arith.constant 78643 : i32
    %ge3A_41 = arith.cmpi sge, %add3A_36, %ge3A_40 : i32
    %select_n3A = arith.select %ge3A_41, %add3A_6, %add3A_9 : i32
    %select_n3A_42 = arith.select %ge3A_39, %add3A_3, %select_n3A : i32
    %jit3A = arith.constant 0 : i32
    %select_n3A_43 = arith.select %ge3A_37, %jit3A, %select_n3A_42 : i32
    %add3A_44 = arith.constant 67108864 : i32
    %add3A_45 = arith.addi %select_n3A_43, %add3A_44 : i32
    %add3A_46 = arith.constant 134217728 : i32
    %add3A_47 = arith.addi %select_n3A_43, %add3A_46 : i32
    %add3A_48 = arith.constant 201326592 : i32
    %add3A_49 = arith.addi %select_n3A_43, %add3A_48 : i32
    %lt3A_50 = vector.broadcast %add3A_45 : i32 to vector<2048x128xi32>
    %lt3A_51 = arith.cmpi slt, %bitcast_convert_type3A, %lt3A_50 : vector<2048x128xi32>
    %convert_element_type3A_52 = arith.extui %lt3A_51 : vector<2048x128xi1> to vector<2048x128xi32>
    %reduce_sum3A_53 = vector.shape_cast %convert_element_type3A_52 : vector<2048x128xi32> to vector<1x2048x128xi32>
    %reduce_sum3A_54 = arith.constant dense<0> : vector<1xi32>
    %reduce_sum3A_55 = vector.multi_reduction <add>, %reduce_sum3A_53, %reduce_sum3A_54 [1, 2] : vector<1x2048x128xi32> to vector<1xi32>
    %reduce_sum3A_56 = vector.shape_cast %reduce_sum3A_55 : vector<1xi32> to vector<1x1x1xi32>
    %reduce_sum3A_57 = vector.extract %reduce_sum3A_56[0, 0, 0] : i32 from vector<1x1x1xi32>
    %add3A_58 = arith.constant 0 : i32
    %add3A_59 = arith.addi %add3A_58, %reduce_sum3A_57 : i32
    %lt3A_60 = vector.broadcast %add3A_47 : i32 to vector<2048x128xi32>
    %lt3A_61 = arith.cmpi slt, %bitcast_convert_type3A, %lt3A_60 : vector<2048x128xi32>
    %convert_element_type3A_62 = arith.extui %lt3A_61 : vector<2048x128xi1> to vector<2048x128xi32>
    %reduce_sum3A_63 = vector.shape_cast %convert_element_type3A_62 : vector<2048x128xi32> to vector<1x2048x128xi32>
    %reduce_sum3A_64 = arith.constant dense<0> : vector<1xi32>
    %reduce_sum3A_65 = vector.multi_reduction <add>, %reduce_sum3A_63, %reduce_sum3A_64 [1, 2] : vector<1x2048x128xi32> to vector<1xi32>
    %reduce_sum3A_66 = vector.shape_cast %reduce_sum3A_65 : vector<1xi32> to vector<1x1x1xi32>
    %reduce_sum3A_67 = vector.extract %reduce_sum3A_66[0, 0, 0] : i32 from vector<1x1x1xi32>
    %add3A_68 = arith.constant 0 : i32
    %add3A_69 = arith.addi %add3A_68, %reduce_sum3A_67 : i32
    %lt3A_70 = vector.broadcast %add3A_49 : i32 to vector<2048x128xi32>
    %lt3A_71 = arith.cmpi slt, %bitcast_convert_type3A, %lt3A_70 : vector<2048x128xi32>
    %convert_element_type3A_72 = arith.extui %lt3A_71 : vector<2048x128xi1> to vector<2048x128xi32>
    %reduce_sum3A_73 = vector.shape_cast %convert_element_type3A_72 : vector<2048x128xi32> to vector<1x2048x128xi32>
    %reduce_sum3A_74 = arith.constant dense<0> : vector<1xi32>
    %reduce_sum3A_75 = vector.multi_reduction <add>, %reduce_sum3A_73, %reduce_sum3A_74 [1, 2] : vector<1x2048x128xi32> to vector<1xi32>
    %reduce_sum3A_76 = vector.shape_cast %reduce_sum3A_75 : vector<1xi32> to vector<1x1x1xi32>
    %reduce_sum3A_77 = vector.extract %reduce_sum3A_76[0, 0, 0] : i32 from vector<1x1x1xi32>
    %add3A_78 = arith.constant 0 : i32
    %add3A_79 = arith.addi %add3A_78, %reduce_sum3A_77 : i32
    %ge3A_80 = arith.constant 78643 : i32
    %ge3A_81 = arith.cmpi sge, %add3A_59, %ge3A_80 : i32
    %ge3A_82 = arith.constant 78643 : i32
    %ge3A_83 = arith.cmpi sge, %add3A_69, %ge3A_82 : i32
    %ge3A_84 = arith.constant 78643 : i32
    %ge3A_85 = arith.cmpi sge, %add3A_79, %ge3A_84 : i32
    %select_n3A_86 = arith.select %ge3A_85, %add3A_47, %add3A_49 : i32
    %select_n3A_87 = arith.select %ge3A_83, %add3A_45, %select_n3A_86 : i32
    %select_n3A_88 = arith.select %ge3A_81, %select_n3A_43, %select_n3A_87 : i32
    %add3A_89 = arith.constant 16777216 : i32
    %add3A_90 = arith.addi %select_n3A_88, %add3A_89 : i32
    %add3A_91 = arith.constant 33554432 : i32
    %add3A_92 = arith.addi %select_n3A_88, %add3A_91 : i32
    %add3A_93 = arith.constant 50331648 : i32
    %add3A_94 = arith.addi %select_n3A_88, %add3A_93 : i32
    %lt3A_95 = vector.broadcast %add3A_90 : i32 to vector<2048x128xi32>
    %lt3A_96 = arith.cmpi slt, %bitcast_convert_type3A, %lt3A_95 : vector<2048x128xi32>
    %convert_element_type3A_97 = arith.extui %lt3A_96 : vector<2048x128xi1> to vector<2048x128xi32>
    %reduce_sum3A_98 = vector.shape_cast %convert_element_type3A_97 : vector<2048x128xi32> to vector<1x2048x128xi32>
    %reduce_sum3A_99 = arith.constant dense<0> : vector<1xi32>
    %reduce_sum3A_100 = vector.multi_reduction <add>, %reduce_sum3A_98, %reduce_sum3A_99 [1, 2] : vector<1x2048x128xi32> to vector<1xi32>
    %reduce_sum3A_101 = vector.shape_cast %reduce_sum3A_100 : vector<1xi32> to vector<1x1x1xi32>
    %reduce_sum3A_102 = vector.extract %reduce_sum3A_101[0, 0, 0] : i32 from vector<1x1x1xi32>
    %add3A_103 = arith.constant 0 : i32
    %add3A_104 = arith.addi %add3A_103, %reduce_sum3A_102 : i32
    %lt3A_105 = vector.broadcast %add3A_92 : i32 to vector<2048x128xi32>
    %lt3A_106 = arith.cmpi slt, %bitcast_convert_type3A, %lt3A_105 : vector<2048x128xi32>
    %convert_element_type3A_107 = arith.extui %lt3A_106 : vector<2048x128xi1> to vector<2048x128xi32>
    %reduce_sum3A_108 = vector.shape_cast %convert_element_type3A_107 : vector<2048x128xi32> to vector<1x2048x128xi32>
    %reduce_sum3A_109 = arith.constant dense<0> : vector<1xi32>
    %reduce_sum3A_110 = vector.multi_reduction <add>, %reduce_sum3A_108, %reduce_sum3A_109 [1, 2] : vector<1x2048x128xi32> to vector<1xi32>
    %reduce_sum3A_111 = vector.shape_cast %reduce_sum3A_110 : vector<1xi32> to vector<1x1x1xi32>
    %reduce_sum3A_112 = vector.extract %reduce_sum3A_111[0, 0, 0] : i32 from vector<1x1x1xi32>
    %add3A_113 = arith.constant 0 : i32
    %add3A_114 = arith.addi %add3A_113, %reduce_sum3A_112 : i32
    %lt3A_115 = vector.broadcast %add3A_94 : i32 to vector<2048x128xi32>
    %lt3A_116 = arith.cmpi slt, %bitcast_convert_type3A, %lt3A_115 : vector<2048x128xi32>
    %convert_element_type3A_117 = arith.extui %lt3A_116 : vector<2048x128xi1> to vector<2048x128xi32>
    %reduce_sum3A_118 = vector.shape_cast %convert_element_type3A_117 : vector<2048x128xi32> to vector<1x2048x128xi32>
    %reduce_sum3A_119 = arith.constant dense<0> : vector<1xi32>
    %reduce_sum3A_120 = vector.multi_reduction <add>, %reduce_sum3A_118, %reduce_sum3A_119 [1, 2] : vector<1x2048x128xi32> to vector<1xi32>
    %reduce_sum3A_121 = vector.shape_cast %reduce_sum3A_120 : vector<1xi32> to vector<1x1x1xi32>
    %reduce_sum3A_122 = vector.extract %reduce_sum3A_121[0, 0, 0] : i32 from vector<1x1x1xi32>
    %add3A_123 = arith.constant 0 : i32
    %add3A_124 = arith.addi %add3A_123, %reduce_sum3A_122 : i32
    %ge3A_125 = arith.constant 78643 : i32
    %ge3A_126 = arith.cmpi sge, %add3A_104, %ge3A_125 : i32
    %ge3A_127 = arith.constant 78643 : i32
    %ge3A_128 = arith.cmpi sge, %add3A_114, %ge3A_127 : i32
    %ge3A_129 = arith.constant 78643 : i32
    %ge3A_130 = arith.cmpi sge, %add3A_124, %ge3A_129 : i32
    %select_n3A_131 = arith.select %ge3A_130, %add3A_92, %add3A_94 : i32
    %select_n3A_132 = arith.select %ge3A_128, %add3A_90, %select_n3A_131 : i32
    %select_n3A_133 = arith.select %ge3A_126, %select_n3A_88, %select_n3A_132 : i32
    %add3A_134 = arith.constant 4194304 : i32
    %add3A_135 = arith.addi %select_n3A_133, %add3A_134 : i32
    %add3A_136 = arith.constant 8388608 : i32
    %add3A_137 = arith.addi %select_n3A_133, %add3A_136 : i32
    %add3A_138 = arith.constant 12582912 : i32
    %add3A_139 = arith.addi %select_n3A_133, %add3A_138 : i32
    %lt3A_140 = vector.broadcast %add3A_135 : i32 to vector<2048x128xi32>
    %lt3A_141 = arith.cmpi slt, %bitcast_convert_type3A, %lt3A_140 : vector<2048x128xi32>
    %convert_element_type3A_142 = arith.extui %lt3A_141 : vector<2048x128xi1> to vector<2048x128xi32>
    %reduce_sum3A_143 = vector.shape_cast %convert_element_type3A_142 : vector<2048x128xi32> to vector<1x2048x128xi32>
    %reduce_sum3A_144 = arith.constant dense<0> : vector<1xi32>
    %reduce_sum3A_145 = vector.multi_reduction <add>, %reduce_sum3A_143, %reduce_sum3A_144 [1, 2] : vector<1x2048x128xi32> to vector<1xi32>
    %reduce_sum3A_146 = vector.shape_cast %reduce_sum3A_145 : vector<1xi32> to vector<1x1x1xi32>
    %reduce_sum3A_147 = vector.extract %reduce_sum3A_146[0, 0, 0] : i32 from vector<1x1x1xi32>
    %add3A_148 = arith.constant 0 : i32
    %add3A_149 = arith.addi %add3A_148, %reduce_sum3A_147 : i32
    %lt3A_150 = vector.broadcast %add3A_137 : i32 to vector<2048x128xi32>
    %lt3A_151 = arith.cmpi slt, %bitcast_convert_type3A, %lt3A_150 : vector<2048x128xi32>
    %convert_element_type3A_152 = arith.extui %lt3A_151 : vector<2048x128xi1> to vector<2048x128xi32>
    %reduce_sum3A_153 = vector.shape_cast %convert_element_type3A_152 : vector<2048x128xi32> to vector<1x2048x128xi32>
    %reduce_sum3A_154 = arith.constant dense<0> : vector<1xi32>
    %reduce_sum3A_155 = vector.multi_reduction <add>, %reduce_sum3A_153, %reduce_sum3A_154 [1, 2] : vector<1x2048x128xi32> to vector<1xi32>
    %reduce_sum3A_156 = vector.shape_cast %reduce_sum3A_155 : vector<1xi32> to vector<1x1x1xi32>
    %reduce_sum3A_157 = vector.extract %reduce_sum3A_156[0, 0, 0] : i32 from vector<1x1x1xi32>
    %add3A_158 = arith.constant 0 : i32
    %add3A_159 = arith.addi %add3A_158, %reduce_sum3A_157 : i32
    %lt3A_160 = vector.broadcast %add3A_139 : i32 to vector<2048x128xi32>
    %lt3A_161 = arith.cmpi slt, %bitcast_convert_type3A, %lt3A_160 : vector<2048x128xi32>
    %convert_element_type3A_162 = arith.extui %lt3A_161 : vector<2048x128xi1> to vector<2048x128xi32>
    %reduce_sum3A_163 = vector.shape_cast %convert_element_type3A_162 : vector<2048x128xi32> to vector<1x2048x128xi32>
    %reduce_sum3A_164 = arith.constant dense<0> : vector<1xi32>
    %reduce_sum3A_165 = vector.multi_reduction <add>, %reduce_sum3A_163, %reduce_sum3A_164 [1, 2] : vector<1x2048x128xi32> to vector<1xi32>
    %reduce_sum3A_166 = vector.shape_cast %reduce_sum3A_165 : vector<1xi32> to vector<1x1x1xi32>
    %reduce_sum3A_167 = vector.extract %reduce_sum3A_166[0, 0, 0] : i32 from vector<1x1x1xi32>
    %add3A_168 = arith.constant 0 : i32
    %add3A_169 = arith.addi %add3A_168, %reduce_sum3A_167 : i32
    %ge3A_170 = arith.constant 78643 : i32
    %ge3A_171 = arith.cmpi sge, %add3A_149, %ge3A_170 : i32
    %ge3A_172 = arith.constant 78643 : i32
    %ge3A_173 = arith.cmpi sge, %add3A_159, %ge3A_172 : i32
    %ge3A_174 = arith.constant 78643 : i32
    %ge3A_175 = arith.cmpi sge, %add3A_169, %ge3A_174 : i32
    %select_n3A_176 = arith.select %ge3A_175, %add3A_137, %add3A_139 : i32
    %select_n3A_177 = arith.select %ge3A_173, %add3A_135, %select_n3A_176 : i32
    %select_n3A_178 = arith.select %ge3A_171, %select_n3A_133, %select_n3A_177 : i32
    %add3A_179 = arith.constant 1048576 : i32
    %add3A_180 = arith.addi %select_n3A_178, %add3A_179 : i32
    %add3A_181 = arith.constant 2097152 : i32
    %add3A_182 = arith.addi %select_n3A_178, %add3A_181 : i32
    %add3A_183 = arith.constant 3145728 : i32
    %add3A_184 = arith.addi %select_n3A_178, %add3A_183 : i32
    %lt3A_185 = vector.broadcast %add3A_180 : i32 to vector<2048x128xi32>
    %lt3A_186 = arith.cmpi slt, %bitcast_convert_type3A, %lt3A_185 : vector<2048x128xi32>
    %convert_element_type3A_187 = arith.extui %lt3A_186 : vector<2048x128xi1> to vector<2048x128xi32>
    %reduce_sum3A_188 = vector.shape_cast %convert_element_type3A_187 : vector<2048x128xi32> to vector<1x2048x128xi32>
    %reduce_sum3A_189 = arith.constant dense<0> : vector<1xi32>
    %reduce_sum3A_190 = vector.multi_reduction <add>, %reduce_sum3A_188, %reduce_sum3A_189 [1, 2] : vector<1x2048x128xi32> to vector<1xi32>
    %reduce_sum3A_191 = vector.shape_cast %reduce_sum3A_190 : vector<1xi32> to vector<1x1x1xi32>
    %reduce_sum3A_192 = vector.extract %reduce_sum3A_191[0, 0, 0] : i32 from vector<1x1x1xi32>
    %add3A_193 = arith.constant 0 : i32
    %add3A_194 = arith.addi %add3A_193, %reduce_sum3A_192 : i32
    %lt3A_195 = vector.broadcast %add3A_182 : i32 to vector<2048x128xi32>
    %lt3A_196 = arith.cmpi slt, %bitcast_convert_type3A, %lt3A_195 : vector<2048x128xi32>
    %convert_element_type3A_197 = arith.extui %lt3A_196 : vector<2048x128xi1> to vector<2048x128xi32>
    %reduce_sum3A_198 = vector.shape_cast %convert_element_type3A_197 : vector<2048x128xi32> to vector<1x2048x128xi32>
    %reduce_sum3A_199 = arith.constant dense<0> : vector<1xi32>
    %reduce_sum3A_200 = vector.multi_reduction <add>, %reduce_sum3A_198, %reduce_sum3A_199 [1, 2] : vector<1x2048x128xi32> to vector<1xi32>
    %reduce_sum3A_201 = vector.shape_cast %reduce_sum3A_200 : vector<1xi32> to vector<1x1x1xi32>
    %reduce_sum3A_202 = vector.extract %reduce_sum3A_201[0, 0, 0] : i32 from vector<1x1x1xi32>
    %add3A_203 = arith.constant 0 : i32
    %add3A_204 = arith.addi %add3A_203, %reduce_sum3A_202 : i32
    %lt3A_205 = vector.broadcast %add3A_184 : i32 to vector<2048x128xi32>
    %lt3A_206 = arith.cmpi slt, %bitcast_convert_type3A, %lt3A_205 : vector<2048x128xi32>
    %convert_element_type3A_207 = arith.extui %lt3A_206 : vector<2048x128xi1> to vector<2048x128xi32>
    %reduce_sum3A_208 = vector.shape_cast %convert_element_type3A_207 : vector<2048x128xi32> to vector<1x2048x128xi32>
    %reduce_sum3A_209 = arith.constant dense<0> : vector<1xi32>
    %reduce_sum3A_210 = vector.multi_reduction <add>, %reduce_sum3A_208, %reduce_sum3A_209 [1, 2] : vector<1x2048x128xi32> to vector<1xi32>
    %reduce_sum3A_211 = vector.shape_cast %reduce_sum3A_210 : vector<1xi32> to vector<1x1x1xi32>
    %reduce_sum3A_212 = vector.extract %reduce_sum3A_211[0, 0, 0] : i32 from vector<1x1x1xi32>
    %add3A_213 = arith.constant 0 : i32
    %add3A_214 = arith.addi %add3A_213, %reduce_sum3A_212 : i32
    %ge3A_215 = arith.constant 78643 : i32
    %ge3A_216 = arith.cmpi sge, %add3A_194, %ge3A_215 : i32
    %ge3A_217 = arith.constant 78643 : i32
    %ge3A_218 = arith.cmpi sge, %add3A_204, %ge3A_217 : i32
    %ge3A_219 = arith.constant 78643 : i32
    %ge3A_220 = arith.cmpi sge, %add3A_214, %ge3A_219 : i32
    %select_n3A_221 = arith.select %ge3A_220, %add3A_182, %add3A_184 : i32
    %select_n3A_222 = arith.select %ge3A_218, %add3A_180, %select_n3A_221 : i32
    %select_n3A_223 = arith.select %ge3A_216, %select_n3A_178, %select_n3A_222 : i32
    %add3A_224 = arith.constant 262144 : i32
    %add3A_225 = arith.addi %select_n3A_223, %add3A_224 : i32
    %add3A_226 = arith.constant 524288 : i32
    %add3A_227 = arith.addi %select_n3A_223, %add3A_226 : i32
    %add3A_228 = arith.constant 786432 : i32
    %add3A_229 = arith.addi %select_n3A_223, %add3A_228 : i32
    %lt3A_230 = vector.broadcast %add3A_225 : i32 to vector<2048x128xi32>
    %lt3A_231 = arith.cmpi slt, %bitcast_convert_type3A, %lt3A_230 : vector<2048x128xi32>
    %convert_element_type3A_232 = arith.extui %lt3A_231 : vector<2048x128xi1> to vector<2048x128xi32>
    %reduce_sum3A_233 = vector.shape_cast %convert_element_type3A_232 : vector<2048x128xi32> to vector<1x2048x128xi32>
    %reduce_sum3A_234 = arith.constant dense<0> : vector<1xi32>
    %reduce_sum3A_235 = vector.multi_reduction <add>, %reduce_sum3A_233, %reduce_sum3A_234 [1, 2] : vector<1x2048x128xi32> to vector<1xi32>
    %reduce_sum3A_236 = vector.shape_cast %reduce_sum3A_235 : vector<1xi32> to vector<1x1x1xi32>
    %reduce_sum3A_237 = vector.extract %reduce_sum3A_236[0, 0, 0] : i32 from vector<1x1x1xi32>
    %add3A_238 = arith.constant 0 : i32
    %add3A_239 = arith.addi %add3A_238, %reduce_sum3A_237 : i32
    %lt3A_240 = vector.broadcast %add3A_227 : i32 to vector<2048x128xi32>
    %lt3A_241 = arith.cmpi slt, %bitcast_convert_type3A, %lt3A_240 : vector<2048x128xi32>
    %convert_element_type3A_242 = arith.extui %lt3A_241 : vector<2048x128xi1> to vector<2048x128xi32>
    %reduce_sum3A_243 = vector.shape_cast %convert_element_type3A_242 : vector<2048x128xi32> to vector<1x2048x128xi32>
    %reduce_sum3A_244 = arith.constant dense<0> : vector<1xi32>
    %reduce_sum3A_245 = vector.multi_reduction <add>, %reduce_sum3A_243, %reduce_sum3A_244 [1, 2] : vector<1x2048x128xi32> to vector<1xi32>
    %reduce_sum3A_246 = vector.shape_cast %reduce_sum3A_245 : vector<1xi32> to vector<1x1x1xi32>
    %reduce_sum3A_247 = vector.extract %reduce_sum3A_246[0, 0, 0] : i32 from vector<1x1x1xi32>
    %add3A_248 = arith.constant 0 : i32
    %add3A_249 = arith.addi %add3A_248, %reduce_sum3A_247 : i32
    %lt3A_250 = vector.broadcast %add3A_229 : i32 to vector<2048x128xi32>
    %lt3A_251 = arith.cmpi slt, %bitcast_convert_type3A, %lt3A_250 : vector<2048x128xi32>
    %convert_element_type3A_252 = arith.extui %lt3A_251 : vector<2048x128xi1> to vector<2048x128xi32>
    %reduce_sum3A_253 = vector.shape_cast %convert_element_type3A_252 : vector<2048x128xi32> to vector<1x2048x128xi32>
    %reduce_sum3A_254 = arith.constant dense<0> : vector<1xi32>
    %reduce_sum3A_255 = vector.multi_reduction <add>, %reduce_sum3A_253, %reduce_sum3A_254 [1, 2] : vector<1x2048x128xi32> to vector<1xi32>
    %reduce_sum3A_256 = vector.shape_cast %reduce_sum3A_255 : vector<1xi32> to vector<1x1x1xi32>
    %reduce_sum3A_257 = vector.extract %reduce_sum3A_256[0, 0, 0] : i32 from vector<1x1x1xi32>
    %add3A_258 = arith.constant 0 : i32
    %add3A_259 = arith.addi %add3A_258, %reduce_sum3A_257 : i32
    %ge3A_260 = arith.constant 78643 : i32
    %ge3A_261 = arith.cmpi sge, %add3A_239, %ge3A_260 : i32
    %ge3A_262 = arith.constant 78643 : i32
    %ge3A_263 = arith.cmpi sge, %add3A_249, %ge3A_262 : i32
    %ge3A_264 = arith.constant 78643 : i32
    %ge3A_265 = arith.cmpi sge, %add3A_259, %ge3A_264 : i32
    %select_n3A_266 = arith.select %ge3A_265, %add3A_227, %add3A_229 : i32
    %select_n3A_267 = arith.select %ge3A_263, %add3A_225, %select_n3A_266 : i32
    %select_n3A_268 = arith.select %ge3A_261, %select_n3A_223, %select_n3A_267 : i32
    %add3A_269 = arith.constant 65536 : i32
    %add3A_270 = arith.addi %select_n3A_268, %add3A_269 : i32
    %add3A_271 = arith.constant 131072 : i32
    %add3A_272 = arith.addi %select_n3A_268, %add3A_271 : i32
    %add3A_273 = arith.constant 196608 : i32
    %add3A_274 = arith.addi %select_n3A_268, %add3A_273 : i32
    %lt3A_275 = vector.broadcast %add3A_270 : i32 to vector<2048x128xi32>
    %lt3A_276 = arith.cmpi slt, %bitcast_convert_type3A, %lt3A_275 : vector<2048x128xi32>
    %convert_element_type3A_277 = arith.extui %lt3A_276 : vector<2048x128xi1> to vector<2048x128xi32>
    %reduce_sum3A_278 = vector.shape_cast %convert_element_type3A_277 : vector<2048x128xi32> to vector<1x2048x128xi32>
    %reduce_sum3A_279 = arith.constant dense<0> : vector<1xi32>
    %reduce_sum3A_280 = vector.multi_reduction <add>, %reduce_sum3A_278, %reduce_sum3A_279 [1, 2] : vector<1x2048x128xi32> to vector<1xi32>
    %reduce_sum3A_281 = vector.shape_cast %reduce_sum3A_280 : vector<1xi32> to vector<1x1x1xi32>
    %reduce_sum3A_282 = vector.extract %reduce_sum3A_281[0, 0, 0] : i32 from vector<1x1x1xi32>
    %add3A_283 = arith.constant 0 : i32
    %add3A_284 = arith.addi %add3A_283, %reduce_sum3A_282 : i32
    %lt3A_285 = vector.broadcast %add3A_272 : i32 to vector<2048x128xi32>
    %lt3A_286 = arith.cmpi slt, %bitcast_convert_type3A, %lt3A_285 : vector<2048x128xi32>
    %convert_element_type3A_287 = arith.extui %lt3A_286 : vector<2048x128xi1> to vector<2048x128xi32>
    %reduce_sum3A_288 = vector.shape_cast %convert_element_type3A_287 : vector<2048x128xi32> to vector<1x2048x128xi32>
    %reduce_sum3A_289 = arith.constant dense<0> : vector<1xi32>
    %reduce_sum3A_290 = vector.multi_reduction <add>, %reduce_sum3A_288, %reduce_sum3A_289 [1, 2] : vector<1x2048x128xi32> to vector<1xi32>
    %reduce_sum3A_291 = vector.shape_cast %reduce_sum3A_290 : vector<1xi32> to vector<1x1x1xi32>
    %reduce_sum3A_292 = vector.extract %reduce_sum3A_291[0, 0, 0] : i32 from vector<1x1x1xi32>
    %add3A_293 = arith.constant 0 : i32
    %add3A_294 = arith.addi %add3A_293, %reduce_sum3A_292 : i32
    %lt3A_295 = vector.broadcast %add3A_274 : i32 to vector<2048x128xi32>
    %lt3A_296 = arith.cmpi slt, %bitcast_convert_type3A, %lt3A_295 : vector<2048x128xi32>
    %convert_element_type3A_297 = arith.extui %lt3A_296 : vector<2048x128xi1> to vector<2048x128xi32>
    %reduce_sum3A_298 = vector.shape_cast %convert_element_type3A_297 : vector<2048x128xi32> to vector<1x2048x128xi32>
    %reduce_sum3A_299 = arith.constant dense<0> : vector<1xi32>
    %reduce_sum3A_300 = vector.multi_reduction <add>, %reduce_sum3A_298, %reduce_sum3A_299 [1, 2] : vector<1x2048x128xi32> to vector<1xi32>
    %reduce_sum3A_301 = vector.shape_cast %reduce_sum3A_300 : vector<1xi32> to vector<1x1x1xi32>
    %reduce_sum3A_302 = vector.extract %reduce_sum3A_301[0, 0, 0] : i32 from vector<1x1x1xi32>
    %add3A_303 = arith.constant 0 : i32
    %add3A_304 = arith.addi %add3A_303, %reduce_sum3A_302 : i32
    %ge3A_305 = arith.constant 78643 : i32
    %ge3A_306 = arith.cmpi sge, %add3A_284, %ge3A_305 : i32
    %ge3A_307 = arith.constant 78643 : i32
    %ge3A_308 = arith.cmpi sge, %add3A_294, %ge3A_307 : i32
    %ge3A_309 = arith.constant 78643 : i32
    %ge3A_310 = arith.cmpi sge, %add3A_304, %ge3A_309 : i32
    %select_n3A_311 = arith.select %ge3A_310, %add3A_272, %add3A_274 : i32
    %select_n3A_312 = arith.select %ge3A_308, %add3A_270, %select_n3A_311 : i32
    %select_n3A_313 = arith.select %ge3A_306, %select_n3A_268, %select_n3A_312 : i32
    %add3A_314 = arith.constant 16384 : i32
    %add3A_315 = arith.addi %select_n3A_313, %add3A_314 : i32
    %add3A_316 = arith.constant 32768 : i32
    %add3A_317 = arith.addi %select_n3A_313, %add3A_316 : i32
    %add3A_318 = arith.constant 49152 : i32
    %add3A_319 = arith.addi %select_n3A_313, %add3A_318 : i32
    %lt3A_320 = vector.broadcast %add3A_315 : i32 to vector<2048x128xi32>
    %lt3A_321 = arith.cmpi slt, %bitcast_convert_type3A, %lt3A_320 : vector<2048x128xi32>
    %convert_element_type3A_322 = arith.extui %lt3A_321 : vector<2048x128xi1> to vector<2048x128xi32>
    %reduce_sum3A_323 = vector.shape_cast %convert_element_type3A_322 : vector<2048x128xi32> to vector<1x2048x128xi32>
    %reduce_sum3A_324 = arith.constant dense<0> : vector<1xi32>
    %reduce_sum3A_325 = vector.multi_reduction <add>, %reduce_sum3A_323, %reduce_sum3A_324 [1, 2] : vector<1x2048x128xi32> to vector<1xi32>
    %reduce_sum3A_326 = vector.shape_cast %reduce_sum3A_325 : vector<1xi32> to vector<1x1x1xi32>
    %reduce_sum3A_327 = vector.extract %reduce_sum3A_326[0, 0, 0] : i32 from vector<1x1x1xi32>
    %add3A_328 = arith.constant 0 : i32
    %add3A_329 = arith.addi %add3A_328, %reduce_sum3A_327 : i32
    %lt3A_330 = vector.broadcast %add3A_317 : i32 to vector<2048x128xi32>
    %lt3A_331 = arith.cmpi slt, %bitcast_convert_type3A, %lt3A_330 : vector<2048x128xi32>
    %convert_element_type3A_332 = arith.extui %lt3A_331 : vector<2048x128xi1> to vector<2048x128xi32>
    %reduce_sum3A_333 = vector.shape_cast %convert_element_type3A_332 : vector<2048x128xi32> to vector<1x2048x128xi32>
    %reduce_sum3A_334 = arith.constant dense<0> : vector<1xi32>
    %reduce_sum3A_335 = vector.multi_reduction <add>, %reduce_sum3A_333, %reduce_sum3A_334 [1, 2] : vector<1x2048x128xi32> to vector<1xi32>
    %reduce_sum3A_336 = vector.shape_cast %reduce_sum3A_335 : vector<1xi32> to vector<1x1x1xi32>
    %reduce_sum3A_337 = vector.extract %reduce_sum3A_336[0, 0, 0] : i32 from vector<1x1x1xi32>
    %add3A_338 = arith.constant 0 : i32
    %add3A_339 = arith.addi %add3A_338, %reduce_sum3A_337 : i32
    %lt3A_340 = vector.broadcast %add3A_319 : i32 to vector<2048x128xi32>
    %lt3A_341 = arith.cmpi slt, %bitcast_convert_type3A, %lt3A_340 : vector<2048x128xi32>
    %convert_element_type3A_342 = arith.extui %lt3A_341 : vector<2048x128xi1> to vector<2048x128xi32>
    %reduce_sum3A_343 = vector.shape_cast %convert_element_type3A_342 : vector<2048x128xi32> to vector<1x2048x128xi32>
    %reduce_sum3A_344 = arith.constant dense<0> : vector<1xi32>
    %reduce_sum3A_345 = vector.multi_reduction <add>, %reduce_sum3A_343, %reduce_sum3A_344 [1, 2] : vector<1x2048x128xi32> to vector<1xi32>
    %reduce_sum3A_346 = vector.shape_cast %reduce_sum3A_345 : vector<1xi32> to vector<1x1x1xi32>
    %reduce_sum3A_347 = vector.extract %reduce_sum3A_346[0, 0, 0] : i32 from vector<1x1x1xi32>
    %add3A_348 = arith.constant 0 : i32
    %add3A_349 = arith.addi %add3A_348, %reduce_sum3A_347 : i32
    %ge3A_350 = arith.constant 78643 : i32
    %ge3A_351 = arith.cmpi sge, %add3A_329, %ge3A_350 : i32
    %ge3A_352 = arith.constant 78643 : i32
    %ge3A_353 = arith.cmpi sge, %add3A_339, %ge3A_352 : i32
    %ge3A_354 = arith.constant 78643 : i32
    %ge3A_355 = arith.cmpi sge, %add3A_349, %ge3A_354 : i32
    %select_n3A_356 = arith.select %ge3A_355, %add3A_317, %add3A_319 : i32
    %select_n3A_357 = arith.select %ge3A_353, %add3A_315, %select_n3A_356 : i32
    %select_n3A_358 = arith.select %ge3A_351, %select_n3A_313, %select_n3A_357 : i32
    %add3A_359 = arith.constant 4096 : i32
    %add3A_360 = arith.addi %select_n3A_358, %add3A_359 : i32
    %add3A_361 = arith.constant 8192 : i32
    %add3A_362 = arith.addi %select_n3A_358, %add3A_361 : i32
    %add3A_363 = arith.constant 12288 : i32
    %add3A_364 = arith.addi %select_n3A_358, %add3A_363 : i32
    %lt3A_365 = vector.broadcast %add3A_360 : i32 to vector<2048x128xi32>
    %lt3A_366 = arith.cmpi slt, %bitcast_convert_type3A, %lt3A_365 : vector<2048x128xi32>
    %convert_element_type3A_367 = arith.extui %lt3A_366 : vector<2048x128xi1> to vector<2048x128xi32>
    %reduce_sum3A_368 = vector.shape_cast %convert_element_type3A_367 : vector<2048x128xi32> to vector<1x2048x128xi32>
    %reduce_sum3A_369 = arith.constant dense<0> : vector<1xi32>
    %reduce_sum3A_370 = vector.multi_reduction <add>, %reduce_sum3A_368, %reduce_sum3A_369 [1, 2] : vector<1x2048x128xi32> to vector<1xi32>
    %reduce_sum3A_371 = vector.shape_cast %reduce_sum3A_370 : vector<1xi32> to vector<1x1x1xi32>
    %reduce_sum3A_372 = vector.extract %reduce_sum3A_371[0, 0, 0] : i32 from vector<1x1x1xi32>
    %add3A_373 = arith.constant 0 : i32
    %add3A_374 = arith.addi %add3A_373, %reduce_sum3A_372 : i32
    %lt3A_375 = vector.broadcast %add3A_362 : i32 to vector<2048x128xi32>
    %lt3A_376 = arith.cmpi slt, %bitcast_convert_type3A, %lt3A_375 : vector<2048x128xi32>
    %convert_element_type3A_377 = arith.extui %lt3A_376 : vector<2048x128xi1> to vector<2048x128xi32>
    %reduce_sum3A_378 = vector.shape_cast %convert_element_type3A_377 : vector<2048x128xi32> to vector<1x2048x128xi32>
    %reduce_sum3A_379 = arith.constant dense<0> : vector<1xi32>
    %reduce_sum3A_380 = vector.multi_reduction <add>, %reduce_sum3A_378, %reduce_sum3A_379 [1, 2] : vector<1x2048x128xi32> to vector<1xi32>
    %reduce_sum3A_381 = vector.shape_cast %reduce_sum3A_380 : vector<1xi32> to vector<1x1x1xi32>
    %reduce_sum3A_382 = vector.extract %reduce_sum3A_381[0, 0, 0] : i32 from vector<1x1x1xi32>
    %add3A_383 = arith.constant 0 : i32
    %add3A_384 = arith.addi %add3A_383, %reduce_sum3A_382 : i32
    %lt3A_385 = vector.broadcast %add3A_364 : i32 to vector<2048x128xi32>
    %lt3A_386 = arith.cmpi slt, %bitcast_convert_type3A, %lt3A_385 : vector<2048x128xi32>
    %convert_element_type3A_387 = arith.extui %lt3A_386 : vector<2048x128xi1> to vector<2048x128xi32>
    %reduce_sum3A_388 = vector.shape_cast %convert_element_type3A_387 : vector<2048x128xi32> to vector<1x2048x128xi32>
    %reduce_sum3A_389 = arith.constant dense<0> : vector<1xi32>
    %reduce_sum3A_390 = vector.multi_reduction <add>, %reduce_sum3A_388, %reduce_sum3A_389 [1, 2] : vector<1x2048x128xi32> to vector<1xi32>
    %reduce_sum3A_391 = vector.shape_cast %reduce_sum3A_390 : vector<1xi32> to vector<1x1x1xi32>
    %reduce_sum3A_392 = vector.extract %reduce_sum3A_391[0, 0, 0] : i32 from vector<1x1x1xi32>
    %add3A_393 = arith.constant 0 : i32
    %add3A_394 = arith.addi %add3A_393, %reduce_sum3A_392 : i32
    %ge3A_395 = arith.constant 78643 : i32
    %ge3A_396 = arith.cmpi sge, %add3A_374, %ge3A_395 : i32
    %ge3A_397 = arith.constant 78643 : i32
    %ge3A_398 = arith.cmpi sge, %add3A_384, %ge3A_397 : i32
    %ge3A_399 = arith.constant 78643 : i32
    %ge3A_400 = arith.cmpi sge, %add3A_394, %ge3A_399 : i32
    %select_n3A_401 = arith.select %ge3A_400, %add3A_362, %add3A_364 : i32
    %select_n3A_402 = arith.select %ge3A_398, %add3A_360, %select_n3A_401 : i32
    %select_n3A_403 = arith.select %ge3A_396, %select_n3A_358, %select_n3A_402 : i32
    %add3A_404 = arith.constant 1024 : i32
    %add3A_405 = arith.addi %select_n3A_403, %add3A_404 : i32
    %add3A_406 = arith.constant 2048 : i32
    %add3A_407 = arith.addi %select_n3A_403, %add3A_406 : i32
    %add3A_408 = arith.constant 3072 : i32
    %add3A_409 = arith.addi %select_n3A_403, %add3A_408 : i32
    %lt3A_410 = vector.broadcast %add3A_405 : i32 to vector<2048x128xi32>
    %lt3A_411 = arith.cmpi slt, %bitcast_convert_type3A, %lt3A_410 : vector<2048x128xi32>
    %convert_element_type3A_412 = arith.extui %lt3A_411 : vector<2048x128xi1> to vector<2048x128xi32>
    %reduce_sum3A_413 = vector.shape_cast %convert_element_type3A_412 : vector<2048x128xi32> to vector<1x2048x128xi32>
    %reduce_sum3A_414 = arith.constant dense<0> : vector<1xi32>
    %reduce_sum3A_415 = vector.multi_reduction <add>, %reduce_sum3A_413, %reduce_sum3A_414 [1, 2] : vector<1x2048x128xi32> to vector<1xi32>
    %reduce_sum3A_416 = vector.shape_cast %reduce_sum3A_415 : vector<1xi32> to vector<1x1x1xi32>
    %reduce_sum3A_417 = vector.extract %reduce_sum3A_416[0, 0, 0] : i32 from vector<1x1x1xi32>
    %add3A_418 = arith.constant 0 : i32
    %add3A_419 = arith.addi %add3A_418, %reduce_sum3A_417 : i32
    %lt3A_420 = vector.broadcast %add3A_407 : i32 to vector<2048x128xi32>
    %lt3A_421 = arith.cmpi slt, %bitcast_convert_type3A, %lt3A_420 : vector<2048x128xi32>
    %convert_element_type3A_422 = arith.extui %lt3A_421 : vector<2048x128xi1> to vector<2048x128xi32>
    %reduce_sum3A_423 = vector.shape_cast %convert_element_type3A_422 : vector<2048x128xi32> to vector<1x2048x128xi32>
    %reduce_sum3A_424 = arith.constant dense<0> : vector<1xi32>
    %reduce_sum3A_425 = vector.multi_reduction <add>, %reduce_sum3A_423, %reduce_sum3A_424 [1, 2] : vector<1x2048x128xi32> to vector<1xi32>
    %reduce_sum3A_426 = vector.shape_cast %reduce_sum3A_425 : vector<1xi32> to vector<1x1x1xi32>
    %reduce_sum3A_427 = vector.extract %reduce_sum3A_426[0, 0, 0] : i32 from vector<1x1x1xi32>
    %add3A_428 = arith.constant 0 : i32
    %add3A_429 = arith.addi %add3A_428, %reduce_sum3A_427 : i32
    %lt3A_430 = vector.broadcast %add3A_409 : i32 to vector<2048x128xi32>
    %lt3A_431 = arith.cmpi slt, %bitcast_convert_type3A, %lt3A_430 : vector<2048x128xi32>
    %convert_element_type3A_432 = arith.extui %lt3A_431 : vector<2048x128xi1> to vector<2048x128xi32>
    %reduce_sum3A_433 = vector.shape_cast %convert_element_type3A_432 : vector<2048x128xi32> to vector<1x2048x128xi32>
    %reduce_sum3A_434 = arith.constant dense<0> : vector<1xi32>
    %reduce_sum3A_435 = vector.multi_reduction <add>, %reduce_sum3A_433, %reduce_sum3A_434 [1, 2] : vector<1x2048x128xi32> to vector<1xi32>
    %reduce_sum3A_436 = vector.shape_cast %reduce_sum3A_435 : vector<1xi32> to vector<1x1x1xi32>
    %reduce_sum3A_437 = vector.extract %reduce_sum3A_436[0, 0, 0] : i32 from vector<1x1x1xi32>
    %add3A_438 = arith.constant 0 : i32
    %add3A_439 = arith.addi %add3A_438, %reduce_sum3A_437 : i32
    %ge3A_440 = arith.constant 78643 : i32
    %ge3A_441 = arith.cmpi sge, %add3A_419, %ge3A_440 : i32
    %ge3A_442 = arith.constant 78643 : i32
    %ge3A_443 = arith.cmpi sge, %add3A_429, %ge3A_442 : i32
    %ge3A_444 = arith.constant 78643 : i32
    %ge3A_445 = arith.cmpi sge, %add3A_439, %ge3A_444 : i32
    %select_n3A_446 = arith.select %ge3A_445, %add3A_407, %add3A_409 : i32
    %select_n3A_447 = arith.select %ge3A_443, %add3A_405, %select_n3A_446 : i32
    %select_n3A_448 = arith.select %ge3A_441, %select_n3A_403, %select_n3A_447 : i32
    %add3A_449 = arith.constant 256 : i32
    %add3A_450 = arith.addi %select_n3A_448, %add3A_449 : i32
    %add3A_451 = arith.constant 512 : i32
    %add3A_452 = arith.addi %select_n3A_448, %add3A_451 : i32
    %add3A_453 = arith.constant 768 : i32
    %add3A_454 = arith.addi %select_n3A_448, %add3A_453 : i32
    %lt3A_455 = vector.broadcast %add3A_450 : i32 to vector<2048x128xi32>
    %lt3A_456 = arith.cmpi slt, %bitcast_convert_type3A, %lt3A_455 : vector<2048x128xi32>
    %convert_element_type3A_457 = arith.extui %lt3A_456 : vector<2048x128xi1> to vector<2048x128xi32>
    %reduce_sum3A_458 = vector.shape_cast %convert_element_type3A_457 : vector<2048x128xi32> to vector<1x2048x128xi32>
    %reduce_sum3A_459 = arith.constant dense<0> : vector<1xi32>
    %reduce_sum3A_460 = vector.multi_reduction <add>, %reduce_sum3A_458, %reduce_sum3A_459 [1, 2] : vector<1x2048x128xi32> to vector<1xi32>
    %reduce_sum3A_461 = vector.shape_cast %reduce_sum3A_460 : vector<1xi32> to vector<1x1x1xi32>
    %reduce_sum3A_462 = vector.extract %reduce_sum3A_461[0, 0, 0] : i32 from vector<1x1x1xi32>
    %add3A_463 = arith.constant 0 : i32
    %add3A_464 = arith.addi %add3A_463, %reduce_sum3A_462 : i32
    %lt3A_465 = vector.broadcast %add3A_452 : i32 to vector<2048x128xi32>
    %lt3A_466 = arith.cmpi slt, %bitcast_convert_type3A, %lt3A_465 : vector<2048x128xi32>
    %convert_element_type3A_467 = arith.extui %lt3A_466 : vector<2048x128xi1> to vector<2048x128xi32>
    %reduce_sum3A_468 = vector.shape_cast %convert_element_type3A_467 : vector<2048x128xi32> to vector<1x2048x128xi32>
    %reduce_sum3A_469 = arith.constant dense<0> : vector<1xi32>
    %reduce_sum3A_470 = vector.multi_reduction <add>, %reduce_sum3A_468, %reduce_sum3A_469 [1, 2] : vector<1x2048x128xi32> to vector<1xi32>
    %reduce_sum3A_471 = vector.shape_cast %reduce_sum3A_470 : vector<1xi32> to vector<1x1x1xi32>
    %reduce_sum3A_472 = vector.extract %reduce_sum3A_471[0, 0, 0] : i32 from vector<1x1x1xi32>
    %add3A_473 = arith.constant 0 : i32
    %add3A_474 = arith.addi %add3A_473, %reduce_sum3A_472 : i32
    %lt3A_475 = vector.broadcast %add3A_454 : i32 to vector<2048x128xi32>
    %lt3A_476 = arith.cmpi slt, %bitcast_convert_type3A, %lt3A_475 : vector<2048x128xi32>
    %convert_element_type3A_477 = arith.extui %lt3A_476 : vector<2048x128xi1> to vector<2048x128xi32>
    %reduce_sum3A_478 = vector.shape_cast %convert_element_type3A_477 : vector<2048x128xi32> to vector<1x2048x128xi32>
    %reduce_sum3A_479 = arith.constant dense<0> : vector<1xi32>
    %reduce_sum3A_480 = vector.multi_reduction <add>, %reduce_sum3A_478, %reduce_sum3A_479 [1, 2] : vector<1x2048x128xi32> to vector<1xi32>
    %reduce_sum3A_481 = vector.shape_cast %reduce_sum3A_480 : vector<1xi32> to vector<1x1x1xi32>
    %reduce_sum3A_482 = vector.extract %reduce_sum3A_481[0, 0, 0] : i32 from vector<1x1x1xi32>
    %add3A_483 = arith.constant 0 : i32
    %add3A_484 = arith.addi %add3A_483, %reduce_sum3A_482 : i32
    %ge3A_485 = arith.constant 78643 : i32
    %ge3A_486 = arith.cmpi sge, %add3A_464, %ge3A_485 : i32
    %ge3A_487 = arith.constant 78643 : i32
    %ge3A_488 = arith.cmpi sge, %add3A_474, %ge3A_487 : i32
    %ge3A_489 = arith.constant 78643 : i32
    %ge3A_490 = arith.cmpi sge, %add3A_484, %ge3A_489 : i32
    %select_n3A_491 = arith.select %ge3A_490, %add3A_452, %add3A_454 : i32
    %select_n3A_492 = arith.select %ge3A_488, %add3A_450, %select_n3A_491 : i32
    %select_n3A_493 = arith.select %ge3A_486, %select_n3A_448, %select_n3A_492 : i32
    %add3A_494 = arith.constant 64 : i32
    %add3A_495 = arith.addi %select_n3A_493, %add3A_494 : i32
    %add3A_496 = arith.constant 128 : i32
    %add3A_497 = arith.addi %select_n3A_493, %add3A_496 : i32
    %add3A_498 = arith.constant 192 : i32
    %add3A_499 = arith.addi %select_n3A_493, %add3A_498 : i32
    %lt3A_500 = vector.broadcast %add3A_495 : i32 to vector<2048x128xi32>
    %lt3A_501 = arith.cmpi slt, %bitcast_convert_type3A, %lt3A_500 : vector<2048x128xi32>
    %convert_element_type3A_502 = arith.extui %lt3A_501 : vector<2048x128xi1> to vector<2048x128xi32>
    %reduce_sum3A_503 = vector.shape_cast %convert_element_type3A_502 : vector<2048x128xi32> to vector<1x2048x128xi32>
    %reduce_sum3A_504 = arith.constant dense<0> : vector<1xi32>
    %reduce_sum3A_505 = vector.multi_reduction <add>, %reduce_sum3A_503, %reduce_sum3A_504 [1, 2] : vector<1x2048x128xi32> to vector<1xi32>
    %reduce_sum3A_506 = vector.shape_cast %reduce_sum3A_505 : vector<1xi32> to vector<1x1x1xi32>
    %reduce_sum3A_507 = vector.extract %reduce_sum3A_506[0, 0, 0] : i32 from vector<1x1x1xi32>
    %add3A_508 = arith.constant 0 : i32
    %add3A_509 = arith.addi %add3A_508, %reduce_sum3A_507 : i32
    %lt3A_510 = vector.broadcast %add3A_497 : i32 to vector<2048x128xi32>
    %lt3A_511 = arith.cmpi slt, %bitcast_convert_type3A, %lt3A_510 : vector<2048x128xi32>
    %convert_element_type3A_512 = arith.extui %lt3A_511 : vector<2048x128xi1> to vector<2048x128xi32>
    %reduce_sum3A_513 = vector.shape_cast %convert_element_type3A_512 : vector<2048x128xi32> to vector<1x2048x128xi32>
    %reduce_sum3A_514 = arith.constant dense<0> : vector<1xi32>
    %reduce_sum3A_515 = vector.multi_reduction <add>, %reduce_sum3A_513, %reduce_sum3A_514 [1, 2] : vector<1x2048x128xi32> to vector<1xi32>
    %reduce_sum3A_516 = vector.shape_cast %reduce_sum3A_515 : vector<1xi32> to vector<1x1x1xi32>
    %reduce_sum3A_517 = vector.extract %reduce_sum3A_516[0, 0, 0] : i32 from vector<1x1x1xi32>
    %add3A_518 = arith.constant 0 : i32
    %add3A_519 = arith.addi %add3A_518, %reduce_sum3A_517 : i32
    %lt3A_520 = vector.broadcast %add3A_499 : i32 to vector<2048x128xi32>
    %lt3A_521 = arith.cmpi slt, %bitcast_convert_type3A, %lt3A_520 : vector<2048x128xi32>
    %convert_element_type3A_522 = arith.extui %lt3A_521 : vector<2048x128xi1> to vector<2048x128xi32>
    %reduce_sum3A_523 = vector.shape_cast %convert_element_type3A_522 : vector<2048x128xi32> to vector<1x2048x128xi32>
    %reduce_sum3A_524 = arith.constant dense<0> : vector<1xi32>
    %reduce_sum3A_525 = vector.multi_reduction <add>, %reduce_sum3A_523, %reduce_sum3A_524 [1, 2] : vector<1x2048x128xi32> to vector<1xi32>
    %reduce_sum3A_526 = vector.shape_cast %reduce_sum3A_525 : vector<1xi32> to vector<1x1x1xi32>
    %reduce_sum3A_527 = vector.extract %reduce_sum3A_526[0, 0, 0] : i32 from vector<1x1x1xi32>
    %add3A_528 = arith.constant 0 : i32
    %add3A_529 = arith.addi %add3A_528, %reduce_sum3A_527 : i32
    %ge3A_530 = arith.constant 78643 : i32
    %ge3A_531 = arith.cmpi sge, %add3A_509, %ge3A_530 : i32
    %ge3A_532 = arith.constant 78643 : i32
    %ge3A_533 = arith.cmpi sge, %add3A_519, %ge3A_532 : i32
    %ge3A_534 = arith.constant 78643 : i32
    %ge3A_535 = arith.cmpi sge, %add3A_529, %ge3A_534 : i32
    %select_n3A_536 = arith.select %ge3A_535, %add3A_497, %add3A_499 : i32
    %select_n3A_537 = arith.select %ge3A_533, %add3A_495, %select_n3A_536 : i32
    %select_n3A_538 = arith.select %ge3A_531, %select_n3A_493, %select_n3A_537 : i32
    %add3A_539 = arith.constant 16 : i32
    %add3A_540 = arith.addi %select_n3A_538, %add3A_539 : i32
    %add3A_541 = arith.constant 32 : i32
    %add3A_542 = arith.addi %select_n3A_538, %add3A_541 : i32
    %add3A_543 = arith.constant 48 : i32
    %add3A_544 = arith.addi %select_n3A_538, %add3A_543 : i32
    %lt3A_545 = vector.broadcast %add3A_540 : i32 to vector<2048x128xi32>
    %lt3A_546 = arith.cmpi slt, %bitcast_convert_type3A, %lt3A_545 : vector<2048x128xi32>
    %convert_element_type3A_547 = arith.extui %lt3A_546 : vector<2048x128xi1> to vector<2048x128xi32>
    %reduce_sum3A_548 = vector.shape_cast %convert_element_type3A_547 : vector<2048x128xi32> to vector<1x2048x128xi32>
    %reduce_sum3A_549 = arith.constant dense<0> : vector<1xi32>
    %reduce_sum3A_550 = vector.multi_reduction <add>, %reduce_sum3A_548, %reduce_sum3A_549 [1, 2] : vector<1x2048x128xi32> to vector<1xi32>
    %reduce_sum3A_551 = vector.shape_cast %reduce_sum3A_550 : vector<1xi32> to vector<1x1x1xi32>
    %reduce_sum3A_552 = vector.extract %reduce_sum3A_551[0, 0, 0] : i32 from vector<1x1x1xi32>
    %add3A_553 = arith.constant 0 : i32
    %add3A_554 = arith.addi %add3A_553, %reduce_sum3A_552 : i32
    %lt3A_555 = vector.broadcast %add3A_542 : i32 to vector<2048x128xi32>
    %lt3A_556 = arith.cmpi slt, %bitcast_convert_type3A, %lt3A_555 : vector<2048x128xi32>
    %convert_element_type3A_557 = arith.extui %lt3A_556 : vector<2048x128xi1> to vector<2048x128xi32>
    %reduce_sum3A_558 = vector.shape_cast %convert_element_type3A_557 : vector<2048x128xi32> to vector<1x2048x128xi32>
    %reduce_sum3A_559 = arith.constant dense<0> : vector<1xi32>
    %reduce_sum3A_560 = vector.multi_reduction <add>, %reduce_sum3A_558, %reduce_sum3A_559 [1, 2] : vector<1x2048x128xi32> to vector<1xi32>
    %reduce_sum3A_561 = vector.shape_cast %reduce_sum3A_560 : vector<1xi32> to vector<1x1x1xi32>
    %reduce_sum3A_562 = vector.extract %reduce_sum3A_561[0, 0, 0] : i32 from vector<1x1x1xi32>
    %add3A_563 = arith.constant 0 : i32
    %add3A_564 = arith.addi %add3A_563, %reduce_sum3A_562 : i32
    %lt3A_565 = vector.broadcast %add3A_544 : i32 to vector<2048x128xi32>
    %lt3A_566 = arith.cmpi slt, %bitcast_convert_type3A, %lt3A_565 : vector<2048x128xi32>
    %convert_element_type3A_567 = arith.extui %lt3A_566 : vector<2048x128xi1> to vector<2048x128xi32>
    %reduce_sum3A_568 = vector.shape_cast %convert_element_type3A_567 : vector<2048x128xi32> to vector<1x2048x128xi32>
    %reduce_sum3A_569 = arith.constant dense<0> : vector<1xi32>
    %reduce_sum3A_570 = vector.multi_reduction <add>, %reduce_sum3A_568, %reduce_sum3A_569 [1, 2] : vector<1x2048x128xi32> to vector<1xi32>
    %reduce_sum3A_571 = vector.shape_cast %reduce_sum3A_570 : vector<1xi32> to vector<1x1x1xi32>
    %reduce_sum3A_572 = vector.extract %reduce_sum3A_571[0, 0, 0] : i32 from vector<1x1x1xi32>
    %add3A_573 = arith.constant 0 : i32
    %add3A_574 = arith.addi %add3A_573, %reduce_sum3A_572 : i32
    %ge3A_575 = arith.constant 78643 : i32
    %ge3A_576 = arith.cmpi sge, %add3A_554, %ge3A_575 : i32
    %ge3A_577 = arith.constant 78643 : i32
    %ge3A_578 = arith.cmpi sge, %add3A_564, %ge3A_577 : i32
    %ge3A_579 = arith.constant 78643 : i32
    %ge3A_580 = arith.cmpi sge, %add3A_574, %ge3A_579 : i32
    %select_n3A_581 = arith.select %ge3A_580, %add3A_542, %add3A_544 : i32
    %select_n3A_582 = arith.select %ge3A_578, %add3A_540, %select_n3A_581 : i32
    %select_n3A_583 = arith.select %ge3A_576, %select_n3A_538, %select_n3A_582 : i32
    %add3A_584 = arith.constant 4 : i32
    %add3A_585 = arith.addi %select_n3A_583, %add3A_584 : i32
    %add3A_586 = arith.constant 8 : i32
    %add3A_587 = arith.addi %select_n3A_583, %add3A_586 : i32
    %add3A_588 = arith.constant 12 : i32
    %add3A_589 = arith.addi %select_n3A_583, %add3A_588 : i32
    %lt3A_590 = vector.broadcast %add3A_585 : i32 to vector<2048x128xi32>
    %lt3A_591 = arith.cmpi slt, %bitcast_convert_type3A, %lt3A_590 : vector<2048x128xi32>
    %convert_element_type3A_592 = arith.extui %lt3A_591 : vector<2048x128xi1> to vector<2048x128xi32>
    %reduce_sum3A_593 = vector.shape_cast %convert_element_type3A_592 : vector<2048x128xi32> to vector<1x2048x128xi32>
    %reduce_sum3A_594 = arith.constant dense<0> : vector<1xi32>
    %reduce_sum3A_595 = vector.multi_reduction <add>, %reduce_sum3A_593, %reduce_sum3A_594 [1, 2] : vector<1x2048x128xi32> to vector<1xi32>
    %reduce_sum3A_596 = vector.shape_cast %reduce_sum3A_595 : vector<1xi32> to vector<1x1x1xi32>
    %reduce_sum3A_597 = vector.extract %reduce_sum3A_596[0, 0, 0] : i32 from vector<1x1x1xi32>
    %add3A_598 = arith.constant 0 : i32
    %add3A_599 = arith.addi %add3A_598, %reduce_sum3A_597 : i32
    %lt3A_600 = vector.broadcast %add3A_587 : i32 to vector<2048x128xi32>
    %lt3A_601 = arith.cmpi slt, %bitcast_convert_type3A, %lt3A_600 : vector<2048x128xi32>
    %convert_element_type3A_602 = arith.extui %lt3A_601 : vector<2048x128xi1> to vector<2048x128xi32>
    %reduce_sum3A_603 = vector.shape_cast %convert_element_type3A_602 : vector<2048x128xi32> to vector<1x2048x128xi32>
    %reduce_sum3A_604 = arith.constant dense<0> : vector<1xi32>
    %reduce_sum3A_605 = vector.multi_reduction <add>, %reduce_sum3A_603, %reduce_sum3A_604 [1, 2] : vector<1x2048x128xi32> to vector<1xi32>
    %reduce_sum3A_606 = vector.shape_cast %reduce_sum3A_605 : vector<1xi32> to vector<1x1x1xi32>
    %reduce_sum3A_607 = vector.extract %reduce_sum3A_606[0, 0, 0] : i32 from vector<1x1x1xi32>
    %add3A_608 = arith.constant 0 : i32
    %add3A_609 = arith.addi %add3A_608, %reduce_sum3A_607 : i32
    %lt3A_610 = vector.broadcast %add3A_589 : i32 to vector<2048x128xi32>
    %lt3A_611 = arith.cmpi slt, %bitcast_convert_type3A, %lt3A_610 : vector<2048x128xi32>
    %convert_element_type3A_612 = arith.extui %lt3A_611 : vector<2048x128xi1> to vector<2048x128xi32>
    %reduce_sum3A_613 = vector.shape_cast %convert_element_type3A_612 : vector<2048x128xi32> to vector<1x2048x128xi32>
    %reduce_sum3A_614 = arith.constant dense<0> : vector<1xi32>
    %reduce_sum3A_615 = vector.multi_reduction <add>, %reduce_sum3A_613, %reduce_sum3A_614 [1, 2] : vector<1x2048x128xi32> to vector<1xi32>
    %reduce_sum3A_616 = vector.shape_cast %reduce_sum3A_615 : vector<1xi32> to vector<1x1x1xi32>
    %reduce_sum3A_617 = vector.extract %reduce_sum3A_616[0, 0, 0] : i32 from vector<1x1x1xi32>
    %add3A_618 = arith.constant 0 : i32
    %add3A_619 = arith.addi %add3A_618, %reduce_sum3A_617 : i32
    %ge3A_620 = arith.constant 78643 : i32
    %ge3A_621 = arith.cmpi sge, %add3A_599, %ge3A_620 : i32
    %ge3A_622 = arith.constant 78643 : i32
    %ge3A_623 = arith.cmpi sge, %add3A_609, %ge3A_622 : i32
    %ge3A_624 = arith.constant 78643 : i32
    %ge3A_625 = arith.cmpi sge, %add3A_619, %ge3A_624 : i32
    %select_n3A_626 = arith.select %ge3A_625, %add3A_587, %add3A_589 : i32
    %select_n3A_627 = arith.select %ge3A_623, %add3A_585, %select_n3A_626 : i32
    %select_n3A_628 = arith.select %ge3A_621, %select_n3A_583, %select_n3A_627 : i32
    %add3A_629 = arith.constant 1 : i32
    %add3A_630 = arith.addi %select_n3A_628, %add3A_629 : i32
    %add3A_631 = arith.constant 2 : i32
    %add3A_632 = arith.addi %select_n3A_628, %add3A_631 : i32
    %add3A_633 = arith.constant 3 : i32
    %add3A_634 = arith.addi %select_n3A_628, %add3A_633 : i32
    %lt3A_635 = vector.broadcast %add3A_630 : i32 to vector<2048x128xi32>
    %lt3A_636 = arith.cmpi slt, %bitcast_convert_type3A, %lt3A_635 : vector<2048x128xi32>
    %convert_element_type3A_637 = arith.extui %lt3A_636 : vector<2048x128xi1> to vector<2048x128xi32>
    %reduce_sum3A_638 = vector.shape_cast %convert_element_type3A_637 : vector<2048x128xi32> to vector<1x2048x128xi32>
    %reduce_sum3A_639 = arith.constant dense<0> : vector<1xi32>
    %reduce_sum3A_640 = vector.multi_reduction <add>, %reduce_sum3A_638, %reduce_sum3A_639 [1, 2] : vector<1x2048x128xi32> to vector<1xi32>
    %reduce_sum3A_641 = vector.shape_cast %reduce_sum3A_640 : vector<1xi32> to vector<1x1x1xi32>
    %reduce_sum3A_642 = vector.extract %reduce_sum3A_641[0, 0, 0] : i32 from vector<1x1x1xi32>
    %add3A_643 = arith.constant 0 : i32
    %add3A_644 = arith.addi %add3A_643, %reduce_sum3A_642 : i32
    %lt3A_645 = vector.broadcast %add3A_632 : i32 to vector<2048x128xi32>
    %lt3A_646 = arith.cmpi slt, %bitcast_convert_type3A, %lt3A_645 : vector<2048x128xi32>
    %convert_element_type3A_647 = arith.extui %lt3A_646 : vector<2048x128xi1> to vector<2048x128xi32>
    %reduce_sum3A_648 = vector.shape_cast %convert_element_type3A_647 : vector<2048x128xi32> to vector<1x2048x128xi32>
    %reduce_sum3A_649 = arith.constant dense<0> : vector<1xi32>
    %reduce_sum3A_650 = vector.multi_reduction <add>, %reduce_sum3A_648, %reduce_sum3A_649 [1, 2] : vector<1x2048x128xi32> to vector<1xi32>
    %reduce_sum3A_651 = vector.shape_cast %reduce_sum3A_650 : vector<1xi32> to vector<1x1x1xi32>
    %reduce_sum3A_652 = vector.extract %reduce_sum3A_651[0, 0, 0] : i32 from vector<1x1x1xi32>
    %add3A_653 = arith.constant 0 : i32
    %add3A_654 = arith.addi %add3A_653, %reduce_sum3A_652 : i32
    %lt3A_655 = vector.broadcast %add3A_634 : i32 to vector<2048x128xi32>
    %lt3A_656 = arith.cmpi slt, %bitcast_convert_type3A, %lt3A_655 : vector<2048x128xi32>
    %convert_element_type3A_657 = arith.extui %lt3A_656 : vector<2048x128xi1> to vector<2048x128xi32>
    %reduce_sum3A_658 = vector.shape_cast %convert_element_type3A_657 : vector<2048x128xi32> to vector<1x2048x128xi32>
    %reduce_sum3A_659 = arith.constant dense<0> : vector<1xi32>
    %reduce_sum3A_660 = vector.multi_reduction <add>, %reduce_sum3A_658, %reduce_sum3A_659 [1, 2] : vector<1x2048x128xi32> to vector<1xi32>
    %reduce_sum3A_661 = vector.shape_cast %reduce_sum3A_660 : vector<1xi32> to vector<1x1x1xi32>
    %reduce_sum3A_662 = vector.extract %reduce_sum3A_661[0, 0, 0] : i32 from vector<1x1x1xi32>
    %add3A_663 = arith.constant 0 : i32
    %add3A_664 = arith.addi %add3A_663, %reduce_sum3A_662 : i32
    %ge3A_665 = arith.constant 78643 : i32
    %ge3A_666 = arith.cmpi sge, %add3A_644, %ge3A_665 : i32
    %ge3A_667 = arith.constant 78643 : i32
    %ge3A_668 = arith.cmpi sge, %add3A_654, %ge3A_667 : i32
    %ge3A_669 = arith.constant 78643 : i32
    %ge3A_670 = arith.cmpi sge, %add3A_664, %ge3A_669 : i32
    %select_n3A_671 = arith.select %ge3A_670, %add3A_632, %add3A_634 : i32
    %select_n3A_672 = arith.select %ge3A_668, %add3A_630, %select_n3A_671 : i32
    %select_n3A_673 = arith.select %ge3A_666, %select_n3A_628, %select_n3A_672 : i32
    %lt3A_674 = vector.broadcast %select_n3A_673 : i32 to vector<2048x128xi32>
    %lt3A_675 = arith.cmpi slt, %bitcast_convert_type3A, %lt3A_674 : vector<2048x128xi32>
    %convert_element_type3A_676 = arith.extui %lt3A_675 : vector<2048x128xi1> to vector<2048x128xi32>
    %convert_element_type3A_677 = arith.sitofp %convert_element_type3A_676 : vector<2048x128xi32> to vector<2048x128xf32>
    %convert_element_type3A_678 = arith.truncf %convert_element_type3A_677 : vector<2048x128xf32> to vector<2048x128xbf16>
    %get3A_679 = arith.constant 0 : index
    %get3A_680 = arith.constant 0 : index
    %get3A_681 = vector.load %arg1[%get3A_679, %get3A_680] : memref<2048x512xf32, #tpu.memory_space<vmem>>, vector<2048x512xf32>
    %iota3A = tpu.iota {dimensions = array<i32: 0>} : vector<128x128xi32>
    %iota3A_682 = tpu.iota {dimensions = array<i32: 1>} : vector<128x128xi32>
    %jit3A_683 = arith.constant 64 : i32
    %eq3A = arith.constant 0 : i32
    %eq3A_684 = arith.cmpi eq, %jit3A_683, %eq3A : i32
    %jit3A_685 = arith.constant 1 : i32
    %select_n3A_686 = arith.select %eq3A_684, %jit3A_685, %jit3A_683 : i32
    %rem3A = vector.broadcast %select_n3A_686 : i32 to vector<128x128xi32>
    %rem3A_687 = arith.remsi %iota3A_682, %rem3A : vector<128x128xi32>
    %ne3A = arith.constant 0 : i32
    %ne3A_688 = vector.broadcast %ne3A : i32 to vector<128x128xi32>
    %ne3A_689 = arith.cmpi ne, %rem3A_687, %ne3A_688 : vector<128x128xi32>
    %lt3A_690 = arith.constant 0 : i32
    %lt3A_691 = vector.broadcast %lt3A_690 : i32 to vector<128x128xi32>
    %lt3A_692 = arith.cmpi slt, %rem3A_687, %lt3A_691 : vector<128x128xi32>
    %lt3A_693 = arith.constant 0 : i32
    %lt3A_694 = arith.cmpi slt, %select_n3A_686, %lt3A_693 : i32
    %ne3A_695 = vector.broadcast %lt3A_694 : i1 to vector<128x128xi1>
    %ne3A_696 = vector.broadcast %ne3A_695 : vector<128x128xi1> to vector<128x128xi1>
    %ne3A_697 = arith.xori %lt3A_692, %ne3A_696 : vector<128x128xi1>
    %and3A = arith.andi %ne3A_697, %ne3A_689 : vector<128x128xi1>
    %add3A_698 = vector.broadcast %select_n3A_686 : i32 to vector<128x128xi32>
    %add3A_699 = arith.addi %rem3A_687, %add3A_698 : vector<128x128xi32>
    %select_n3A_700 = arith.select %and3A, %add3A_699, %rem3A_687 : vector<128x128xi1>, vector<128x128xi32>
    %jit3A_701 = arith.constant 2 : i32
    %div3A = vector.broadcast %jit3A_701 : i32 to vector<128x128xi32>
    %div3A_702 = arith.divsi %select_n3A_700, %div3A : vector<128x128xi32>
    %sign3A = arith.constant 0 : i32
    %sign3A_703 = vector.broadcast %sign3A : i32 to vector<128x128xi32>
    %sign3A_704 = arith.cmpi sgt, %select_n3A_700, %sign3A_703 : vector<128x128xi32>
    %sign3A_705 = arith.extui %sign3A_704 : vector<128x128xi1> to vector<128x128xi32>
    %sign3A_706 = arith.constant 0 : i32
    %sign3A_707 = vector.broadcast %sign3A_706 : i32 to vector<128x128xi32>
    %sign3A_708 = arith.cmpi slt, %select_n3A_700, %sign3A_707 : vector<128x128xi32>
    %sign3A_709 = arith.extui %sign3A_708 : vector<128x128xi1> to vector<128x128xi32>
    %sign3A_710 = arith.subi %sign3A_705, %sign3A_709 : vector<128x128xi32>
    %sign3A_711 = arith.constant 0 : i32
    %sign3A_712 = arith.cmpi sgt, %jit3A_701, %sign3A_711 : i32
    %sign3A_713 = arith.extui %sign3A_712 : i1 to i32
    %sign3A_714 = arith.constant 0 : i32
    %sign3A_715 = arith.cmpi slt, %jit3A_701, %sign3A_714 : i32
    %sign3A_716 = arith.extui %sign3A_715 : i1 to i32
    %sign3A_717 = arith.subi %sign3A_713, %sign3A_716 : i32
    %ne3A_718 = vector.broadcast %sign3A_717 : i32 to vector<128x128xi32>
    %ne3A_719 = arith.cmpi ne, %sign3A_710, %ne3A_718 : vector<128x128xi32>
    %rem3A_720 = vector.broadcast %jit3A_701 : i32 to vector<128x128xi32>
    %rem3A_721 = arith.remsi %select_n3A_700, %rem3A_720 : vector<128x128xi32>
    %ne3A_722 = arith.constant 0 : i32
    %ne3A_723 = vector.broadcast %ne3A_722 : i32 to vector<128x128xi32>
    %ne3A_724 = arith.cmpi ne, %rem3A_721, %ne3A_723 : vector<128x128xi32>
    %and3A_725 = arith.andi %ne3A_719, %ne3A_724 : vector<128x128xi1>
    %sub3A = arith.constant 1 : i32
    %sub3A_726 = vector.broadcast %sub3A : i32 to vector<128x128xi32>
    %sub3A_727 = arith.subi %div3A_702, %sub3A_726 : vector<128x128xi32>
    %select_n3A_728 = arith.select %and3A_725, %sub3A_727, %div3A_702 : vector<128x128xi1>, vector<128x128xi32>
    %add3A_729 = arith.constant 0 : i32
    %add3A_730 = vector.broadcast %add3A_729 : i32 to vector<128x128xi32>
    %add3A_731 = arith.addi %add3A_730, %select_n3A_728 : vector<128x128xi32>
    %eq3A_732 = arith.cmpi eq, %iota3A, %add3A_731 : vector<128x128xi32>
    %convert_element_type3A_733 = arith.extui %eq3A_732 : vector<128x128xi1> to vector<128x128xi32>
    %convert_element_type3A_734 = arith.sitofp %convert_element_type3A_733 : vector<128x128xi32> to vector<128x128xf32>
    %convert_element_type3A_735 = arith.truncf %convert_element_type3A_734 : vector<128x128xf32> to vector<128x128xbf16>
    %dot_general3A = arith.constant dense<0.000000e+00> : vector<2048x128xf32>
    %dot_general3A_736 = tpu.matmul %convert_element_type3A_678, %convert_element_type3A_735, %dot_general3A {dimension_numbers = #tpu.dot_dimension_numbers<[1], [0], [0], [1], [0, 0, 1, 1], [], []>, transpose_lhs_hint = false} : vector<2048x128xbf16>, vector<128x128xbf16>, vector<2048x128xf32> -> vector<2048x128xf32>
    %gt3A = arith.constant 5.000000e-01 : f32
    %gt3A_737 = vector.broadcast %gt3A : f32 to vector<2048x128xf32>
    %gt3A_738 = arith.cmpf ogt, %dot_general3A_736, %gt3A_737 : vector<2048x128xf32>
    %slice3A = vector.extract_strided_slice %get3A_681 {offsets = [0, 0], sizes = [2048, 128], strides = [1, 1]} : vector<2048x512xf32> to vector<2048x128xf32>
    %jit3A_739 = arith.constant 0.000000e+00 : f32
    %broadcast_in_dim3A = vector.broadcast %jit3A_739 : f32 to vector<2048x128xf32>
    %select_n3A_740 = arith.select %gt3A_738, %broadcast_in_dim3A, %slice3A : vector<2048x128xi1>, vector<2048x128xf32>
    %bitcast_convert_type3A_741 = tpu.bitcast %select_n3A_740 : vector<2048x128xf32> -> vector<2048x128xi32>
    %jit3A_742 = arith.constant 64 : i32
    %eq3A_743 = arith.constant 0 : i32
    %eq3A_744 = arith.cmpi eq, %jit3A_742, %eq3A_743 : i32
    %jit3A_745 = arith.constant 1 : i32
    %select_n3A_746 = arith.select %eq3A_744, %jit3A_745, %jit3A_742 : i32
    %rem3A_747 = vector.broadcast %select_n3A_746 : i32 to vector<128x128xi32>
    %rem3A_748 = arith.remsi %iota3A_682, %rem3A_747 : vector<128x128xi32>
    %ne3A_749 = arith.constant 0 : i32
    %ne3A_750 = vector.broadcast %ne3A_749 : i32 to vector<128x128xi32>
    %ne3A_751 = arith.cmpi ne, %rem3A_748, %ne3A_750 : vector<128x128xi32>
    %lt3A_752 = arith.constant 0 : i32
    %lt3A_753 = vector.broadcast %lt3A_752 : i32 to vector<128x128xi32>
    %lt3A_754 = arith.cmpi slt, %rem3A_748, %lt3A_753 : vector<128x128xi32>
    %lt3A_755 = arith.constant 0 : i32
    %lt3A_756 = arith.cmpi slt, %select_n3A_746, %lt3A_755 : i32
    %ne3A_757 = vector.broadcast %lt3A_756 : i1 to vector<128x128xi1>
    %ne3A_758 = vector.broadcast %ne3A_757 : vector<128x128xi1> to vector<128x128xi1>
    %ne3A_759 = arith.xori %lt3A_754, %ne3A_758 : vector<128x128xi1>
    %and3A_760 = arith.andi %ne3A_759, %ne3A_751 : vector<128x128xi1>
    %add3A_761 = vector.broadcast %select_n3A_746 : i32 to vector<128x128xi32>
    %add3A_762 = arith.addi %rem3A_748, %add3A_761 : vector<128x128xi32>
    %select_n3A_763 = arith.select %and3A_760, %add3A_762, %rem3A_748 : vector<128x128xi1>, vector<128x128xi32>
    %jit3A_764 = arith.constant 2 : i32
    %div3A_765 = vector.broadcast %jit3A_764 : i32 to vector<128x128xi32>
    %div3A_766 = arith.divsi %select_n3A_763, %div3A_765 : vector<128x128xi32>
    %sign3A_767 = arith.constant 0 : i32
    %sign3A_768 = vector.broadcast %sign3A_767 : i32 to vector<128x128xi32>
    %sign3A_769 = arith.cmpi sgt, %select_n3A_763, %sign3A_768 : vector<128x128xi32>
    %sign3A_770 = arith.extui %sign3A_769 : vector<128x128xi1> to vector<128x128xi32>
    %sign3A_771 = arith.constant 0 : i32
    %sign3A_772 = vector.broadcast %sign3A_771 : i32 to vector<128x128xi32>
    %sign3A_773 = arith.cmpi slt, %select_n3A_763, %sign3A_772 : vector<128x128xi32>
    %sign3A_774 = arith.extui %sign3A_773 : vector<128x128xi1> to vector<128x128xi32>
    %sign3A_775 = arith.subi %sign3A_770, %sign3A_774 : vector<128x128xi32>
    %sign3A_776 = arith.constant 0 : i32
    %sign3A_777 = arith.cmpi sgt, %jit3A_764, %sign3A_776 : i32
    %sign3A_778 = arith.extui %sign3A_777 : i1 to i32
    %sign3A_779 = arith.constant 0 : i32
    %sign3A_780 = arith.cmpi slt, %jit3A_764, %sign3A_779 : i32
    %sign3A_781 = arith.extui %sign3A_780 : i1 to i32
    %sign3A_782 = arith.subi %sign3A_778, %sign3A_781 : i32
    %ne3A_783 = vector.broadcast %sign3A_782 : i32 to vector<128x128xi32>
    %ne3A_784 = arith.cmpi ne, %sign3A_775, %ne3A_783 : vector<128x128xi32>
    %rem3A_785 = vector.broadcast %jit3A_764 : i32 to vector<128x128xi32>
    %rem3A_786 = arith.remsi %select_n3A_763, %rem3A_785 : vector<128x128xi32>
    %ne3A_787 = arith.constant 0 : i32
    %ne3A_788 = vector.broadcast %ne3A_787 : i32 to vector<128x128xi32>
    %ne3A_789 = arith.cmpi ne, %rem3A_786, %ne3A_788 : vector<128x128xi32>
    %and3A_790 = arith.andi %ne3A_784, %ne3A_789 : vector<128x128xi1>
    %sub3A_791 = arith.constant 1 : i32
    %sub3A_792 = vector.broadcast %sub3A_791 : i32 to vector<128x128xi32>
    %sub3A_793 = arith.subi %div3A_766, %sub3A_792 : vector<128x128xi32>
    %select_n3A_794 = arith.select %and3A_790, %sub3A_793, %div3A_766 : vector<128x128xi1>, vector<128x128xi32>
    %add3A_795 = arith.constant 32 : i32
    %add3A_796 = vector.broadcast %add3A_795 : i32 to vector<128x128xi32>
    %add3A_797 = arith.addi %add3A_796, %select_n3A_794 : vector<128x128xi32>
    %eq3A_798 = arith.cmpi eq, %iota3A, %add3A_797 : vector<128x128xi32>
    %convert_element_type3A_799 = arith.extui %eq3A_798 : vector<128x128xi1> to vector<128x128xi32>
    %convert_element_type3A_800 = arith.sitofp %convert_element_type3A_799 : vector<128x128xi32> to vector<128x128xf32>
    %convert_element_type3A_801 = arith.truncf %convert_element_type3A_800 : vector<128x128xf32> to vector<128x128xbf16>
    %dot_general3A_802 = arith.constant dense<0.000000e+00> : vector<2048x128xf32>
    %dot_general3A_803 = tpu.matmul %convert_element_type3A_678, %convert_element_type3A_801, %dot_general3A_802 {dimension_numbers = #tpu.dot_dimension_numbers<[1], [0], [0], [1], [0, 0, 1, 1], [], []>, transpose_lhs_hint = false} : vector<2048x128xbf16>, vector<128x128xbf16>, vector<2048x128xf32> -> vector<2048x128xf32>
    %gt3A_804 = arith.constant 5.000000e-01 : f32
    %gt3A_805 = vector.broadcast %gt3A_804 : f32 to vector<2048x128xf32>
    %gt3A_806 = arith.cmpf ogt, %dot_general3A_803, %gt3A_805 : vector<2048x128xf32>
    %slice3A_807 = vector.extract_strided_slice %get3A_681 {offsets = [0, 128], sizes = [2048, 128], strides = [1, 1]} : vector<2048x512xf32> to vector<2048x128xf32>
    %jit3A_808 = arith.constant 0.000000e+00 : f32
    %broadcast_in_dim3A_809 = vector.broadcast %jit3A_808 : f32 to vector<2048x128xf32>
    %select_n3A_810 = arith.select %gt3A_806, %broadcast_in_dim3A_809, %slice3A_807 : vector<2048x128xi1>, vector<2048x128xf32>
    %bitcast_convert_type3A_811 = tpu.bitcast %select_n3A_810 : vector<2048x128xf32> -> vector<2048x128xi32>
    %jit3A_812 = arith.constant 64 : i32
    %eq3A_813 = arith.constant 0 : i32
    %eq3A_814 = arith.cmpi eq, %jit3A_812, %eq3A_813 : i32
    %jit3A_815 = arith.constant 1 : i32
    %select_n3A_816 = arith.select %eq3A_814, %jit3A_815, %jit3A_812 : i32
    %rem3A_817 = vector.broadcast %select_n3A_816 : i32 to vector<128x128xi32>
    %rem3A_818 = arith.remsi %iota3A_682, %rem3A_817 : vector<128x128xi32>
    %ne3A_819 = arith.constant 0 : i32
    %ne3A_820 = vector.broadcast %ne3A_819 : i32 to vector<128x128xi32>
    %ne3A_821 = arith.cmpi ne, %rem3A_818, %ne3A_820 : vector<128x128xi32>
    %lt3A_822 = arith.constant 0 : i32
    %lt3A_823 = vector.broadcast %lt3A_822 : i32 to vector<128x128xi32>
    %lt3A_824 = arith.cmpi slt, %rem3A_818, %lt3A_823 : vector<128x128xi32>
    %lt3A_825 = arith.constant 0 : i32
    %lt3A_826 = arith.cmpi slt, %select_n3A_816, %lt3A_825 : i32
    %ne3A_827 = vector.broadcast %lt3A_826 : i1 to vector<128x128xi1>
    %ne3A_828 = vector.broadcast %ne3A_827 : vector<128x128xi1> to vector<128x128xi1>
    %ne3A_829 = arith.xori %lt3A_824, %ne3A_828 : vector<128x128xi1>
    %and3A_830 = arith.andi %ne3A_829, %ne3A_821 : vector<128x128xi1>
    %add3A_831 = vector.broadcast %select_n3A_816 : i32 to vector<128x128xi32>
    %add3A_832 = arith.addi %rem3A_818, %add3A_831 : vector<128x128xi32>
    %select_n3A_833 = arith.select %and3A_830, %add3A_832, %rem3A_818 : vector<128x128xi1>, vector<128x128xi32>
    %jit3A_834 = arith.constant 2 : i32
    %div3A_835 = vector.broadcast %jit3A_834 : i32 to vector<128x128xi32>
    %div3A_836 = arith.divsi %select_n3A_833, %div3A_835 : vector<128x128xi32>
    %sign3A_837 = arith.constant 0 : i32
    %sign3A_838 = vector.broadcast %sign3A_837 : i32 to vector<128x128xi32>
    %sign3A_839 = arith.cmpi sgt, %select_n3A_833, %sign3A_838 : vector<128x128xi32>
    %sign3A_840 = arith.extui %sign3A_839 : vector<128x128xi1> to vector<128x128xi32>
    %sign3A_841 = arith.constant 0 : i32
    %sign3A_842 = vector.broadcast %sign3A_841 : i32 to vector<128x128xi32>
    %sign3A_843 = arith.cmpi slt, %select_n3A_833, %sign3A_842 : vector<128x128xi32>
    %sign3A_844 = arith.extui %sign3A_843 : vector<128x128xi1> to vector<128x128xi32>
    %sign3A_845 = arith.subi %sign3A_840, %sign3A_844 : vector<128x128xi32>
    %sign3A_846 = arith.constant 0 : i32
    %sign3A_847 = arith.cmpi sgt, %jit3A_834, %sign3A_846 : i32
    %sign3A_848 = arith.extui %sign3A_847 : i1 to i32
    %sign3A_849 = arith.constant 0 : i32
    %sign3A_850 = arith.cmpi slt, %jit3A_834, %sign3A_849 : i32
    %sign3A_851 = arith.extui %sign3A_850 : i1 to i32
    %sign3A_852 = arith.subi %sign3A_848, %sign3A_851 : i32
    %ne3A_853 = vector.broadcast %sign3A_852 : i32 to vector<128x128xi32>
    %ne3A_854 = arith.cmpi ne, %sign3A_845, %ne3A_853 : vector<128x128xi32>
    %rem3A_855 = vector.broadcast %jit3A_834 : i32 to vector<128x128xi32>
    %rem3A_856 = arith.remsi %select_n3A_833, %rem3A_855 : vector<128x128xi32>
    %ne3A_857 = arith.constant 0 : i32
    %ne3A_858 = vector.broadcast %ne3A_857 : i32 to vector<128x128xi32>
    %ne3A_859 = arith.cmpi ne, %rem3A_856, %ne3A_858 : vector<128x128xi32>
    %and3A_860 = arith.andi %ne3A_854, %ne3A_859 : vector<128x128xi1>
    %sub3A_861 = arith.constant 1 : i32
    %sub3A_862 = vector.broadcast %sub3A_861 : i32 to vector<128x128xi32>
    %sub3A_863 = arith.subi %div3A_836, %sub3A_862 : vector<128x128xi32>
    %select_n3A_864 = arith.select %and3A_860, %sub3A_863, %div3A_836 : vector<128x128xi1>, vector<128x128xi32>
    %add3A_865 = arith.constant 64 : i32
    %add3A_866 = vector.broadcast %add3A_865 : i32 to vector<128x128xi32>
    %add3A_867 = arith.addi %add3A_866, %select_n3A_864 : vector<128x128xi32>
    %eq3A_868 = arith.cmpi eq, %iota3A, %add3A_867 : vector<128x128xi32>
    %convert_element_type3A_869 = arith.extui %eq3A_868 : vector<128x128xi1> to vector<128x128xi32>
    %convert_element_type3A_870 = arith.sitofp %convert_element_type3A_869 : vector<128x128xi32> to vector<128x128xf32>
    %convert_element_type3A_871 = arith.truncf %convert_element_type3A_870 : vector<128x128xf32> to vector<128x128xbf16>
    %dot_general3A_872 = arith.constant dense<0.000000e+00> : vector<2048x128xf32>
    %dot_general3A_873 = tpu.matmul %convert_element_type3A_678, %convert_element_type3A_871, %dot_general3A_872 {dimension_numbers = #tpu.dot_dimension_numbers<[1], [0], [0], [1], [0, 0, 1, 1], [], []>, transpose_lhs_hint = false} : vector<2048x128xbf16>, vector<128x128xbf16>, vector<2048x128xf32> -> vector<2048x128xf32>
    %gt3A_874 = arith.constant 5.000000e-01 : f32
    %gt3A_875 = vector.broadcast %gt3A_874 : f32 to vector<2048x128xf32>
    %gt3A_876 = arith.cmpf ogt, %dot_general3A_873, %gt3A_875 : vector<2048x128xf32>
    %slice3A_877 = vector.extract_strided_slice %get3A_681 {offsets = [0, 256], sizes = [2048, 128], strides = [1, 1]} : vector<2048x512xf32> to vector<2048x128xf32>
    %jit3A_878 = arith.constant 0.000000e+00 : f32
    %broadcast_in_dim3A_879 = vector.broadcast %jit3A_878 : f32 to vector<2048x128xf32>
    %select_n3A_880 = arith.select %gt3A_876, %broadcast_in_dim3A_879, %slice3A_877 : vector<2048x128xi1>, vector<2048x128xf32>
    %bitcast_convert_type3A_881 = tpu.bitcast %select_n3A_880 : vector<2048x128xf32> -> vector<2048x128xi32>
    %jit3A_882 = arith.constant 64 : i32
    %eq3A_883 = arith.constant 0 : i32
    %eq3A_884 = arith.cmpi eq, %jit3A_882, %eq3A_883 : i32
    %jit3A_885 = arith.constant 1 : i32
    %select_n3A_886 = arith.select %eq3A_884, %jit3A_885, %jit3A_882 : i32
    %rem3A_887 = vector.broadcast %select_n3A_886 : i32 to vector<128x128xi32>
    %rem3A_888 = arith.remsi %iota3A_682, %rem3A_887 : vector<128x128xi32>
    %ne3A_889 = arith.constant 0 : i32
    %ne3A_890 = vector.broadcast %ne3A_889 : i32 to vector<128x128xi32>
    %ne3A_891 = arith.cmpi ne, %rem3A_888, %ne3A_890 : vector<128x128xi32>
    %lt3A_892 = arith.constant 0 : i32
    %lt3A_893 = vector.broadcast %lt3A_892 : i32 to vector<128x128xi32>
    %lt3A_894 = arith.cmpi slt, %rem3A_888, %lt3A_893 : vector<128x128xi32>
    %lt3A_895 = arith.constant 0 : i32
    %lt3A_896 = arith.cmpi slt, %select_n3A_886, %lt3A_895 : i32
    %ne3A_897 = vector.broadcast %lt3A_896 : i1 to vector<128x128xi1>
    %ne3A_898 = vector.broadcast %ne3A_897 : vector<128x128xi1> to vector<128x128xi1>
    %ne3A_899 = arith.xori %lt3A_894, %ne3A_898 : vector<128x128xi1>
    %and3A_900 = arith.andi %ne3A_899, %ne3A_891 : vector<128x128xi1>
    %add3A_901 = vector.broadcast %select_n3A_886 : i32 to vector<128x128xi32>
    %add3A_902 = arith.addi %rem3A_888, %add3A_901 : vector<128x128xi32>
    %select_n3A_903 = arith.select %and3A_900, %add3A_902, %rem3A_888 : vector<128x128xi1>, vector<128x128xi32>
    %jit3A_904 = arith.constant 2 : i32
    %div3A_905 = vector.broadcast %jit3A_904 : i32 to vector<128x128xi32>
    %div3A_906 = arith.divsi %select_n3A_903, %div3A_905 : vector<128x128xi32>
    %sign3A_907 = arith.constant 0 : i32
    %sign3A_908 = vector.broadcast %sign3A_907 : i32 to vector<128x128xi32>
    %sign3A_909 = arith.cmpi sgt, %select_n3A_903, %sign3A_908 : vector<128x128xi32>
    %sign3A_910 = arith.extui %sign3A_909 : vector<128x128xi1> to vector<128x128xi32>
    %sign3A_911 = arith.constant 0 : i32
    %sign3A_912 = vector.broadcast %sign3A_911 : i32 to vector<128x128xi32>
    %sign3A_913 = arith.cmpi slt, %select_n3A_903, %sign3A_912 : vector<128x128xi32>
    %sign3A_914 = arith.extui %sign3A_913 : vector<128x128xi1> to vector<128x128xi32>
    %sign3A_915 = arith.subi %sign3A_910, %sign3A_914 : vector<128x128xi32>
    %sign3A_916 = arith.constant 0 : i32
    %sign3A_917 = arith.cmpi sgt, %jit3A_904, %sign3A_916 : i32
    %sign3A_918 = arith.extui %sign3A_917 : i1 to i32
    %sign3A_919 = arith.constant 0 : i32
    %sign3A_920 = arith.cmpi slt, %jit3A_904, %sign3A_919 : i32
    %sign3A_921 = arith.extui %sign3A_920 : i1 to i32
    %sign3A_922 = arith.subi %sign3A_918, %sign3A_921 : i32
    %ne3A_923 = vector.broadcast %sign3A_922 : i32 to vector<128x128xi32>
    %ne3A_924 = arith.cmpi ne, %sign3A_915, %ne3A_923 : vector<128x128xi32>
    %rem3A_925 = vector.broadcast %jit3A_904 : i32 to vector<128x128xi32>
    %rem3A_926 = arith.remsi %select_n3A_903, %rem3A_925 : vector<128x128xi32>
    %ne3A_927 = arith.constant 0 : i32
    %ne3A_928 = vector.broadcast %ne3A_927 : i32 to vector<128x128xi32>
    %ne3A_929 = arith.cmpi ne, %rem3A_926, %ne3A_928 : vector<128x128xi32>
    %and3A_930 = arith.andi %ne3A_924, %ne3A_929 : vector<128x128xi1>
    %sub3A_931 = arith.constant 1 : i32
    %sub3A_932 = vector.broadcast %sub3A_931 : i32 to vector<128x128xi32>
    %sub3A_933 = arith.subi %div3A_906, %sub3A_932 : vector<128x128xi32>
    %select_n3A_934 = arith.select %and3A_930, %sub3A_933, %div3A_906 : vector<128x128xi1>, vector<128x128xi32>
    %add3A_935 = arith.constant 96 : i32
    %add3A_936 = vector.broadcast %add3A_935 : i32 to vector<128x128xi32>
    %add3A_937 = arith.addi %add3A_936, %select_n3A_934 : vector<128x128xi32>
    %eq3A_938 = arith.cmpi eq, %iota3A, %add3A_937 : vector<128x128xi32>
    %convert_element_type3A_939 = arith.extui %eq3A_938 : vector<128x128xi1> to vector<128x128xi32>
    %convert_element_type3A_940 = arith.sitofp %convert_element_type3A_939 : vector<128x128xi32> to vector<128x128xf32>
    %convert_element_type3A_941 = arith.truncf %convert_element_type3A_940 : vector<128x128xf32> to vector<128x128xbf16>
    %dot_general3A_942 = arith.constant dense<0.000000e+00> : vector<2048x128xf32>
    %dot_general3A_943 = tpu.matmul %convert_element_type3A_678, %convert_element_type3A_941, %dot_general3A_942 {dimension_numbers = #tpu.dot_dimension_numbers<[1], [0], [0], [1], [0, 0, 1, 1], [], []>, transpose_lhs_hint = false} : vector<2048x128xbf16>, vector<128x128xbf16>, vector<2048x128xf32> -> vector<2048x128xf32>
    %gt3A_944 = arith.constant 5.000000e-01 : f32
    %gt3A_945 = vector.broadcast %gt3A_944 : f32 to vector<2048x128xf32>
    %gt3A_946 = arith.cmpf ogt, %dot_general3A_943, %gt3A_945 : vector<2048x128xf32>
    %slice3A_947 = vector.extract_strided_slice %get3A_681 {offsets = [0, 384], sizes = [2048, 128], strides = [1, 1]} : vector<2048x512xf32> to vector<2048x128xf32>
    %jit3A_948 = arith.constant 0.000000e+00 : f32
    %broadcast_in_dim3A_949 = vector.broadcast %jit3A_948 : f32 to vector<2048x128xf32>
    %select_n3A_950 = arith.select %gt3A_946, %broadcast_in_dim3A_949, %slice3A_947 : vector<2048x128xi1>, vector<2048x128xf32>
    %bitcast_convert_type3A_951 = tpu.bitcast %select_n3A_950 : vector<2048x128xf32> -> vector<2048x128xi32>
    %add3A_952 = arith.constant 0 : i32
    %add3A_953 = arith.constant 268435456 : i32
    %add3A_954 = arith.addi %add3A_952, %add3A_953 : i32
    %add3A_955 = arith.constant 0 : i32
    %add3A_956 = arith.constant 536870912 : i32
    %add3A_957 = arith.addi %add3A_955, %add3A_956 : i32
    %add3A_958 = arith.constant 0 : i32
    %add3A_959 = arith.constant 805306368 : i32
    %add3A_960 = arith.addi %add3A_958, %add3A_959 : i32
    %lt3A_961 = vector.broadcast %add3A_954 : i32 to vector<2048x128xi32>
    %lt3A_962 = arith.cmpi slt, %bitcast_convert_type3A_741, %lt3A_961 : vector<2048x128xi32>
    %convert_element_type3A_963 = arith.extui %lt3A_962 : vector<2048x128xi1> to vector<2048x128xi32>
    %reduce_sum3A_964 = vector.shape_cast %convert_element_type3A_963 : vector<2048x128xi32> to vector<1x2048x128xi32>
    %reduce_sum3A_965 = arith.constant dense<0> : vector<1xi32>
    %reduce_sum3A_966 = vector.multi_reduction <add>, %reduce_sum3A_964, %reduce_sum3A_965 [1, 2] : vector<1x2048x128xi32> to vector<1xi32>
    %reduce_sum3A_967 = vector.shape_cast %reduce_sum3A_966 : vector<1xi32> to vector<1x1x1xi32>
    %reduce_sum3A_968 = vector.extract %reduce_sum3A_967[0, 0, 0] : i32 from vector<1x1x1xi32>
    %add3A_969 = arith.constant 0 : i32
    %add3A_970 = arith.addi %add3A_969, %reduce_sum3A_968 : i32
    %lt3A_971 = vector.broadcast %add3A_954 : i32 to vector<2048x128xi32>
    %lt3A_972 = arith.cmpi slt, %bitcast_convert_type3A_811, %lt3A_971 : vector<2048x128xi32>
    %convert_element_type3A_973 = arith.extui %lt3A_972 : vector<2048x128xi1> to vector<2048x128xi32>
    %reduce_sum3A_974 = vector.shape_cast %convert_element_type3A_973 : vector<2048x128xi32> to vector<1x2048x128xi32>
    %reduce_sum3A_975 = arith.constant dense<0> : vector<1xi32>
    %reduce_sum3A_976 = vector.multi_reduction <add>, %reduce_sum3A_974, %reduce_sum3A_975 [1, 2] : vector<1x2048x128xi32> to vector<1xi32>
    %reduce_sum3A_977 = vector.shape_cast %reduce_sum3A_976 : vector<1xi32> to vector<1x1x1xi32>
    %reduce_sum3A_978 = vector.extract %reduce_sum3A_977[0, 0, 0] : i32 from vector<1x1x1xi32>
    %add3A_979 = arith.addi %add3A_970, %reduce_sum3A_978 : i32
    %lt3A_980 = vector.broadcast %add3A_954 : i32 to vector<2048x128xi32>
    %lt3A_981 = arith.cmpi slt, %bitcast_convert_type3A_881, %lt3A_980 : vector<2048x128xi32>
    %convert_element_type3A_982 = arith.extui %lt3A_981 : vector<2048x128xi1> to vector<2048x128xi32>
    %reduce_sum3A_983 = vector.shape_cast %convert_element_type3A_982 : vector<2048x128xi32> to vector<1x2048x128xi32>
    %reduce_sum3A_984 = arith.constant dense<0> : vector<1xi32>
    %reduce_sum3A_985 = vector.multi_reduction <add>, %reduce_sum3A_983, %reduce_sum3A_984 [1, 2] : vector<1x2048x128xi32> to vector<1xi32>
    %reduce_sum3A_986 = vector.shape_cast %reduce_sum3A_985 : vector<1xi32> to vector<1x1x1xi32>
    %reduce_sum3A_987 = vector.extract %reduce_sum3A_986[0, 0, 0] : i32 from vector<1x1x1xi32>
    %add3A_988 = arith.addi %add3A_979, %reduce_sum3A_987 : i32
    %lt3A_989 = vector.broadcast %add3A_954 : i32 to vector<2048x128xi32>
    %lt3A_990 = arith.cmpi slt, %bitcast_convert_type3A_951, %lt3A_989 : vector<2048x128xi32>
    %convert_element_type3A_991 = arith.extui %lt3A_990 : vector<2048x128xi1> to vector<2048x128xi32>
    %reduce_sum3A_992 = vector.shape_cast %convert_element_type3A_991 : vector<2048x128xi32> to vector<1x2048x128xi32>
    %reduce_sum3A_993 = arith.constant dense<0> : vector<1xi32>
    %reduce_sum3A_994 = vector.multi_reduction <add>, %reduce_sum3A_992, %reduce_sum3A_993 [1, 2] : vector<1x2048x128xi32> to vector<1xi32>
    %reduce_sum3A_995 = vector.shape_cast %reduce_sum3A_994 : vector<1xi32> to vector<1x1x1xi32>
    %reduce_sum3A_996 = vector.extract %reduce_sum3A_995[0, 0, 0] : i32 from vector<1x1x1xi32>
    %add3A_997 = arith.addi %add3A_988, %reduce_sum3A_996 : i32
    %lt3A_998 = vector.broadcast %add3A_957 : i32 to vector<2048x128xi32>
    %lt3A_999 = arith.cmpi slt, %bitcast_convert_type3A_741, %lt3A_998 : vector<2048x128xi32>
    %convert_element_type3A_1000 = arith.extui %lt3A_999 : vector<2048x128xi1> to vector<2048x128xi32>
    %reduce_sum3A_1001 = vector.shape_cast %convert_element_type3A_1000 : vector<2048x128xi32> to vector<1x2048x128xi32>
    %reduce_sum3A_1002 = arith.constant dense<0> : vector<1xi32>
    %reduce_sum3A_1003 = vector.multi_reduction <add>, %reduce_sum3A_1001, %reduce_sum3A_1002 [1, 2] : vector<1x2048x128xi32> to vector<1xi32>
    %reduce_sum3A_1004 = vector.shape_cast %reduce_sum3A_1003 : vector<1xi32> to vector<1x1x1xi32>
    %reduce_sum3A_1005 = vector.extract %reduce_sum3A_1004[0, 0, 0] : i32 from vector<1x1x1xi32>
    %add3A_1006 = arith.constant 0 : i32
    %add3A_1007 = arith.addi %add3A_1006, %reduce_sum3A_1005 : i32
    %lt3A_1008 = vector.broadcast %add3A_957 : i32 to vector<2048x128xi32>
    %lt3A_1009 = arith.cmpi slt, %bitcast_convert_type3A_811, %lt3A_1008 : vector<2048x128xi32>
    %convert_element_type3A_1010 = arith.extui %lt3A_1009 : vector<2048x128xi1> to vector<2048x128xi32>
    %reduce_sum3A_1011 = vector.shape_cast %convert_element_type3A_1010 : vector<2048x128xi32> to vector<1x2048x128xi32>
    %reduce_sum3A_1012 = arith.constant dense<0> : vector<1xi32>
    %reduce_sum3A_1013 = vector.multi_reduction <add>, %reduce_sum3A_1011, %reduce_sum3A_1012 [1, 2] : vector<1x2048x128xi32> to vector<1xi32>
    %reduce_sum3A_1014 = vector.shape_cast %reduce_sum3A_1013 : vector<1xi32> to vector<1x1x1xi32>
    %reduce_sum3A_1015 = vector.extract %reduce_sum3A_1014[0, 0, 0] : i32 from vector<1x1x1xi32>
    %add3A_1016 = arith.addi %add3A_1007, %reduce_sum3A_1015 : i32
    %lt3A_1017 = vector.broadcast %add3A_957 : i32 to vector<2048x128xi32>
    %lt3A_1018 = arith.cmpi slt, %bitcast_convert_type3A_881, %lt3A_1017 : vector<2048x128xi32>
    %convert_element_type3A_1019 = arith.extui %lt3A_1018 : vector<2048x128xi1> to vector<2048x128xi32>
    %reduce_sum3A_1020 = vector.shape_cast %convert_element_type3A_1019 : vector<2048x128xi32> to vector<1x2048x128xi32>
    %reduce_sum3A_1021 = arith.constant dense<0> : vector<1xi32>
    %reduce_sum3A_1022 = vector.multi_reduction <add>, %reduce_sum3A_1020, %reduce_sum3A_1021 [1, 2] : vector<1x2048x128xi32> to vector<1xi32>
    %reduce_sum3A_1023 = vector.shape_cast %reduce_sum3A_1022 : vector<1xi32> to vector<1x1x1xi32>
    %reduce_sum3A_1024 = vector.extract %reduce_sum3A_1023[0, 0, 0] : i32 from vector<1x1x1xi32>
    %add3A_1025 = arith.addi %add3A_1016, %reduce_sum3A_1024 : i32
    %lt3A_1026 = vector.broadcast %add3A_957 : i32 to vector<2048x128xi32>
    %lt3A_1027 = arith.cmpi slt, %bitcast_convert_type3A_951, %lt3A_1026 : vector<2048x128xi32>
    %convert_element_type3A_1028 = arith.extui %lt3A_1027 : vector<2048x128xi1> to vector<2048x128xi32>
    %reduce_sum3A_1029 = vector.shape_cast %convert_element_type3A_1028 : vector<2048x128xi32> to vector<1x2048x128xi32>
    %reduce_sum3A_1030 = arith.constant dense<0> : vector<1xi32>
    %reduce_sum3A_1031 = vector.multi_reduction <add>, %reduce_sum3A_1029, %reduce_sum3A_1030 [1, 2] : vector<1x2048x128xi32> to vector<1xi32>
    %reduce_sum3A_1032 = vector.shape_cast %reduce_sum3A_1031 : vector<1xi32> to vector<1x1x1xi32>
    %reduce_sum3A_1033 = vector.extract %reduce_sum3A_1032[0, 0, 0] : i32 from vector<1x1x1xi32>
    %add3A_1034 = arith.addi %add3A_1025, %reduce_sum3A_1033 : i32
    %lt3A_1035 = vector.broadcast %add3A_960 : i32 to vector<2048x128xi32>
    %lt3A_1036 = arith.cmpi slt, %bitcast_convert_type3A_741, %lt3A_1035 : vector<2048x128xi32>
    %convert_element_type3A_1037 = arith.extui %lt3A_1036 : vector<2048x128xi1> to vector<2048x128xi32>
    %reduce_sum3A_1038 = vector.shape_cast %convert_element_type3A_1037 : vector<2048x128xi32> to vector<1x2048x128xi32>
    %reduce_sum3A_1039 = arith.constant dense<0> : vector<1xi32>
    %reduce_sum3A_1040 = vector.multi_reduction <add>, %reduce_sum3A_1038, %reduce_sum3A_1039 [1, 2] : vector<1x2048x128xi32> to vector<1xi32>
    %reduce_sum3A_1041 = vector.shape_cast %reduce_sum3A_1040 : vector<1xi32> to vector<1x1x1xi32>
    %reduce_sum3A_1042 = vector.extract %reduce_sum3A_1041[0, 0, 0] : i32 from vector<1x1x1xi32>
    %add3A_1043 = arith.constant 0 : i32
    %add3A_1044 = arith.addi %add3A_1043, %reduce_sum3A_1042 : i32
    %lt3A_1045 = vector.broadcast %add3A_960 : i32 to vector<2048x128xi32>
    %lt3A_1046 = arith.cmpi slt, %bitcast_convert_type3A_811, %lt3A_1045 : vector<2048x128xi32>
    %convert_element_type3A_1047 = arith.extui %lt3A_1046 : vector<2048x128xi1> to vector<2048x128xi32>
    %reduce_sum3A_1048 = vector.shape_cast %convert_element_type3A_1047 : vector<2048x128xi32> to vector<1x2048x128xi32>
    %reduce_sum3A_1049 = arith.constant dense<0> : vector<1xi32>
    %reduce_sum3A_1050 = vector.multi_reduction <add>, %reduce_sum3A_1048, %reduce_sum3A_1049 [1, 2] : vector<1x2048x128xi32> to vector<1xi32>
    %reduce_sum3A_1051 = vector.shape_cast %reduce_sum3A_1050 : vector<1xi32> to vector<1x1x1xi32>
    %reduce_sum3A_1052 = vector.extract %reduce_sum3A_1051[0, 0, 0] : i32 from vector<1x1x1xi32>
    %add3A_1053 = arith.addi %add3A_1044, %reduce_sum3A_1052 : i32
    %lt3A_1054 = vector.broadcast %add3A_960 : i32 to vector<2048x128xi32>
    %lt3A_1055 = arith.cmpi slt, %bitcast_convert_type3A_881, %lt3A_1054 : vector<2048x128xi32>
    %convert_element_type3A_1056 = arith.extui %lt3A_1055 : vector<2048x128xi1> to vector<2048x128xi32>
    %reduce_sum3A_1057 = vector.shape_cast %convert_element_type3A_1056 : vector<2048x128xi32> to vector<1x2048x128xi32>
    %reduce_sum3A_1058 = arith.constant dense<0> : vector<1xi32>
    %reduce_sum3A_1059 = vector.multi_reduction <add>, %reduce_sum3A_1057, %reduce_sum3A_1058 [1, 2] : vector<1x2048x128xi32> to vector<1xi32>
    %reduce_sum3A_1060 = vector.shape_cast %reduce_sum3A_1059 : vector<1xi32> to vector<1x1x1xi32>
    %reduce_sum3A_1061 = vector.extract %reduce_sum3A_1060[0, 0, 0] : i32 from vector<1x1x1xi32>
    %add3A_1062 = arith.addi %add3A_1053, %reduce_sum3A_1061 : i32
    %lt3A_1063 = vector.broadcast %add3A_960 : i32 to vector<2048x128xi32>
    %lt3A_1064 = arith.cmpi slt, %bitcast_convert_type3A_951, %lt3A_1063 : vector<2048x128xi32>
    %convert_element_type3A_1065 = arith.extui %lt3A_1064 : vector<2048x128xi1> to vector<2048x128xi32>
    %reduce_sum3A_1066 = vector.shape_cast %convert_element_type3A_1065 : vector<2048x128xi32> to vector<1x2048x128xi32>
    %reduce_sum3A_1067 = arith.constant dense<0> : vector<1xi32>
    %reduce_sum3A_1068 = vector.multi_reduction <add>, %reduce_sum3A_1066, %reduce_sum3A_1067 [1, 2] : vector<1x2048x128xi32> to vector<1xi32>
    %reduce_sum3A_1069 = vector.shape_cast %reduce_sum3A_1068 : vector<1xi32> to vector<1x1x1xi32>
    %reduce_sum3A_1070 = vector.extract %reduce_sum3A_1069[0, 0, 0] : i32 from vector<1x1x1xi32>
    %add3A_1071 = arith.addi %add3A_1062, %reduce_sum3A_1070 : i32
    %ge3A_1072 = arith.constant 734003 : i32
    %ge3A_1073 = arith.cmpi sge, %add3A_997, %ge3A_1072 : i32
    %ge3A_1074 = arith.constant 734003 : i32
    %ge3A_1075 = arith.cmpi sge, %add3A_1034, %ge3A_1074 : i32
    %ge3A_1076 = arith.constant 734003 : i32
    %ge3A_1077 = arith.cmpi sge, %add3A_1071, %ge3A_1076 : i32
    %select_n3A_1078 = arith.select %ge3A_1077, %add3A_957, %add3A_960 : i32
    %select_n3A_1079 = arith.select %ge3A_1075, %add3A_954, %select_n3A_1078 : i32
    %jit3A_1080 = arith.constant 0 : i32
    %select_n3A_1081 = arith.select %ge3A_1073, %jit3A_1080, %select_n3A_1079 : i32
    %add3A_1082 = arith.constant 67108864 : i32
    %add3A_1083 = arith.addi %select_n3A_1081, %add3A_1082 : i32
    %add3A_1084 = arith.constant 134217728 : i32
    %add3A_1085 = arith.addi %select_n3A_1081, %add3A_1084 : i32
    %add3A_1086 = arith.constant 201326592 : i32
    %add3A_1087 = arith.addi %select_n3A_1081, %add3A_1086 : i32
    %lt3A_1088 = vector.broadcast %add3A_1083 : i32 to vector<2048x128xi32>
    %lt3A_1089 = arith.cmpi slt, %bitcast_convert_type3A_741, %lt3A_1088 : vector<2048x128xi32>
    %convert_element_type3A_1090 = arith.extui %lt3A_1089 : vector<2048x128xi1> to vector<2048x128xi32>
    %reduce_sum3A_1091 = vector.shape_cast %convert_element_type3A_1090 : vector<2048x128xi32> to vector<1x2048x128xi32>
    %reduce_sum3A_1092 = arith.constant dense<0> : vector<1xi32>
    %reduce_sum3A_1093 = vector.multi_reduction <add>, %reduce_sum3A_1091, %reduce_sum3A_1092 [1, 2] : vector<1x2048x128xi32> to vector<1xi32>
    %reduce_sum3A_1094 = vector.shape_cast %reduce_sum3A_1093 : vector<1xi32> to vector<1x1x1xi32>
    %reduce_sum3A_1095 = vector.extract %reduce_sum3A_1094[0, 0, 0] : i32 from vector<1x1x1xi32>
    %add3A_1096 = arith.constant 0 : i32
    %add3A_1097 = arith.addi %add3A_1096, %reduce_sum3A_1095 : i32
    %lt3A_1098 = vector.broadcast %add3A_1083 : i32 to vector<2048x128xi32>
    %lt3A_1099 = arith.cmpi slt, %bitcast_convert_type3A_811, %lt3A_1098 : vector<2048x128xi32>
    %convert_element_type3A_1100 = arith.extui %lt3A_1099 : vector<2048x128xi1> to vector<2048x128xi32>
    %reduce_sum3A_1101 = vector.shape_cast %convert_element_type3A_1100 : vector<2048x128xi32> to vector<1x2048x128xi32>
    %reduce_sum3A_1102 = arith.constant dense<0> : vector<1xi32>
    %reduce_sum3A_1103 = vector.multi_reduction <add>, %reduce_sum3A_1101, %reduce_sum3A_1102 [1, 2] : vector<1x2048x128xi32> to vector<1xi32>
    %reduce_sum3A_1104 = vector.shape_cast %reduce_sum3A_1103 : vector<1xi32> to vector<1x1x1xi32>
    %reduce_sum3A_1105 = vector.extract %reduce_sum3A_1104[0, 0, 0] : i32 from vector<1x1x1xi32>
    %add3A_1106 = arith.addi %add3A_1097, %reduce_sum3A_1105 : i32
    %lt3A_1107 = vector.broadcast %add3A_1083 : i32 to vector<2048x128xi32>
    %lt3A_1108 = arith.cmpi slt, %bitcast_convert_type3A_881, %lt3A_1107 : vector<2048x128xi32>
    %convert_element_type3A_1109 = arith.extui %lt3A_1108 : vector<2048x128xi1> to vector<2048x128xi32>
    %reduce_sum3A_1110 = vector.shape_cast %convert_element_type3A_1109 : vector<2048x128xi32> to vector<1x2048x128xi32>
    %reduce_sum3A_1111 = arith.constant dense<0> : vector<1xi32>
    %reduce_sum3A_1112 = vector.multi_reduction <add>, %reduce_sum3A_1110, %reduce_sum3A_1111 [1, 2] : vector<1x2048x128xi32> to vector<1xi32>
    %reduce_sum3A_1113 = vector.shape_cast %reduce_sum3A_1112 : vector<1xi32> to vector<1x1x1xi32>
    %reduce_sum3A_1114 = vector.extract %reduce_sum3A_1113[0, 0, 0] : i32 from vector<1x1x1xi32>
    %add3A_1115 = arith.addi %add3A_1106, %reduce_sum3A_1114 : i32
    %lt3A_1116 = vector.broadcast %add3A_1083 : i32 to vector<2048x128xi32>
    %lt3A_1117 = arith.cmpi slt, %bitcast_convert_type3A_951, %lt3A_1116 : vector<2048x128xi32>
    %convert_element_type3A_1118 = arith.extui %lt3A_1117 : vector<2048x128xi1> to vector<2048x128xi32>
    %reduce_sum3A_1119 = vector.shape_cast %convert_element_type3A_1118 : vector<2048x128xi32> to vector<1x2048x128xi32>
    %reduce_sum3A_1120 = arith.constant dense<0> : vector<1xi32>
    %reduce_sum3A_1121 = vector.multi_reduction <add>, %reduce_sum3A_1119, %reduce_sum3A_1120 [1, 2] : vector<1x2048x128xi32> to vector<1xi32>
    %reduce_sum3A_1122 = vector.shape_cast %reduce_sum3A_1121 : vector<1xi32> to vector<1x1x1xi32>
    %reduce_sum3A_1123 = vector.extract %reduce_sum3A_1122[0, 0, 0] : i32 from vector<1x1x1xi32>
    %add3A_1124 = arith.addi %add3A_1115, %reduce_sum3A_1123 : i32
    %lt3A_1125 = vector.broadcast %add3A_1085 : i32 to vector<2048x128xi32>
    %lt3A_1126 = arith.cmpi slt, %bitcast_convert_type3A_741, %lt3A_1125 : vector<2048x128xi32>
    %convert_element_type3A_1127 = arith.extui %lt3A_1126 : vector<2048x128xi1> to vector<2048x128xi32>
    %reduce_sum3A_1128 = vector.shape_cast %convert_element_type3A_1127 : vector<2048x128xi32> to vector<1x2048x128xi32>
    %reduce_sum3A_1129 = arith.constant dense<0> : vector<1xi32>
    %reduce_sum3A_1130 = vector.multi_reduction <add>, %reduce_sum3A_1128, %reduce_sum3A_1129 [1, 2] : vector<1x2048x128xi32> to vector<1xi32>
    %reduce_sum3A_1131 = vector.shape_cast %reduce_sum3A_1130 : vector<1xi32> to vector<1x1x1xi32>
    %reduce_sum3A_1132 = vector.extract %reduce_sum3A_1131[0, 0, 0] : i32 from vector<1x1x1xi32>
    %add3A_1133 = arith.constant 0 : i32
    %add3A_1134 = arith.addi %add3A_1133, %reduce_sum3A_1132 : i32
    %lt3A_1135 = vector.broadcast %add3A_1085 : i32 to vector<2048x128xi32>
    %lt3A_1136 = arith.cmpi slt, %bitcast_convert_type3A_811, %lt3A_1135 : vector<2048x128xi32>
    %convert_element_type3A_1137 = arith.extui %lt3A_1136 : vector<2048x128xi1> to vector<2048x128xi32>
    %reduce_sum3A_1138 = vector.shape_cast %convert_element_type3A_1137 : vector<2048x128xi32> to vector<1x2048x128xi32>
    %reduce_sum3A_1139 = arith.constant dense<0> : vector<1xi32>
    %reduce_sum3A_1140 = vector.multi_reduction <add>, %reduce_sum3A_1138, %reduce_sum3A_1139 [1, 2] : vector<1x2048x128xi32> to vector<1xi32>
    %reduce_sum3A_1141 = vector.shape_cast %reduce_sum3A_1140 : vector<1xi32> to vector<1x1x1xi32>
    %reduce_sum3A_1142 = vector.extract %reduce_sum3A_1141[0, 0, 0] : i32 from vector<1x1x1xi32>
    %add3A_1143 = arith.addi %add3A_1134, %reduce_sum3A_1142 : i32
    %lt3A_1144 = vector.broadcast %add3A_1085 : i32 to vector<2048x128xi32>
    %lt3A_1145 = arith.cmpi slt, %bitcast_convert_type3A_881, %lt3A_1144 : vector<2048x128xi32>
    %convert_element_type3A_1146 = arith.extui %lt3A_1145 : vector<2048x128xi1> to vector<2048x128xi32>
    %reduce_sum3A_1147 = vector.shape_cast %convert_element_type3A_1146 : vector<2048x128xi32> to vector<1x2048x128xi32>
    %reduce_sum3A_1148 = arith.constant dense<0> : vector<1xi32>
    %reduce_sum3A_1149 = vector.multi_reduction <add>, %reduce_sum3A_1147, %reduce_sum3A_1148 [1, 2] : vector<1x2048x128xi32> to vector<1xi32>
    %reduce_sum3A_1150 = vector.shape_cast %reduce_sum3A_1149 : vector<1xi32> to vector<1x1x1xi32>
    %reduce_sum3A_1151 = vector.extract %reduce_sum3A_1150[0, 0, 0] : i32 from vector<1x1x1xi32>
    %add3A_1152 = arith.addi %add3A_1143, %reduce_sum3A_1151 : i32
    %lt3A_1153 = vector.broadcast %add3A_1085 : i32 to vector<2048x128xi32>
    %lt3A_1154 = arith.cmpi slt, %bitcast_convert_type3A_951, %lt3A_1153 : vector<2048x128xi32>
    %convert_element_type3A_1155 = arith.extui %lt3A_1154 : vector<2048x128xi1> to vector<2048x128xi32>
    %reduce_sum3A_1156 = vector.shape_cast %convert_element_type3A_1155 : vector<2048x128xi32> to vector<1x2048x128xi32>
    %reduce_sum3A_1157 = arith.constant dense<0> : vector<1xi32>
    %reduce_sum3A_1158 = vector.multi_reduction <add>, %reduce_sum3A_1156, %reduce_sum3A_1157 [1, 2] : vector<1x2048x128xi32> to vector<1xi32>
    %reduce_sum3A_1159 = vector.shape_cast %reduce_sum3A_1158 : vector<1xi32> to vector<1x1x1xi32>
    %reduce_sum3A_1160 = vector.extract %reduce_sum3A_1159[0, 0, 0] : i32 from vector<1x1x1xi32>
    %add3A_1161 = arith.addi %add3A_1152, %reduce_sum3A_1160 : i32
    %lt3A_1162 = vector.broadcast %add3A_1087 : i32 to vector<2048x128xi32>
    %lt3A_1163 = arith.cmpi slt, %bitcast_convert_type3A_741, %lt3A_1162 : vector<2048x128xi32>
    %convert_element_type3A_1164 = arith.extui %lt3A_1163 : vector<2048x128xi1> to vector<2048x128xi32>
    %reduce_sum3A_1165 = vector.shape_cast %convert_element_type3A_1164 : vector<2048x128xi32> to vector<1x2048x128xi32>
    %reduce_sum3A_1166 = arith.constant dense<0> : vector<1xi32>
    %reduce_sum3A_1167 = vector.multi_reduction <add>, %reduce_sum3A_1165, %reduce_sum3A_1166 [1, 2] : vector<1x2048x128xi32> to vector<1xi32>
    %reduce_sum3A_1168 = vector.shape_cast %reduce_sum3A_1167 : vector<1xi32> to vector<1x1x1xi32>
    %reduce_sum3A_1169 = vector.extract %reduce_sum3A_1168[0, 0, 0] : i32 from vector<1x1x1xi32>
    %add3A_1170 = arith.constant 0 : i32
    %add3A_1171 = arith.addi %add3A_1170, %reduce_sum3A_1169 : i32
    %lt3A_1172 = vector.broadcast %add3A_1087 : i32 to vector<2048x128xi32>
    %lt3A_1173 = arith.cmpi slt, %bitcast_convert_type3A_811, %lt3A_1172 : vector<2048x128xi32>
    %convert_element_type3A_1174 = arith.extui %lt3A_1173 : vector<2048x128xi1> to vector<2048x128xi32>
    %reduce_sum3A_1175 = vector.shape_cast %convert_element_type3A_1174 : vector<2048x128xi32> to vector<1x2048x128xi32>
    %reduce_sum3A_1176 = arith.constant dense<0> : vector<1xi32>
    %reduce_sum3A_1177 = vector.multi_reduction <add>, %reduce_sum3A_1175, %reduce_sum3A_1176 [1, 2] : vector<1x2048x128xi32> to vector<1xi32>
    %reduce_sum3A_1178 = vector.shape_cast %reduce_sum3A_1177 : vector<1xi32> to vector<1x1x1xi32>
    %reduce_sum3A_1179 = vector.extract %reduce_sum3A_1178[0, 0, 0] : i32 from vector<1x1x1xi32>
    %add3A_1180 = arith.addi %add3A_1171, %reduce_sum3A_1179 : i32
    %lt3A_1181 = vector.broadcast %add3A_1087 : i32 to vector<2048x128xi32>
    %lt3A_1182 = arith.cmpi slt, %bitcast_convert_type3A_881, %lt3A_1181 : vector<2048x128xi32>
    %convert_element_type3A_1183 = arith.extui %lt3A_1182 : vector<2048x128xi1> to vector<2048x128xi32>
    %reduce_sum3A_1184 = vector.shape_cast %convert_element_type3A_1183 : vector<2048x128xi32> to vector<1x2048x128xi32>
    %reduce_sum3A_1185 = arith.constant dense<0> : vector<1xi32>
    %reduce_sum3A_1186 = vector.multi_reduction <add>, %reduce_sum3A_1184, %reduce_sum3A_1185 [1, 2] : vector<1x2048x128xi32> to vector<1xi32>
    %reduce_sum3A_1187 = vector.shape_cast %reduce_sum3A_1186 : vector<1xi32> to vector<1x1x1xi32>
    %reduce_sum3A_1188 = vector.extract %reduce_sum3A_1187[0, 0, 0] : i32 from vector<1x1x1xi32>
    %add3A_1189 = arith.addi %add3A_1180, %reduce_sum3A_1188 : i32
    %lt3A_1190 = vector.broadcast %add3A_1087 : i32 to vector<2048x128xi32>
    %lt3A_1191 = arith.cmpi slt, %bitcast_convert_type3A_951, %lt3A_1190 : vector<2048x128xi32>
    %convert_element_type3A_1192 = arith.extui %lt3A_1191 : vector<2048x128xi1> to vector<2048x128xi32>
    %reduce_sum3A_1193 = vector.shape_cast %convert_element_type3A_1192 : vector<2048x128xi32> to vector<1x2048x128xi32>
    %reduce_sum3A_1194 = arith.constant dense<0> : vector<1xi32>
    %reduce_sum3A_1195 = vector.multi_reduction <add>, %reduce_sum3A_1193, %reduce_sum3A_1194 [1, 2] : vector<1x2048x128xi32> to vector<1xi32>
    %reduce_sum3A_1196 = vector.shape_cast %reduce_sum3A_1195 : vector<1xi32> to vector<1x1x1xi32>
    %reduce_sum3A_1197 = vector.extract %reduce_sum3A_1196[0, 0, 0] : i32 from vector<1x1x1xi32>
    %add3A_1198 = arith.addi %add3A_1189, %reduce_sum3A_1197 : i32
    %ge3A_1199 = arith.constant 734003 : i32
    %ge3A_1200 = arith.cmpi sge, %add3A_1124, %ge3A_1199 : i32
    %ge3A_1201 = arith.constant 734003 : i32
    %ge3A_1202 = arith.cmpi sge, %add3A_1161, %ge3A_1201 : i32
    %ge3A_1203 = arith.constant 734003 : i32
    %ge3A_1204 = arith.cmpi sge, %add3A_1198, %ge3A_1203 : i32
    %select_n3A_1205 = arith.select %ge3A_1204, %add3A_1085, %add3A_1087 : i32
    %select_n3A_1206 = arith.select %ge3A_1202, %add3A_1083, %select_n3A_1205 : i32
    %select_n3A_1207 = arith.select %ge3A_1200, %select_n3A_1081, %select_n3A_1206 : i32
    %add3A_1208 = arith.constant 16777216 : i32
    %add3A_1209 = arith.addi %select_n3A_1207, %add3A_1208 : i32
    %add3A_1210 = arith.constant 33554432 : i32
    %add3A_1211 = arith.addi %select_n3A_1207, %add3A_1210 : i32
    %add3A_1212 = arith.constant 50331648 : i32
    %add3A_1213 = arith.addi %select_n3A_1207, %add3A_1212 : i32
    %lt3A_1214 = vector.broadcast %add3A_1209 : i32 to vector<2048x128xi32>
    %lt3A_1215 = arith.cmpi slt, %bitcast_convert_type3A_741, %lt3A_1214 : vector<2048x128xi32>
    %convert_element_type3A_1216 = arith.extui %lt3A_1215 : vector<2048x128xi1> to vector<2048x128xi32>
    %reduce_sum3A_1217 = vector.shape_cast %convert_element_type3A_1216 : vector<2048x128xi32> to vector<1x2048x128xi32>
    %reduce_sum3A_1218 = arith.constant dense<0> : vector<1xi32>
    %reduce_sum3A_1219 = vector.multi_reduction <add>, %reduce_sum3A_1217, %reduce_sum3A_1218 [1, 2] : vector<1x2048x128xi32> to vector<1xi32>
    %reduce_sum3A_1220 = vector.shape_cast %reduce_sum3A_1219 : vector<1xi32> to vector<1x1x1xi32>
    %reduce_sum3A_1221 = vector.extract %reduce_sum3A_1220[0, 0, 0] : i32 from vector<1x1x1xi32>
    %add3A_1222 = arith.constant 0 : i32
    %add3A_1223 = arith.addi %add3A_1222, %reduce_sum3A_1221 : i32
    %lt3A_1224 = vector.broadcast %add3A_1209 : i32 to vector<2048x128xi32>
    %lt3A_1225 = arith.cmpi slt, %bitcast_convert_type3A_811, %lt3A_1224 : vector<2048x128xi32>
    %convert_element_type3A_1226 = arith.extui %lt3A_1225 : vector<2048x128xi1> to vector<2048x128xi32>
    %reduce_sum3A_1227 = vector.shape_cast %convert_element_type3A_1226 : vector<2048x128xi32> to vector<1x2048x128xi32>
    %reduce_sum3A_1228 = arith.constant dense<0> : vector<1xi32>
    %reduce_sum3A_1229 = vector.multi_reduction <add>, %reduce_sum3A_1227, %reduce_sum3A_1228 [1, 2] : vector<1x2048x128xi32> to vector<1xi32>
    %reduce_sum3A_1230 = vector.shape_cast %reduce_sum3A_1229 : vector<1xi32> to vector<1x1x1xi32>
    %reduce_sum3A_1231 = vector.extract %reduce_sum3A_1230[0, 0, 0] : i32 from vector<1x1x1xi32>
    %add3A_1232 = arith.addi %add3A_1223, %reduce_sum3A_1231 : i32
    %lt3A_1233 = vector.broadcast %add3A_1209 : i32 to vector<2048x128xi32>
    %lt3A_1234 = arith.cmpi slt, %bitcast_convert_type3A_881, %lt3A_1233 : vector<2048x128xi32>
    %convert_element_type3A_1235 = arith.extui %lt3A_1234 : vector<2048x128xi1> to vector<2048x128xi32>
    %reduce_sum3A_1236 = vector.shape_cast %convert_element_type3A_1235 : vector<2048x128xi32> to vector<1x2048x128xi32>
    %reduce_sum3A_1237 = arith.constant dense<0> : vector<1xi32>
    %reduce_sum3A_1238 = vector.multi_reduction <add>, %reduce_sum3A_1236, %reduce_sum3A_1237 [1, 2] : vector<1x2048x128xi32> to vector<1xi32>
    %reduce_sum3A_1239 = vector.shape_cast %reduce_sum3A_1238 : vector<1xi32> to vector<1x1x1xi32>
    %reduce_sum3A_1240 = vector.extract %reduce_sum3A_1239[0, 0, 0] : i32 from vector<1x1x1xi32>
    %add3A_1241 = arith.addi %add3A_1232, %reduce_sum3A_1240 : i32
    %lt3A_1242 = vector.broadcast %add3A_1209 : i32 to vector<2048x128xi32>
    %lt3A_1243 = arith.cmpi slt, %bitcast_convert_type3A_951, %lt3A_1242 : vector<2048x128xi32>
    %convert_element_type3A_1244 = arith.extui %lt3A_1243 : vector<2048x128xi1> to vector<2048x128xi32>
    %reduce_sum3A_1245 = vector.shape_cast %convert_element_type3A_1244 : vector<2048x128xi32> to vector<1x2048x128xi32>
    %reduce_sum3A_1246 = arith.constant dense<0> : vector<1xi32>
    %reduce_sum3A_1247 = vector.multi_reduction <add>, %reduce_sum3A_1245, %reduce_sum3A_1246 [1, 2] : vector<1x2048x128xi32> to vector<1xi32>
    %reduce_sum3A_1248 = vector.shape_cast %reduce_sum3A_1247 : vector<1xi32> to vector<1x1x1xi32>
    %reduce_sum3A_1249 = vector.extract %reduce_sum3A_1248[0, 0, 0] : i32 from vector<1x1x1xi32>
    %add3A_1250 = arith.addi %add3A_1241, %reduce_sum3A_1249 : i32
    %lt3A_1251 = vector.broadcast %add3A_1211 : i32 to vector<2048x128xi32>
    %lt3A_1252 = arith.cmpi slt, %bitcast_convert_type3A_741, %lt3A_1251 : vector<2048x128xi32>
    %convert_element_type3A_1253 = arith.extui %lt3A_1252 : vector<2048x128xi1> to vector<2048x128xi32>
    %reduce_sum3A_1254 = vector.shape_cast %convert_element_type3A_1253 : vector<2048x128xi32> to vector<1x2048x128xi32>
    %reduce_sum3A_1255 = arith.constant dense<0> : vector<1xi32>
    %reduce_sum3A_1256 = vector.multi_reduction <add>, %reduce_sum3A_1254, %reduce_sum3A_1255 [1, 2] : vector<1x2048x128xi32> to vector<1xi32>
    %reduce_sum3A_1257 = vector.shape_cast %reduce_sum3A_1256 : vector<1xi32> to vector<1x1x1xi32>
    %reduce_sum3A_1258 = vector.extract %reduce_sum3A_1257[0, 0, 0] : i32 from vector<1x1x1xi32>
    %add3A_1259 = arith.constant 0 : i32
    %add3A_1260 = arith.addi %add3A_1259, %reduce_sum3A_1258 : i32
    %lt3A_1261 = vector.broadcast %add3A_1211 : i32 to vector<2048x128xi32>
    %lt3A_1262 = arith.cmpi slt, %bitcast_convert_type3A_811, %lt3A_1261 : vector<2048x128xi32>
    %convert_element_type3A_1263 = arith.extui %lt3A_1262 : vector<2048x128xi1> to vector<2048x128xi32>
    %reduce_sum3A_1264 = vector.shape_cast %convert_element_type3A_1263 : vector<2048x128xi32> to vector<1x2048x128xi32>
    %reduce_sum3A_1265 = arith.constant dense<0> : vector<1xi32>
    %reduce_sum3A_1266 = vector.multi_reduction <add>, %reduce_sum3A_1264, %reduce_sum3A_1265 [1, 2] : vector<1x2048x128xi32> to vector<1xi32>
    %reduce_sum3A_1267 = vector.shape_cast %reduce_sum3A_1266 : vector<1xi32> to vector<1x1x1xi32>
    %reduce_sum3A_1268 = vector.extract %reduce_sum3A_1267[0, 0, 0] : i32 from vector<1x1x1xi32>
    %add3A_1269 = arith.addi %add3A_1260, %reduce_sum3A_1268 : i32
    %lt3A_1270 = vector.broadcast %add3A_1211 : i32 to vector<2048x128xi32>
    %lt3A_1271 = arith.cmpi slt, %bitcast_convert_type3A_881, %lt3A_1270 : vector<2048x128xi32>
    %convert_element_type3A_1272 = arith.extui %lt3A_1271 : vector<2048x128xi1> to vector<2048x128xi32>
    %reduce_sum3A_1273 = vector.shape_cast %convert_element_type3A_1272 : vector<2048x128xi32> to vector<1x2048x128xi32>
    %reduce_sum3A_1274 = arith.constant dense<0> : vector<1xi32>
    %reduce_sum3A_1275 = vector.multi_reduction <add>, %reduce_sum3A_1273, %reduce_sum3A_1274 [1, 2] : vector<1x2048x128xi32> to vector<1xi32>
    %reduce_sum3A_1276 = vector.shape_cast %reduce_sum3A_1275 : vector<1xi32> to vector<1x1x1xi32>
    %reduce_sum3A_1277 = vector.extract %reduce_sum3A_1276[0, 0, 0] : i32 from vector<1x1x1xi32>
    %add3A_1278 = arith.addi %add3A_1269, %reduce_sum3A_1277 : i32
    %lt3A_1279 = vector.broadcast %add3A_1211 : i32 to vector<2048x128xi32>
    %lt3A_1280 = arith.cmpi slt, %bitcast_convert_type3A_951, %lt3A_1279 : vector<2048x128xi32>
    %convert_element_type3A_1281 = arith.extui %lt3A_1280 : vector<2048x128xi1> to vector<2048x128xi32>
    %reduce_sum3A_1282 = vector.shape_cast %convert_element_type3A_1281 : vector<2048x128xi32> to vector<1x2048x128xi32>
    %reduce_sum3A_1283 = arith.constant dense<0> : vector<1xi32>
    %reduce_sum3A_1284 = vector.multi_reduction <add>, %reduce_sum3A_1282, %reduce_sum3A_1283 [1, 2] : vector<1x2048x128xi32> to vector<1xi32>
    %reduce_sum3A_1285 = vector.shape_cast %reduce_sum3A_1284 : vector<1xi32> to vector<1x1x1xi32>
    %reduce_sum3A_1286 = vector.extract %reduce_sum3A_1285[0, 0, 0] : i32 from vector<1x1x1xi32>
    %add3A_1287 = arith.addi %add3A_1278, %reduce_sum3A_1286 : i32
    %lt3A_1288 = vector.broadcast %add3A_1213 : i32 to vector<2048x128xi32>
    %lt3A_1289 = arith.cmpi slt, %bitcast_convert_type3A_741, %lt3A_1288 : vector<2048x128xi32>
    %convert_element_type3A_1290 = arith.extui %lt3A_1289 : vector<2048x128xi1> to vector<2048x128xi32>
    %reduce_sum3A_1291 = vector.shape_cast %convert_element_type3A_1290 : vector<2048x128xi32> to vector<1x2048x128xi32>
    %reduce_sum3A_1292 = arith.constant dense<0> : vector<1xi32>
    %reduce_sum3A_1293 = vector.multi_reduction <add>, %reduce_sum3A_1291, %reduce_sum3A_1292 [1, 2] : vector<1x2048x128xi32> to vector<1xi32>
    %reduce_sum3A_1294 = vector.shape_cast %reduce_sum3A_1293 : vector<1xi32> to vector<1x1x1xi32>
    %reduce_sum3A_1295 = vector.extract %reduce_sum3A_1294[0, 0, 0] : i32 from vector<1x1x1xi32>
    %add3A_1296 = arith.constant 0 : i32
    %add3A_1297 = arith.addi %add3A_1296, %reduce_sum3A_1295 : i32
    %lt3A_1298 = vector.broadcast %add3A_1213 : i32 to vector<2048x128xi32>
    %lt3A_1299 = arith.cmpi slt, %bitcast_convert_type3A_811, %lt3A_1298 : vector<2048x128xi32>
    %convert_element_type3A_1300 = arith.extui %lt3A_1299 : vector<2048x128xi1> to vector<2048x128xi32>
    %reduce_sum3A_1301 = vector.shape_cast %convert_element_type3A_1300 : vector<2048x128xi32> to vector<1x2048x128xi32>
    %reduce_sum3A_1302 = arith.constant dense<0> : vector<1xi32>
    %reduce_sum3A_1303 = vector.multi_reduction <add>, %reduce_sum3A_1301, %reduce_sum3A_1302 [1, 2] : vector<1x2048x128xi32> to vector<1xi32>
    %reduce_sum3A_1304 = vector.shape_cast %reduce_sum3A_1303 : vector<1xi32> to vector<1x1x1xi32>
    %reduce_sum3A_1305 = vector.extract %reduce_sum3A_1304[0, 0, 0] : i32 from vector<1x1x1xi32>
    %add3A_1306 = arith.addi %add3A_1297, %reduce_sum3A_1305 : i32
    %lt3A_1307 = vector.broadcast %add3A_1213 : i32 to vector<2048x128xi32>
    %lt3A_1308 = arith.cmpi slt, %bitcast_convert_type3A_881, %lt3A_1307 : vector<2048x128xi32>
    %convert_element_type3A_1309 = arith.extui %lt3A_1308 : vector<2048x128xi1> to vector<2048x128xi32>
    %reduce_sum3A_1310 = vector.shape_cast %convert_element_type3A_1309 : vector<2048x128xi32> to vector<1x2048x128xi32>
    %reduce_sum3A_1311 = arith.constant dense<0> : vector<1xi32>
    %reduce_sum3A_1312 = vector.multi_reduction <add>, %reduce_sum3A_1310, %reduce_sum3A_1311 [1, 2] : vector<1x2048x128xi32> to vector<1xi32>
    %reduce_sum3A_1313 = vector.shape_cast %reduce_sum3A_1312 : vector<1xi32> to vector<1x1x1xi32>
    %reduce_sum3A_1314 = vector.extract %reduce_sum3A_1313[0, 0, 0] : i32 from vector<1x1x1xi32>
    %add3A_1315 = arith.addi %add3A_1306, %reduce_sum3A_1314 : i32
    %lt3A_1316 = vector.broadcast %add3A_1213 : i32 to vector<2048x128xi32>
    %lt3A_1317 = arith.cmpi slt, %bitcast_convert_type3A_951, %lt3A_1316 : vector<2048x128xi32>
    %convert_element_type3A_1318 = arith.extui %lt3A_1317 : vector<2048x128xi1> to vector<2048x128xi32>
    %reduce_sum3A_1319 = vector.shape_cast %convert_element_type3A_1318 : vector<2048x128xi32> to vector<1x2048x128xi32>
    %reduce_sum3A_1320 = arith.constant dense<0> : vector<1xi32>
    %reduce_sum3A_1321 = vector.multi_reduction <add>, %reduce_sum3A_1319, %reduce_sum3A_1320 [1, 2] : vector<1x2048x128xi32> to vector<1xi32>
    %reduce_sum3A_1322 = vector.shape_cast %reduce_sum3A_1321 : vector<1xi32> to vector<1x1x1xi32>
    %reduce_sum3A_1323 = vector.extract %reduce_sum3A_1322[0, 0, 0] : i32 from vector<1x1x1xi32>
    %add3A_1324 = arith.addi %add3A_1315, %reduce_sum3A_1323 : i32
    %ge3A_1325 = arith.constant 734003 : i32
    %ge3A_1326 = arith.cmpi sge, %add3A_1250, %ge3A_1325 : i32
    %ge3A_1327 = arith.constant 734003 : i32
    %ge3A_1328 = arith.cmpi sge, %add3A_1287, %ge3A_1327 : i32
    %ge3A_1329 = arith.constant 734003 : i32
    %ge3A_1330 = arith.cmpi sge, %add3A_1324, %ge3A_1329 : i32
    %select_n3A_1331 = arith.select %ge3A_1330, %add3A_1211, %add3A_1213 : i32
    %select_n3A_1332 = arith.select %ge3A_1328, %add3A_1209, %select_n3A_1331 : i32
    %select_n3A_1333 = arith.select %ge3A_1326, %select_n3A_1207, %select_n3A_1332 : i32
    %add3A_1334 = arith.constant 4194304 : i32
    %add3A_1335 = arith.addi %select_n3A_1333, %add3A_1334 : i32
    %add3A_1336 = arith.constant 8388608 : i32
    %add3A_1337 = arith.addi %select_n3A_1333, %add3A_1336 : i32
    %add3A_1338 = arith.constant 12582912 : i32
    %add3A_1339 = arith.addi %select_n3A_1333, %add3A_1338 : i32
    %lt3A_1340 = vector.broadcast %add3A_1335 : i32 to vector<2048x128xi32>
    %lt3A_1341 = arith.cmpi slt, %bitcast_convert_type3A_741, %lt3A_1340 : vector<2048x128xi32>
    %convert_element_type3A_1342 = arith.extui %lt3A_1341 : vector<2048x128xi1> to vector<2048x128xi32>
    %reduce_sum3A_1343 = vector.shape_cast %convert_element_type3A_1342 : vector<2048x128xi32> to vector<1x2048x128xi32>
    %reduce_sum3A_1344 = arith.constant dense<0> : vector<1xi32>
    %reduce_sum3A_1345 = vector.multi_reduction <add>, %reduce_sum3A_1343, %reduce_sum3A_1344 [1, 2] : vector<1x2048x128xi32> to vector<1xi32>
    %reduce_sum3A_1346 = vector.shape_cast %reduce_sum3A_1345 : vector<1xi32> to vector<1x1x1xi32>
    %reduce_sum3A_1347 = vector.extract %reduce_sum3A_1346[0, 0, 0] : i32 from vector<1x1x1xi32>
    %add3A_1348 = arith.constant 0 : i32
    %add3A_1349 = arith.addi %add3A_1348, %reduce_sum3A_1347 : i32
    %lt3A_1350 = vector.broadcast %add3A_1335 : i32 to vector<2048x128xi32>
    %lt3A_1351 = arith.cmpi slt, %bitcast_convert_type3A_811, %lt3A_1350 : vector<2048x128xi32>
    %convert_element_type3A_1352 = arith.extui %lt3A_1351 : vector<2048x128xi1> to vector<2048x128xi32>
    %reduce_sum3A_1353 = vector.shape_cast %convert_element_type3A_1352 : vector<2048x128xi32> to vector<1x2048x128xi32>
    %reduce_sum3A_1354 = arith.constant dense<0> : vector<1xi32>
    %reduce_sum3A_1355 = vector.multi_reduction <add>, %reduce_sum3A_1353, %reduce_sum3A_1354 [1, 2] : vector<1x2048x128xi32> to vector<1xi32>
    %reduce_sum3A_1356 = vector.shape_cast %reduce_sum3A_1355 : vector<1xi32> to vector<1x1x1xi32>
    %reduce_sum3A_1357 = vector.extract %reduce_sum3A_1356[0, 0, 0] : i32 from vector<1x1x1xi32>
    %add3A_1358 = arith.addi %add3A_1349, %reduce_sum3A_1357 : i32
    %lt3A_1359 = vector.broadcast %add3A_1335 : i32 to vector<2048x128xi32>
    %lt3A_1360 = arith.cmpi slt, %bitcast_convert_type3A_881, %lt3A_1359 : vector<2048x128xi32>
    %convert_element_type3A_1361 = arith.extui %lt3A_1360 : vector<2048x128xi1> to vector<2048x128xi32>
    %reduce_sum3A_1362 = vector.shape_cast %convert_element_type3A_1361 : vector<2048x128xi32> to vector<1x2048x128xi32>
    %reduce_sum3A_1363 = arith.constant dense<0> : vector<1xi32>
    %reduce_sum3A_1364 = vector.multi_reduction <add>, %reduce_sum3A_1362, %reduce_sum3A_1363 [1, 2] : vector<1x2048x128xi32> to vector<1xi32>
    %reduce_sum3A_1365 = vector.shape_cast %reduce_sum3A_1364 : vector<1xi32> to vector<1x1x1xi32>
    %reduce_sum3A_1366 = vector.extract %reduce_sum3A_1365[0, 0, 0] : i32 from vector<1x1x1xi32>
    %add3A_1367 = arith.addi %add3A_1358, %reduce_sum3A_1366 : i32
    %lt3A_1368 = vector.broadcast %add3A_1335 : i32 to vector<2048x128xi32>
    %lt3A_1369 = arith.cmpi slt, %bitcast_convert_type3A_951, %lt3A_1368 : vector<2048x128xi32>
    %convert_element_type3A_1370 = arith.extui %lt3A_1369 : vector<2048x128xi1> to vector<2048x128xi32>
    %reduce_sum3A_1371 = vector.shape_cast %convert_element_type3A_1370 : vector<2048x128xi32> to vector<1x2048x128xi32>
    %reduce_sum3A_1372 = arith.constant dense<0> : vector<1xi32>
    %reduce_sum3A_1373 = vector.multi_reduction <add>, %reduce_sum3A_1371, %reduce_sum3A_1372 [1, 2] : vector<1x2048x128xi32> to vector<1xi32>
    %reduce_sum3A_1374 = vector.shape_cast %reduce_sum3A_1373 : vector<1xi32> to vector<1x1x1xi32>
    %reduce_sum3A_1375 = vector.extract %reduce_sum3A_1374[0, 0, 0] : i32 from vector<1x1x1xi32>
    %add3A_1376 = arith.addi %add3A_1367, %reduce_sum3A_1375 : i32
    %lt3A_1377 = vector.broadcast %add3A_1337 : i32 to vector<2048x128xi32>
    %lt3A_1378 = arith.cmpi slt, %bitcast_convert_type3A_741, %lt3A_1377 : vector<2048x128xi32>
    %convert_element_type3A_1379 = arith.extui %lt3A_1378 : vector<2048x128xi1> to vector<2048x128xi32>
    %reduce_sum3A_1380 = vector.shape_cast %convert_element_type3A_1379 : vector<2048x128xi32> to vector<1x2048x128xi32>
    %reduce_sum3A_1381 = arith.constant dense<0> : vector<1xi32>
    %reduce_sum3A_1382 = vector.multi_reduction <add>, %reduce_sum3A_1380, %reduce_sum3A_1381 [1, 2] : vector<1x2048x128xi32> to vector<1xi32>
    %reduce_sum3A_1383 = vector.shape_cast %reduce_sum3A_1382 : vector<1xi32> to vector<1x1x1xi32>
    %reduce_sum3A_1384 = vector.extract %reduce_sum3A_1383[0, 0, 0] : i32 from vector<1x1x1xi32>
    %add3A_1385 = arith.constant 0 : i32
    %add3A_1386 = arith.addi %add3A_1385, %reduce_sum3A_1384 : i32
    %lt3A_1387 = vector.broadcast %add3A_1337 : i32 to vector<2048x128xi32>
    %lt3A_1388 = arith.cmpi slt, %bitcast_convert_type3A_811, %lt3A_1387 : vector<2048x128xi32>
    %convert_element_type3A_1389 = arith.extui %lt3A_1388 : vector<2048x128xi1> to vector<2048x128xi32>
    %reduce_sum3A_1390 = vector.shape_cast %convert_element_type3A_1389 : vector<2048x128xi32> to vector<1x2048x128xi32>
    %reduce_sum3A_1391 = arith.constant dense<0> : vector<1xi32>
    %reduce_sum3A_1392 = vector.multi_reduction <add>, %reduce_sum3A_1390, %reduce_sum3A_1391 [1, 2] : vector<1x2048x128xi32> to vector<1xi32>
    %reduce_sum3A_1393 = vector.shape_cast %reduce_sum3A_1392 : vector<1xi32> to vector<1x1x1xi32>
    %reduce_sum3A_1394 = vector.extract %reduce_sum3A_1393[0, 0, 0] : i32 from vector<1x1x1xi32>
    %add3A_1395 = arith.addi %add3A_1386, %reduce_sum3A_1394 : i32
    %lt3A_1396 = vector.broadcast %add3A_1337 : i32 to vector<2048x128xi32>
    %lt3A_1397 = arith.cmpi slt, %bitcast_convert_type3A_881, %lt3A_1396 : vector<2048x128xi32>
    %convert_element_type3A_1398 = arith.extui %lt3A_1397 : vector<2048x128xi1> to vector<2048x128xi32>
    %reduce_sum3A_1399 = vector.shape_cast %convert_element_type3A_1398 : vector<2048x128xi32> to vector<1x2048x128xi32>
    %reduce_sum3A_1400 = arith.constant dense<0> : vector<1xi32>
    %reduce_sum3A_1401 = vector.multi_reduction <add>, %reduce_sum3A_1399, %reduce_sum3A_1400 [1, 2] : vector<1x2048x128xi32> to vector<1xi32>
    %reduce_sum3A_1402 = vector.shape_cast %reduce_sum3A_1401 : vector<1xi32> to vector<1x1x1xi32>
    %reduce_sum3A_1403 = vector.extract %reduce_sum3A_1402[0, 0, 0] : i32 from vector<1x1x1xi32>
    %add3A_1404 = arith.addi %add3A_1395, %reduce_sum3A_1403 : i32
    %lt3A_1405 = vector.broadcast %add3A_1337 : i32 to vector<2048x128xi32>
    %lt3A_1406 = arith.cmpi slt, %bitcast_convert_type3A_951, %lt3A_1405 : vector<2048x128xi32>
    %convert_element_type3A_1407 = arith.extui %lt3A_1406 : vector<2048x128xi1> to vector<2048x128xi32>
    %reduce_sum3A_1408 = vector.shape_cast %convert_element_type3A_1407 : vector<2048x128xi32> to vector<1x2048x128xi32>
    %reduce_sum3A_1409 = arith.constant dense<0> : vector<1xi32>
    %reduce_sum3A_1410 = vector.multi_reduction <add>, %reduce_sum3A_1408, %reduce_sum3A_1409 [1, 2] : vector<1x2048x128xi32> to vector<1xi32>
    %reduce_sum3A_1411 = vector.shape_cast %reduce_sum3A_1410 : vector<1xi32> to vector<1x1x1xi32>
    %reduce_sum3A_1412 = vector.extract %reduce_sum3A_1411[0, 0, 0] : i32 from vector<1x1x1xi32>
    %add3A_1413 = arith.addi %add3A_1404, %reduce_sum3A_1412 : i32
    %lt3A_1414 = vector.broadcast %add3A_1339 : i32 to vector<2048x128xi32>
    %lt3A_1415 = arith.cmpi slt, %bitcast_convert_type3A_741, %lt3A_1414 : vector<2048x128xi32>
    %convert_element_type3A_1416 = arith.extui %lt3A_1415 : vector<2048x128xi1> to vector<2048x128xi32>
    %reduce_sum3A_1417 = vector.shape_cast %convert_element_type3A_1416 : vector<2048x128xi32> to vector<1x2048x128xi32>
    %reduce_sum3A_1418 = arith.constant dense<0> : vector<1xi32>
    %reduce_sum3A_1419 = vector.multi_reduction <add>, %reduce_sum3A_1417, %reduce_sum3A_1418 [1, 2] : vector<1x2048x128xi32> to vector<1xi32>
    %reduce_sum3A_1420 = vector.shape_cast %reduce_sum3A_1419 : vector<1xi32> to vector<1x1x1xi32>
    %reduce_sum3A_1421 = vector.extract %reduce_sum3A_1420[0, 0, 0] : i32 from vector<1x1x1xi32>
    %add3A_1422 = arith.constant 0 : i32
    %add3A_1423 = arith.addi %add3A_1422, %reduce_sum3A_1421 : i32
    %lt3A_1424 = vector.broadcast %add3A_1339 : i32 to vector<2048x128xi32>
    %lt3A_1425 = arith.cmpi slt, %bitcast_convert_type3A_811, %lt3A_1424 : vector<2048x128xi32>
    %convert_element_type3A_1426 = arith.extui %lt3A_1425 : vector<2048x128xi1> to vector<2048x128xi32>
    %reduce_sum3A_1427 = vector.shape_cast %convert_element_type3A_1426 : vector<2048x128xi32> to vector<1x2048x128xi32>
    %reduce_sum3A_1428 = arith.constant dense<0> : vector<1xi32>
    %reduce_sum3A_1429 = vector.multi_reduction <add>, %reduce_sum3A_1427, %reduce_sum3A_1428 [1, 2] : vector<1x2048x128xi32> to vector<1xi32>
    %reduce_sum3A_1430 = vector.shape_cast %reduce_sum3A_1429 : vector<1xi32> to vector<1x1x1xi32>
    %reduce_sum3A_1431 = vector.extract %reduce_sum3A_1430[0, 0, 0] : i32 from vector<1x1x1xi32>
    %add3A_1432 = arith.addi %add3A_1423, %reduce_sum3A_1431 : i32
    %lt3A_1433 = vector.broadcast %add3A_1339 : i32 to vector<2048x128xi32>
    %lt3A_1434 = arith.cmpi slt, %bitcast_convert_type3A_881, %lt3A_1433 : vector<2048x128xi32>
    %convert_element_type3A_1435 = arith.extui %lt3A_1434 : vector<2048x128xi1> to vector<2048x128xi32>
    %reduce_sum3A_1436 = vector.shape_cast %convert_element_type3A_1435 : vector<2048x128xi32> to vector<1x2048x128xi32>
    %reduce_sum3A_1437 = arith.constant dense<0> : vector<1xi32>
    %reduce_sum3A_1438 = vector.multi_reduction <add>, %reduce_sum3A_1436, %reduce_sum3A_1437 [1, 2] : vector<1x2048x128xi32> to vector<1xi32>
    %reduce_sum3A_1439 = vector.shape_cast %reduce_sum3A_1438 : vector<1xi32> to vector<1x1x1xi32>
    %reduce_sum3A_1440 = vector.extract %reduce_sum3A_1439[0, 0, 0] : i32 from vector<1x1x1xi32>
    %add3A_1441 = arith.addi %add3A_1432, %reduce_sum3A_1440 : i32
    %lt3A_1442 = vector.broadcast %add3A_1339 : i32 to vector<2048x128xi32>
    %lt3A_1443 = arith.cmpi slt, %bitcast_convert_type3A_951, %lt3A_1442 : vector<2048x128xi32>
    %convert_element_type3A_1444 = arith.extui %lt3A_1443 : vector<2048x128xi1> to vector<2048x128xi32>
    %reduce_sum3A_1445 = vector.shape_cast %convert_element_type3A_1444 : vector<2048x128xi32> to vector<1x2048x128xi32>
    %reduce_sum3A_1446 = arith.constant dense<0> : vector<1xi32>
    %reduce_sum3A_1447 = vector.multi_reduction <add>, %reduce_sum3A_1445, %reduce_sum3A_1446 [1, 2] : vector<1x2048x128xi32> to vector<1xi32>
    %reduce_sum3A_1448 = vector.shape_cast %reduce_sum3A_1447 : vector<1xi32> to vector<1x1x1xi32>
    %reduce_sum3A_1449 = vector.extract %reduce_sum3A_1448[0, 0, 0] : i32 from vector<1x1x1xi32>
    %add3A_1450 = arith.addi %add3A_1441, %reduce_sum3A_1449 : i32
    %ge3A_1451 = arith.constant 734003 : i32
    %ge3A_1452 = arith.cmpi sge, %add3A_1376, %ge3A_1451 : i32
    %ge3A_1453 = arith.constant 734003 : i32
    %ge3A_1454 = arith.cmpi sge, %add3A_1413, %ge3A_1453 : i32
    %ge3A_1455 = arith.constant 734003 : i32
    %ge3A_1456 = arith.cmpi sge, %add3A_1450, %ge3A_1455 : i32
    %select_n3A_1457 = arith.select %ge3A_1456, %add3A_1337, %add3A_1339 : i32
    %select_n3A_1458 = arith.select %ge3A_1454, %add3A_1335, %select_n3A_1457 : i32
    %select_n3A_1459 = arith.select %ge3A_1452, %select_n3A_1333, %select_n3A_1458 : i32
    %add3A_1460 = arith.constant 1048576 : i32
    %add3A_1461 = arith.addi %select_n3A_1459, %add3A_1460 : i32
    %add3A_1462 = arith.constant 2097152 : i32
    %add3A_1463 = arith.addi %select_n3A_1459, %add3A_1462 : i32
    %add3A_1464 = arith.constant 3145728 : i32
    %add3A_1465 = arith.addi %select_n3A_1459, %add3A_1464 : i32
    %lt3A_1466 = vector.broadcast %add3A_1461 : i32 to vector<2048x128xi32>
    %lt3A_1467 = arith.cmpi slt, %bitcast_convert_type3A_741, %lt3A_1466 : vector<2048x128xi32>
    %convert_element_type3A_1468 = arith.extui %lt3A_1467 : vector<2048x128xi1> to vector<2048x128xi32>
    %reduce_sum3A_1469 = vector.shape_cast %convert_element_type3A_1468 : vector<2048x128xi32> to vector<1x2048x128xi32>
    %reduce_sum3A_1470 = arith.constant dense<0> : vector<1xi32>
    %reduce_sum3A_1471 = vector.multi_reduction <add>, %reduce_sum3A_1469, %reduce_sum3A_1470 [1, 2] : vector<1x2048x128xi32> to vector<1xi32>
    %reduce_sum3A_1472 = vector.shape_cast %reduce_sum3A_1471 : vector<1xi32> to vector<1x1x1xi32>
    %reduce_sum3A_1473 = vector.extract %reduce_sum3A_1472[0, 0, 0] : i32 from vector<1x1x1xi32>
    %add3A_1474 = arith.constant 0 : i32
    %add3A_1475 = arith.addi %add3A_1474, %reduce_sum3A_1473 : i32
    %lt3A_1476 = vector.broadcast %add3A_1461 : i32 to vector<2048x128xi32>
    %lt3A_1477 = arith.cmpi slt, %bitcast_convert_type3A_811, %lt3A_1476 : vector<2048x128xi32>
    %convert_element_type3A_1478 = arith.extui %lt3A_1477 : vector<2048x128xi1> to vector<2048x128xi32>
    %reduce_sum3A_1479 = vector.shape_cast %convert_element_type3A_1478 : vector<2048x128xi32> to vector<1x2048x128xi32>
    %reduce_sum3A_1480 = arith.constant dense<0> : vector<1xi32>
    %reduce_sum3A_1481 = vector.multi_reduction <add>, %reduce_sum3A_1479, %reduce_sum3A_1480 [1, 2] : vector<1x2048x128xi32> to vector<1xi32>
    %reduce_sum3A_1482 = vector.shape_cast %reduce_sum3A_1481 : vector<1xi32> to vector<1x1x1xi32>
    %reduce_sum3A_1483 = vector.extract %reduce_sum3A_1482[0, 0, 0] : i32 from vector<1x1x1xi32>
    %add3A_1484 = arith.addi %add3A_1475, %reduce_sum3A_1483 : i32
    %lt3A_1485 = vector.broadcast %add3A_1461 : i32 to vector<2048x128xi32>
    %lt3A_1486 = arith.cmpi slt, %bitcast_convert_type3A_881, %lt3A_1485 : vector<2048x128xi32>
    %convert_element_type3A_1487 = arith.extui %lt3A_1486 : vector<2048x128xi1> to vector<2048x128xi32>
    %reduce_sum3A_1488 = vector.shape_cast %convert_element_type3A_1487 : vector<2048x128xi32> to vector<1x2048x128xi32>
    %reduce_sum3A_1489 = arith.constant dense<0> : vector<1xi32>
    %reduce_sum3A_1490 = vector.multi_reduction <add>, %reduce_sum3A_1488, %reduce_sum3A_1489 [1, 2] : vector<1x2048x128xi32> to vector<1xi32>
    %reduce_sum3A_1491 = vector.shape_cast %reduce_sum3A_1490 : vector<1xi32> to vector<1x1x1xi32>
    %reduce_sum3A_1492 = vector.extract %reduce_sum3A_1491[0, 0, 0] : i32 from vector<1x1x1xi32>
    %add3A_1493 = arith.addi %add3A_1484, %reduce_sum3A_1492 : i32
    %lt3A_1494 = vector.broadcast %add3A_1461 : i32 to vector<2048x128xi32>
    %lt3A_1495 = arith.cmpi slt, %bitcast_convert_type3A_951, %lt3A_1494 : vector<2048x128xi32>
    %convert_element_type3A_1496 = arith.extui %lt3A_1495 : vector<2048x128xi1> to vector<2048x128xi32>
    %reduce_sum3A_1497 = vector.shape_cast %convert_element_type3A_1496 : vector<2048x128xi32> to vector<1x2048x128xi32>
    %reduce_sum3A_1498 = arith.constant dense<0> : vector<1xi32>
    %reduce_sum3A_1499 = vector.multi_reduction <add>, %reduce_sum3A_1497, %reduce_sum3A_1498 [1, 2] : vector<1x2048x128xi32> to vector<1xi32>
    %reduce_sum3A_1500 = vector.shape_cast %reduce_sum3A_1499 : vector<1xi32> to vector<1x1x1xi32>
    %reduce_sum3A_1501 = vector.extract %reduce_sum3A_1500[0, 0, 0] : i32 from vector<1x1x1xi32>
    %add3A_1502 = arith.addi %add3A_1493, %reduce_sum3A_1501 : i32
    %lt3A_1503 = vector.broadcast %add3A_1463 : i32 to vector<2048x128xi32>
    %lt3A_1504 = arith.cmpi slt, %bitcast_convert_type3A_741, %lt3A_1503 : vector<2048x128xi32>
    %convert_element_type3A_1505 = arith.extui %lt3A_1504 : vector<2048x128xi1> to vector<2048x128xi32>
    %reduce_sum3A_1506 = vector.shape_cast %convert_element_type3A_1505 : vector<2048x128xi32> to vector<1x2048x128xi32>
    %reduce_sum3A_1507 = arith.constant dense<0> : vector<1xi32>
    %reduce_sum3A_1508 = vector.multi_reduction <add>, %reduce_sum3A_1506, %reduce_sum3A_1507 [1, 2] : vector<1x2048x128xi32> to vector<1xi32>
    %reduce_sum3A_1509 = vector.shape_cast %reduce_sum3A_1508 : vector<1xi32> to vector<1x1x1xi32>
    %reduce_sum3A_1510 = vector.extract %reduce_sum3A_1509[0, 0, 0] : i32 from vector<1x1x1xi32>
    %add3A_1511 = arith.constant 0 : i32
    %add3A_1512 = arith.addi %add3A_1511, %reduce_sum3A_1510 : i32
    %lt3A_1513 = vector.broadcast %add3A_1463 : i32 to vector<2048x128xi32>
    %lt3A_1514 = arith.cmpi slt, %bitcast_convert_type3A_811, %lt3A_1513 : vector<2048x128xi32>
    %convert_element_type3A_1515 = arith.extui %lt3A_1514 : vector<2048x128xi1> to vector<2048x128xi32>
    %reduce_sum3A_1516 = vector.shape_cast %convert_element_type3A_1515 : vector<2048x128xi32> to vector<1x2048x128xi32>
    %reduce_sum3A_1517 = arith.constant dense<0> : vector<1xi32>
    %reduce_sum3A_1518 = vector.multi_reduction <add>, %reduce_sum3A_1516, %reduce_sum3A_1517 [1, 2] : vector<1x2048x128xi32> to vector<1xi32>
    %reduce_sum3A_1519 = vector.shape_cast %reduce_sum3A_1518 : vector<1xi32> to vector<1x1x1xi32>
    %reduce_sum3A_1520 = vector.extract %reduce_sum3A_1519[0, 0, 0] : i32 from vector<1x1x1xi32>
    %add3A_1521 = arith.addi %add3A_1512, %reduce_sum3A_1520 : i32
    %lt3A_1522 = vector.broadcast %add3A_1463 : i32 to vector<2048x128xi32>
    %lt3A_1523 = arith.cmpi slt, %bitcast_convert_type3A_881, %lt3A_1522 : vector<2048x128xi32>
    %convert_element_type3A_1524 = arith.extui %lt3A_1523 : vector<2048x128xi1> to vector<2048x128xi32>
    %reduce_sum3A_1525 = vector.shape_cast %convert_element_type3A_1524 : vector<2048x128xi32> to vector<1x2048x128xi32>
    %reduce_sum3A_1526 = arith.constant dense<0> : vector<1xi32>
    %reduce_sum3A_1527 = vector.multi_reduction <add>, %reduce_sum3A_1525, %reduce_sum3A_1526 [1, 2] : vector<1x2048x128xi32> to vector<1xi32>
    %reduce_sum3A_1528 = vector.shape_cast %reduce_sum3A_1527 : vector<1xi32> to vector<1x1x1xi32>
    %reduce_sum3A_1529 = vector.extract %reduce_sum3A_1528[0, 0, 0] : i32 from vector<1x1x1xi32>
    %add3A_1530 = arith.addi %add3A_1521, %reduce_sum3A_1529 : i32
    %lt3A_1531 = vector.broadcast %add3A_1463 : i32 to vector<2048x128xi32>
    %lt3A_1532 = arith.cmpi slt, %bitcast_convert_type3A_951, %lt3A_1531 : vector<2048x128xi32>
    %convert_element_type3A_1533 = arith.extui %lt3A_1532 : vector<2048x128xi1> to vector<2048x128xi32>
    %reduce_sum3A_1534 = vector.shape_cast %convert_element_type3A_1533 : vector<2048x128xi32> to vector<1x2048x128xi32>
    %reduce_sum3A_1535 = arith.constant dense<0> : vector<1xi32>
    %reduce_sum3A_1536 = vector.multi_reduction <add>, %reduce_sum3A_1534, %reduce_sum3A_1535 [1, 2] : vector<1x2048x128xi32> to vector<1xi32>
    %reduce_sum3A_1537 = vector.shape_cast %reduce_sum3A_1536 : vector<1xi32> to vector<1x1x1xi32>
    %reduce_sum3A_1538 = vector.extract %reduce_sum3A_1537[0, 0, 0] : i32 from vector<1x1x1xi32>
    %add3A_1539 = arith.addi %add3A_1530, %reduce_sum3A_1538 : i32
    %lt3A_1540 = vector.broadcast %add3A_1465 : i32 to vector<2048x128xi32>
    %lt3A_1541 = arith.cmpi slt, %bitcast_convert_type3A_741, %lt3A_1540 : vector<2048x128xi32>
    %convert_element_type3A_1542 = arith.extui %lt3A_1541 : vector<2048x128xi1> to vector<2048x128xi32>
    %reduce_sum3A_1543 = vector.shape_cast %convert_element_type3A_1542 : vector<2048x128xi32> to vector<1x2048x128xi32>
    %reduce_sum3A_1544 = arith.constant dense<0> : vector<1xi32>
    %reduce_sum3A_1545 = vector.multi_reduction <add>, %reduce_sum3A_1543, %reduce_sum3A_1544 [1, 2] : vector<1x2048x128xi32> to vector<1xi32>
    %reduce_sum3A_1546 = vector.shape_cast %reduce_sum3A_1545 : vector<1xi32> to vector<1x1x1xi32>
    %reduce_sum3A_1547 = vector.extract %reduce_sum3A_1546[0, 0, 0] : i32 from vector<1x1x1xi32>
    %add3A_1548 = arith.constant 0 : i32
    %add3A_1549 = arith.addi %add3A_1548, %reduce_sum3A_1547 : i32
    %lt3A_1550 = vector.broadcast %add3A_1465 : i32 to vector<2048x128xi32>
    %lt3A_1551 = arith.cmpi slt, %bitcast_convert_type3A_811, %lt3A_1550 : vector<2048x128xi32>
    %convert_element_type3A_1552 = arith.extui %lt3A_1551 : vector<2048x128xi1> to vector<2048x128xi32>
    %reduce_sum3A_1553 = vector.shape_cast %convert_element_type3A_1552 : vector<2048x128xi32> to vector<1x2048x128xi32>
    %reduce_sum3A_1554 = arith.constant dense<0> : vector<1xi32>
    %reduce_sum3A_1555 = vector.multi_reduction <add>, %reduce_sum3A_1553, %reduce_sum3A_1554 [1, 2] : vector<1x2048x128xi32> to vector<1xi32>
    %reduce_sum3A_1556 = vector.shape_cast %reduce_sum3A_1555 : vector<1xi32> to vector<1x1x1xi32>
    %reduce_sum3A_1557 = vector.extract %reduce_sum3A_1556[0, 0, 0] : i32 from vector<1x1x1xi32>
    %add3A_1558 = arith.addi %add3A_1549, %reduce_sum3A_1557 : i32
    %lt3A_1559 = vector.broadcast %add3A_1465 : i32 to vector<2048x128xi32>
    %lt3A_1560 = arith.cmpi slt, %bitcast_convert_type3A_881, %lt3A_1559 : vector<2048x128xi32>
    %convert_element_type3A_1561 = arith.extui %lt3A_1560 : vector<2048x128xi1> to vector<2048x128xi32>
    %reduce_sum3A_1562 = vector.shape_cast %convert_element_type3A_1561 : vector<2048x128xi32> to vector<1x2048x128xi32>
    %reduce_sum3A_1563 = arith.constant dense<0> : vector<1xi32>
    %reduce_sum3A_1564 = vector.multi_reduction <add>, %reduce_sum3A_1562, %reduce_sum3A_1563 [1, 2] : vector<1x2048x128xi32> to vector<1xi32>
    %reduce_sum3A_1565 = vector.shape_cast %reduce_sum3A_1564 : vector<1xi32> to vector<1x1x1xi32>
    %reduce_sum3A_1566 = vector.extract %reduce_sum3A_1565[0, 0, 0] : i32 from vector<1x1x1xi32>
    %add3A_1567 = arith.addi %add3A_1558, %reduce_sum3A_1566 : i32
    %lt3A_1568 = vector.broadcast %add3A_1465 : i32 to vector<2048x128xi32>
    %lt3A_1569 = arith.cmpi slt, %bitcast_convert_type3A_951, %lt3A_1568 : vector<2048x128xi32>
    %convert_element_type3A_1570 = arith.extui %lt3A_1569 : vector<2048x128xi1> to vector<2048x128xi32>
    %reduce_sum3A_1571 = vector.shape_cast %convert_element_type3A_1570 : vector<2048x128xi32> to vector<1x2048x128xi32>
    %reduce_sum3A_1572 = arith.constant dense<0> : vector<1xi32>
    %reduce_sum3A_1573 = vector.multi_reduction <add>, %reduce_sum3A_1571, %reduce_sum3A_1572 [1, 2] : vector<1x2048x128xi32> to vector<1xi32>
    %reduce_sum3A_1574 = vector.shape_cast %reduce_sum3A_1573 : vector<1xi32> to vector<1x1x1xi32>
    %reduce_sum3A_1575 = vector.extract %reduce_sum3A_1574[0, 0, 0] : i32 from vector<1x1x1xi32>
    %add3A_1576 = arith.addi %add3A_1567, %reduce_sum3A_1575 : i32
    %ge3A_1577 = arith.constant 734003 : i32
    %ge3A_1578 = arith.cmpi sge, %add3A_1502, %ge3A_1577 : i32
    %ge3A_1579 = arith.constant 734003 : i32
    %ge3A_1580 = arith.cmpi sge, %add3A_1539, %ge3A_1579 : i32
    %ge3A_1581 = arith.constant 734003 : i32
    %ge3A_1582 = arith.cmpi sge, %add3A_1576, %ge3A_1581 : i32
    %select_n3A_1583 = arith.select %ge3A_1582, %add3A_1463, %add3A_1465 : i32
    %select_n3A_1584 = arith.select %ge3A_1580, %add3A_1461, %select_n3A_1583 : i32
    %select_n3A_1585 = arith.select %ge3A_1578, %select_n3A_1459, %select_n3A_1584 : i32
    %add3A_1586 = arith.constant 262144 : i32
    %add3A_1587 = arith.addi %select_n3A_1585, %add3A_1586 : i32
    %add3A_1588 = arith.constant 524288 : i32
    %add3A_1589 = arith.addi %select_n3A_1585, %add3A_1588 : i32
    %add3A_1590 = arith.constant 786432 : i32
    %add3A_1591 = arith.addi %select_n3A_1585, %add3A_1590 : i32
    %lt3A_1592 = vector.broadcast %add3A_1587 : i32 to vector<2048x128xi32>
    %lt3A_1593 = arith.cmpi slt, %bitcast_convert_type3A_741, %lt3A_1592 : vector<2048x128xi32>
    %convert_element_type3A_1594 = arith.extui %lt3A_1593 : vector<2048x128xi1> to vector<2048x128xi32>
    %reduce_sum3A_1595 = vector.shape_cast %convert_element_type3A_1594 : vector<2048x128xi32> to vector<1x2048x128xi32>
    %reduce_sum3A_1596 = arith.constant dense<0> : vector<1xi32>
    %reduce_sum3A_1597 = vector.multi_reduction <add>, %reduce_sum3A_1595, %reduce_sum3A_1596 [1, 2] : vector<1x2048x128xi32> to vector<1xi32>
    %reduce_sum3A_1598 = vector.shape_cast %reduce_sum3A_1597 : vector<1xi32> to vector<1x1x1xi32>
    %reduce_sum3A_1599 = vector.extract %reduce_sum3A_1598[0, 0, 0] : i32 from vector<1x1x1xi32>
    %add3A_1600 = arith.constant 0 : i32
    %add3A_1601 = arith.addi %add3A_1600, %reduce_sum3A_1599 : i32
    %lt3A_1602 = vector.broadcast %add3A_1587 : i32 to vector<2048x128xi32>
    %lt3A_1603 = arith.cmpi slt, %bitcast_convert_type3A_811, %lt3A_1602 : vector<2048x128xi32>
    %convert_element_type3A_1604 = arith.extui %lt3A_1603 : vector<2048x128xi1> to vector<2048x128xi32>
    %reduce_sum3A_1605 = vector.shape_cast %convert_element_type3A_1604 : vector<2048x128xi32> to vector<1x2048x128xi32>
    %reduce_sum3A_1606 = arith.constant dense<0> : vector<1xi32>
    %reduce_sum3A_1607 = vector.multi_reduction <add>, %reduce_sum3A_1605, %reduce_sum3A_1606 [1, 2] : vector<1x2048x128xi32> to vector<1xi32>
    %reduce_sum3A_1608 = vector.shape_cast %reduce_sum3A_1607 : vector<1xi32> to vector<1x1x1xi32>
    %reduce_sum3A_1609 = vector.extract %reduce_sum3A_1608[0, 0, 0] : i32 from vector<1x1x1xi32>
    %add3A_1610 = arith.addi %add3A_1601, %reduce_sum3A_1609 : i32
    %lt3A_1611 = vector.broadcast %add3A_1587 : i32 to vector<2048x128xi32>
    %lt3A_1612 = arith.cmpi slt, %bitcast_convert_type3A_881, %lt3A_1611 : vector<2048x128xi32>
    %convert_element_type3A_1613 = arith.extui %lt3A_1612 : vector<2048x128xi1> to vector<2048x128xi32>
    %reduce_sum3A_1614 = vector.shape_cast %convert_element_type3A_1613 : vector<2048x128xi32> to vector<1x2048x128xi32>
    %reduce_sum3A_1615 = arith.constant dense<0> : vector<1xi32>
    %reduce_sum3A_1616 = vector.multi_reduction <add>, %reduce_sum3A_1614, %reduce_sum3A_1615 [1, 2] : vector<1x2048x128xi32> to vector<1xi32>
    %reduce_sum3A_1617 = vector.shape_cast %reduce_sum3A_1616 : vector<1xi32> to vector<1x1x1xi32>
    %reduce_sum3A_1618 = vector.extract %reduce_sum3A_1617[0, 0, 0] : i32 from vector<1x1x1xi32>
    %add3A_1619 = arith.addi %add3A_1610, %reduce_sum3A_1618 : i32
    %lt3A_1620 = vector.broadcast %add3A_1587 : i32 to vector<2048x128xi32>
    %lt3A_1621 = arith.cmpi slt, %bitcast_convert_type3A_951, %lt3A_1620 : vector<2048x128xi32>
    %convert_element_type3A_1622 = arith.extui %lt3A_1621 : vector<2048x128xi1> to vector<2048x128xi32>
    %reduce_sum3A_1623 = vector.shape_cast %convert_element_type3A_1622 : vector<2048x128xi32> to vector<1x2048x128xi32>
    %reduce_sum3A_1624 = arith.constant dense<0> : vector<1xi32>
    %reduce_sum3A_1625 = vector.multi_reduction <add>, %reduce_sum3A_1623, %reduce_sum3A_1624 [1, 2] : vector<1x2048x128xi32> to vector<1xi32>
    %reduce_sum3A_1626 = vector.shape_cast %reduce_sum3A_1625 : vector<1xi32> to vector<1x1x1xi32>
    %reduce_sum3A_1627 = vector.extract %reduce_sum3A_1626[0, 0, 0] : i32 from vector<1x1x1xi32>
    %add3A_1628 = arith.addi %add3A_1619, %reduce_sum3A_1627 : i32
    %lt3A_1629 = vector.broadcast %add3A_1589 : i32 to vector<2048x128xi32>
    %lt3A_1630 = arith.cmpi slt, %bitcast_convert_type3A_741, %lt3A_1629 : vector<2048x128xi32>
    %convert_element_type3A_1631 = arith.extui %lt3A_1630 : vector<2048x128xi1> to vector<2048x128xi32>
    %reduce_sum3A_1632 = vector.shape_cast %convert_element_type3A_1631 : vector<2048x128xi32> to vector<1x2048x128xi32>
    %reduce_sum3A_1633 = arith.constant dense<0> : vector<1xi32>
    %reduce_sum3A_1634 = vector.multi_reduction <add>, %reduce_sum3A_1632, %reduce_sum3A_1633 [1, 2] : vector<1x2048x128xi32> to vector<1xi32>
    %reduce_sum3A_1635 = vector.shape_cast %reduce_sum3A_1634 : vector<1xi32> to vector<1x1x1xi32>
    %reduce_sum3A_1636 = vector.extract %reduce_sum3A_1635[0, 0, 0] : i32 from vector<1x1x1xi32>
    %add3A_1637 = arith.constant 0 : i32
    %add3A_1638 = arith.addi %add3A_1637, %reduce_sum3A_1636 : i32
    %lt3A_1639 = vector.broadcast %add3A_1589 : i32 to vector<2048x128xi32>
    %lt3A_1640 = arith.cmpi slt, %bitcast_convert_type3A_811, %lt3A_1639 : vector<2048x128xi32>
    %convert_element_type3A_1641 = arith.extui %lt3A_1640 : vector<2048x128xi1> to vector<2048x128xi32>
    %reduce_sum3A_1642 = vector.shape_cast %convert_element_type3A_1641 : vector<2048x128xi32> to vector<1x2048x128xi32>
    %reduce_sum3A_1643 = arith.constant dense<0> : vector<1xi32>
    %reduce_sum3A_1644 = vector.multi_reduction <add>, %reduce_sum3A_1642, %reduce_sum3A_1643 [1, 2] : vector<1x2048x128xi32> to vector<1xi32>
    %reduce_sum3A_1645 = vector.shape_cast %reduce_sum3A_1644 : vector<1xi32> to vector<1x1x1xi32>
    %reduce_sum3A_1646 = vector.extract %reduce_sum3A_1645[0, 0, 0] : i32 from vector<1x1x1xi32>
    %add3A_1647 = arith.addi %add3A_1638, %reduce_sum3A_1646 : i32
    %lt3A_1648 = vector.broadcast %add3A_1589 : i32 to vector<2048x128xi32>
    %lt3A_1649 = arith.cmpi slt, %bitcast_convert_type3A_881, %lt3A_1648 : vector<2048x128xi32>
    %convert_element_type3A_1650 = arith.extui %lt3A_1649 : vector<2048x128xi1> to vector<2048x128xi32>
    %reduce_sum3A_1651 = vector.shape_cast %convert_element_type3A_1650 : vector<2048x128xi32> to vector<1x2048x128xi32>
    %reduce_sum3A_1652 = arith.constant dense<0> : vector<1xi32>
    %reduce_sum3A_1653 = vector.multi_reduction <add>, %reduce_sum3A_1651, %reduce_sum3A_1652 [1, 2] : vector<1x2048x128xi32> to vector<1xi32>
    %reduce_sum3A_1654 = vector.shape_cast %reduce_sum3A_1653 : vector<1xi32> to vector<1x1x1xi32>
    %reduce_sum3A_1655 = vector.extract %reduce_sum3A_1654[0, 0, 0] : i32 from vector<1x1x1xi32>
    %add3A_1656 = arith.addi %add3A_1647, %reduce_sum3A_1655 : i32
    %lt3A_1657 = vector.broadcast %add3A_1589 : i32 to vector<2048x128xi32>
    %lt3A_1658 = arith.cmpi slt, %bitcast_convert_type3A_951, %lt3A_1657 : vector<2048x128xi32>
    %convert_element_type3A_1659 = arith.extui %lt3A_1658 : vector<2048x128xi1> to vector<2048x128xi32>
    %reduce_sum3A_1660 = vector.shape_cast %convert_element_type3A_1659 : vector<2048x128xi32> to vector<1x2048x128xi32>
    %reduce_sum3A_1661 = arith.constant dense<0> : vector<1xi32>
    %reduce_sum3A_1662 = vector.multi_reduction <add>, %reduce_sum3A_1660, %reduce_sum3A_1661 [1, 2] : vector<1x2048x128xi32> to vector<1xi32>
    %reduce_sum3A_1663 = vector.shape_cast %reduce_sum3A_1662 : vector<1xi32> to vector<1x1x1xi32>
    %reduce_sum3A_1664 = vector.extract %reduce_sum3A_1663[0, 0, 0] : i32 from vector<1x1x1xi32>
    %add3A_1665 = arith.addi %add3A_1656, %reduce_sum3A_1664 : i32
    %lt3A_1666 = vector.broadcast %add3A_1591 : i32 to vector<2048x128xi32>
    %lt3A_1667 = arith.cmpi slt, %bitcast_convert_type3A_741, %lt3A_1666 : vector<2048x128xi32>
    %convert_element_type3A_1668 = arith.extui %lt3A_1667 : vector<2048x128xi1> to vector<2048x128xi32>
    %reduce_sum3A_1669 = vector.shape_cast %convert_element_type3A_1668 : vector<2048x128xi32> to vector<1x2048x128xi32>
    %reduce_sum3A_1670 = arith.constant dense<0> : vector<1xi32>
    %reduce_sum3A_1671 = vector.multi_reduction <add>, %reduce_sum3A_1669, %reduce_sum3A_1670 [1, 2] : vector<1x2048x128xi32> to vector<1xi32>
    %reduce_sum3A_1672 = vector.shape_cast %reduce_sum3A_1671 : vector<1xi32> to vector<1x1x1xi32>
    %reduce_sum3A_1673 = vector.extract %reduce_sum3A_1672[0, 0, 0] : i32 from vector<1x1x1xi32>
    %add3A_1674 = arith.constant 0 : i32
    %add3A_1675 = arith.addi %add3A_1674, %reduce_sum3A_1673 : i32
    %lt3A_1676 = vector.broadcast %add3A_1591 : i32 to vector<2048x128xi32>
    %lt3A_1677 = arith.cmpi slt, %bitcast_convert_type3A_811, %lt3A_1676 : vector<2048x128xi32>
    %convert_element_type3A_1678 = arith.extui %lt3A_1677 : vector<2048x128xi1> to vector<2048x128xi32>
    %reduce_sum3A_1679 = vector.shape_cast %convert_element_type3A_1678 : vector<2048x128xi32> to vector<1x2048x128xi32>
    %reduce_sum3A_1680 = arith.constant dense<0> : vector<1xi32>
    %reduce_sum3A_1681 = vector.multi_reduction <add>, %reduce_sum3A_1679, %reduce_sum3A_1680 [1, 2] : vector<1x2048x128xi32> to vector<1xi32>
    %reduce_sum3A_1682 = vector.shape_cast %reduce_sum3A_1681 : vector<1xi32> to vector<1x1x1xi32>
    %reduce_sum3A_1683 = vector.extract %reduce_sum3A_1682[0, 0, 0] : i32 from vector<1x1x1xi32>
    %add3A_1684 = arith.addi %add3A_1675, %reduce_sum3A_1683 : i32
    %lt3A_1685 = vector.broadcast %add3A_1591 : i32 to vector<2048x128xi32>
    %lt3A_1686 = arith.cmpi slt, %bitcast_convert_type3A_881, %lt3A_1685 : vector<2048x128xi32>
    %convert_element_type3A_1687 = arith.extui %lt3A_1686 : vector<2048x128xi1> to vector<2048x128xi32>
    %reduce_sum3A_1688 = vector.shape_cast %convert_element_type3A_1687 : vector<2048x128xi32> to vector<1x2048x128xi32>
    %reduce_sum3A_1689 = arith.constant dense<0> : vector<1xi32>
    %reduce_sum3A_1690 = vector.multi_reduction <add>, %reduce_sum3A_1688, %reduce_sum3A_1689 [1, 2] : vector<1x2048x128xi32> to vector<1xi32>
    %reduce_sum3A_1691 = vector.shape_cast %reduce_sum3A_1690 : vector<1xi32> to vector<1x1x1xi32>
    %reduce_sum3A_1692 = vector.extract %reduce_sum3A_1691[0, 0, 0] : i32 from vector<1x1x1xi32>
    %add3A_1693 = arith.addi %add3A_1684, %reduce_sum3A_1692 : i32
    %lt3A_1694 = vector.broadcast %add3A_1591 : i32 to vector<2048x128xi32>
    %lt3A_1695 = arith.cmpi slt, %bitcast_convert_type3A_951, %lt3A_1694 : vector<2048x128xi32>
    %convert_element_type3A_1696 = arith.extui %lt3A_1695 : vector<2048x128xi1> to vector<2048x128xi32>
    %reduce_sum3A_1697 = vector.shape_cast %convert_element_type3A_1696 : vector<2048x128xi32> to vector<1x2048x128xi32>
    %reduce_sum3A_1698 = arith.constant dense<0> : vector<1xi32>
    %reduce_sum3A_1699 = vector.multi_reduction <add>, %reduce_sum3A_1697, %reduce_sum3A_1698 [1, 2] : vector<1x2048x128xi32> to vector<1xi32>
    %reduce_sum3A_1700 = vector.shape_cast %reduce_sum3A_1699 : vector<1xi32> to vector<1x1x1xi32>
    %reduce_sum3A_1701 = vector.extract %reduce_sum3A_1700[0, 0, 0] : i32 from vector<1x1x1xi32>
    %add3A_1702 = arith.addi %add3A_1693, %reduce_sum3A_1701 : i32
    %ge3A_1703 = arith.constant 734003 : i32
    %ge3A_1704 = arith.cmpi sge, %add3A_1628, %ge3A_1703 : i32
    %ge3A_1705 = arith.constant 734003 : i32
    %ge3A_1706 = arith.cmpi sge, %add3A_1665, %ge3A_1705 : i32
    %ge3A_1707 = arith.constant 734003 : i32
    %ge3A_1708 = arith.cmpi sge, %add3A_1702, %ge3A_1707 : i32
    %select_n3A_1709 = arith.select %ge3A_1708, %add3A_1589, %add3A_1591 : i32
    %select_n3A_1710 = arith.select %ge3A_1706, %add3A_1587, %select_n3A_1709 : i32
    %select_n3A_1711 = arith.select %ge3A_1704, %select_n3A_1585, %select_n3A_1710 : i32
    %add3A_1712 = arith.constant 65536 : i32
    %add3A_1713 = arith.addi %select_n3A_1711, %add3A_1712 : i32
    %add3A_1714 = arith.constant 131072 : i32
    %add3A_1715 = arith.addi %select_n3A_1711, %add3A_1714 : i32
    %add3A_1716 = arith.constant 196608 : i32
    %add3A_1717 = arith.addi %select_n3A_1711, %add3A_1716 : i32
    %lt3A_1718 = vector.broadcast %add3A_1713 : i32 to vector<2048x128xi32>
    %lt3A_1719 = arith.cmpi slt, %bitcast_convert_type3A_741, %lt3A_1718 : vector<2048x128xi32>
    %convert_element_type3A_1720 = arith.extui %lt3A_1719 : vector<2048x128xi1> to vector<2048x128xi32>
    %reduce_sum3A_1721 = vector.shape_cast %convert_element_type3A_1720 : vector<2048x128xi32> to vector<1x2048x128xi32>
    %reduce_sum3A_1722 = arith.constant dense<0> : vector<1xi32>
    %reduce_sum3A_1723 = vector.multi_reduction <add>, %reduce_sum3A_1721, %reduce_sum3A_1722 [1, 2] : vector<1x2048x128xi32> to vector<1xi32>
    %reduce_sum3A_1724 = vector.shape_cast %reduce_sum3A_1723 : vector<1xi32> to vector<1x1x1xi32>
    %reduce_sum3A_1725 = vector.extract %reduce_sum3A_1724[0, 0, 0] : i32 from vector<1x1x1xi32>
    %add3A_1726 = arith.constant 0 : i32
    %add3A_1727 = arith.addi %add3A_1726, %reduce_sum3A_1725 : i32
    %lt3A_1728 = vector.broadcast %add3A_1713 : i32 to vector<2048x128xi32>
    %lt3A_1729 = arith.cmpi slt, %bitcast_convert_type3A_811, %lt3A_1728 : vector<2048x128xi32>
    %convert_element_type3A_1730 = arith.extui %lt3A_1729 : vector<2048x128xi1> to vector<2048x128xi32>
    %reduce_sum3A_1731 = vector.shape_cast %convert_element_type3A_1730 : vector<2048x128xi32> to vector<1x2048x128xi32>
    %reduce_sum3A_1732 = arith.constant dense<0> : vector<1xi32>
    %reduce_sum3A_1733 = vector.multi_reduction <add>, %reduce_sum3A_1731, %reduce_sum3A_1732 [1, 2] : vector<1x2048x128xi32> to vector<1xi32>
    %reduce_sum3A_1734 = vector.shape_cast %reduce_sum3A_1733 : vector<1xi32> to vector<1x1x1xi32>
    %reduce_sum3A_1735 = vector.extract %reduce_sum3A_1734[0, 0, 0] : i32 from vector<1x1x1xi32>
    %add3A_1736 = arith.addi %add3A_1727, %reduce_sum3A_1735 : i32
    %lt3A_1737 = vector.broadcast %add3A_1713 : i32 to vector<2048x128xi32>
    %lt3A_1738 = arith.cmpi slt, %bitcast_convert_type3A_881, %lt3A_1737 : vector<2048x128xi32>
    %convert_element_type3A_1739 = arith.extui %lt3A_1738 : vector<2048x128xi1> to vector<2048x128xi32>
    %reduce_sum3A_1740 = vector.shape_cast %convert_element_type3A_1739 : vector<2048x128xi32> to vector<1x2048x128xi32>
    %reduce_sum3A_1741 = arith.constant dense<0> : vector<1xi32>
    %reduce_sum3A_1742 = vector.multi_reduction <add>, %reduce_sum3A_1740, %reduce_sum3A_1741 [1, 2] : vector<1x2048x128xi32> to vector<1xi32>
    %reduce_sum3A_1743 = vector.shape_cast %reduce_sum3A_1742 : vector<1xi32> to vector<1x1x1xi32>
    %reduce_sum3A_1744 = vector.extract %reduce_sum3A_1743[0, 0, 0] : i32 from vector<1x1x1xi32>
    %add3A_1745 = arith.addi %add3A_1736, %reduce_sum3A_1744 : i32
    %lt3A_1746 = vector.broadcast %add3A_1713 : i32 to vector<2048x128xi32>
    %lt3A_1747 = arith.cmpi slt, %bitcast_convert_type3A_951, %lt3A_1746 : vector<2048x128xi32>
    %convert_element_type3A_1748 = arith.extui %lt3A_1747 : vector<2048x128xi1> to vector<2048x128xi32>
    %reduce_sum3A_1749 = vector.shape_cast %convert_element_type3A_1748 : vector<2048x128xi32> to vector<1x2048x128xi32>
    %reduce_sum3A_1750 = arith.constant dense<0> : vector<1xi32>
    %reduce_sum3A_1751 = vector.multi_reduction <add>, %reduce_sum3A_1749, %reduce_sum3A_1750 [1, 2] : vector<1x2048x128xi32> to vector<1xi32>
    %reduce_sum3A_1752 = vector.shape_cast %reduce_sum3A_1751 : vector<1xi32> to vector<1x1x1xi32>
    %reduce_sum3A_1753 = vector.extract %reduce_sum3A_1752[0, 0, 0] : i32 from vector<1x1x1xi32>
    %add3A_1754 = arith.addi %add3A_1745, %reduce_sum3A_1753 : i32
    %lt3A_1755 = vector.broadcast %add3A_1715 : i32 to vector<2048x128xi32>
    %lt3A_1756 = arith.cmpi slt, %bitcast_convert_type3A_741, %lt3A_1755 : vector<2048x128xi32>
    %convert_element_type3A_1757 = arith.extui %lt3A_1756 : vector<2048x128xi1> to vector<2048x128xi32>
    %reduce_sum3A_1758 = vector.shape_cast %convert_element_type3A_1757 : vector<2048x128xi32> to vector<1x2048x128xi32>
    %reduce_sum3A_1759 = arith.constant dense<0> : vector<1xi32>
    %reduce_sum3A_1760 = vector.multi_reduction <add>, %reduce_sum3A_1758, %reduce_sum3A_1759 [1, 2] : vector<1x2048x128xi32> to vector<1xi32>
    %reduce_sum3A_1761 = vector.shape_cast %reduce_sum3A_1760 : vector<1xi32> to vector<1x1x1xi32>
    %reduce_sum3A_1762 = vector.extract %reduce_sum3A_1761[0, 0, 0] : i32 from vector<1x1x1xi32>
    %add3A_1763 = arith.constant 0 : i32
    %add3A_1764 = arith.addi %add3A_1763, %reduce_sum3A_1762 : i32
    %lt3A_1765 = vector.broadcast %add3A_1715 : i32 to vector<2048x128xi32>
    %lt3A_1766 = arith.cmpi slt, %bitcast_convert_type3A_811, %lt3A_1765 : vector<2048x128xi32>
    %convert_element_type3A_1767 = arith.extui %lt3A_1766 : vector<2048x128xi1> to vector<2048x128xi32>
    %reduce_sum3A_1768 = vector.shape_cast %convert_element_type3A_1767 : vector<2048x128xi32> to vector<1x2048x128xi32>
    %reduce_sum3A_1769 = arith.constant dense<0> : vector<1xi32>
    %reduce_sum3A_1770 = vector.multi_reduction <add>, %reduce_sum3A_1768, %reduce_sum3A_1769 [1, 2] : vector<1x2048x128xi32> to vector<1xi32>
    %reduce_sum3A_1771 = vector.shape_cast %reduce_sum3A_1770 : vector<1xi32> to vector<1x1x1xi32>
    %reduce_sum3A_1772 = vector.extract %reduce_sum3A_1771[0, 0, 0] : i32 from vector<1x1x1xi32>
    %add3A_1773 = arith.addi %add3A_1764, %reduce_sum3A_1772 : i32
    %lt3A_1774 = vector.broadcast %add3A_1715 : i32 to vector<2048x128xi32>
    %lt3A_1775 = arith.cmpi slt, %bitcast_convert_type3A_881, %lt3A_1774 : vector<2048x128xi32>
    %convert_element_type3A_1776 = arith.extui %lt3A_1775 : vector<2048x128xi1> to vector<2048x128xi32>
    %reduce_sum3A_1777 = vector.shape_cast %convert_element_type3A_1776 : vector<2048x128xi32> to vector<1x2048x128xi32>
    %reduce_sum3A_1778 = arith.constant dense<0> : vector<1xi32>
    %reduce_sum3A_1779 = vector.multi_reduction <add>, %reduce_sum3A_1777, %reduce_sum3A_1778 [1, 2] : vector<1x2048x128xi32> to vector<1xi32>
    %reduce_sum3A_1780 = vector.shape_cast %reduce_sum3A_1779 : vector<1xi32> to vector<1x1x1xi32>
    %reduce_sum3A_1781 = vector.extract %reduce_sum3A_1780[0, 0, 0] : i32 from vector<1x1x1xi32>
    %add3A_1782 = arith.addi %add3A_1773, %reduce_sum3A_1781 : i32
    %lt3A_1783 = vector.broadcast %add3A_1715 : i32 to vector<2048x128xi32>
    %lt3A_1784 = arith.cmpi slt, %bitcast_convert_type3A_951, %lt3A_1783 : vector<2048x128xi32>
    %convert_element_type3A_1785 = arith.extui %lt3A_1784 : vector<2048x128xi1> to vector<2048x128xi32>
    %reduce_sum3A_1786 = vector.shape_cast %convert_element_type3A_1785 : vector<2048x128xi32> to vector<1x2048x128xi32>
    %reduce_sum3A_1787 = arith.constant dense<0> : vector<1xi32>
    %reduce_sum3A_1788 = vector.multi_reduction <add>, %reduce_sum3A_1786, %reduce_sum3A_1787 [1, 2] : vector<1x2048x128xi32> to vector<1xi32>
    %reduce_sum3A_1789 = vector.shape_cast %reduce_sum3A_1788 : vector<1xi32> to vector<1x1x1xi32>
    %reduce_sum3A_1790 = vector.extract %reduce_sum3A_1789[0, 0, 0] : i32 from vector<1x1x1xi32>
    %add3A_1791 = arith.addi %add3A_1782, %reduce_sum3A_1790 : i32
    %lt3A_1792 = vector.broadcast %add3A_1717 : i32 to vector<2048x128xi32>
    %lt3A_1793 = arith.cmpi slt, %bitcast_convert_type3A_741, %lt3A_1792 : vector<2048x128xi32>
    %convert_element_type3A_1794 = arith.extui %lt3A_1793 : vector<2048x128xi1> to vector<2048x128xi32>
    %reduce_sum3A_1795 = vector.shape_cast %convert_element_type3A_1794 : vector<2048x128xi32> to vector<1x2048x128xi32>
    %reduce_sum3A_1796 = arith.constant dense<0> : vector<1xi32>
    %reduce_sum3A_1797 = vector.multi_reduction <add>, %reduce_sum3A_1795, %reduce_sum3A_1796 [1, 2] : vector<1x2048x128xi32> to vector<1xi32>
    %reduce_sum3A_1798 = vector.shape_cast %reduce_sum3A_1797 : vector<1xi32> to vector<1x1x1xi32>
    %reduce_sum3A_1799 = vector.extract %reduce_sum3A_1798[0, 0, 0] : i32 from vector<1x1x1xi32>
    %add3A_1800 = arith.constant 0 : i32
    %add3A_1801 = arith.addi %add3A_1800, %reduce_sum3A_1799 : i32
    %lt3A_1802 = vector.broadcast %add3A_1717 : i32 to vector<2048x128xi32>
    %lt3A_1803 = arith.cmpi slt, %bitcast_convert_type3A_811, %lt3A_1802 : vector<2048x128xi32>
    %convert_element_type3A_1804 = arith.extui %lt3A_1803 : vector<2048x128xi1> to vector<2048x128xi32>
    %reduce_sum3A_1805 = vector.shape_cast %convert_element_type3A_1804 : vector<2048x128xi32> to vector<1x2048x128xi32>
    %reduce_sum3A_1806 = arith.constant dense<0> : vector<1xi32>
    %reduce_sum3A_1807 = vector.multi_reduction <add>, %reduce_sum3A_1805, %reduce_sum3A_1806 [1, 2] : vector<1x2048x128xi32> to vector<1xi32>
    %reduce_sum3A_1808 = vector.shape_cast %reduce_sum3A_1807 : vector<1xi32> to vector<1x1x1xi32>
    %reduce_sum3A_1809 = vector.extract %reduce_sum3A_1808[0, 0, 0] : i32 from vector<1x1x1xi32>
    %add3A_1810 = arith.addi %add3A_1801, %reduce_sum3A_1809 : i32
    %lt3A_1811 = vector.broadcast %add3A_1717 : i32 to vector<2048x128xi32>
    %lt3A_1812 = arith.cmpi slt, %bitcast_convert_type3A_881, %lt3A_1811 : vector<2048x128xi32>
    %convert_element_type3A_1813 = arith.extui %lt3A_1812 : vector<2048x128xi1> to vector<2048x128xi32>
    %reduce_sum3A_1814 = vector.shape_cast %convert_element_type3A_1813 : vector<2048x128xi32> to vector<1x2048x128xi32>
    %reduce_sum3A_1815 = arith.constant dense<0> : vector<1xi32>
    %reduce_sum3A_1816 = vector.multi_reduction <add>, %reduce_sum3A_1814, %reduce_sum3A_1815 [1, 2] : vector<1x2048x128xi32> to vector<1xi32>
    %reduce_sum3A_1817 = vector.shape_cast %reduce_sum3A_1816 : vector<1xi32> to vector<1x1x1xi32>
    %reduce_sum3A_1818 = vector.extract %reduce_sum3A_1817[0, 0, 0] : i32 from vector<1x1x1xi32>
    %add3A_1819 = arith.addi %add3A_1810, %reduce_sum3A_1818 : i32
    %lt3A_1820 = vector.broadcast %add3A_1717 : i32 to vector<2048x128xi32>
    %lt3A_1821 = arith.cmpi slt, %bitcast_convert_type3A_951, %lt3A_1820 : vector<2048x128xi32>
    %convert_element_type3A_1822 = arith.extui %lt3A_1821 : vector<2048x128xi1> to vector<2048x128xi32>
    %reduce_sum3A_1823 = vector.shape_cast %convert_element_type3A_1822 : vector<2048x128xi32> to vector<1x2048x128xi32>
    %reduce_sum3A_1824 = arith.constant dense<0> : vector<1xi32>
    %reduce_sum3A_1825 = vector.multi_reduction <add>, %reduce_sum3A_1823, %reduce_sum3A_1824 [1, 2] : vector<1x2048x128xi32> to vector<1xi32>
    %reduce_sum3A_1826 = vector.shape_cast %reduce_sum3A_1825 : vector<1xi32> to vector<1x1x1xi32>
    %reduce_sum3A_1827 = vector.extract %reduce_sum3A_1826[0, 0, 0] : i32 from vector<1x1x1xi32>
    %add3A_1828 = arith.addi %add3A_1819, %reduce_sum3A_1827 : i32
    %ge3A_1829 = arith.constant 734003 : i32
    %ge3A_1830 = arith.cmpi sge, %add3A_1754, %ge3A_1829 : i32
    %ge3A_1831 = arith.constant 734003 : i32
    %ge3A_1832 = arith.cmpi sge, %add3A_1791, %ge3A_1831 : i32
    %ge3A_1833 = arith.constant 734003 : i32
    %ge3A_1834 = arith.cmpi sge, %add3A_1828, %ge3A_1833 : i32
    %select_n3A_1835 = arith.select %ge3A_1834, %add3A_1715, %add3A_1717 : i32
    %select_n3A_1836 = arith.select %ge3A_1832, %add3A_1713, %select_n3A_1835 : i32
    %select_n3A_1837 = arith.select %ge3A_1830, %select_n3A_1711, %select_n3A_1836 : i32
    %add3A_1838 = arith.constant 16384 : i32
    %add3A_1839 = arith.addi %select_n3A_1837, %add3A_1838 : i32
    %add3A_1840 = arith.constant 32768 : i32
    %add3A_1841 = arith.addi %select_n3A_1837, %add3A_1840 : i32
    %add3A_1842 = arith.constant 49152 : i32
    %add3A_1843 = arith.addi %select_n3A_1837, %add3A_1842 : i32
    %lt3A_1844 = vector.broadcast %add3A_1839 : i32 to vector<2048x128xi32>
    %lt3A_1845 = arith.cmpi slt, %bitcast_convert_type3A_741, %lt3A_1844 : vector<2048x128xi32>
    %convert_element_type3A_1846 = arith.extui %lt3A_1845 : vector<2048x128xi1> to vector<2048x128xi32>
    %reduce_sum3A_1847 = vector.shape_cast %convert_element_type3A_1846 : vector<2048x128xi32> to vector<1x2048x128xi32>
    %reduce_sum3A_1848 = arith.constant dense<0> : vector<1xi32>
    %reduce_sum3A_1849 = vector.multi_reduction <add>, %reduce_sum3A_1847, %reduce_sum3A_1848 [1, 2] : vector<1x2048x128xi32> to vector<1xi32>
    %reduce_sum3A_1850 = vector.shape_cast %reduce_sum3A_1849 : vector<1xi32> to vector<1x1x1xi32>
    %reduce_sum3A_1851 = vector.extract %reduce_sum3A_1850[0, 0, 0] : i32 from vector<1x1x1xi32>
    %add3A_1852 = arith.constant 0 : i32
    %add3A_1853 = arith.addi %add3A_1852, %reduce_sum3A_1851 : i32
    %lt3A_1854 = vector.broadcast %add3A_1839 : i32 to vector<2048x128xi32>
    %lt3A_1855 = arith.cmpi slt, %bitcast_convert_type3A_811, %lt3A_1854 : vector<2048x128xi32>
    %convert_element_type3A_1856 = arith.extui %lt3A_1855 : vector<2048x128xi1> to vector<2048x128xi32>
    %reduce_sum3A_1857 = vector.shape_cast %convert_element_type3A_1856 : vector<2048x128xi32> to vector<1x2048x128xi32>
    %reduce_sum3A_1858 = arith.constant dense<0> : vector<1xi32>
    %reduce_sum3A_1859 = vector.multi_reduction <add>, %reduce_sum3A_1857, %reduce_sum3A_1858 [1, 2] : vector<1x2048x128xi32> to vector<1xi32>
    %reduce_sum3A_1860 = vector.shape_cast %reduce_sum3A_1859 : vector<1xi32> to vector<1x1x1xi32>
    %reduce_sum3A_1861 = vector.extract %reduce_sum3A_1860[0, 0, 0] : i32 from vector<1x1x1xi32>
    %add3A_1862 = arith.addi %add3A_1853, %reduce_sum3A_1861 : i32
    %lt3A_1863 = vector.broadcast %add3A_1839 : i32 to vector<2048x128xi32>
    %lt3A_1864 = arith.cmpi slt, %bitcast_convert_type3A_881, %lt3A_1863 : vector<2048x128xi32>
    %convert_element_type3A_1865 = arith.extui %lt3A_1864 : vector<2048x128xi1> to vector<2048x128xi32>
    %reduce_sum3A_1866 = vector.shape_cast %convert_element_type3A_1865 : vector<2048x128xi32> to vector<1x2048x128xi32>
    %reduce_sum3A_1867 = arith.constant dense<0> : vector<1xi32>
    %reduce_sum3A_1868 = vector.multi_reduction <add>, %reduce_sum3A_1866, %reduce_sum3A_1867 [1, 2] : vector<1x2048x128xi32> to vector<1xi32>
    %reduce_sum3A_1869 = vector.shape_cast %reduce_sum3A_1868 : vector<1xi32> to vector<1x1x1xi32>
    %reduce_sum3A_1870 = vector.extract %reduce_sum3A_1869[0, 0, 0] : i32 from vector<1x1x1xi32>
    %add3A_1871 = arith.addi %add3A_1862, %reduce_sum3A_1870 : i32
    %lt3A_1872 = vector.broadcast %add3A_1839 : i32 to vector<2048x128xi32>
    %lt3A_1873 = arith.cmpi slt, %bitcast_convert_type3A_951, %lt3A_1872 : vector<2048x128xi32>
    %convert_element_type3A_1874 = arith.extui %lt3A_1873 : vector<2048x128xi1> to vector<2048x128xi32>
    %reduce_sum3A_1875 = vector.shape_cast %convert_element_type3A_1874 : vector<2048x128xi32> to vector<1x2048x128xi32>
    %reduce_sum3A_1876 = arith.constant dense<0> : vector<1xi32>
    %reduce_sum3A_1877 = vector.multi_reduction <add>, %reduce_sum3A_1875, %reduce_sum3A_1876 [1, 2] : vector<1x2048x128xi32> to vector<1xi32>
    %reduce_sum3A_1878 = vector.shape_cast %reduce_sum3A_1877 : vector<1xi32> to vector<1x1x1xi32>
    %reduce_sum3A_1879 = vector.extract %reduce_sum3A_1878[0, 0, 0] : i32 from vector<1x1x1xi32>
    %add3A_1880 = arith.addi %add3A_1871, %reduce_sum3A_1879 : i32
    %lt3A_1881 = vector.broadcast %add3A_1841 : i32 to vector<2048x128xi32>
    %lt3A_1882 = arith.cmpi slt, %bitcast_convert_type3A_741, %lt3A_1881 : vector<2048x128xi32>
    %convert_element_type3A_1883 = arith.extui %lt3A_1882 : vector<2048x128xi1> to vector<2048x128xi32>
    %reduce_sum3A_1884 = vector.shape_cast %convert_element_type3A_1883 : vector<2048x128xi32> to vector<1x2048x128xi32>
    %reduce_sum3A_1885 = arith.constant dense<0> : vector<1xi32>
    %reduce_sum3A_1886 = vector.multi_reduction <add>, %reduce_sum3A_1884, %reduce_sum3A_1885 [1, 2] : vector<1x2048x128xi32> to vector<1xi32>
    %reduce_sum3A_1887 = vector.shape_cast %reduce_sum3A_1886 : vector<1xi32> to vector<1x1x1xi32>
    %reduce_sum3A_1888 = vector.extract %reduce_sum3A_1887[0, 0, 0] : i32 from vector<1x1x1xi32>
    %add3A_1889 = arith.constant 0 : i32
    %add3A_1890 = arith.addi %add3A_1889, %reduce_sum3A_1888 : i32
    %lt3A_1891 = vector.broadcast %add3A_1841 : i32 to vector<2048x128xi32>
    %lt3A_1892 = arith.cmpi slt, %bitcast_convert_type3A_811, %lt3A_1891 : vector<2048x128xi32>
    %convert_element_type3A_1893 = arith.extui %lt3A_1892 : vector<2048x128xi1> to vector<2048x128xi32>
    %reduce_sum3A_1894 = vector.shape_cast %convert_element_type3A_1893 : vector<2048x128xi32> to vector<1x2048x128xi32>
    %reduce_sum3A_1895 = arith.constant dense<0> : vector<1xi32>
    %reduce_sum3A_1896 = vector.multi_reduction <add>, %reduce_sum3A_1894, %reduce_sum3A_1895 [1, 2] : vector<1x2048x128xi32> to vector<1xi32>
    %reduce_sum3A_1897 = vector.shape_cast %reduce_sum3A_1896 : vector<1xi32> to vector<1x1x1xi32>
    %reduce_sum3A_1898 = vector.extract %reduce_sum3A_1897[0, 0, 0] : i32 from vector<1x1x1xi32>
    %add3A_1899 = arith.addi %add3A_1890, %reduce_sum3A_1898 : i32
    %lt3A_1900 = vector.broadcast %add3A_1841 : i32 to vector<2048x128xi32>
    %lt3A_1901 = arith.cmpi slt, %bitcast_convert_type3A_881, %lt3A_1900 : vector<2048x128xi32>
    %convert_element_type3A_1902 = arith.extui %lt3A_1901 : vector<2048x128xi1> to vector<2048x128xi32>
    %reduce_sum3A_1903 = vector.shape_cast %convert_element_type3A_1902 : vector<2048x128xi32> to vector<1x2048x128xi32>
    %reduce_sum3A_1904 = arith.constant dense<0> : vector<1xi32>
    %reduce_sum3A_1905 = vector.multi_reduction <add>, %reduce_sum3A_1903, %reduce_sum3A_1904 [1, 2] : vector<1x2048x128xi32> to vector<1xi32>
    %reduce_sum3A_1906 = vector.shape_cast %reduce_sum3A_1905 : vector<1xi32> to vector<1x1x1xi32>
    %reduce_sum3A_1907 = vector.extract %reduce_sum3A_1906[0, 0, 0] : i32 from vector<1x1x1xi32>
    %add3A_1908 = arith.addi %add3A_1899, %reduce_sum3A_1907 : i32
    %lt3A_1909 = vector.broadcast %add3A_1841 : i32 to vector<2048x128xi32>
    %lt3A_1910 = arith.cmpi slt, %bitcast_convert_type3A_951, %lt3A_1909 : vector<2048x128xi32>
    %convert_element_type3A_1911 = arith.extui %lt3A_1910 : vector<2048x128xi1> to vector<2048x128xi32>
    %reduce_sum3A_1912 = vector.shape_cast %convert_element_type3A_1911 : vector<2048x128xi32> to vector<1x2048x128xi32>
    %reduce_sum3A_1913 = arith.constant dense<0> : vector<1xi32>
    %reduce_sum3A_1914 = vector.multi_reduction <add>, %reduce_sum3A_1912, %reduce_sum3A_1913 [1, 2] : vector<1x2048x128xi32> to vector<1xi32>
    %reduce_sum3A_1915 = vector.shape_cast %reduce_sum3A_1914 : vector<1xi32> to vector<1x1x1xi32>
    %reduce_sum3A_1916 = vector.extract %reduce_sum3A_1915[0, 0, 0] : i32 from vector<1x1x1xi32>
    %add3A_1917 = arith.addi %add3A_1908, %reduce_sum3A_1916 : i32
    %lt3A_1918 = vector.broadcast %add3A_1843 : i32 to vector<2048x128xi32>
    %lt3A_1919 = arith.cmpi slt, %bitcast_convert_type3A_741, %lt3A_1918 : vector<2048x128xi32>
    %convert_element_type3A_1920 = arith.extui %lt3A_1919 : vector<2048x128xi1> to vector<2048x128xi32>
    %reduce_sum3A_1921 = vector.shape_cast %convert_element_type3A_1920 : vector<2048x128xi32> to vector<1x2048x128xi32>
    %reduce_sum3A_1922 = arith.constant dense<0> : vector<1xi32>
    %reduce_sum3A_1923 = vector.multi_reduction <add>, %reduce_sum3A_1921, %reduce_sum3A_1922 [1, 2] : vector<1x2048x128xi32> to vector<1xi32>
    %reduce_sum3A_1924 = vector.shape_cast %reduce_sum3A_1923 : vector<1xi32> to vector<1x1x1xi32>
    %reduce_sum3A_1925 = vector.extract %reduce_sum3A_1924[0, 0, 0] : i32 from vector<1x1x1xi32>
    %add3A_1926 = arith.constant 0 : i32
    %add3A_1927 = arith.addi %add3A_1926, %reduce_sum3A_1925 : i32
    %lt3A_1928 = vector.broadcast %add3A_1843 : i32 to vector<2048x128xi32>
    %lt3A_1929 = arith.cmpi slt, %bitcast_convert_type3A_811, %lt3A_1928 : vector<2048x128xi32>
    %convert_element_type3A_1930 = arith.extui %lt3A_1929 : vector<2048x128xi1> to vector<2048x128xi32>
    %reduce_sum3A_1931 = vector.shape_cast %convert_element_type3A_1930 : vector<2048x128xi32> to vector<1x2048x128xi32>
    %reduce_sum3A_1932 = arith.constant dense<0> : vector<1xi32>
    %reduce_sum3A_1933 = vector.multi_reduction <add>, %reduce_sum3A_1931, %reduce_sum3A_1932 [1, 2] : vector<1x2048x128xi32> to vector<1xi32>
    %reduce_sum3A_1934 = vector.shape_cast %reduce_sum3A_1933 : vector<1xi32> to vector<1x1x1xi32>
    %reduce_sum3A_1935 = vector.extract %reduce_sum3A_1934[0, 0, 0] : i32 from vector<1x1x1xi32>
    %add3A_1936 = arith.addi %add3A_1927, %reduce_sum3A_1935 : i32
    %lt3A_1937 = vector.broadcast %add3A_1843 : i32 to vector<2048x128xi32>
    %lt3A_1938 = arith.cmpi slt, %bitcast_convert_type3A_881, %lt3A_1937 : vector<2048x128xi32>
    %convert_element_type3A_1939 = arith.extui %lt3A_1938 : vector<2048x128xi1> to vector<2048x128xi32>
    %reduce_sum3A_1940 = vector.shape_cast %convert_element_type3A_1939 : vector<2048x128xi32> to vector<1x2048x128xi32>
    %reduce_sum3A_1941 = arith.constant dense<0> : vector<1xi32>
    %reduce_sum3A_1942 = vector.multi_reduction <add>, %reduce_sum3A_1940, %reduce_sum3A_1941 [1, 2] : vector<1x2048x128xi32> to vector<1xi32>
    %reduce_sum3A_1943 = vector.shape_cast %reduce_sum3A_1942 : vector<1xi32> to vector<1x1x1xi32>
    %reduce_sum3A_1944 = vector.extract %reduce_sum3A_1943[0, 0, 0] : i32 from vector<1x1x1xi32>
    %add3A_1945 = arith.addi %add3A_1936, %reduce_sum3A_1944 : i32
    %lt3A_1946 = vector.broadcast %add3A_1843 : i32 to vector<2048x128xi32>
    %lt3A_1947 = arith.cmpi slt, %bitcast_convert_type3A_951, %lt3A_1946 : vector<2048x128xi32>
    %convert_element_type3A_1948 = arith.extui %lt3A_1947 : vector<2048x128xi1> to vector<2048x128xi32>
    %reduce_sum3A_1949 = vector.shape_cast %convert_element_type3A_1948 : vector<2048x128xi32> to vector<1x2048x128xi32>
    %reduce_sum3A_1950 = arith.constant dense<0> : vector<1xi32>
    %reduce_sum3A_1951 = vector.multi_reduction <add>, %reduce_sum3A_1949, %reduce_sum3A_1950 [1, 2] : vector<1x2048x128xi32> to vector<1xi32>
    %reduce_sum3A_1952 = vector.shape_cast %reduce_sum3A_1951 : vector<1xi32> to vector<1x1x1xi32>
    %reduce_sum3A_1953 = vector.extract %reduce_sum3A_1952[0, 0, 0] : i32 from vector<1x1x1xi32>
    %add3A_1954 = arith.addi %add3A_1945, %reduce_sum3A_1953 : i32
    %ge3A_1955 = arith.constant 734003 : i32
    %ge3A_1956 = arith.cmpi sge, %add3A_1880, %ge3A_1955 : i32
    %ge3A_1957 = arith.constant 734003 : i32
    %ge3A_1958 = arith.cmpi sge, %add3A_1917, %ge3A_1957 : i32
    %ge3A_1959 = arith.constant 734003 : i32
    %ge3A_1960 = arith.cmpi sge, %add3A_1954, %ge3A_1959 : i32
    %select_n3A_1961 = arith.select %ge3A_1960, %add3A_1841, %add3A_1843 : i32
    %select_n3A_1962 = arith.select %ge3A_1958, %add3A_1839, %select_n3A_1961 : i32
    %select_n3A_1963 = arith.select %ge3A_1956, %select_n3A_1837, %select_n3A_1962 : i32
    %add3A_1964 = arith.constant 4096 : i32
    %add3A_1965 = arith.addi %select_n3A_1963, %add3A_1964 : i32
    %add3A_1966 = arith.constant 8192 : i32
    %add3A_1967 = arith.addi %select_n3A_1963, %add3A_1966 : i32
    %add3A_1968 = arith.constant 12288 : i32
    %add3A_1969 = arith.addi %select_n3A_1963, %add3A_1968 : i32
    %lt3A_1970 = vector.broadcast %add3A_1965 : i32 to vector<2048x128xi32>
    %lt3A_1971 = arith.cmpi slt, %bitcast_convert_type3A_741, %lt3A_1970 : vector<2048x128xi32>
    %convert_element_type3A_1972 = arith.extui %lt3A_1971 : vector<2048x128xi1> to vector<2048x128xi32>
    %reduce_sum3A_1973 = vector.shape_cast %convert_element_type3A_1972 : vector<2048x128xi32> to vector<1x2048x128xi32>
    %reduce_sum3A_1974 = arith.constant dense<0> : vector<1xi32>
    %reduce_sum3A_1975 = vector.multi_reduction <add>, %reduce_sum3A_1973, %reduce_sum3A_1974 [1, 2] : vector<1x2048x128xi32> to vector<1xi32>
    %reduce_sum3A_1976 = vector.shape_cast %reduce_sum3A_1975 : vector<1xi32> to vector<1x1x1xi32>
    %reduce_sum3A_1977 = vector.extract %reduce_sum3A_1976[0, 0, 0] : i32 from vector<1x1x1xi32>
    %add3A_1978 = arith.constant 0 : i32
    %add3A_1979 = arith.addi %add3A_1978, %reduce_sum3A_1977 : i32
    %lt3A_1980 = vector.broadcast %add3A_1965 : i32 to vector<2048x128xi32>
    %lt3A_1981 = arith.cmpi slt, %bitcast_convert_type3A_811, %lt3A_1980 : vector<2048x128xi32>
    %convert_element_type3A_1982 = arith.extui %lt3A_1981 : vector<2048x128xi1> to vector<2048x128xi32>
    %reduce_sum3A_1983 = vector.shape_cast %convert_element_type3A_1982 : vector<2048x128xi32> to vector<1x2048x128xi32>
    %reduce_sum3A_1984 = arith.constant dense<0> : vector<1xi32>
    %reduce_sum3A_1985 = vector.multi_reduction <add>, %reduce_sum3A_1983, %reduce_sum3A_1984 [1, 2] : vector<1x2048x128xi32> to vector<1xi32>
    %reduce_sum3A_1986 = vector.shape_cast %reduce_sum3A_1985 : vector<1xi32> to vector<1x1x1xi32>
    %reduce_sum3A_1987 = vector.extract %reduce_sum3A_1986[0, 0, 0] : i32 from vector<1x1x1xi32>
    %add3A_1988 = arith.addi %add3A_1979, %reduce_sum3A_1987 : i32
    %lt3A_1989 = vector.broadcast %add3A_1965 : i32 to vector<2048x128xi32>
    %lt3A_1990 = arith.cmpi slt, %bitcast_convert_type3A_881, %lt3A_1989 : vector<2048x128xi32>
    %convert_element_type3A_1991 = arith.extui %lt3A_1990 : vector<2048x128xi1> to vector<2048x128xi32>
    %reduce_sum3A_1992 = vector.shape_cast %convert_element_type3A_1991 : vector<2048x128xi32> to vector<1x2048x128xi32>
    %reduce_sum3A_1993 = arith.constant dense<0> : vector<1xi32>
    %reduce_sum3A_1994 = vector.multi_reduction <add>, %reduce_sum3A_1992, %reduce_sum3A_1993 [1, 2] : vector<1x2048x128xi32> to vector<1xi32>
    %reduce_sum3A_1995 = vector.shape_cast %reduce_sum3A_1994 : vector<1xi32> to vector<1x1x1xi32>
    %reduce_sum3A_1996 = vector.extract %reduce_sum3A_1995[0, 0, 0] : i32 from vector<1x1x1xi32>
    %add3A_1997 = arith.addi %add3A_1988, %reduce_sum3A_1996 : i32
    %lt3A_1998 = vector.broadcast %add3A_1965 : i32 to vector<2048x128xi32>
    %lt3A_1999 = arith.cmpi slt, %bitcast_convert_type3A_951, %lt3A_1998 : vector<2048x128xi32>
    %convert_element_type3A_2000 = arith.extui %lt3A_1999 : vector<2048x128xi1> to vector<2048x128xi32>
    %reduce_sum3A_2001 = vector.shape_cast %convert_element_type3A_2000 : vector<2048x128xi32> to vector<1x2048x128xi32>
    %reduce_sum3A_2002 = arith.constant dense<0> : vector<1xi32>
    %reduce_sum3A_2003 = vector.multi_reduction <add>, %reduce_sum3A_2001, %reduce_sum3A_2002 [1, 2] : vector<1x2048x128xi32> to vector<1xi32>
    %reduce_sum3A_2004 = vector.shape_cast %reduce_sum3A_2003 : vector<1xi32> to vector<1x1x1xi32>
    %reduce_sum3A_2005 = vector.extract %reduce_sum3A_2004[0, 0, 0] : i32 from vector<1x1x1xi32>
    %add3A_2006 = arith.addi %add3A_1997, %reduce_sum3A_2005 : i32
    %lt3A_2007 = vector.broadcast %add3A_1967 : i32 to vector<2048x128xi32>
    %lt3A_2008 = arith.cmpi slt, %bitcast_convert_type3A_741, %lt3A_2007 : vector<2048x128xi32>
    %convert_element_type3A_2009 = arith.extui %lt3A_2008 : vector<2048x128xi1> to vector<2048x128xi32>
    %reduce_sum3A_2010 = vector.shape_cast %convert_element_type3A_2009 : vector<2048x128xi32> to vector<1x2048x128xi32>
    %reduce_sum3A_2011 = arith.constant dense<0> : vector<1xi32>
    %reduce_sum3A_2012 = vector.multi_reduction <add>, %reduce_sum3A_2010, %reduce_sum3A_2011 [1, 2] : vector<1x2048x128xi32> to vector<1xi32>
    %reduce_sum3A_2013 = vector.shape_cast %reduce_sum3A_2012 : vector<1xi32> to vector<1x1x1xi32>
    %reduce_sum3A_2014 = vector.extract %reduce_sum3A_2013[0, 0, 0] : i32 from vector<1x1x1xi32>
    %add3A_2015 = arith.constant 0 : i32
    %add3A_2016 = arith.addi %add3A_2015, %reduce_sum3A_2014 : i32
    %lt3A_2017 = vector.broadcast %add3A_1967 : i32 to vector<2048x128xi32>
    %lt3A_2018 = arith.cmpi slt, %bitcast_convert_type3A_811, %lt3A_2017 : vector<2048x128xi32>
    %convert_element_type3A_2019 = arith.extui %lt3A_2018 : vector<2048x128xi1> to vector<2048x128xi32>
    %reduce_sum3A_2020 = vector.shape_cast %convert_element_type3A_2019 : vector<2048x128xi32> to vector<1x2048x128xi32>
    %reduce_sum3A_2021 = arith.constant dense<0> : vector<1xi32>
    %reduce_sum3A_2022 = vector.multi_reduction <add>, %reduce_sum3A_2020, %reduce_sum3A_2021 [1, 2] : vector<1x2048x128xi32> to vector<1xi32>
    %reduce_sum3A_2023 = vector.shape_cast %reduce_sum3A_2022 : vector<1xi32> to vector<1x1x1xi32>
    %reduce_sum3A_2024 = vector.extract %reduce_sum3A_2023[0, 0, 0] : i32 from vector<1x1x1xi32>
    %add3A_2025 = arith.addi %add3A_2016, %reduce_sum3A_2024 : i32
    %lt3A_2026 = vector.broadcast %add3A_1967 : i32 to vector<2048x128xi32>
    %lt3A_2027 = arith.cmpi slt, %bitcast_convert_type3A_881, %lt3A_2026 : vector<2048x128xi32>
    %convert_element_type3A_2028 = arith.extui %lt3A_2027 : vector<2048x128xi1> to vector<2048x128xi32>
    %reduce_sum3A_2029 = vector.shape_cast %convert_element_type3A_2028 : vector<2048x128xi32> to vector<1x2048x128xi32>
    %reduce_sum3A_2030 = arith.constant dense<0> : vector<1xi32>
    %reduce_sum3A_2031 = vector.multi_reduction <add>, %reduce_sum3A_2029, %reduce_sum3A_2030 [1, 2] : vector<1x2048x128xi32> to vector<1xi32>
    %reduce_sum3A_2032 = vector.shape_cast %reduce_sum3A_2031 : vector<1xi32> to vector<1x1x1xi32>
    %reduce_sum3A_2033 = vector.extract %reduce_sum3A_2032[0, 0, 0] : i32 from vector<1x1x1xi32>
    %add3A_2034 = arith.addi %add3A_2025, %reduce_sum3A_2033 : i32
    %lt3A_2035 = vector.broadcast %add3A_1967 : i32 to vector<2048x128xi32>
    %lt3A_2036 = arith.cmpi slt, %bitcast_convert_type3A_951, %lt3A_2035 : vector<2048x128xi32>
    %convert_element_type3A_2037 = arith.extui %lt3A_2036 : vector<2048x128xi1> to vector<2048x128xi32>
    %reduce_sum3A_2038 = vector.shape_cast %convert_element_type3A_2037 : vector<2048x128xi32> to vector<1x2048x128xi32>
    %reduce_sum3A_2039 = arith.constant dense<0> : vector<1xi32>
    %reduce_sum3A_2040 = vector.multi_reduction <add>, %reduce_sum3A_2038, %reduce_sum3A_2039 [1, 2] : vector<1x2048x128xi32> to vector<1xi32>
    %reduce_sum3A_2041 = vector.shape_cast %reduce_sum3A_2040 : vector<1xi32> to vector<1x1x1xi32>
    %reduce_sum3A_2042 = vector.extract %reduce_sum3A_2041[0, 0, 0] : i32 from vector<1x1x1xi32>
    %add3A_2043 = arith.addi %add3A_2034, %reduce_sum3A_2042 : i32
    %lt3A_2044 = vector.broadcast %add3A_1969 : i32 to vector<2048x128xi32>
    %lt3A_2045 = arith.cmpi slt, %bitcast_convert_type3A_741, %lt3A_2044 : vector<2048x128xi32>
    %convert_element_type3A_2046 = arith.extui %lt3A_2045 : vector<2048x128xi1> to vector<2048x128xi32>
    %reduce_sum3A_2047 = vector.shape_cast %convert_element_type3A_2046 : vector<2048x128xi32> to vector<1x2048x128xi32>
    %reduce_sum3A_2048 = arith.constant dense<0> : vector<1xi32>
    %reduce_sum3A_2049 = vector.multi_reduction <add>, %reduce_sum3A_2047, %reduce_sum3A_2048 [1, 2] : vector<1x2048x128xi32> to vector<1xi32>
    %reduce_sum3A_2050 = vector.shape_cast %reduce_sum3A_2049 : vector<1xi32> to vector<1x1x1xi32>
    %reduce_sum3A_2051 = vector.extract %reduce_sum3A_2050[0, 0, 0] : i32 from vector<1x1x1xi32>
    %add3A_2052 = arith.constant 0 : i32
    %add3A_2053 = arith.addi %add3A_2052, %reduce_sum3A_2051 : i32
    %lt3A_2054 = vector.broadcast %add3A_1969 : i32 to vector<2048x128xi32>
    %lt3A_2055 = arith.cmpi slt, %bitcast_convert_type3A_811, %lt3A_2054 : vector<2048x128xi32>
    %convert_element_type3A_2056 = arith.extui %lt3A_2055 : vector<2048x128xi1> to vector<2048x128xi32>
    %reduce_sum3A_2057 = vector.shape_cast %convert_element_type3A_2056 : vector<2048x128xi32> to vector<1x2048x128xi32>
    %reduce_sum3A_2058 = arith.constant dense<0> : vector<1xi32>
    %reduce_sum3A_2059 = vector.multi_reduction <add>, %reduce_sum3A_2057, %reduce_sum3A_2058 [1, 2] : vector<1x2048x128xi32> to vector<1xi32>
    %reduce_sum3A_2060 = vector.shape_cast %reduce_sum3A_2059 : vector<1xi32> to vector<1x1x1xi32>
    %reduce_sum3A_2061 = vector.extract %reduce_sum3A_2060[0, 0, 0] : i32 from vector<1x1x1xi32>
    %add3A_2062 = arith.addi %add3A_2053, %reduce_sum3A_2061 : i32
    %lt3A_2063 = vector.broadcast %add3A_1969 : i32 to vector<2048x128xi32>
    %lt3A_2064 = arith.cmpi slt, %bitcast_convert_type3A_881, %lt3A_2063 : vector<2048x128xi32>
    %convert_element_type3A_2065 = arith.extui %lt3A_2064 : vector<2048x128xi1> to vector<2048x128xi32>
    %reduce_sum3A_2066 = vector.shape_cast %convert_element_type3A_2065 : vector<2048x128xi32> to vector<1x2048x128xi32>
    %reduce_sum3A_2067 = arith.constant dense<0> : vector<1xi32>
    %reduce_sum3A_2068 = vector.multi_reduction <add>, %reduce_sum3A_2066, %reduce_sum3A_2067 [1, 2] : vector<1x2048x128xi32> to vector<1xi32>
    %reduce_sum3A_2069 = vector.shape_cast %reduce_sum3A_2068 : vector<1xi32> to vector<1x1x1xi32>
    %reduce_sum3A_2070 = vector.extract %reduce_sum3A_2069[0, 0, 0] : i32 from vector<1x1x1xi32>
    %add3A_2071 = arith.addi %add3A_2062, %reduce_sum3A_2070 : i32
    %lt3A_2072 = vector.broadcast %add3A_1969 : i32 to vector<2048x128xi32>
    %lt3A_2073 = arith.cmpi slt, %bitcast_convert_type3A_951, %lt3A_2072 : vector<2048x128xi32>
    %convert_element_type3A_2074 = arith.extui %lt3A_2073 : vector<2048x128xi1> to vector<2048x128xi32>
    %reduce_sum3A_2075 = vector.shape_cast %convert_element_type3A_2074 : vector<2048x128xi32> to vector<1x2048x128xi32>
    %reduce_sum3A_2076 = arith.constant dense<0> : vector<1xi32>
    %reduce_sum3A_2077 = vector.multi_reduction <add>, %reduce_sum3A_2075, %reduce_sum3A_2076 [1, 2] : vector<1x2048x128xi32> to vector<1xi32>
    %reduce_sum3A_2078 = vector.shape_cast %reduce_sum3A_2077 : vector<1xi32> to vector<1x1x1xi32>
    %reduce_sum3A_2079 = vector.extract %reduce_sum3A_2078[0, 0, 0] : i32 from vector<1x1x1xi32>
    %add3A_2080 = arith.addi %add3A_2071, %reduce_sum3A_2079 : i32
    %ge3A_2081 = arith.constant 734003 : i32
    %ge3A_2082 = arith.cmpi sge, %add3A_2006, %ge3A_2081 : i32
    %ge3A_2083 = arith.constant 734003 : i32
    %ge3A_2084 = arith.cmpi sge, %add3A_2043, %ge3A_2083 : i32
    %ge3A_2085 = arith.constant 734003 : i32
    %ge3A_2086 = arith.cmpi sge, %add3A_2080, %ge3A_2085 : i32
    %select_n3A_2087 = arith.select %ge3A_2086, %add3A_1967, %add3A_1969 : i32
    %select_n3A_2088 = arith.select %ge3A_2084, %add3A_1965, %select_n3A_2087 : i32
    %select_n3A_2089 = arith.select %ge3A_2082, %select_n3A_1963, %select_n3A_2088 : i32
    %add3A_2090 = arith.constant 1024 : i32
    %add3A_2091 = arith.addi %select_n3A_2089, %add3A_2090 : i32
    %add3A_2092 = arith.constant 2048 : i32
    %add3A_2093 = arith.addi %select_n3A_2089, %add3A_2092 : i32
    %add3A_2094 = arith.constant 3072 : i32
    %add3A_2095 = arith.addi %select_n3A_2089, %add3A_2094 : i32
    %lt3A_2096 = vector.broadcast %add3A_2091 : i32 to vector<2048x128xi32>
    %lt3A_2097 = arith.cmpi slt, %bitcast_convert_type3A_741, %lt3A_2096 : vector<2048x128xi32>
    %convert_element_type3A_2098 = arith.extui %lt3A_2097 : vector<2048x128xi1> to vector<2048x128xi32>
    %reduce_sum3A_2099 = vector.shape_cast %convert_element_type3A_2098 : vector<2048x128xi32> to vector<1x2048x128xi32>
    %reduce_sum3A_2100 = arith.constant dense<0> : vector<1xi32>
    %reduce_sum3A_2101 = vector.multi_reduction <add>, %reduce_sum3A_2099, %reduce_sum3A_2100 [1, 2] : vector<1x2048x128xi32> to vector<1xi32>
    %reduce_sum3A_2102 = vector.shape_cast %reduce_sum3A_2101 : vector<1xi32> to vector<1x1x1xi32>
    %reduce_sum3A_2103 = vector.extract %reduce_sum3A_2102[0, 0, 0] : i32 from vector<1x1x1xi32>
    %add3A_2104 = arith.constant 0 : i32
    %add3A_2105 = arith.addi %add3A_2104, %reduce_sum3A_2103 : i32
    %lt3A_2106 = vector.broadcast %add3A_2091 : i32 to vector<2048x128xi32>
    %lt3A_2107 = arith.cmpi slt, %bitcast_convert_type3A_811, %lt3A_2106 : vector<2048x128xi32>
    %convert_element_type3A_2108 = arith.extui %lt3A_2107 : vector<2048x128xi1> to vector<2048x128xi32>
    %reduce_sum3A_2109 = vector.shape_cast %convert_element_type3A_2108 : vector<2048x128xi32> to vector<1x2048x128xi32>
    %reduce_sum3A_2110 = arith.constant dense<0> : vector<1xi32>
    %reduce_sum3A_2111 = vector.multi_reduction <add>, %reduce_sum3A_2109, %reduce_sum3A_2110 [1, 2] : vector<1x2048x128xi32> to vector<1xi32>
    %reduce_sum3A_2112 = vector.shape_cast %reduce_sum3A_2111 : vector<1xi32> to vector<1x1x1xi32>
    %reduce_sum3A_2113 = vector.extract %reduce_sum3A_2112[0, 0, 0] : i32 from vector<1x1x1xi32>
    %add3A_2114 = arith.addi %add3A_2105, %reduce_sum3A_2113 : i32
    %lt3A_2115 = vector.broadcast %add3A_2091 : i32 to vector<2048x128xi32>
    %lt3A_2116 = arith.cmpi slt, %bitcast_convert_type3A_881, %lt3A_2115 : vector<2048x128xi32>
    %convert_element_type3A_2117 = arith.extui %lt3A_2116 : vector<2048x128xi1> to vector<2048x128xi32>
    %reduce_sum3A_2118 = vector.shape_cast %convert_element_type3A_2117 : vector<2048x128xi32> to vector<1x2048x128xi32>
    %reduce_sum3A_2119 = arith.constant dense<0> : vector<1xi32>
    %reduce_sum3A_2120 = vector.multi_reduction <add>, %reduce_sum3A_2118, %reduce_sum3A_2119 [1, 2] : vector<1x2048x128xi32> to vector<1xi32>
    %reduce_sum3A_2121 = vector.shape_cast %reduce_sum3A_2120 : vector<1xi32> to vector<1x1x1xi32>
    %reduce_sum3A_2122 = vector.extract %reduce_sum3A_2121[0, 0, 0] : i32 from vector<1x1x1xi32>
    %add3A_2123 = arith.addi %add3A_2114, %reduce_sum3A_2122 : i32
    %lt3A_2124 = vector.broadcast %add3A_2091 : i32 to vector<2048x128xi32>
    %lt3A_2125 = arith.cmpi slt, %bitcast_convert_type3A_951, %lt3A_2124 : vector<2048x128xi32>
    %convert_element_type3A_2126 = arith.extui %lt3A_2125 : vector<2048x128xi1> to vector<2048x128xi32>
    %reduce_sum3A_2127 = vector.shape_cast %convert_element_type3A_2126 : vector<2048x128xi32> to vector<1x2048x128xi32>
    %reduce_sum3A_2128 = arith.constant dense<0> : vector<1xi32>
    %reduce_sum3A_2129 = vector.multi_reduction <add>, %reduce_sum3A_2127, %reduce_sum3A_2128 [1, 2] : vector<1x2048x128xi32> to vector<1xi32>
    %reduce_sum3A_2130 = vector.shape_cast %reduce_sum3A_2129 : vector<1xi32> to vector<1x1x1xi32>
    %reduce_sum3A_2131 = vector.extract %reduce_sum3A_2130[0, 0, 0] : i32 from vector<1x1x1xi32>
    %add3A_2132 = arith.addi %add3A_2123, %reduce_sum3A_2131 : i32
    %lt3A_2133 = vector.broadcast %add3A_2093 : i32 to vector<2048x128xi32>
    %lt3A_2134 = arith.cmpi slt, %bitcast_convert_type3A_741, %lt3A_2133 : vector<2048x128xi32>
    %convert_element_type3A_2135 = arith.extui %lt3A_2134 : vector<2048x128xi1> to vector<2048x128xi32>
    %reduce_sum3A_2136 = vector.shape_cast %convert_element_type3A_2135 : vector<2048x128xi32> to vector<1x2048x128xi32>
    %reduce_sum3A_2137 = arith.constant dense<0> : vector<1xi32>
    %reduce_sum3A_2138 = vector.multi_reduction <add>, %reduce_sum3A_2136, %reduce_sum3A_2137 [1, 2] : vector<1x2048x128xi32> to vector<1xi32>
    %reduce_sum3A_2139 = vector.shape_cast %reduce_sum3A_2138 : vector<1xi32> to vector<1x1x1xi32>
    %reduce_sum3A_2140 = vector.extract %reduce_sum3A_2139[0, 0, 0] : i32 from vector<1x1x1xi32>
    %add3A_2141 = arith.constant 0 : i32
    %add3A_2142 = arith.addi %add3A_2141, %reduce_sum3A_2140 : i32
    %lt3A_2143 = vector.broadcast %add3A_2093 : i32 to vector<2048x128xi32>
    %lt3A_2144 = arith.cmpi slt, %bitcast_convert_type3A_811, %lt3A_2143 : vector<2048x128xi32>
    %convert_element_type3A_2145 = arith.extui %lt3A_2144 : vector<2048x128xi1> to vector<2048x128xi32>
    %reduce_sum3A_2146 = vector.shape_cast %convert_element_type3A_2145 : vector<2048x128xi32> to vector<1x2048x128xi32>
    %reduce_sum3A_2147 = arith.constant dense<0> : vector<1xi32>
    %reduce_sum3A_2148 = vector.multi_reduction <add>, %reduce_sum3A_2146, %reduce_sum3A_2147 [1, 2] : vector<1x2048x128xi32> to vector<1xi32>
    %reduce_sum3A_2149 = vector.shape_cast %reduce_sum3A_2148 : vector<1xi32> to vector<1x1x1xi32>
    %reduce_sum3A_2150 = vector.extract %reduce_sum3A_2149[0, 0, 0] : i32 from vector<1x1x1xi32>
    %add3A_2151 = arith.addi %add3A_2142, %reduce_sum3A_2150 : i32
    %lt3A_2152 = vector.broadcast %add3A_2093 : i32 to vector<2048x128xi32>
    %lt3A_2153 = arith.cmpi slt, %bitcast_convert_type3A_881, %lt3A_2152 : vector<2048x128xi32>
    %convert_element_type3A_2154 = arith.extui %lt3A_2153 : vector<2048x128xi1> to vector<2048x128xi32>
    %reduce_sum3A_2155 = vector.shape_cast %convert_element_type3A_2154 : vector<2048x128xi32> to vector<1x2048x128xi32>
    %reduce_sum3A_2156 = arith.constant dense<0> : vector<1xi32>
    %reduce_sum3A_2157 = vector.multi_reduction <add>, %reduce_sum3A_2155, %reduce_sum3A_2156 [1, 2] : vector<1x2048x128xi32> to vector<1xi32>
    %reduce_sum3A_2158 = vector.shape_cast %reduce_sum3A_2157 : vector<1xi32> to vector<1x1x1xi32>
    %reduce_sum3A_2159 = vector.extract %reduce_sum3A_2158[0, 0, 0] : i32 from vector<1x1x1xi32>
    %add3A_2160 = arith.addi %add3A_2151, %reduce_sum3A_2159 : i32
    %lt3A_2161 = vector.broadcast %add3A_2093 : i32 to vector<2048x128xi32>
    %lt3A_2162 = arith.cmpi slt, %bitcast_convert_type3A_951, %lt3A_2161 : vector<2048x128xi32>
    %convert_element_type3A_2163 = arith.extui %lt3A_2162 : vector<2048x128xi1> to vector<2048x128xi32>
    %reduce_sum3A_2164 = vector.shape_cast %convert_element_type3A_2163 : vector<2048x128xi32> to vector<1x2048x128xi32>
    %reduce_sum3A_2165 = arith.constant dense<0> : vector<1xi32>
    %reduce_sum3A_2166 = vector.multi_reduction <add>, %reduce_sum3A_2164, %reduce_sum3A_2165 [1, 2] : vector<1x2048x128xi32> to vector<1xi32>
    %reduce_sum3A_2167 = vector.shape_cast %reduce_sum3A_2166 : vector<1xi32> to vector<1x1x1xi32>
    %reduce_sum3A_2168 = vector.extract %reduce_sum3A_2167[0, 0, 0] : i32 from vector<1x1x1xi32>
    %add3A_2169 = arith.addi %add3A_2160, %reduce_sum3A_2168 : i32
    %lt3A_2170 = vector.broadcast %add3A_2095 : i32 to vector<2048x128xi32>
    %lt3A_2171 = arith.cmpi slt, %bitcast_convert_type3A_741, %lt3A_2170 : vector<2048x128xi32>
    %convert_element_type3A_2172 = arith.extui %lt3A_2171 : vector<2048x128xi1> to vector<2048x128xi32>
    %reduce_sum3A_2173 = vector.shape_cast %convert_element_type3A_2172 : vector<2048x128xi32> to vector<1x2048x128xi32>
    %reduce_sum3A_2174 = arith.constant dense<0> : vector<1xi32>
    %reduce_sum3A_2175 = vector.multi_reduction <add>, %reduce_sum3A_2173, %reduce_sum3A_2174 [1, 2] : vector<1x2048x128xi32> to vector<1xi32>
    %reduce_sum3A_2176 = vector.shape_cast %reduce_sum3A_2175 : vector<1xi32> to vector<1x1x1xi32>
    %reduce_sum3A_2177 = vector.extract %reduce_sum3A_2176[0, 0, 0] : i32 from vector<1x1x1xi32>
    %add3A_2178 = arith.constant 0 : i32
    %add3A_2179 = arith.addi %add3A_2178, %reduce_sum3A_2177 : i32
    %lt3A_2180 = vector.broadcast %add3A_2095 : i32 to vector<2048x128xi32>
    %lt3A_2181 = arith.cmpi slt, %bitcast_convert_type3A_811, %lt3A_2180 : vector<2048x128xi32>
    %convert_element_type3A_2182 = arith.extui %lt3A_2181 : vector<2048x128xi1> to vector<2048x128xi32>
    %reduce_sum3A_2183 = vector.shape_cast %convert_element_type3A_2182 : vector<2048x128xi32> to vector<1x2048x128xi32>
    %reduce_sum3A_2184 = arith.constant dense<0> : vector<1xi32>
    %reduce_sum3A_2185 = vector.multi_reduction <add>, %reduce_sum3A_2183, %reduce_sum3A_2184 [1, 2] : vector<1x2048x128xi32> to vector<1xi32>
    %reduce_sum3A_2186 = vector.shape_cast %reduce_sum3A_2185 : vector<1xi32> to vector<1x1x1xi32>
    %reduce_sum3A_2187 = vector.extract %reduce_sum3A_2186[0, 0, 0] : i32 from vector<1x1x1xi32>
    %add3A_2188 = arith.addi %add3A_2179, %reduce_sum3A_2187 : i32
    %lt3A_2189 = vector.broadcast %add3A_2095 : i32 to vector<2048x128xi32>
    %lt3A_2190 = arith.cmpi slt, %bitcast_convert_type3A_881, %lt3A_2189 : vector<2048x128xi32>
    %convert_element_type3A_2191 = arith.extui %lt3A_2190 : vector<2048x128xi1> to vector<2048x128xi32>
    %reduce_sum3A_2192 = vector.shape_cast %convert_element_type3A_2191 : vector<2048x128xi32> to vector<1x2048x128xi32>
    %reduce_sum3A_2193 = arith.constant dense<0> : vector<1xi32>
    %reduce_sum3A_2194 = vector.multi_reduction <add>, %reduce_sum3A_2192, %reduce_sum3A_2193 [1, 2] : vector<1x2048x128xi32> to vector<1xi32>
    %reduce_sum3A_2195 = vector.shape_cast %reduce_sum3A_2194 : vector<1xi32> to vector<1x1x1xi32>
    %reduce_sum3A_2196 = vector.extract %reduce_sum3A_2195[0, 0, 0] : i32 from vector<1x1x1xi32>
    %add3A_2197 = arith.addi %add3A_2188, %reduce_sum3A_2196 : i32
    %lt3A_2198 = vector.broadcast %add3A_2095 : i32 to vector<2048x128xi32>
    %lt3A_2199 = arith.cmpi slt, %bitcast_convert_type3A_951, %lt3A_2198 : vector<2048x128xi32>
    %convert_element_type3A_2200 = arith.extui %lt3A_2199 : vector<2048x128xi1> to vector<2048x128xi32>
    %reduce_sum3A_2201 = vector.shape_cast %convert_element_type3A_2200 : vector<2048x128xi32> to vector<1x2048x128xi32>
    %reduce_sum3A_2202 = arith.constant dense<0> : vector<1xi32>
    %reduce_sum3A_2203 = vector.multi_reduction <add>, %reduce_sum3A_2201, %reduce_sum3A_2202 [1, 2] : vector<1x2048x128xi32> to vector<1xi32>
    %reduce_sum3A_2204 = vector.shape_cast %reduce_sum3A_2203 : vector<1xi32> to vector<1x1x1xi32>
    %reduce_sum3A_2205 = vector.extract %reduce_sum3A_2204[0, 0, 0] : i32 from vector<1x1x1xi32>
    %add3A_2206 = arith.addi %add3A_2197, %reduce_sum3A_2205 : i32
    %ge3A_2207 = arith.constant 734003 : i32
    %ge3A_2208 = arith.cmpi sge, %add3A_2132, %ge3A_2207 : i32
    %ge3A_2209 = arith.constant 734003 : i32
    %ge3A_2210 = arith.cmpi sge, %add3A_2169, %ge3A_2209 : i32
    %ge3A_2211 = arith.constant 734003 : i32
    %ge3A_2212 = arith.cmpi sge, %add3A_2206, %ge3A_2211 : i32
    %select_n3A_2213 = arith.select %ge3A_2212, %add3A_2093, %add3A_2095 : i32
    %select_n3A_2214 = arith.select %ge3A_2210, %add3A_2091, %select_n3A_2213 : i32
    %select_n3A_2215 = arith.select %ge3A_2208, %select_n3A_2089, %select_n3A_2214 : i32
    %add3A_2216 = arith.constant 256 : i32
    %add3A_2217 = arith.addi %select_n3A_2215, %add3A_2216 : i32
    %add3A_2218 = arith.constant 512 : i32
    %add3A_2219 = arith.addi %select_n3A_2215, %add3A_2218 : i32
    %add3A_2220 = arith.constant 768 : i32
    %add3A_2221 = arith.addi %select_n3A_2215, %add3A_2220 : i32
    %lt3A_2222 = vector.broadcast %add3A_2217 : i32 to vector<2048x128xi32>
    %lt3A_2223 = arith.cmpi slt, %bitcast_convert_type3A_741, %lt3A_2222 : vector<2048x128xi32>
    %convert_element_type3A_2224 = arith.extui %lt3A_2223 : vector<2048x128xi1> to vector<2048x128xi32>
    %reduce_sum3A_2225 = vector.shape_cast %convert_element_type3A_2224 : vector<2048x128xi32> to vector<1x2048x128xi32>
    %reduce_sum3A_2226 = arith.constant dense<0> : vector<1xi32>
    %reduce_sum3A_2227 = vector.multi_reduction <add>, %reduce_sum3A_2225, %reduce_sum3A_2226 [1, 2] : vector<1x2048x128xi32> to vector<1xi32>
    %reduce_sum3A_2228 = vector.shape_cast %reduce_sum3A_2227 : vector<1xi32> to vector<1x1x1xi32>
    %reduce_sum3A_2229 = vector.extract %reduce_sum3A_2228[0, 0, 0] : i32 from vector<1x1x1xi32>
    %add3A_2230 = arith.constant 0 : i32
    %add3A_2231 = arith.addi %add3A_2230, %reduce_sum3A_2229 : i32
    %lt3A_2232 = vector.broadcast %add3A_2217 : i32 to vector<2048x128xi32>
    %lt3A_2233 = arith.cmpi slt, %bitcast_convert_type3A_811, %lt3A_2232 : vector<2048x128xi32>
    %convert_element_type3A_2234 = arith.extui %lt3A_2233 : vector<2048x128xi1> to vector<2048x128xi32>
    %reduce_sum3A_2235 = vector.shape_cast %convert_element_type3A_2234 : vector<2048x128xi32> to vector<1x2048x128xi32>
    %reduce_sum3A_2236 = arith.constant dense<0> : vector<1xi32>
    %reduce_sum3A_2237 = vector.multi_reduction <add>, %reduce_sum3A_2235, %reduce_sum3A_2236 [1, 2] : vector<1x2048x128xi32> to vector<1xi32>
    %reduce_sum3A_2238 = vector.shape_cast %reduce_sum3A_2237 : vector<1xi32> to vector<1x1x1xi32>
    %reduce_sum3A_2239 = vector.extract %reduce_sum3A_2238[0, 0, 0] : i32 from vector<1x1x1xi32>
    %add3A_2240 = arith.addi %add3A_2231, %reduce_sum3A_2239 : i32
    %lt3A_2241 = vector.broadcast %add3A_2217 : i32 to vector<2048x128xi32>
    %lt3A_2242 = arith.cmpi slt, %bitcast_convert_type3A_881, %lt3A_2241 : vector<2048x128xi32>
    %convert_element_type3A_2243 = arith.extui %lt3A_2242 : vector<2048x128xi1> to vector<2048x128xi32>
    %reduce_sum3A_2244 = vector.shape_cast %convert_element_type3A_2243 : vector<2048x128xi32> to vector<1x2048x128xi32>
    %reduce_sum3A_2245 = arith.constant dense<0> : vector<1xi32>
    %reduce_sum3A_2246 = vector.multi_reduction <add>, %reduce_sum3A_2244, %reduce_sum3A_2245 [1, 2] : vector<1x2048x128xi32> to vector<1xi32>
    %reduce_sum3A_2247 = vector.shape_cast %reduce_sum3A_2246 : vector<1xi32> to vector<1x1x1xi32>
    %reduce_sum3A_2248 = vector.extract %reduce_sum3A_2247[0, 0, 0] : i32 from vector<1x1x1xi32>
    %add3A_2249 = arith.addi %add3A_2240, %reduce_sum3A_2248 : i32
    %lt3A_2250 = vector.broadcast %add3A_2217 : i32 to vector<2048x128xi32>
    %lt3A_2251 = arith.cmpi slt, %bitcast_convert_type3A_951, %lt3A_2250 : vector<2048x128xi32>
    %convert_element_type3A_2252 = arith.extui %lt3A_2251 : vector<2048x128xi1> to vector<2048x128xi32>
    %reduce_sum3A_2253 = vector.shape_cast %convert_element_type3A_2252 : vector<2048x128xi32> to vector<1x2048x128xi32>
    %reduce_sum3A_2254 = arith.constant dense<0> : vector<1xi32>
    %reduce_sum3A_2255 = vector.multi_reduction <add>, %reduce_sum3A_2253, %reduce_sum3A_2254 [1, 2] : vector<1x2048x128xi32> to vector<1xi32>
    %reduce_sum3A_2256 = vector.shape_cast %reduce_sum3A_2255 : vector<1xi32> to vector<1x1x1xi32>
    %reduce_sum3A_2257 = vector.extract %reduce_sum3A_2256[0, 0, 0] : i32 from vector<1x1x1xi32>
    %add3A_2258 = arith.addi %add3A_2249, %reduce_sum3A_2257 : i32
    %lt3A_2259 = vector.broadcast %add3A_2219 : i32 to vector<2048x128xi32>
    %lt3A_2260 = arith.cmpi slt, %bitcast_convert_type3A_741, %lt3A_2259 : vector<2048x128xi32>
    %convert_element_type3A_2261 = arith.extui %lt3A_2260 : vector<2048x128xi1> to vector<2048x128xi32>
    %reduce_sum3A_2262 = vector.shape_cast %convert_element_type3A_2261 : vector<2048x128xi32> to vector<1x2048x128xi32>
    %reduce_sum3A_2263 = arith.constant dense<0> : vector<1xi32>
    %reduce_sum3A_2264 = vector.multi_reduction <add>, %reduce_sum3A_2262, %reduce_sum3A_2263 [1, 2] : vector<1x2048x128xi32> to vector<1xi32>
    %reduce_sum3A_2265 = vector.shape_cast %reduce_sum3A_2264 : vector<1xi32> to vector<1x1x1xi32>
    %reduce_sum3A_2266 = vector.extract %reduce_sum3A_2265[0, 0, 0] : i32 from vector<1x1x1xi32>
    %add3A_2267 = arith.constant 0 : i32
    %add3A_2268 = arith.addi %add3A_2267, %reduce_sum3A_2266 : i32
    %lt3A_2269 = vector.broadcast %add3A_2219 : i32 to vector<2048x128xi32>
    %lt3A_2270 = arith.cmpi slt, %bitcast_convert_type3A_811, %lt3A_2269 : vector<2048x128xi32>
    %convert_element_type3A_2271 = arith.extui %lt3A_2270 : vector<2048x128xi1> to vector<2048x128xi32>
    %reduce_sum3A_2272 = vector.shape_cast %convert_element_type3A_2271 : vector<2048x128xi32> to vector<1x2048x128xi32>
    %reduce_sum3A_2273 = arith.constant dense<0> : vector<1xi32>
    %reduce_sum3A_2274 = vector.multi_reduction <add>, %reduce_sum3A_2272, %reduce_sum3A_2273 [1, 2] : vector<1x2048x128xi32> to vector<1xi32>
    %reduce_sum3A_2275 = vector.shape_cast %reduce_sum3A_2274 : vector<1xi32> to vector<1x1x1xi32>
    %reduce_sum3A_2276 = vector.extract %reduce_sum3A_2275[0, 0, 0] : i32 from vector<1x1x1xi32>
    %add3A_2277 = arith.addi %add3A_2268, %reduce_sum3A_2276 : i32
    %lt3A_2278 = vector.broadcast %add3A_2219 : i32 to vector<2048x128xi32>
    %lt3A_2279 = arith.cmpi slt, %bitcast_convert_type3A_881, %lt3A_2278 : vector<2048x128xi32>
    %convert_element_type3A_2280 = arith.extui %lt3A_2279 : vector<2048x128xi1> to vector<2048x128xi32>
    %reduce_sum3A_2281 = vector.shape_cast %convert_element_type3A_2280 : vector<2048x128xi32> to vector<1x2048x128xi32>
    %reduce_sum3A_2282 = arith.constant dense<0> : vector<1xi32>
    %reduce_sum3A_2283 = vector.multi_reduction <add>, %reduce_sum3A_2281, %reduce_sum3A_2282 [1, 2] : vector<1x2048x128xi32> to vector<1xi32>
    %reduce_sum3A_2284 = vector.shape_cast %reduce_sum3A_2283 : vector<1xi32> to vector<1x1x1xi32>
    %reduce_sum3A_2285 = vector.extract %reduce_sum3A_2284[0, 0, 0] : i32 from vector<1x1x1xi32>
    %add3A_2286 = arith.addi %add3A_2277, %reduce_sum3A_2285 : i32
    %lt3A_2287 = vector.broadcast %add3A_2219 : i32 to vector<2048x128xi32>
    %lt3A_2288 = arith.cmpi slt, %bitcast_convert_type3A_951, %lt3A_2287 : vector<2048x128xi32>
    %convert_element_type3A_2289 = arith.extui %lt3A_2288 : vector<2048x128xi1> to vector<2048x128xi32>
    %reduce_sum3A_2290 = vector.shape_cast %convert_element_type3A_2289 : vector<2048x128xi32> to vector<1x2048x128xi32>
    %reduce_sum3A_2291 = arith.constant dense<0> : vector<1xi32>
    %reduce_sum3A_2292 = vector.multi_reduction <add>, %reduce_sum3A_2290, %reduce_sum3A_2291 [1, 2] : vector<1x2048x128xi32> to vector<1xi32>
    %reduce_sum3A_2293 = vector.shape_cast %reduce_sum3A_2292 : vector<1xi32> to vector<1x1x1xi32>
    %reduce_sum3A_2294 = vector.extract %reduce_sum3A_2293[0, 0, 0] : i32 from vector<1x1x1xi32>
    %add3A_2295 = arith.addi %add3A_2286, %reduce_sum3A_2294 : i32
    %lt3A_2296 = vector.broadcast %add3A_2221 : i32 to vector<2048x128xi32>
    %lt3A_2297 = arith.cmpi slt, %bitcast_convert_type3A_741, %lt3A_2296 : vector<2048x128xi32>
    %convert_element_type3A_2298 = arith.extui %lt3A_2297 : vector<2048x128xi1> to vector<2048x128xi32>
    %reduce_sum3A_2299 = vector.shape_cast %convert_element_type3A_2298 : vector<2048x128xi32> to vector<1x2048x128xi32>
    %reduce_sum3A_2300 = arith.constant dense<0> : vector<1xi32>
    %reduce_sum3A_2301 = vector.multi_reduction <add>, %reduce_sum3A_2299, %reduce_sum3A_2300 [1, 2] : vector<1x2048x128xi32> to vector<1xi32>
    %reduce_sum3A_2302 = vector.shape_cast %reduce_sum3A_2301 : vector<1xi32> to vector<1x1x1xi32>
    %reduce_sum3A_2303 = vector.extract %reduce_sum3A_2302[0, 0, 0] : i32 from vector<1x1x1xi32>
    %add3A_2304 = arith.constant 0 : i32
    %add3A_2305 = arith.addi %add3A_2304, %reduce_sum3A_2303 : i32
    %lt3A_2306 = vector.broadcast %add3A_2221 : i32 to vector<2048x128xi32>
    %lt3A_2307 = arith.cmpi slt, %bitcast_convert_type3A_811, %lt3A_2306 : vector<2048x128xi32>
    %convert_element_type3A_2308 = arith.extui %lt3A_2307 : vector<2048x128xi1> to vector<2048x128xi32>
    %reduce_sum3A_2309 = vector.shape_cast %convert_element_type3A_2308 : vector<2048x128xi32> to vector<1x2048x128xi32>
    %reduce_sum3A_2310 = arith.constant dense<0> : vector<1xi32>
    %reduce_sum3A_2311 = vector.multi_reduction <add>, %reduce_sum3A_2309, %reduce_sum3A_2310 [1, 2] : vector<1x2048x128xi32> to vector<1xi32>
    %reduce_sum3A_2312 = vector.shape_cast %reduce_sum3A_2311 : vector<1xi32> to vector<1x1x1xi32>
    %reduce_sum3A_2313 = vector.extract %reduce_sum3A_2312[0, 0, 0] : i32 from vector<1x1x1xi32>
    %add3A_2314 = arith.addi %add3A_2305, %reduce_sum3A_2313 : i32
    %lt3A_2315 = vector.broadcast %add3A_2221 : i32 to vector<2048x128xi32>
    %lt3A_2316 = arith.cmpi slt, %bitcast_convert_type3A_881, %lt3A_2315 : vector<2048x128xi32>
    %convert_element_type3A_2317 = arith.extui %lt3A_2316 : vector<2048x128xi1> to vector<2048x128xi32>
    %reduce_sum3A_2318 = vector.shape_cast %convert_element_type3A_2317 : vector<2048x128xi32> to vector<1x2048x128xi32>
    %reduce_sum3A_2319 = arith.constant dense<0> : vector<1xi32>
    %reduce_sum3A_2320 = vector.multi_reduction <add>, %reduce_sum3A_2318, %reduce_sum3A_2319 [1, 2] : vector<1x2048x128xi32> to vector<1xi32>
    %reduce_sum3A_2321 = vector.shape_cast %reduce_sum3A_2320 : vector<1xi32> to vector<1x1x1xi32>
    %reduce_sum3A_2322 = vector.extract %reduce_sum3A_2321[0, 0, 0] : i32 from vector<1x1x1xi32>
    %add3A_2323 = arith.addi %add3A_2314, %reduce_sum3A_2322 : i32
    %lt3A_2324 = vector.broadcast %add3A_2221 : i32 to vector<2048x128xi32>
    %lt3A_2325 = arith.cmpi slt, %bitcast_convert_type3A_951, %lt3A_2324 : vector<2048x128xi32>
    %convert_element_type3A_2326 = arith.extui %lt3A_2325 : vector<2048x128xi1> to vector<2048x128xi32>
    %reduce_sum3A_2327 = vector.shape_cast %convert_element_type3A_2326 : vector<2048x128xi32> to vector<1x2048x128xi32>
    %reduce_sum3A_2328 = arith.constant dense<0> : vector<1xi32>
    %reduce_sum3A_2329 = vector.multi_reduction <add>, %reduce_sum3A_2327, %reduce_sum3A_2328 [1, 2] : vector<1x2048x128xi32> to vector<1xi32>
    %reduce_sum3A_2330 = vector.shape_cast %reduce_sum3A_2329 : vector<1xi32> to vector<1x1x1xi32>
    %reduce_sum3A_2331 = vector.extract %reduce_sum3A_2330[0, 0, 0] : i32 from vector<1x1x1xi32>
    %add3A_2332 = arith.addi %add3A_2323, %reduce_sum3A_2331 : i32
    %ge3A_2333 = arith.constant 734003 : i32
    %ge3A_2334 = arith.cmpi sge, %add3A_2258, %ge3A_2333 : i32
    %ge3A_2335 = arith.constant 734003 : i32
    %ge3A_2336 = arith.cmpi sge, %add3A_2295, %ge3A_2335 : i32
    %ge3A_2337 = arith.constant 734003 : i32
    %ge3A_2338 = arith.cmpi sge, %add3A_2332, %ge3A_2337 : i32
    %select_n3A_2339 = arith.select %ge3A_2338, %add3A_2219, %add3A_2221 : i32
    %select_n3A_2340 = arith.select %ge3A_2336, %add3A_2217, %select_n3A_2339 : i32
    %select_n3A_2341 = arith.select %ge3A_2334, %select_n3A_2215, %select_n3A_2340 : i32
    %add3A_2342 = arith.constant 64 : i32
    %add3A_2343 = arith.addi %select_n3A_2341, %add3A_2342 : i32
    %add3A_2344 = arith.constant 128 : i32
    %add3A_2345 = arith.addi %select_n3A_2341, %add3A_2344 : i32
    %add3A_2346 = arith.constant 192 : i32
    %add3A_2347 = arith.addi %select_n3A_2341, %add3A_2346 : i32
    %lt3A_2348 = vector.broadcast %add3A_2343 : i32 to vector<2048x128xi32>
    %lt3A_2349 = arith.cmpi slt, %bitcast_convert_type3A_741, %lt3A_2348 : vector<2048x128xi32>
    %convert_element_type3A_2350 = arith.extui %lt3A_2349 : vector<2048x128xi1> to vector<2048x128xi32>
    %reduce_sum3A_2351 = vector.shape_cast %convert_element_type3A_2350 : vector<2048x128xi32> to vector<1x2048x128xi32>
    %reduce_sum3A_2352 = arith.constant dense<0> : vector<1xi32>
    %reduce_sum3A_2353 = vector.multi_reduction <add>, %reduce_sum3A_2351, %reduce_sum3A_2352 [1, 2] : vector<1x2048x128xi32> to vector<1xi32>
    %reduce_sum3A_2354 = vector.shape_cast %reduce_sum3A_2353 : vector<1xi32> to vector<1x1x1xi32>
    %reduce_sum3A_2355 = vector.extract %reduce_sum3A_2354[0, 0, 0] : i32 from vector<1x1x1xi32>
    %add3A_2356 = arith.constant 0 : i32
    %add3A_2357 = arith.addi %add3A_2356, %reduce_sum3A_2355 : i32
    %lt3A_2358 = vector.broadcast %add3A_2343 : i32 to vector<2048x128xi32>
    %lt3A_2359 = arith.cmpi slt, %bitcast_convert_type3A_811, %lt3A_2358 : vector<2048x128xi32>
    %convert_element_type3A_2360 = arith.extui %lt3A_2359 : vector<2048x128xi1> to vector<2048x128xi32>
    %reduce_sum3A_2361 = vector.shape_cast %convert_element_type3A_2360 : vector<2048x128xi32> to vector<1x2048x128xi32>
    %reduce_sum3A_2362 = arith.constant dense<0> : vector<1xi32>
    %reduce_sum3A_2363 = vector.multi_reduction <add>, %reduce_sum3A_2361, %reduce_sum3A_2362 [1, 2] : vector<1x2048x128xi32> to vector<1xi32>
    %reduce_sum3A_2364 = vector.shape_cast %reduce_sum3A_2363 : vector<1xi32> to vector<1x1x1xi32>
    %reduce_sum3A_2365 = vector.extract %reduce_sum3A_2364[0, 0, 0] : i32 from vector<1x1x1xi32>
    %add3A_2366 = arith.addi %add3A_2357, %reduce_sum3A_2365 : i32
    %lt3A_2367 = vector.broadcast %add3A_2343 : i32 to vector<2048x128xi32>
    %lt3A_2368 = arith.cmpi slt, %bitcast_convert_type3A_881, %lt3A_2367 : vector<2048x128xi32>
    %convert_element_type3A_2369 = arith.extui %lt3A_2368 : vector<2048x128xi1> to vector<2048x128xi32>
    %reduce_sum3A_2370 = vector.shape_cast %convert_element_type3A_2369 : vector<2048x128xi32> to vector<1x2048x128xi32>
    %reduce_sum3A_2371 = arith.constant dense<0> : vector<1xi32>
    %reduce_sum3A_2372 = vector.multi_reduction <add>, %reduce_sum3A_2370, %reduce_sum3A_2371 [1, 2] : vector<1x2048x128xi32> to vector<1xi32>
    %reduce_sum3A_2373 = vector.shape_cast %reduce_sum3A_2372 : vector<1xi32> to vector<1x1x1xi32>
    %reduce_sum3A_2374 = vector.extract %reduce_sum3A_2373[0, 0, 0] : i32 from vector<1x1x1xi32>
    %add3A_2375 = arith.addi %add3A_2366, %reduce_sum3A_2374 : i32
    %lt3A_2376 = vector.broadcast %add3A_2343 : i32 to vector<2048x128xi32>
    %lt3A_2377 = arith.cmpi slt, %bitcast_convert_type3A_951, %lt3A_2376 : vector<2048x128xi32>
    %convert_element_type3A_2378 = arith.extui %lt3A_2377 : vector<2048x128xi1> to vector<2048x128xi32>
    %reduce_sum3A_2379 = vector.shape_cast %convert_element_type3A_2378 : vector<2048x128xi32> to vector<1x2048x128xi32>
    %reduce_sum3A_2380 = arith.constant dense<0> : vector<1xi32>
    %reduce_sum3A_2381 = vector.multi_reduction <add>, %reduce_sum3A_2379, %reduce_sum3A_2380 [1, 2] : vector<1x2048x128xi32> to vector<1xi32>
    %reduce_sum3A_2382 = vector.shape_cast %reduce_sum3A_2381 : vector<1xi32> to vector<1x1x1xi32>
    %reduce_sum3A_2383 = vector.extract %reduce_sum3A_2382[0, 0, 0] : i32 from vector<1x1x1xi32>
    %add3A_2384 = arith.addi %add3A_2375, %reduce_sum3A_2383 : i32
    %lt3A_2385 = vector.broadcast %add3A_2345 : i32 to vector<2048x128xi32>
    %lt3A_2386 = arith.cmpi slt, %bitcast_convert_type3A_741, %lt3A_2385 : vector<2048x128xi32>
    %convert_element_type3A_2387 = arith.extui %lt3A_2386 : vector<2048x128xi1> to vector<2048x128xi32>
    %reduce_sum3A_2388 = vector.shape_cast %convert_element_type3A_2387 : vector<2048x128xi32> to vector<1x2048x128xi32>
    %reduce_sum3A_2389 = arith.constant dense<0> : vector<1xi32>
    %reduce_sum3A_2390 = vector.multi_reduction <add>, %reduce_sum3A_2388, %reduce_sum3A_2389 [1, 2] : vector<1x2048x128xi32> to vector<1xi32>
    %reduce_sum3A_2391 = vector.shape_cast %reduce_sum3A_2390 : vector<1xi32> to vector<1x1x1xi32>
    %reduce_sum3A_2392 = vector.extract %reduce_sum3A_2391[0, 0, 0] : i32 from vector<1x1x1xi32>
    %add3A_2393 = arith.constant 0 : i32
    %add3A_2394 = arith.addi %add3A_2393, %reduce_sum3A_2392 : i32
    %lt3A_2395 = vector.broadcast %add3A_2345 : i32 to vector<2048x128xi32>
    %lt3A_2396 = arith.cmpi slt, %bitcast_convert_type3A_811, %lt3A_2395 : vector<2048x128xi32>
    %convert_element_type3A_2397 = arith.extui %lt3A_2396 : vector<2048x128xi1> to vector<2048x128xi32>
    %reduce_sum3A_2398 = vector.shape_cast %convert_element_type3A_2397 : vector<2048x128xi32> to vector<1x2048x128xi32>
    %reduce_sum3A_2399 = arith.constant dense<0> : vector<1xi32>
    %reduce_sum3A_2400 = vector.multi_reduction <add>, %reduce_sum3A_2398, %reduce_sum3A_2399 [1, 2] : vector<1x2048x128xi32> to vector<1xi32>
    %reduce_sum3A_2401 = vector.shape_cast %reduce_sum3A_2400 : vector<1xi32> to vector<1x1x1xi32>
    %reduce_sum3A_2402 = vector.extract %reduce_sum3A_2401[0, 0, 0] : i32 from vector<1x1x1xi32>
    %add3A_2403 = arith.addi %add3A_2394, %reduce_sum3A_2402 : i32
    %lt3A_2404 = vector.broadcast %add3A_2345 : i32 to vector<2048x128xi32>
    %lt3A_2405 = arith.cmpi slt, %bitcast_convert_type3A_881, %lt3A_2404 : vector<2048x128xi32>
    %convert_element_type3A_2406 = arith.extui %lt3A_2405 : vector<2048x128xi1> to vector<2048x128xi32>
    %reduce_sum3A_2407 = vector.shape_cast %convert_element_type3A_2406 : vector<2048x128xi32> to vector<1x2048x128xi32>
    %reduce_sum3A_2408 = arith.constant dense<0> : vector<1xi32>
    %reduce_sum3A_2409 = vector.multi_reduction <add>, %reduce_sum3A_2407, %reduce_sum3A_2408 [1, 2] : vector<1x2048x128xi32> to vector<1xi32>
    %reduce_sum3A_2410 = vector.shape_cast %reduce_sum3A_2409 : vector<1xi32> to vector<1x1x1xi32>
    %reduce_sum3A_2411 = vector.extract %reduce_sum3A_2410[0, 0, 0] : i32 from vector<1x1x1xi32>
    %add3A_2412 = arith.addi %add3A_2403, %reduce_sum3A_2411 : i32
    %lt3A_2413 = vector.broadcast %add3A_2345 : i32 to vector<2048x128xi32>
    %lt3A_2414 = arith.cmpi slt, %bitcast_convert_type3A_951, %lt3A_2413 : vector<2048x128xi32>
    %convert_element_type3A_2415 = arith.extui %lt3A_2414 : vector<2048x128xi1> to vector<2048x128xi32>
    %reduce_sum3A_2416 = vector.shape_cast %convert_element_type3A_2415 : vector<2048x128xi32> to vector<1x2048x128xi32>
    %reduce_sum3A_2417 = arith.constant dense<0> : vector<1xi32>
    %reduce_sum3A_2418 = vector.multi_reduction <add>, %reduce_sum3A_2416, %reduce_sum3A_2417 [1, 2] : vector<1x2048x128xi32> to vector<1xi32>
    %reduce_sum3A_2419 = vector.shape_cast %reduce_sum3A_2418 : vector<1xi32> to vector<1x1x1xi32>
    %reduce_sum3A_2420 = vector.extract %reduce_sum3A_2419[0, 0, 0] : i32 from vector<1x1x1xi32>
    %add3A_2421 = arith.addi %add3A_2412, %reduce_sum3A_2420 : i32
    %lt3A_2422 = vector.broadcast %add3A_2347 : i32 to vector<2048x128xi32>
    %lt3A_2423 = arith.cmpi slt, %bitcast_convert_type3A_741, %lt3A_2422 : vector<2048x128xi32>
    %convert_element_type3A_2424 = arith.extui %lt3A_2423 : vector<2048x128xi1> to vector<2048x128xi32>
    %reduce_sum3A_2425 = vector.shape_cast %convert_element_type3A_2424 : vector<2048x128xi32> to vector<1x2048x128xi32>
    %reduce_sum3A_2426 = arith.constant dense<0> : vector<1xi32>
    %reduce_sum3A_2427 = vector.multi_reduction <add>, %reduce_sum3A_2425, %reduce_sum3A_2426 [1, 2] : vector<1x2048x128xi32> to vector<1xi32>
    %reduce_sum3A_2428 = vector.shape_cast %reduce_sum3A_2427 : vector<1xi32> to vector<1x1x1xi32>
    %reduce_sum3A_2429 = vector.extract %reduce_sum3A_2428[0, 0, 0] : i32 from vector<1x1x1xi32>
    %add3A_2430 = arith.constant 0 : i32
    %add3A_2431 = arith.addi %add3A_2430, %reduce_sum3A_2429 : i32
    %lt3A_2432 = vector.broadcast %add3A_2347 : i32 to vector<2048x128xi32>
    %lt3A_2433 = arith.cmpi slt, %bitcast_convert_type3A_811, %lt3A_2432 : vector<2048x128xi32>
    %convert_element_type3A_2434 = arith.extui %lt3A_2433 : vector<2048x128xi1> to vector<2048x128xi32>
    %reduce_sum3A_2435 = vector.shape_cast %convert_element_type3A_2434 : vector<2048x128xi32> to vector<1x2048x128xi32>
    %reduce_sum3A_2436 = arith.constant dense<0> : vector<1xi32>
    %reduce_sum3A_2437 = vector.multi_reduction <add>, %reduce_sum3A_2435, %reduce_sum3A_2436 [1, 2] : vector<1x2048x128xi32> to vector<1xi32>
    %reduce_sum3A_2438 = vector.shape_cast %reduce_sum3A_2437 : vector<1xi32> to vector<1x1x1xi32>
    %reduce_sum3A_2439 = vector.extract %reduce_sum3A_2438[0, 0, 0] : i32 from vector<1x1x1xi32>
    %add3A_2440 = arith.addi %add3A_2431, %reduce_sum3A_2439 : i32
    %lt3A_2441 = vector.broadcast %add3A_2347 : i32 to vector<2048x128xi32>
    %lt3A_2442 = arith.cmpi slt, %bitcast_convert_type3A_881, %lt3A_2441 : vector<2048x128xi32>
    %convert_element_type3A_2443 = arith.extui %lt3A_2442 : vector<2048x128xi1> to vector<2048x128xi32>
    %reduce_sum3A_2444 = vector.shape_cast %convert_element_type3A_2443 : vector<2048x128xi32> to vector<1x2048x128xi32>
    %reduce_sum3A_2445 = arith.constant dense<0> : vector<1xi32>
    %reduce_sum3A_2446 = vector.multi_reduction <add>, %reduce_sum3A_2444, %reduce_sum3A_2445 [1, 2] : vector<1x2048x128xi32> to vector<1xi32>
    %reduce_sum3A_2447 = vector.shape_cast %reduce_sum3A_2446 : vector<1xi32> to vector<1x1x1xi32>
    %reduce_sum3A_2448 = vector.extract %reduce_sum3A_2447[0, 0, 0] : i32 from vector<1x1x1xi32>
    %add3A_2449 = arith.addi %add3A_2440, %reduce_sum3A_2448 : i32
    %lt3A_2450 = vector.broadcast %add3A_2347 : i32 to vector<2048x128xi32>
    %lt3A_2451 = arith.cmpi slt, %bitcast_convert_type3A_951, %lt3A_2450 : vector<2048x128xi32>
    %convert_element_type3A_2452 = arith.extui %lt3A_2451 : vector<2048x128xi1> to vector<2048x128xi32>
    %reduce_sum3A_2453 = vector.shape_cast %convert_element_type3A_2452 : vector<2048x128xi32> to vector<1x2048x128xi32>
    %reduce_sum3A_2454 = arith.constant dense<0> : vector<1xi32>
    %reduce_sum3A_2455 = vector.multi_reduction <add>, %reduce_sum3A_2453, %reduce_sum3A_2454 [1, 2] : vector<1x2048x128xi32> to vector<1xi32>
    %reduce_sum3A_2456 = vector.shape_cast %reduce_sum3A_2455 : vector<1xi32> to vector<1x1x1xi32>
    %reduce_sum3A_2457 = vector.extract %reduce_sum3A_2456[0, 0, 0] : i32 from vector<1x1x1xi32>
    %add3A_2458 = arith.addi %add3A_2449, %reduce_sum3A_2457 : i32
    %ge3A_2459 = arith.constant 734003 : i32
    %ge3A_2460 = arith.cmpi sge, %add3A_2384, %ge3A_2459 : i32
    %ge3A_2461 = arith.constant 734003 : i32
    %ge3A_2462 = arith.cmpi sge, %add3A_2421, %ge3A_2461 : i32
    %ge3A_2463 = arith.constant 734003 : i32
    %ge3A_2464 = arith.cmpi sge, %add3A_2458, %ge3A_2463 : i32
    %select_n3A_2465 = arith.select %ge3A_2464, %add3A_2345, %add3A_2347 : i32
    %select_n3A_2466 = arith.select %ge3A_2462, %add3A_2343, %select_n3A_2465 : i32
    %select_n3A_2467 = arith.select %ge3A_2460, %select_n3A_2341, %select_n3A_2466 : i32
    %add3A_2468 = arith.constant 16 : i32
    %add3A_2469 = arith.addi %select_n3A_2467, %add3A_2468 : i32
    %add3A_2470 = arith.constant 32 : i32
    %add3A_2471 = arith.addi %select_n3A_2467, %add3A_2470 : i32
    %add3A_2472 = arith.constant 48 : i32
    %add3A_2473 = arith.addi %select_n3A_2467, %add3A_2472 : i32
    %lt3A_2474 = vector.broadcast %add3A_2469 : i32 to vector<2048x128xi32>
    %lt3A_2475 = arith.cmpi slt, %bitcast_convert_type3A_741, %lt3A_2474 : vector<2048x128xi32>
    %convert_element_type3A_2476 = arith.extui %lt3A_2475 : vector<2048x128xi1> to vector<2048x128xi32>
    %reduce_sum3A_2477 = vector.shape_cast %convert_element_type3A_2476 : vector<2048x128xi32> to vector<1x2048x128xi32>
    %reduce_sum3A_2478 = arith.constant dense<0> : vector<1xi32>
    %reduce_sum3A_2479 = vector.multi_reduction <add>, %reduce_sum3A_2477, %reduce_sum3A_2478 [1, 2] : vector<1x2048x128xi32> to vector<1xi32>
    %reduce_sum3A_2480 = vector.shape_cast %reduce_sum3A_2479 : vector<1xi32> to vector<1x1x1xi32>
    %reduce_sum3A_2481 = vector.extract %reduce_sum3A_2480[0, 0, 0] : i32 from vector<1x1x1xi32>
    %add3A_2482 = arith.constant 0 : i32
    %add3A_2483 = arith.addi %add3A_2482, %reduce_sum3A_2481 : i32
    %lt3A_2484 = vector.broadcast %add3A_2469 : i32 to vector<2048x128xi32>
    %lt3A_2485 = arith.cmpi slt, %bitcast_convert_type3A_811, %lt3A_2484 : vector<2048x128xi32>
    %convert_element_type3A_2486 = arith.extui %lt3A_2485 : vector<2048x128xi1> to vector<2048x128xi32>
    %reduce_sum3A_2487 = vector.shape_cast %convert_element_type3A_2486 : vector<2048x128xi32> to vector<1x2048x128xi32>
    %reduce_sum3A_2488 = arith.constant dense<0> : vector<1xi32>
    %reduce_sum3A_2489 = vector.multi_reduction <add>, %reduce_sum3A_2487, %reduce_sum3A_2488 [1, 2] : vector<1x2048x128xi32> to vector<1xi32>
    %reduce_sum3A_2490 = vector.shape_cast %reduce_sum3A_2489 : vector<1xi32> to vector<1x1x1xi32>
    %reduce_sum3A_2491 = vector.extract %reduce_sum3A_2490[0, 0, 0] : i32 from vector<1x1x1xi32>
    %add3A_2492 = arith.addi %add3A_2483, %reduce_sum3A_2491 : i32
    %lt3A_2493 = vector.broadcast %add3A_2469 : i32 to vector<2048x128xi32>
    %lt3A_2494 = arith.cmpi slt, %bitcast_convert_type3A_881, %lt3A_2493 : vector<2048x128xi32>
    %convert_element_type3A_2495 = arith.extui %lt3A_2494 : vector<2048x128xi1> to vector<2048x128xi32>
    %reduce_sum3A_2496 = vector.shape_cast %convert_element_type3A_2495 : vector<2048x128xi32> to vector<1x2048x128xi32>
    %reduce_sum3A_2497 = arith.constant dense<0> : vector<1xi32>
    %reduce_sum3A_2498 = vector.multi_reduction <add>, %reduce_sum3A_2496, %reduce_sum3A_2497 [1, 2] : vector<1x2048x128xi32> to vector<1xi32>
    %reduce_sum3A_2499 = vector.shape_cast %reduce_sum3A_2498 : vector<1xi32> to vector<1x1x1xi32>
    %reduce_sum3A_2500 = vector.extract %reduce_sum3A_2499[0, 0, 0] : i32 from vector<1x1x1xi32>
    %add3A_2501 = arith.addi %add3A_2492, %reduce_sum3A_2500 : i32
    %lt3A_2502 = vector.broadcast %add3A_2469 : i32 to vector<2048x128xi32>
    %lt3A_2503 = arith.cmpi slt, %bitcast_convert_type3A_951, %lt3A_2502 : vector<2048x128xi32>
    %convert_element_type3A_2504 = arith.extui %lt3A_2503 : vector<2048x128xi1> to vector<2048x128xi32>
    %reduce_sum3A_2505 = vector.shape_cast %convert_element_type3A_2504 : vector<2048x128xi32> to vector<1x2048x128xi32>
    %reduce_sum3A_2506 = arith.constant dense<0> : vector<1xi32>
    %reduce_sum3A_2507 = vector.multi_reduction <add>, %reduce_sum3A_2505, %reduce_sum3A_2506 [1, 2] : vector<1x2048x128xi32> to vector<1xi32>
    %reduce_sum3A_2508 = vector.shape_cast %reduce_sum3A_2507 : vector<1xi32> to vector<1x1x1xi32>
    %reduce_sum3A_2509 = vector.extract %reduce_sum3A_2508[0, 0, 0] : i32 from vector<1x1x1xi32>
    %add3A_2510 = arith.addi %add3A_2501, %reduce_sum3A_2509 : i32
    %lt3A_2511 = vector.broadcast %add3A_2471 : i32 to vector<2048x128xi32>
    %lt3A_2512 = arith.cmpi slt, %bitcast_convert_type3A_741, %lt3A_2511 : vector<2048x128xi32>
    %convert_element_type3A_2513 = arith.extui %lt3A_2512 : vector<2048x128xi1> to vector<2048x128xi32>
    %reduce_sum3A_2514 = vector.shape_cast %convert_element_type3A_2513 : vector<2048x128xi32> to vector<1x2048x128xi32>
    %reduce_sum3A_2515 = arith.constant dense<0> : vector<1xi32>
    %reduce_sum3A_2516 = vector.multi_reduction <add>, %reduce_sum3A_2514, %reduce_sum3A_2515 [1, 2] : vector<1x2048x128xi32> to vector<1xi32>
    %reduce_sum3A_2517 = vector.shape_cast %reduce_sum3A_2516 : vector<1xi32> to vector<1x1x1xi32>
    %reduce_sum3A_2518 = vector.extract %reduce_sum3A_2517[0, 0, 0] : i32 from vector<1x1x1xi32>
    %add3A_2519 = arith.constant 0 : i32
    %add3A_2520 = arith.addi %add3A_2519, %reduce_sum3A_2518 : i32
    %lt3A_2521 = vector.broadcast %add3A_2471 : i32 to vector<2048x128xi32>
    %lt3A_2522 = arith.cmpi slt, %bitcast_convert_type3A_811, %lt3A_2521 : vector<2048x128xi32>
    %convert_element_type3A_2523 = arith.extui %lt3A_2522 : vector<2048x128xi1> to vector<2048x128xi32>
    %reduce_sum3A_2524 = vector.shape_cast %convert_element_type3A_2523 : vector<2048x128xi32> to vector<1x2048x128xi32>
    %reduce_sum3A_2525 = arith.constant dense<0> : vector<1xi32>
    %reduce_sum3A_2526 = vector.multi_reduction <add>, %reduce_sum3A_2524, %reduce_sum3A_2525 [1, 2] : vector<1x2048x128xi32> to vector<1xi32>
    %reduce_sum3A_2527 = vector.shape_cast %reduce_sum3A_2526 : vector<1xi32> to vector<1x1x1xi32>
    %reduce_sum3A_2528 = vector.extract %reduce_sum3A_2527[0, 0, 0] : i32 from vector<1x1x1xi32>
    %add3A_2529 = arith.addi %add3A_2520, %reduce_sum3A_2528 : i32
    %lt3A_2530 = vector.broadcast %add3A_2471 : i32 to vector<2048x128xi32>
    %lt3A_2531 = arith.cmpi slt, %bitcast_convert_type3A_881, %lt3A_2530 : vector<2048x128xi32>
    %convert_element_type3A_2532 = arith.extui %lt3A_2531 : vector<2048x128xi1> to vector<2048x128xi32>
    %reduce_sum3A_2533 = vector.shape_cast %convert_element_type3A_2532 : vector<2048x128xi32> to vector<1x2048x128xi32>
    %reduce_sum3A_2534 = arith.constant dense<0> : vector<1xi32>
    %reduce_sum3A_2535 = vector.multi_reduction <add>, %reduce_sum3A_2533, %reduce_sum3A_2534 [1, 2] : vector<1x2048x128xi32> to vector<1xi32>
    %reduce_sum3A_2536 = vector.shape_cast %reduce_sum3A_2535 : vector<1xi32> to vector<1x1x1xi32>
    %reduce_sum3A_2537 = vector.extract %reduce_sum3A_2536[0, 0, 0] : i32 from vector<1x1x1xi32>
    %add3A_2538 = arith.addi %add3A_2529, %reduce_sum3A_2537 : i32
    %lt3A_2539 = vector.broadcast %add3A_2471 : i32 to vector<2048x128xi32>
    %lt3A_2540 = arith.cmpi slt, %bitcast_convert_type3A_951, %lt3A_2539 : vector<2048x128xi32>
    %convert_element_type3A_2541 = arith.extui %lt3A_2540 : vector<2048x128xi1> to vector<2048x128xi32>
    %reduce_sum3A_2542 = vector.shape_cast %convert_element_type3A_2541 : vector<2048x128xi32> to vector<1x2048x128xi32>
    %reduce_sum3A_2543 = arith.constant dense<0> : vector<1xi32>
    %reduce_sum3A_2544 = vector.multi_reduction <add>, %reduce_sum3A_2542, %reduce_sum3A_2543 [1, 2] : vector<1x2048x128xi32> to vector<1xi32>
    %reduce_sum3A_2545 = vector.shape_cast %reduce_sum3A_2544 : vector<1xi32> to vector<1x1x1xi32>
    %reduce_sum3A_2546 = vector.extract %reduce_sum3A_2545[0, 0, 0] : i32 from vector<1x1x1xi32>
    %add3A_2547 = arith.addi %add3A_2538, %reduce_sum3A_2546 : i32
    %lt3A_2548 = vector.broadcast %add3A_2473 : i32 to vector<2048x128xi32>
    %lt3A_2549 = arith.cmpi slt, %bitcast_convert_type3A_741, %lt3A_2548 : vector<2048x128xi32>
    %convert_element_type3A_2550 = arith.extui %lt3A_2549 : vector<2048x128xi1> to vector<2048x128xi32>
    %reduce_sum3A_2551 = vector.shape_cast %convert_element_type3A_2550 : vector<2048x128xi32> to vector<1x2048x128xi32>
    %reduce_sum3A_2552 = arith.constant dense<0> : vector<1xi32>
    %reduce_sum3A_2553 = vector.multi_reduction <add>, %reduce_sum3A_2551, %reduce_sum3A_2552 [1, 2] : vector<1x2048x128xi32> to vector<1xi32>
    %reduce_sum3A_2554 = vector.shape_cast %reduce_sum3A_2553 : vector<1xi32> to vector<1x1x1xi32>
    %reduce_sum3A_2555 = vector.extract %reduce_sum3A_2554[0, 0, 0] : i32 from vector<1x1x1xi32>
    %add3A_2556 = arith.constant 0 : i32
    %add3A_2557 = arith.addi %add3A_2556, %reduce_sum3A_2555 : i32
    %lt3A_2558 = vector.broadcast %add3A_2473 : i32 to vector<2048x128xi32>
    %lt3A_2559 = arith.cmpi slt, %bitcast_convert_type3A_811, %lt3A_2558 : vector<2048x128xi32>
    %convert_element_type3A_2560 = arith.extui %lt3A_2559 : vector<2048x128xi1> to vector<2048x128xi32>
    %reduce_sum3A_2561 = vector.shape_cast %convert_element_type3A_2560 : vector<2048x128xi32> to vector<1x2048x128xi32>
    %reduce_sum3A_2562 = arith.constant dense<0> : vector<1xi32>
    %reduce_sum3A_2563 = vector.multi_reduction <add>, %reduce_sum3A_2561, %reduce_sum3A_2562 [1, 2] : vector<1x2048x128xi32> to vector<1xi32>
    %reduce_sum3A_2564 = vector.shape_cast %reduce_sum3A_2563 : vector<1xi32> to vector<1x1x1xi32>
    %reduce_sum3A_2565 = vector.extract %reduce_sum3A_2564[0, 0, 0] : i32 from vector<1x1x1xi32>
    %add3A_2566 = arith.addi %add3A_2557, %reduce_sum3A_2565 : i32
    %lt3A_2567 = vector.broadcast %add3A_2473 : i32 to vector<2048x128xi32>
    %lt3A_2568 = arith.cmpi slt, %bitcast_convert_type3A_881, %lt3A_2567 : vector<2048x128xi32>
    %convert_element_type3A_2569 = arith.extui %lt3A_2568 : vector<2048x128xi1> to vector<2048x128xi32>
    %reduce_sum3A_2570 = vector.shape_cast %convert_element_type3A_2569 : vector<2048x128xi32> to vector<1x2048x128xi32>
    %reduce_sum3A_2571 = arith.constant dense<0> : vector<1xi32>
    %reduce_sum3A_2572 = vector.multi_reduction <add>, %reduce_sum3A_2570, %reduce_sum3A_2571 [1, 2] : vector<1x2048x128xi32> to vector<1xi32>
    %reduce_sum3A_2573 = vector.shape_cast %reduce_sum3A_2572 : vector<1xi32> to vector<1x1x1xi32>
    %reduce_sum3A_2574 = vector.extract %reduce_sum3A_2573[0, 0, 0] : i32 from vector<1x1x1xi32>
    %add3A_2575 = arith.addi %add3A_2566, %reduce_sum3A_2574 : i32
    %lt3A_2576 = vector.broadcast %add3A_2473 : i32 to vector<2048x128xi32>
    %lt3A_2577 = arith.cmpi slt, %bitcast_convert_type3A_951, %lt3A_2576 : vector<2048x128xi32>
    %convert_element_type3A_2578 = arith.extui %lt3A_2577 : vector<2048x128xi1> to vector<2048x128xi32>
    %reduce_sum3A_2579 = vector.shape_cast %convert_element_type3A_2578 : vector<2048x128xi32> to vector<1x2048x128xi32>
    %reduce_sum3A_2580 = arith.constant dense<0> : vector<1xi32>
    %reduce_sum3A_2581 = vector.multi_reduction <add>, %reduce_sum3A_2579, %reduce_sum3A_2580 [1, 2] : vector<1x2048x128xi32> to vector<1xi32>
    %reduce_sum3A_2582 = vector.shape_cast %reduce_sum3A_2581 : vector<1xi32> to vector<1x1x1xi32>
    %reduce_sum3A_2583 = vector.extract %reduce_sum3A_2582[0, 0, 0] : i32 from vector<1x1x1xi32>
    %add3A_2584 = arith.addi %add3A_2575, %reduce_sum3A_2583 : i32
    %ge3A_2585 = arith.constant 734003 : i32
    %ge3A_2586 = arith.cmpi sge, %add3A_2510, %ge3A_2585 : i32
    %ge3A_2587 = arith.constant 734003 : i32
    %ge3A_2588 = arith.cmpi sge, %add3A_2547, %ge3A_2587 : i32
    %ge3A_2589 = arith.constant 734003 : i32
    %ge3A_2590 = arith.cmpi sge, %add3A_2584, %ge3A_2589 : i32
    %select_n3A_2591 = arith.select %ge3A_2590, %add3A_2471, %add3A_2473 : i32
    %select_n3A_2592 = arith.select %ge3A_2588, %add3A_2469, %select_n3A_2591 : i32
    %select_n3A_2593 = arith.select %ge3A_2586, %select_n3A_2467, %select_n3A_2592 : i32
    %add3A_2594 = arith.constant 4 : i32
    %add3A_2595 = arith.addi %select_n3A_2593, %add3A_2594 : i32
    %add3A_2596 = arith.constant 8 : i32
    %add3A_2597 = arith.addi %select_n3A_2593, %add3A_2596 : i32
    %add3A_2598 = arith.constant 12 : i32
    %add3A_2599 = arith.addi %select_n3A_2593, %add3A_2598 : i32
    %lt3A_2600 = vector.broadcast %add3A_2595 : i32 to vector<2048x128xi32>
    %lt3A_2601 = arith.cmpi slt, %bitcast_convert_type3A_741, %lt3A_2600 : vector<2048x128xi32>
    %convert_element_type3A_2602 = arith.extui %lt3A_2601 : vector<2048x128xi1> to vector<2048x128xi32>
    %reduce_sum3A_2603 = vector.shape_cast %convert_element_type3A_2602 : vector<2048x128xi32> to vector<1x2048x128xi32>
    %reduce_sum3A_2604 = arith.constant dense<0> : vector<1xi32>
    %reduce_sum3A_2605 = vector.multi_reduction <add>, %reduce_sum3A_2603, %reduce_sum3A_2604 [1, 2] : vector<1x2048x128xi32> to vector<1xi32>
    %reduce_sum3A_2606 = vector.shape_cast %reduce_sum3A_2605 : vector<1xi32> to vector<1x1x1xi32>
    %reduce_sum3A_2607 = vector.extract %reduce_sum3A_2606[0, 0, 0] : i32 from vector<1x1x1xi32>
    %add3A_2608 = arith.constant 0 : i32
    %add3A_2609 = arith.addi %add3A_2608, %reduce_sum3A_2607 : i32
    %lt3A_2610 = vector.broadcast %add3A_2595 : i32 to vector<2048x128xi32>
    %lt3A_2611 = arith.cmpi slt, %bitcast_convert_type3A_811, %lt3A_2610 : vector<2048x128xi32>
    %convert_element_type3A_2612 = arith.extui %lt3A_2611 : vector<2048x128xi1> to vector<2048x128xi32>
    %reduce_sum3A_2613 = vector.shape_cast %convert_element_type3A_2612 : vector<2048x128xi32> to vector<1x2048x128xi32>
    %reduce_sum3A_2614 = arith.constant dense<0> : vector<1xi32>
    %reduce_sum3A_2615 = vector.multi_reduction <add>, %reduce_sum3A_2613, %reduce_sum3A_2614 [1, 2] : vector<1x2048x128xi32> to vector<1xi32>
    %reduce_sum3A_2616 = vector.shape_cast %reduce_sum3A_2615 : vector<1xi32> to vector<1x1x1xi32>
    %reduce_sum3A_2617 = vector.extract %reduce_sum3A_2616[0, 0, 0] : i32 from vector<1x1x1xi32>
    %add3A_2618 = arith.addi %add3A_2609, %reduce_sum3A_2617 : i32
    %lt3A_2619 = vector.broadcast %add3A_2595 : i32 to vector<2048x128xi32>
    %lt3A_2620 = arith.cmpi slt, %bitcast_convert_type3A_881, %lt3A_2619 : vector<2048x128xi32>
    %convert_element_type3A_2621 = arith.extui %lt3A_2620 : vector<2048x128xi1> to vector<2048x128xi32>
    %reduce_sum3A_2622 = vector.shape_cast %convert_element_type3A_2621 : vector<2048x128xi32> to vector<1x2048x128xi32>
    %reduce_sum3A_2623 = arith.constant dense<0> : vector<1xi32>
    %reduce_sum3A_2624 = vector.multi_reduction <add>, %reduce_sum3A_2622, %reduce_sum3A_2623 [1, 2] : vector<1x2048x128xi32> to vector<1xi32>
    %reduce_sum3A_2625 = vector.shape_cast %reduce_sum3A_2624 : vector<1xi32> to vector<1x1x1xi32>
    %reduce_sum3A_2626 = vector.extract %reduce_sum3A_2625[0, 0, 0] : i32 from vector<1x1x1xi32>
    %add3A_2627 = arith.addi %add3A_2618, %reduce_sum3A_2626 : i32
    %lt3A_2628 = vector.broadcast %add3A_2595 : i32 to vector<2048x128xi32>
    %lt3A_2629 = arith.cmpi slt, %bitcast_convert_type3A_951, %lt3A_2628 : vector<2048x128xi32>
    %convert_element_type3A_2630 = arith.extui %lt3A_2629 : vector<2048x128xi1> to vector<2048x128xi32>
    %reduce_sum3A_2631 = vector.shape_cast %convert_element_type3A_2630 : vector<2048x128xi32> to vector<1x2048x128xi32>
    %reduce_sum3A_2632 = arith.constant dense<0> : vector<1xi32>
    %reduce_sum3A_2633 = vector.multi_reduction <add>, %reduce_sum3A_2631, %reduce_sum3A_2632 [1, 2] : vector<1x2048x128xi32> to vector<1xi32>
    %reduce_sum3A_2634 = vector.shape_cast %reduce_sum3A_2633 : vector<1xi32> to vector<1x1x1xi32>
    %reduce_sum3A_2635 = vector.extract %reduce_sum3A_2634[0, 0, 0] : i32 from vector<1x1x1xi32>
    %add3A_2636 = arith.addi %add3A_2627, %reduce_sum3A_2635 : i32
    %lt3A_2637 = vector.broadcast %add3A_2597 : i32 to vector<2048x128xi32>
    %lt3A_2638 = arith.cmpi slt, %bitcast_convert_type3A_741, %lt3A_2637 : vector<2048x128xi32>
    %convert_element_type3A_2639 = arith.extui %lt3A_2638 : vector<2048x128xi1> to vector<2048x128xi32>
    %reduce_sum3A_2640 = vector.shape_cast %convert_element_type3A_2639 : vector<2048x128xi32> to vector<1x2048x128xi32>
    %reduce_sum3A_2641 = arith.constant dense<0> : vector<1xi32>
    %reduce_sum3A_2642 = vector.multi_reduction <add>, %reduce_sum3A_2640, %reduce_sum3A_2641 [1, 2] : vector<1x2048x128xi32> to vector<1xi32>
    %reduce_sum3A_2643 = vector.shape_cast %reduce_sum3A_2642 : vector<1xi32> to vector<1x1x1xi32>
    %reduce_sum3A_2644 = vector.extract %reduce_sum3A_2643[0, 0, 0] : i32 from vector<1x1x1xi32>
    %add3A_2645 = arith.constant 0 : i32
    %add3A_2646 = arith.addi %add3A_2645, %reduce_sum3A_2644 : i32
    %lt3A_2647 = vector.broadcast %add3A_2597 : i32 to vector<2048x128xi32>
    %lt3A_2648 = arith.cmpi slt, %bitcast_convert_type3A_811, %lt3A_2647 : vector<2048x128xi32>
    %convert_element_type3A_2649 = arith.extui %lt3A_2648 : vector<2048x128xi1> to vector<2048x128xi32>
    %reduce_sum3A_2650 = vector.shape_cast %convert_element_type3A_2649 : vector<2048x128xi32> to vector<1x2048x128xi32>
    %reduce_sum3A_2651 = arith.constant dense<0> : vector<1xi32>
    %reduce_sum3A_2652 = vector.multi_reduction <add>, %reduce_sum3A_2650, %reduce_sum3A_2651 [1, 2] : vector<1x2048x128xi32> to vector<1xi32>
    %reduce_sum3A_2653 = vector.shape_cast %reduce_sum3A_2652 : vector<1xi32> to vector<1x1x1xi32>
    %reduce_sum3A_2654 = vector.extract %reduce_sum3A_2653[0, 0, 0] : i32 from vector<1x1x1xi32>
    %add3A_2655 = arith.addi %add3A_2646, %reduce_sum3A_2654 : i32
    %lt3A_2656 = vector.broadcast %add3A_2597 : i32 to vector<2048x128xi32>
    %lt3A_2657 = arith.cmpi slt, %bitcast_convert_type3A_881, %lt3A_2656 : vector<2048x128xi32>
    %convert_element_type3A_2658 = arith.extui %lt3A_2657 : vector<2048x128xi1> to vector<2048x128xi32>
    %reduce_sum3A_2659 = vector.shape_cast %convert_element_type3A_2658 : vector<2048x128xi32> to vector<1x2048x128xi32>
    %reduce_sum3A_2660 = arith.constant dense<0> : vector<1xi32>
    %reduce_sum3A_2661 = vector.multi_reduction <add>, %reduce_sum3A_2659, %reduce_sum3A_2660 [1, 2] : vector<1x2048x128xi32> to vector<1xi32>
    %reduce_sum3A_2662 = vector.shape_cast %reduce_sum3A_2661 : vector<1xi32> to vector<1x1x1xi32>
    %reduce_sum3A_2663 = vector.extract %reduce_sum3A_2662[0, 0, 0] : i32 from vector<1x1x1xi32>
    %add3A_2664 = arith.addi %add3A_2655, %reduce_sum3A_2663 : i32
    %lt3A_2665 = vector.broadcast %add3A_2597 : i32 to vector<2048x128xi32>
    %lt3A_2666 = arith.cmpi slt, %bitcast_convert_type3A_951, %lt3A_2665 : vector<2048x128xi32>
    %convert_element_type3A_2667 = arith.extui %lt3A_2666 : vector<2048x128xi1> to vector<2048x128xi32>
    %reduce_sum3A_2668 = vector.shape_cast %convert_element_type3A_2667 : vector<2048x128xi32> to vector<1x2048x128xi32>
    %reduce_sum3A_2669 = arith.constant dense<0> : vector<1xi32>
    %reduce_sum3A_2670 = vector.multi_reduction <add>, %reduce_sum3A_2668, %reduce_sum3A_2669 [1, 2] : vector<1x2048x128xi32> to vector<1xi32>
    %reduce_sum3A_2671 = vector.shape_cast %reduce_sum3A_2670 : vector<1xi32> to vector<1x1x1xi32>
    %reduce_sum3A_2672 = vector.extract %reduce_sum3A_2671[0, 0, 0] : i32 from vector<1x1x1xi32>
    %add3A_2673 = arith.addi %add3A_2664, %reduce_sum3A_2672 : i32
    %lt3A_2674 = vector.broadcast %add3A_2599 : i32 to vector<2048x128xi32>
    %lt3A_2675 = arith.cmpi slt, %bitcast_convert_type3A_741, %lt3A_2674 : vector<2048x128xi32>
    %convert_element_type3A_2676 = arith.extui %lt3A_2675 : vector<2048x128xi1> to vector<2048x128xi32>
    %reduce_sum3A_2677 = vector.shape_cast %convert_element_type3A_2676 : vector<2048x128xi32> to vector<1x2048x128xi32>
    %reduce_sum3A_2678 = arith.constant dense<0> : vector<1xi32>
    %reduce_sum3A_2679 = vector.multi_reduction <add>, %reduce_sum3A_2677, %reduce_sum3A_2678 [1, 2] : vector<1x2048x128xi32> to vector<1xi32>
    %reduce_sum3A_2680 = vector.shape_cast %reduce_sum3A_2679 : vector<1xi32> to vector<1x1x1xi32>
    %reduce_sum3A_2681 = vector.extract %reduce_sum3A_2680[0, 0, 0] : i32 from vector<1x1x1xi32>
    %add3A_2682 = arith.constant 0 : i32
    %add3A_2683 = arith.addi %add3A_2682, %reduce_sum3A_2681 : i32
    %lt3A_2684 = vector.broadcast %add3A_2599 : i32 to vector<2048x128xi32>
    %lt3A_2685 = arith.cmpi slt, %bitcast_convert_type3A_811, %lt3A_2684 : vector<2048x128xi32>
    %convert_element_type3A_2686 = arith.extui %lt3A_2685 : vector<2048x128xi1> to vector<2048x128xi32>
    %reduce_sum3A_2687 = vector.shape_cast %convert_element_type3A_2686 : vector<2048x128xi32> to vector<1x2048x128xi32>
    %reduce_sum3A_2688 = arith.constant dense<0> : vector<1xi32>
    %reduce_sum3A_2689 = vector.multi_reduction <add>, %reduce_sum3A_2687, %reduce_sum3A_2688 [1, 2] : vector<1x2048x128xi32> to vector<1xi32>
    %reduce_sum3A_2690 = vector.shape_cast %reduce_sum3A_2689 : vector<1xi32> to vector<1x1x1xi32>
    %reduce_sum3A_2691 = vector.extract %reduce_sum3A_2690[0, 0, 0] : i32 from vector<1x1x1xi32>
    %add3A_2692 = arith.addi %add3A_2683, %reduce_sum3A_2691 : i32
    %lt3A_2693 = vector.broadcast %add3A_2599 : i32 to vector<2048x128xi32>
    %lt3A_2694 = arith.cmpi slt, %bitcast_convert_type3A_881, %lt3A_2693 : vector<2048x128xi32>
    %convert_element_type3A_2695 = arith.extui %lt3A_2694 : vector<2048x128xi1> to vector<2048x128xi32>
    %reduce_sum3A_2696 = vector.shape_cast %convert_element_type3A_2695 : vector<2048x128xi32> to vector<1x2048x128xi32>
    %reduce_sum3A_2697 = arith.constant dense<0> : vector<1xi32>
    %reduce_sum3A_2698 = vector.multi_reduction <add>, %reduce_sum3A_2696, %reduce_sum3A_2697 [1, 2] : vector<1x2048x128xi32> to vector<1xi32>
    %reduce_sum3A_2699 = vector.shape_cast %reduce_sum3A_2698 : vector<1xi32> to vector<1x1x1xi32>
    %reduce_sum3A_2700 = vector.extract %reduce_sum3A_2699[0, 0, 0] : i32 from vector<1x1x1xi32>
    %add3A_2701 = arith.addi %add3A_2692, %reduce_sum3A_2700 : i32
    %lt3A_2702 = vector.broadcast %add3A_2599 : i32 to vector<2048x128xi32>
    %lt3A_2703 = arith.cmpi slt, %bitcast_convert_type3A_951, %lt3A_2702 : vector<2048x128xi32>
    %convert_element_type3A_2704 = arith.extui %lt3A_2703 : vector<2048x128xi1> to vector<2048x128xi32>
    %reduce_sum3A_2705 = vector.shape_cast %convert_element_type3A_2704 : vector<2048x128xi32> to vector<1x2048x128xi32>
    %reduce_sum3A_2706 = arith.constant dense<0> : vector<1xi32>
    %reduce_sum3A_2707 = vector.multi_reduction <add>, %reduce_sum3A_2705, %reduce_sum3A_2706 [1, 2] : vector<1x2048x128xi32> to vector<1xi32>
    %reduce_sum3A_2708 = vector.shape_cast %reduce_sum3A_2707 : vector<1xi32> to vector<1x1x1xi32>
    %reduce_sum3A_2709 = vector.extract %reduce_sum3A_2708[0, 0, 0] : i32 from vector<1x1x1xi32>
    %add3A_2710 = arith.addi %add3A_2701, %reduce_sum3A_2709 : i32
    %ge3A_2711 = arith.constant 734003 : i32
    %ge3A_2712 = arith.cmpi sge, %add3A_2636, %ge3A_2711 : i32
    %ge3A_2713 = arith.constant 734003 : i32
    %ge3A_2714 = arith.cmpi sge, %add3A_2673, %ge3A_2713 : i32
    %ge3A_2715 = arith.constant 734003 : i32
    %ge3A_2716 = arith.cmpi sge, %add3A_2710, %ge3A_2715 : i32
    %select_n3A_2717 = arith.select %ge3A_2716, %add3A_2597, %add3A_2599 : i32
    %select_n3A_2718 = arith.select %ge3A_2714, %add3A_2595, %select_n3A_2717 : i32
    %select_n3A_2719 = arith.select %ge3A_2712, %select_n3A_2593, %select_n3A_2718 : i32
    %add3A_2720 = arith.constant 1 : i32
    %add3A_2721 = arith.addi %select_n3A_2719, %add3A_2720 : i32
    %add3A_2722 = arith.constant 2 : i32
    %add3A_2723 = arith.addi %select_n3A_2719, %add3A_2722 : i32
    %add3A_2724 = arith.constant 3 : i32
    %add3A_2725 = arith.addi %select_n3A_2719, %add3A_2724 : i32
    %lt3A_2726 = vector.broadcast %add3A_2721 : i32 to vector<2048x128xi32>
    %lt3A_2727 = arith.cmpi slt, %bitcast_convert_type3A_741, %lt3A_2726 : vector<2048x128xi32>
    %convert_element_type3A_2728 = arith.extui %lt3A_2727 : vector<2048x128xi1> to vector<2048x128xi32>
    %reduce_sum3A_2729 = vector.shape_cast %convert_element_type3A_2728 : vector<2048x128xi32> to vector<1x2048x128xi32>
    %reduce_sum3A_2730 = arith.constant dense<0> : vector<1xi32>
    %reduce_sum3A_2731 = vector.multi_reduction <add>, %reduce_sum3A_2729, %reduce_sum3A_2730 [1, 2] : vector<1x2048x128xi32> to vector<1xi32>
    %reduce_sum3A_2732 = vector.shape_cast %reduce_sum3A_2731 : vector<1xi32> to vector<1x1x1xi32>
    %reduce_sum3A_2733 = vector.extract %reduce_sum3A_2732[0, 0, 0] : i32 from vector<1x1x1xi32>
    %add3A_2734 = arith.constant 0 : i32
    %add3A_2735 = arith.addi %add3A_2734, %reduce_sum3A_2733 : i32
    %lt3A_2736 = vector.broadcast %add3A_2721 : i32 to vector<2048x128xi32>
    %lt3A_2737 = arith.cmpi slt, %bitcast_convert_type3A_811, %lt3A_2736 : vector<2048x128xi32>
    %convert_element_type3A_2738 = arith.extui %lt3A_2737 : vector<2048x128xi1> to vector<2048x128xi32>
    %reduce_sum3A_2739 = vector.shape_cast %convert_element_type3A_2738 : vector<2048x128xi32> to vector<1x2048x128xi32>
    %reduce_sum3A_2740 = arith.constant dense<0> : vector<1xi32>
    %reduce_sum3A_2741 = vector.multi_reduction <add>, %reduce_sum3A_2739, %reduce_sum3A_2740 [1, 2] : vector<1x2048x128xi32> to vector<1xi32>
    %reduce_sum3A_2742 = vector.shape_cast %reduce_sum3A_2741 : vector<1xi32> to vector<1x1x1xi32>
    %reduce_sum3A_2743 = vector.extract %reduce_sum3A_2742[0, 0, 0] : i32 from vector<1x1x1xi32>
    %add3A_2744 = arith.addi %add3A_2735, %reduce_sum3A_2743 : i32
    %lt3A_2745 = vector.broadcast %add3A_2721 : i32 to vector<2048x128xi32>
    %lt3A_2746 = arith.cmpi slt, %bitcast_convert_type3A_881, %lt3A_2745 : vector<2048x128xi32>
    %convert_element_type3A_2747 = arith.extui %lt3A_2746 : vector<2048x128xi1> to vector<2048x128xi32>
    %reduce_sum3A_2748 = vector.shape_cast %convert_element_type3A_2747 : vector<2048x128xi32> to vector<1x2048x128xi32>
    %reduce_sum3A_2749 = arith.constant dense<0> : vector<1xi32>
    %reduce_sum3A_2750 = vector.multi_reduction <add>, %reduce_sum3A_2748, %reduce_sum3A_2749 [1, 2] : vector<1x2048x128xi32> to vector<1xi32>
    %reduce_sum3A_2751 = vector.shape_cast %reduce_sum3A_2750 : vector<1xi32> to vector<1x1x1xi32>
    %reduce_sum3A_2752 = vector.extract %reduce_sum3A_2751[0, 0, 0] : i32 from vector<1x1x1xi32>
    %add3A_2753 = arith.addi %add3A_2744, %reduce_sum3A_2752 : i32
    %lt3A_2754 = vector.broadcast %add3A_2721 : i32 to vector<2048x128xi32>
    %lt3A_2755 = arith.cmpi slt, %bitcast_convert_type3A_951, %lt3A_2754 : vector<2048x128xi32>
    %convert_element_type3A_2756 = arith.extui %lt3A_2755 : vector<2048x128xi1> to vector<2048x128xi32>
    %reduce_sum3A_2757 = vector.shape_cast %convert_element_type3A_2756 : vector<2048x128xi32> to vector<1x2048x128xi32>
    %reduce_sum3A_2758 = arith.constant dense<0> : vector<1xi32>
    %reduce_sum3A_2759 = vector.multi_reduction <add>, %reduce_sum3A_2757, %reduce_sum3A_2758 [1, 2] : vector<1x2048x128xi32> to vector<1xi32>
    %reduce_sum3A_2760 = vector.shape_cast %reduce_sum3A_2759 : vector<1xi32> to vector<1x1x1xi32>
    %reduce_sum3A_2761 = vector.extract %reduce_sum3A_2760[0, 0, 0] : i32 from vector<1x1x1xi32>
    %add3A_2762 = arith.addi %add3A_2753, %reduce_sum3A_2761 : i32
    %lt3A_2763 = vector.broadcast %add3A_2723 : i32 to vector<2048x128xi32>
    %lt3A_2764 = arith.cmpi slt, %bitcast_convert_type3A_741, %lt3A_2763 : vector<2048x128xi32>
    %convert_element_type3A_2765 = arith.extui %lt3A_2764 : vector<2048x128xi1> to vector<2048x128xi32>
    %reduce_sum3A_2766 = vector.shape_cast %convert_element_type3A_2765 : vector<2048x128xi32> to vector<1x2048x128xi32>
    %reduce_sum3A_2767 = arith.constant dense<0> : vector<1xi32>
    %reduce_sum3A_2768 = vector.multi_reduction <add>, %reduce_sum3A_2766, %reduce_sum3A_2767 [1, 2] : vector<1x2048x128xi32> to vector<1xi32>
    %reduce_sum3A_2769 = vector.shape_cast %reduce_sum3A_2768 : vector<1xi32> to vector<1x1x1xi32>
    %reduce_sum3A_2770 = vector.extract %reduce_sum3A_2769[0, 0, 0] : i32 from vector<1x1x1xi32>
    %add3A_2771 = arith.constant 0 : i32
    %add3A_2772 = arith.addi %add3A_2771, %reduce_sum3A_2770 : i32
    %lt3A_2773 = vector.broadcast %add3A_2723 : i32 to vector<2048x128xi32>
    %lt3A_2774 = arith.cmpi slt, %bitcast_convert_type3A_811, %lt3A_2773 : vector<2048x128xi32>
    %convert_element_type3A_2775 = arith.extui %lt3A_2774 : vector<2048x128xi1> to vector<2048x128xi32>
    %reduce_sum3A_2776 = vector.shape_cast %convert_element_type3A_2775 : vector<2048x128xi32> to vector<1x2048x128xi32>
    %reduce_sum3A_2777 = arith.constant dense<0> : vector<1xi32>
    %reduce_sum3A_2778 = vector.multi_reduction <add>, %reduce_sum3A_2776, %reduce_sum3A_2777 [1, 2] : vector<1x2048x128xi32> to vector<1xi32>
    %reduce_sum3A_2779 = vector.shape_cast %reduce_sum3A_2778 : vector<1xi32> to vector<1x1x1xi32>
    %reduce_sum3A_2780 = vector.extract %reduce_sum3A_2779[0, 0, 0] : i32 from vector<1x1x1xi32>
    %add3A_2781 = arith.addi %add3A_2772, %reduce_sum3A_2780 : i32
    %lt3A_2782 = vector.broadcast %add3A_2723 : i32 to vector<2048x128xi32>
    %lt3A_2783 = arith.cmpi slt, %bitcast_convert_type3A_881, %lt3A_2782 : vector<2048x128xi32>
    %convert_element_type3A_2784 = arith.extui %lt3A_2783 : vector<2048x128xi1> to vector<2048x128xi32>
    %reduce_sum3A_2785 = vector.shape_cast %convert_element_type3A_2784 : vector<2048x128xi32> to vector<1x2048x128xi32>
    %reduce_sum3A_2786 = arith.constant dense<0> : vector<1xi32>
    %reduce_sum3A_2787 = vector.multi_reduction <add>, %reduce_sum3A_2785, %reduce_sum3A_2786 [1, 2] : vector<1x2048x128xi32> to vector<1xi32>
    %reduce_sum3A_2788 = vector.shape_cast %reduce_sum3A_2787 : vector<1xi32> to vector<1x1x1xi32>
    %reduce_sum3A_2789 = vector.extract %reduce_sum3A_2788[0, 0, 0] : i32 from vector<1x1x1xi32>
    %add3A_2790 = arith.addi %add3A_2781, %reduce_sum3A_2789 : i32
    %lt3A_2791 = vector.broadcast %add3A_2723 : i32 to vector<2048x128xi32>
    %lt3A_2792 = arith.cmpi slt, %bitcast_convert_type3A_951, %lt3A_2791 : vector<2048x128xi32>
    %convert_element_type3A_2793 = arith.extui %lt3A_2792 : vector<2048x128xi1> to vector<2048x128xi32>
    %reduce_sum3A_2794 = vector.shape_cast %convert_element_type3A_2793 : vector<2048x128xi32> to vector<1x2048x128xi32>
    %reduce_sum3A_2795 = arith.constant dense<0> : vector<1xi32>
    %reduce_sum3A_2796 = vector.multi_reduction <add>, %reduce_sum3A_2794, %reduce_sum3A_2795 [1, 2] : vector<1x2048x128xi32> to vector<1xi32>
    %reduce_sum3A_2797 = vector.shape_cast %reduce_sum3A_2796 : vector<1xi32> to vector<1x1x1xi32>
    %reduce_sum3A_2798 = vector.extract %reduce_sum3A_2797[0, 0, 0] : i32 from vector<1x1x1xi32>
    %add3A_2799 = arith.addi %add3A_2790, %reduce_sum3A_2798 : i32
    %lt3A_2800 = vector.broadcast %add3A_2725 : i32 to vector<2048x128xi32>
    %lt3A_2801 = arith.cmpi slt, %bitcast_convert_type3A_741, %lt3A_2800 : vector<2048x128xi32>
    %convert_element_type3A_2802 = arith.extui %lt3A_2801 : vector<2048x128xi1> to vector<2048x128xi32>
    %reduce_sum3A_2803 = vector.shape_cast %convert_element_type3A_2802 : vector<2048x128xi32> to vector<1x2048x128xi32>
    %reduce_sum3A_2804 = arith.constant dense<0> : vector<1xi32>
    %reduce_sum3A_2805 = vector.multi_reduction <add>, %reduce_sum3A_2803, %reduce_sum3A_2804 [1, 2] : vector<1x2048x128xi32> to vector<1xi32>
    %reduce_sum3A_2806 = vector.shape_cast %reduce_sum3A_2805 : vector<1xi32> to vector<1x1x1xi32>
    %reduce_sum3A_2807 = vector.extract %reduce_sum3A_2806[0, 0, 0] : i32 from vector<1x1x1xi32>
    %add3A_2808 = arith.constant 0 : i32
    %add3A_2809 = arith.addi %add3A_2808, %reduce_sum3A_2807 : i32
    %lt3A_2810 = vector.broadcast %add3A_2725 : i32 to vector<2048x128xi32>
    %lt3A_2811 = arith.cmpi slt, %bitcast_convert_type3A_811, %lt3A_2810 : vector<2048x128xi32>
    %convert_element_type3A_2812 = arith.extui %lt3A_2811 : vector<2048x128xi1> to vector<2048x128xi32>
    %reduce_sum3A_2813 = vector.shape_cast %convert_element_type3A_2812 : vector<2048x128xi32> to vector<1x2048x128xi32>
    %reduce_sum3A_2814 = arith.constant dense<0> : vector<1xi32>
    %reduce_sum3A_2815 = vector.multi_reduction <add>, %reduce_sum3A_2813, %reduce_sum3A_2814 [1, 2] : vector<1x2048x128xi32> to vector<1xi32>
    %reduce_sum3A_2816 = vector.shape_cast %reduce_sum3A_2815 : vector<1xi32> to vector<1x1x1xi32>
    %reduce_sum3A_2817 = vector.extract %reduce_sum3A_2816[0, 0, 0] : i32 from vector<1x1x1xi32>
    %add3A_2818 = arith.addi %add3A_2809, %reduce_sum3A_2817 : i32
    %lt3A_2819 = vector.broadcast %add3A_2725 : i32 to vector<2048x128xi32>
    %lt3A_2820 = arith.cmpi slt, %bitcast_convert_type3A_881, %lt3A_2819 : vector<2048x128xi32>
    %convert_element_type3A_2821 = arith.extui %lt3A_2820 : vector<2048x128xi1> to vector<2048x128xi32>
    %reduce_sum3A_2822 = vector.shape_cast %convert_element_type3A_2821 : vector<2048x128xi32> to vector<1x2048x128xi32>
    %reduce_sum3A_2823 = arith.constant dense<0> : vector<1xi32>
    %reduce_sum3A_2824 = vector.multi_reduction <add>, %reduce_sum3A_2822, %reduce_sum3A_2823 [1, 2] : vector<1x2048x128xi32> to vector<1xi32>
    %reduce_sum3A_2825 = vector.shape_cast %reduce_sum3A_2824 : vector<1xi32> to vector<1x1x1xi32>
    %reduce_sum3A_2826 = vector.extract %reduce_sum3A_2825[0, 0, 0] : i32 from vector<1x1x1xi32>
    %add3A_2827 = arith.addi %add3A_2818, %reduce_sum3A_2826 : i32
    %lt3A_2828 = vector.broadcast %add3A_2725 : i32 to vector<2048x128xi32>
    %lt3A_2829 = arith.cmpi slt, %bitcast_convert_type3A_951, %lt3A_2828 : vector<2048x128xi32>
    %convert_element_type3A_2830 = arith.extui %lt3A_2829 : vector<2048x128xi1> to vector<2048x128xi32>
    %reduce_sum3A_2831 = vector.shape_cast %convert_element_type3A_2830 : vector<2048x128xi32> to vector<1x2048x128xi32>
    %reduce_sum3A_2832 = arith.constant dense<0> : vector<1xi32>
    %reduce_sum3A_2833 = vector.multi_reduction <add>, %reduce_sum3A_2831, %reduce_sum3A_2832 [1, 2] : vector<1x2048x128xi32> to vector<1xi32>
    %reduce_sum3A_2834 = vector.shape_cast %reduce_sum3A_2833 : vector<1xi32> to vector<1x1x1xi32>
    %reduce_sum3A_2835 = vector.extract %reduce_sum3A_2834[0, 0, 0] : i32 from vector<1x1x1xi32>
    %add3A_2836 = arith.addi %add3A_2827, %reduce_sum3A_2835 : i32
    %ge3A_2837 = arith.constant 734003 : i32
    %ge3A_2838 = arith.cmpi sge, %add3A_2762, %ge3A_2837 : i32
    %ge3A_2839 = arith.constant 734003 : i32
    %ge3A_2840 = arith.cmpi sge, %add3A_2799, %ge3A_2839 : i32
    %ge3A_2841 = arith.constant 734003 : i32
    %ge3A_2842 = arith.cmpi sge, %add3A_2836, %ge3A_2841 : i32
    %select_n3A_2843 = arith.select %ge3A_2842, %add3A_2723, %add3A_2725 : i32
    %select_n3A_2844 = arith.select %ge3A_2840, %add3A_2721, %select_n3A_2843 : i32
    %select_n3A_2845 = arith.select %ge3A_2838, %select_n3A_2719, %select_n3A_2844 : i32
    %swap3A = arith.constant 0 : index
    %swap3A_2846 = arith.constant 0 : index
    %swap3A_2847 = memref.load %arg2[%swap3A, %swap3A_2846] : memref<1x1xi32, #tpu.memory_space<smem>>
    memref.store %select_n3A_673, %arg2[%swap3A, %swap3A_2846] : memref<1x1xi32, #tpu.memory_space<smem>>
    %swap3A_2848 = arith.constant 0 : index
    %swap3A_2849 = arith.constant 0 : index
    %swap3A_2850 = memref.load %arg3[%swap3A_2848, %swap3A_2849] : memref<1x1xi32, #tpu.memory_space<smem>>
    memref.store %select_n3A_2845, %arg3[%swap3A_2848, %swap3A_2849] : memref<1x1xi32, #tpu.memory_space<smem>>
    return
  }
}

module attributes {stable_mosaic.version = 14 : i64} {
  func.func @_gates_body(%arg0: i32, %arg1: memref<8x32x32xf32, #tpu.memory_space<vmem>>, %arg2: memref<8x64x64xf32, #tpu.memory_space<vmem>>, %arg3: memref<1x1xf32, #tpu.memory_space<vmem>>, %arg4: memref<1x1xf32, #tpu.memory_space<vmem>>, %arg5: memref<8x128x128xi32, #tpu.memory_space<vmem>>, %arg6: memref<8x3x128x128xi32, #tpu.memory_space<vmem>>) attributes {dimension_semantics = [#tpu.dimension_semantics<arbitrary>], iteration_bounds = array<i64: 32>, scalar_prefetch = 0 : i64, scratch_operands = 0 : i64, tpu.core_type = #tpu.core_type<tc>, window_params = [{transform_indices = @transform_0, window_bounds = array<i64: 8, 32, 32>}, {transform_indices = @transform_1, window_bounds = array<i64: 8, 64, 64>}, {pipeline_mode = #tpu.pipeline_mode<synchronous>, transform_indices = @transform_2, window_bounds = array<i64: 1, 1>}, {pipeline_mode = #tpu.pipeline_mode<synchronous>, transform_indices = @transform_3, window_bounds = array<i64: 1, 1>}, {transform_indices = @transform_4, window_bounds = array<i64: 8, 128, 128>}, {transform_indices = @transform_5, window_bounds = array<i64: 8, 3, 128, 128>}]} {
    %get3A = arith.constant 0 : index
    %get3A_0 = arith.constant 0 : index
    %get3A_1 = vector.load %arg3[%get3A, %get3A_0] : memref<1x1xf32, #tpu.memory_space<vmem>>, vector<1x1xf32>
    %get3A_2 = vector.extract %get3A_1[0, 0] : f32 from vector<1x1xf32>
    %get3A_3 = arith.constant 0 : index
    %get3A_4 = arith.constant 0 : index
    %get3A_5 = vector.load %arg4[%get3A_3, %get3A_4] : memref<1x1xf32, #tpu.memory_space<vmem>>, vector<1x1xf32>
    %get3A_6 = vector.extract %get3A_5[0, 0] : f32 from vector<1x1xf32>
    %get3A_7 = arith.constant 0 : index
    %get3A_8 = arith.constant 0 : index
    %get3A_9 = arith.constant 0 : index
    %get3A_10 = vector.load %arg1[%get3A_7, %get3A_8, %get3A_9] : memref<8x32x32xf32, #tpu.memory_space<vmem>>, vector<8x32x32xf32>
    %reshape3A = vector.shape_cast %get3A_10 : vector<8x32x32xf32> to vector<256x32xf32>
    %get3A_11 = arith.constant 0 : index
    %get3A_12 = arith.constant 0 : index
    %get3A_13 = arith.constant 0 : index
    %get3A_14 = vector.load %arg2[%get3A_11, %get3A_12, %get3A_13] : memref<8x64x64xf32, #tpu.memory_space<vmem>>, vector<8x64x64xf32>
    %reshape3A_15 = vector.shape_cast %get3A_14 : vector<8x64x64xf32> to vector<512x64xf32>
    %iota3A = tpu.iota {dimensions = array<i32: 1>} : vector<1x128xi32>
    %iota3A_16 = vector.shape_cast %iota3A : vector<1x128xi32> to vector<128xi32>
    %iota3A_17 = tpu.iota {dimensions = array<i32: 1>} : vector<1x64xi32>
    %iota3A_18 = vector.shape_cast %iota3A_17 : vector<1x64xi32> to vector<64xi32>
    %iota3A_19 = tpu.iota {dimensions = array<i32: 1>} : vector<1x32xi32>
    %iota3A_20 = vector.shape_cast %iota3A_19 : vector<1x32xi32> to vector<32xi32>
    %lt3A = vector.broadcast %get3A_2 : f32 to vector<256x32xf32>
    %lt3A_21 = arith.cmpf olt, %reshape3A, %lt3A : vector<256x32xf32>
    %convert_element_type3A = arith.extui %lt3A_21 : vector<256x32xi1> to vector<256x32xi32>
    %convert_element_type3A_22 = arith.sitofp %convert_element_type3A : vector<256x32xi32> to vector<256x32xf32>
    %convert_element_type3A_23 = arith.truncf %convert_element_type3A_22 : vector<256x32xf32> to vector<256x32xbf16>
    %jit3A = arith.constant 2 : i32
    %div3A = vector.broadcast %jit3A : i32 to vector<64xi32>
    %div3A_24 = arith.divsi %iota3A_18, %div3A : vector<64xi32>
    %sign3A = arith.constant 0 : i32
    %sign3A_25 = vector.broadcast %sign3A : i32 to vector<64xi32>
    %sign3A_26 = arith.cmpi sgt, %iota3A_18, %sign3A_25 : vector<64xi32>
    %sign3A_27 = arith.extui %sign3A_26 : vector<64xi1> to vector<64xi32>
    %sign3A_28 = arith.constant 0 : i32
    %sign3A_29 = vector.broadcast %sign3A_28 : i32 to vector<64xi32>
    %sign3A_30 = arith.cmpi slt, %iota3A_18, %sign3A_29 : vector<64xi32>
    %sign3A_31 = arith.extui %sign3A_30 : vector<64xi1> to vector<64xi32>
    %sign3A_32 = arith.subi %sign3A_27, %sign3A_31 : vector<64xi32>
    %sign3A_33 = arith.constant 0 : i32
    %sign3A_34 = arith.cmpi sgt, %jit3A, %sign3A_33 : i32
    %sign3A_35 = arith.extui %sign3A_34 : i1 to i32
    %sign3A_36 = arith.constant 0 : i32
    %sign3A_37 = arith.cmpi slt, %jit3A, %sign3A_36 : i32
    %sign3A_38 = arith.extui %sign3A_37 : i1 to i32
    %sign3A_39 = arith.subi %sign3A_35, %sign3A_38 : i32
    %ne3A = vector.broadcast %sign3A_39 : i32 to vector<64xi32>
    %ne3A_40 = arith.cmpi ne, %sign3A_32, %ne3A : vector<64xi32>
    %rem3A = vector.broadcast %jit3A : i32 to vector<64xi32>
    %rem3A_41 = arith.remsi %iota3A_18, %rem3A : vector<64xi32>
    %ne3A_42 = arith.constant 0 : i32
    %ne3A_43 = vector.broadcast %ne3A_42 : i32 to vector<64xi32>
    %ne3A_44 = arith.cmpi ne, %rem3A_41, %ne3A_43 : vector<64xi32>
    %and3A = arith.andi %ne3A_40, %ne3A_44 : vector<64xi1>
    %sub3A = arith.constant 1 : i32
    %sub3A_45 = vector.broadcast %sub3A : i32 to vector<64xi32>
    %sub3A_46 = arith.subi %div3A_24, %sub3A_45 : vector<64xi32>
    %select_n3A = arith.select %and3A, %sub3A_46, %div3A_24 : vector<64xi1>, vector<64xi32>
    %broadcast_in_dim3A = vector.shape_cast %iota3A_20 : vector<32xi32> to vector<32x1xi32>
    %broadcast_in_dim3A_47 = vector.shape_cast %select_n3A : vector<64xi32> to vector<1x64xi32>
    %eq3A = vector.broadcast %broadcast_in_dim3A : vector<32x1xi32> to vector<32x64xi32>
    %eq3A_48 = vector.broadcast %broadcast_in_dim3A_47 : vector<1x64xi32> to vector<32x64xi32>
    %eq3A_49 = arith.cmpi eq, %eq3A, %eq3A_48 : vector<32x64xi32>
    %convert_element_type3A_50 = arith.extui %eq3A_49 : vector<32x64xi1> to vector<32x64xi32>
    %convert_element_type3A_51 = arith.sitofp %convert_element_type3A_50 : vector<32x64xi32> to vector<32x64xf32>
    %convert_element_type3A_52 = arith.truncf %convert_element_type3A_51 : vector<32x64xf32> to vector<32x64xbf16>
    %broadcast_in_dim3A_53 = vector.shape_cast %convert_element_type3A_23 : vector<256x32xbf16> to vector<256x1x32xbf16>
    %broadcast_in_dim3A_54 = vector.broadcast %broadcast_in_dim3A_53 : vector<256x1x32xbf16> to vector<256x2x32xbf16>
    %reshape3A_55 = vector.shape_cast %broadcast_in_dim3A_54 : vector<256x2x32xbf16> to vector<512x32xbf16>
    %dot_general3A = arith.constant dense<0.000000e+00> : vector<512x64xf32>
    %dot_general3A_56 = tpu.matmul %reshape3A_55, %convert_element_type3A_52, %dot_general3A {dimension_numbers = #tpu.dot_dimension_numbers<[1], [0], [0], [1], [0, 0, 1, 1], [], []>, transpose_lhs_hint = false} : vector<512x32xbf16>, vector<32x64xbf16>, vector<512x64xf32> -> vector<512x64xf32>
    %lt3A_57 = vector.broadcast %get3A_6 : f32 to vector<512x64xf32>
    %lt3A_58 = arith.cmpf olt, %reshape3A_15, %lt3A_57 : vector<512x64xf32>
    %lt3A_59 = arith.constant 5.000000e-01 : f32
    %lt3A_60 = vector.broadcast %lt3A_59 : f32 to vector<512x64xf32>
    %lt3A_61 = arith.cmpf olt, %dot_general3A_56, %lt3A_60 : vector<512x64xf32>
    %and3A_62 = arith.andi %lt3A_58, %lt3A_61 : vector<512x64xi1>
    %convert_element_type3A_63 = arith.extui %and3A_62 : vector<512x64xi1> to vector<512x64xi32>
    %convert_element_type3A_64 = arith.sitofp %convert_element_type3A_63 : vector<512x64xi32> to vector<512x64xf32>
    %convert_element_type3A_65 = arith.truncf %convert_element_type3A_64 : vector<512x64xf32> to vector<512x64xbf16>
    %jit3A_66 = arith.constant 4 : i32
    %div3A_67 = vector.broadcast %jit3A_66 : i32 to vector<128xi32>
    %div3A_68 = arith.divsi %iota3A_16, %div3A_67 : vector<128xi32>
    %sign3A_69 = arith.constant 0 : i32
    %sign3A_70 = vector.broadcast %sign3A_69 : i32 to vector<128xi32>
    %sign3A_71 = arith.cmpi sgt, %iota3A_16, %sign3A_70 : vector<128xi32>
    %sign3A_72 = arith.extui %sign3A_71 : vector<128xi1> to vector<128xi32>
    %sign3A_73 = arith.constant 0 : i32
    %sign3A_74 = vector.broadcast %sign3A_73 : i32 to vector<128xi32>
    %sign3A_75 = arith.cmpi slt, %iota3A_16, %sign3A_74 : vector<128xi32>
    %sign3A_76 = arith.extui %sign3A_75 : vector<128xi1> to vector<128xi32>
    %sign3A_77 = arith.subi %sign3A_72, %sign3A_76 : vector<128xi32>
    %sign3A_78 = arith.constant 0 : i32
    %sign3A_79 = arith.cmpi sgt, %jit3A_66, %sign3A_78 : i32
    %sign3A_80 = arith.extui %sign3A_79 : i1 to i32
    %sign3A_81 = arith.constant 0 : i32
    %sign3A_82 = arith.cmpi slt, %jit3A_66, %sign3A_81 : i32
    %sign3A_83 = arith.extui %sign3A_82 : i1 to i32
    %sign3A_84 = arith.subi %sign3A_80, %sign3A_83 : i32
    %ne3A_85 = vector.broadcast %sign3A_84 : i32 to vector<128xi32>
    %ne3A_86 = arith.cmpi ne, %sign3A_77, %ne3A_85 : vector<128xi32>
    %rem3A_87 = vector.broadcast %jit3A_66 : i32 to vector<128xi32>
    %rem3A_88 = arith.remsi %iota3A_16, %rem3A_87 : vector<128xi32>
    %ne3A_89 = arith.constant 0 : i32
    %ne3A_90 = vector.broadcast %ne3A_89 : i32 to vector<128xi32>
    %ne3A_91 = arith.cmpi ne, %rem3A_88, %ne3A_90 : vector<128xi32>
    %and3A_92 = arith.andi %ne3A_86, %ne3A_91 : vector<128xi1>
    %sub3A_93 = arith.constant 1 : i32
    %sub3A_94 = vector.broadcast %sub3A_93 : i32 to vector<128xi32>
    %sub3A_95 = arith.subi %div3A_68, %sub3A_94 : vector<128xi32>
    %select_n3A_96 = arith.select %and3A_92, %sub3A_95, %div3A_68 : vector<128xi1>, vector<128xi32>
    %broadcast_in_dim3A_97 = vector.shape_cast %iota3A_20 : vector<32xi32> to vector<32x1xi32>
    %broadcast_in_dim3A_98 = vector.shape_cast %select_n3A_96 : vector<128xi32> to vector<1x128xi32>
    %eq3A_99 = vector.broadcast %broadcast_in_dim3A_97 : vector<32x1xi32> to vector<32x128xi32>
    %eq3A_100 = vector.broadcast %broadcast_in_dim3A_98 : vector<1x128xi32> to vector<32x128xi32>
    %eq3A_101 = arith.cmpi eq, %eq3A_99, %eq3A_100 : vector<32x128xi32>
    %convert_element_type3A_102 = arith.extui %eq3A_101 : vector<32x128xi1> to vector<32x128xi32>
    %convert_element_type3A_103 = arith.sitofp %convert_element_type3A_102 : vector<32x128xi32> to vector<32x128xf32>
    %convert_element_type3A_104 = arith.truncf %convert_element_type3A_103 : vector<32x128xf32> to vector<32x128xbf16>
    %broadcast_in_dim3A_105 = vector.shape_cast %convert_element_type3A_23 : vector<256x32xbf16> to vector<256x1x32xbf16>
    %broadcast_in_dim3A_106 = vector.broadcast %broadcast_in_dim3A_105 : vector<256x1x32xbf16> to vector<256x4x32xbf16>
    %reshape3A_107 = vector.shape_cast %broadcast_in_dim3A_106 : vector<256x4x32xbf16> to vector<1024x32xbf16>
    %dot_general3A_108 = arith.constant dense<0.000000e+00> : vector<1024x128xf32>
    %dot_general3A_109 = tpu.matmul %reshape3A_107, %convert_element_type3A_104, %dot_general3A_108 {dimension_numbers = #tpu.dot_dimension_numbers<[1], [0], [0], [1], [0, 0, 1, 1], [], []>, transpose_lhs_hint = false} : vector<1024x32xbf16>, vector<32x128xbf16>, vector<1024x128xf32> -> vector<1024x128xf32>
    %jit3A_110 = arith.constant 2 : i32
    %div3A_111 = vector.broadcast %jit3A_110 : i32 to vector<128xi32>
    %div3A_112 = arith.divsi %iota3A_16, %div3A_111 : vector<128xi32>
    %sign3A_113 = arith.constant 0 : i32
    %sign3A_114 = vector.broadcast %sign3A_113 : i32 to vector<128xi32>
    %sign3A_115 = arith.cmpi sgt, %iota3A_16, %sign3A_114 : vector<128xi32>
    %sign3A_116 = arith.extui %sign3A_115 : vector<128xi1> to vector<128xi32>
    %sign3A_117 = arith.constant 0 : i32
    %sign3A_118 = vector.broadcast %sign3A_117 : i32 to vector<128xi32>
    %sign3A_119 = arith.cmpi slt, %iota3A_16, %sign3A_118 : vector<128xi32>
    %sign3A_120 = arith.extui %sign3A_119 : vector<128xi1> to vector<128xi32>
    %sign3A_121 = arith.subi %sign3A_116, %sign3A_120 : vector<128xi32>
    %sign3A_122 = arith.constant 0 : i32
    %sign3A_123 = arith.cmpi sgt, %jit3A_110, %sign3A_122 : i32
    %sign3A_124 = arith.extui %sign3A_123 : i1 to i32
    %sign3A_125 = arith.constant 0 : i32
    %sign3A_126 = arith.cmpi slt, %jit3A_110, %sign3A_125 : i32
    %sign3A_127 = arith.extui %sign3A_126 : i1 to i32
    %sign3A_128 = arith.subi %sign3A_124, %sign3A_127 : i32
    %ne3A_129 = vector.broadcast %sign3A_128 : i32 to vector<128xi32>
    %ne3A_130 = arith.cmpi ne, %sign3A_121, %ne3A_129 : vector<128xi32>
    %rem3A_131 = vector.broadcast %jit3A_110 : i32 to vector<128xi32>
    %rem3A_132 = arith.remsi %iota3A_16, %rem3A_131 : vector<128xi32>
    %ne3A_133 = arith.constant 0 : i32
    %ne3A_134 = vector.broadcast %ne3A_133 : i32 to vector<128xi32>
    %ne3A_135 = arith.cmpi ne, %rem3A_132, %ne3A_134 : vector<128xi32>
    %and3A_136 = arith.andi %ne3A_130, %ne3A_135 : vector<128xi1>
    %sub3A_137 = arith.constant 1 : i32
    %sub3A_138 = vector.broadcast %sub3A_137 : i32 to vector<128xi32>
    %sub3A_139 = arith.subi %div3A_112, %sub3A_138 : vector<128xi32>
    %select_n3A_140 = arith.select %and3A_136, %sub3A_139, %div3A_112 : vector<128xi1>, vector<128xi32>
    %broadcast_in_dim3A_141 = vector.shape_cast %iota3A_18 : vector<64xi32> to vector<64x1xi32>
    %broadcast_in_dim3A_142 = vector.shape_cast %select_n3A_140 : vector<128xi32> to vector<1x128xi32>
    %eq3A_143 = vector.broadcast %broadcast_in_dim3A_141 : vector<64x1xi32> to vector<64x128xi32>
    %eq3A_144 = vector.broadcast %broadcast_in_dim3A_142 : vector<1x128xi32> to vector<64x128xi32>
    %eq3A_145 = arith.cmpi eq, %eq3A_143, %eq3A_144 : vector<64x128xi32>
    %convert_element_type3A_146 = arith.extui %eq3A_145 : vector<64x128xi1> to vector<64x128xi32>
    %convert_element_type3A_147 = arith.sitofp %convert_element_type3A_146 : vector<64x128xi32> to vector<64x128xf32>
    %convert_element_type3A_148 = arith.truncf %convert_element_type3A_147 : vector<64x128xf32> to vector<64x128xbf16>
    %broadcast_in_dim3A_149 = vector.shape_cast %convert_element_type3A_65 : vector<512x64xbf16> to vector<512x1x64xbf16>
    %broadcast_in_dim3A_150 = vector.broadcast %broadcast_in_dim3A_149 : vector<512x1x64xbf16> to vector<512x2x64xbf16>
    %reshape3A_151 = vector.shape_cast %broadcast_in_dim3A_150 : vector<512x2x64xbf16> to vector<1024x64xbf16>
    %dot_general3A_152 = arith.constant dense<0.000000e+00> : vector<1024x128xf32>
    %dot_general3A_153 = tpu.matmul %reshape3A_151, %convert_element_type3A_148, %dot_general3A_152 {dimension_numbers = #tpu.dot_dimension_numbers<[1], [0], [0], [1], [0, 0, 1, 1], [], []>, transpose_lhs_hint = false} : vector<1024x64xbf16>, vector<64x128xbf16>, vector<1024x128xf32> -> vector<1024x128xf32>
    %sub3A_154 = arith.constant 1.000000e+00 : f32
    %sub3A_155 = vector.broadcast %sub3A_154 : f32 to vector<1024x128xf32>
    %sub3A_156 = arith.subf %sub3A_155, %dot_general3A_109 : vector<1024x128xf32>
    %sub3A_157 = arith.subf %sub3A_156, %dot_general3A_153 : vector<1024x128xf32>
    %convert_element_type3A_158 = arith.fptosi %sub3A_157 : vector<1024x128xf32> to vector<1024x128xi32>
    %reshape3A_159 = vector.shape_cast %convert_element_type3A_158 : vector<1024x128xi32> to vector<8x128x128xi32>
    %swap3A = arith.constant 0 : index
    %swap3A_160 = arith.constant 0 : index
    %swap3A_161 = arith.constant 0 : index
    %swap3A_162 = vector.load %arg5[%swap3A, %swap3A_160, %swap3A_161] : memref<8x128x128xi32, #tpu.memory_space<vmem>>, vector<8x128x128xi32>
    tpu.vector_store %arg5[%swap3A, %swap3A_160, %swap3A_161], %reshape3A_159 {strides = array<i32>} : memref<8x128x128xi32, #tpu.memory_space<vmem>>, vector<8x128x128xi32>,
    %convert_element_type3A_163 = arith.fptosi %dot_general3A_109 : vector<1024x128xf32> to vector<1024x128xi32>
    %reshape3A_164 = vector.shape_cast %convert_element_type3A_163 : vector<1024x128xi32> to vector<8x128x128xi32>
    %swap3A_165 = arith.constant 0 : index
    %swap3A_166 = arith.constant 0 : index
    %swap3A_167 = arith.constant 0 : index
    %swap3A_168 = arith.constant 0 : index
    %swap3A_169 = vector.load %arg6[%swap3A_165, %swap3A_166, %swap3A_167, %swap3A_168] : memref<8x3x128x128xi32, #tpu.memory_space<vmem>>, vector<8x1x128x128xi32>
    %swap3A_170 = vector.shape_cast %swap3A_169 : vector<8x1x128x128xi32> to vector<8x128x128xi32>
    %swap3A_171 = vector.shape_cast %reshape3A_164 : vector<8x128x128xi32> to vector<8x1x128x128xi32>
    tpu.vector_store %arg6[%swap3A_165, %swap3A_166, %swap3A_167, %swap3A_168], %swap3A_171 {strides = array<i32>} : memref<8x3x128x128xi32, #tpu.memory_space<vmem>>, vector<8x1x128x128xi32>,
    %convert_element_type3A_172 = arith.fptosi %dot_general3A_153 : vector<1024x128xf32> to vector<1024x128xi32>
    %reshape3A_173 = vector.shape_cast %convert_element_type3A_172 : vector<1024x128xi32> to vector<8x128x128xi32>
    %swap3A_174 = arith.constant 0 : index
    %swap3A_175 = arith.constant 1 : index
    %swap3A_176 = arith.constant 0 : index
    %swap3A_177 = arith.constant 0 : index
    %swap3A_178 = vector.load %arg6[%swap3A_174, %swap3A_175, %swap3A_176, %swap3A_177] : memref<8x3x128x128xi32, #tpu.memory_space<vmem>>, vector<8x1x128x128xi32>
    %swap3A_179 = vector.shape_cast %swap3A_178 : vector<8x1x128x128xi32> to vector<8x128x128xi32>
    %swap3A_180 = vector.shape_cast %reshape3A_173 : vector<8x128x128xi32> to vector<8x1x128x128xi32>
    tpu.vector_store %arg6[%swap3A_174, %swap3A_175, %swap3A_176, %swap3A_177], %swap3A_180 {strides = array<i32>} : memref<8x3x128x128xi32, #tpu.memory_space<vmem>>, vector<8x1x128x128xi32>,
    %convert_element_type3A_181 = arith.fptosi %sub3A_157 : vector<1024x128xf32> to vector<1024x128xi32>
    %reshape3A_182 = vector.shape_cast %convert_element_type3A_181 : vector<1024x128xi32> to vector<8x128x128xi32>
    %swap3A_183 = arith.constant 0 : index
    %swap3A_184 = arith.constant 2 : index
    %swap3A_185 = arith.constant 0 : index
    %swap3A_186 = arith.constant 0 : index
    %swap3A_187 = vector.load %arg6[%swap3A_183, %swap3A_184, %swap3A_185, %swap3A_186] : memref<8x3x128x128xi32, #tpu.memory_space<vmem>>, vector<8x1x128x128xi32>
    %swap3A_188 = vector.shape_cast %swap3A_187 : vector<8x1x128x128xi32> to vector<8x128x128xi32>
    %swap3A_189 = vector.shape_cast %reshape3A_182 : vector<8x128x128xi32> to vector<8x1x128x128xi32>
    tpu.vector_store %arg6[%swap3A_183, %swap3A_184, %swap3A_185, %swap3A_186], %swap3A_189 {strides = array<i32>} : memref<8x3x128x128xi32, #tpu.memory_space<vmem>>, vector<8x1x128x128xi32>,
    return
  }
  func.func @transform_0(%arg0: i32) -> (i32, i32, i32) {
    %c0_i32 = arith.constant 0 : i32
    %c0_i32_0 = arith.constant 0 : i32
    %c0_i32_1 = arith.constant 0 : i32
    return %arg0, %c0_i32, %c0_i32_0 : i32, i32, i32
  }
  func.func @transform_1(%arg0: i32) -> (i32, i32, i32) {
    %c0_i32 = arith.constant 0 : i32
    %c0_i32_0 = arith.constant 0 : i32
    %c0_i32_1 = arith.constant 0 : i32
    return %arg0, %c0_i32, %c0_i32_0 : i32, i32, i32
  }
  func.func @transform_2(%arg0: i32) -> (i32, i32) {
    %c0_i32 = arith.constant 0 : i32
    %c0_i32_0 = arith.constant 0 : i32
    %c0_i32_1 = arith.constant 0 : i32
    return %c0_i32, %c0_i32_0 : i32, i32
  }
  func.func @transform_3(%arg0: i32) -> (i32, i32) {
    %c0_i32 = arith.constant 0 : i32
    %c0_i32_0 = arith.constant 0 : i32
    %c0_i32_1 = arith.constant 0 : i32
    return %c0_i32, %c0_i32_0 : i32, i32
  }
  func.func @transform_4(%arg0: i32) -> (i32, i32, i32) {
    %c0_i32 = arith.constant 0 : i32
    %c0_i32_0 = arith.constant 0 : i32
    %c0_i32_1 = arith.constant 0 : i32
    return %arg0, %c0_i32, %c0_i32_0 : i32, i32, i32
  }
  func.func @transform_5(%arg0: i32) -> (i32, i32, i32, i32) {
    %c0_i32 = arith.constant 0 : i32
    %c0_i32_0 = arith.constant 0 : i32
    %c0_i32_1 = arith.constant 0 : i32
    %c0_i32_2 = arith.constant 0 : i32
    return %arg0, %c0_i32, %c0_i32_0, %c0_i32_1 : i32, i32, i32, i32
  }
}

</mosaic_0001>

<sc_bundles>
// kernel: kernel.5.cloned.1.call-start
scs
__scs_entry_jumppad:
0x0: {  	(pc) =	sbr.rel $0x88, $3  }
0x1: {  	(tag) =	ssettag $0x0;
	lr =	simm.s32 $0x1  }
0x2: {  	[smem:$0x3F9F] =	sst lr;
	_ =	strace $0xD0000000  }
0x3: {  	_ = 	snop  }
0x4: {  	_ = 	snop  }
0x5: {  	_ = 	snop  }
0x6: {  	_ = 	snop  }
0x7: {  	_ = 	snop  }
__scs_overlays_trampoline_lowered:
0x8: {  	[smem:$0x3FAE] =	sst s0  }
0x9: {  	[smem:$0x3FAF] =	sst s1  }
0xa: {  	[smem:$0x3FB0] =	sst s2  }
0xb: {  	[smem:$0x3FB1] =	sst s3  }
0xc: {  	[smem:$0x3FB2] =	sst s4  }
0xd: {  	[smem:$0x3FB3] =	sst s5  }
0xe: {  	[smem:$0x3FB4] =	sst s6  }
0xf: {  	[smem:$0x3FB5] =	sst s7  }
0x10: {  	[smem:$0x3FB6] =	sst s8  }
0x11: {  	[smem:$0x3FB7] =	sst s9;
	s0 =	simm.s32 @!p0 $0x0  }
0x12: {  	s1 =	sld [smem:$0x3F9D];
	s0 =	simm.s32 @p0 $0x1  }
0x13: {  	[smem:$0x3FB8] =	sst s0;
	s0 =	simm.s32 @!p1 $0x0  }
0x14: {  	s2 =	sld [smem:$0x3F9C];
	s0 =	simm.s32 @p1 $0x1  }
0x15: {  	[smem:$0x3FB9] =	sst s0;
	s0 =	simm.s32 @!p2 $0x0  }
0x16: {  	s3 =	sld [smem:$0x3FDB];
	s0 =	simm.s32 @p2 $0x1  }
0x17: {  	s4 =	simm.s32 $0x1BF5;
	[smem:$0x3FBB] =	sst s0  }
0x18: {  	s0 =	sld [smem:$0x3F9E];
	_ =	swait.ge [sflag:s4], $0x0  }
0x19: {  	s7 =	sld [smem:$0x3F9F]  }
0x1a: {  	s8 =	sadd.s32 $0xFFFFE003, lr  }
0x1b: {  	s9 =	sadd.s32 $0xFFFFFEF7, lr;
	s5 =	simm.s32 $0xFFFFFFFF;
	p2 =	slt.u32 s8, $0xFFFFF086  }
0x1c: {  	p1 =	slt.u32 s9, $0xF7A;
	s5 =	simm.s32 @!p2 $0x0  }
0x1d: {  	s5 =	simm.s32 @p1 $0x1;
	p0 =	seq.s32 s7, s2  }
0x1e: {  	s7 =	smul.u32 @!p0 $0xF7A, s2;
	p2 =	seq.s32 @!p0 s5, $0x0  }
0x1f: {  	s9 =	smul.u32 $0xF7A, s1;
	s8 =	simm.s32 @!p0 $0x1BF5;
	p2 =	por !p2, p0  }
0x20: {  	[sflag:s8] =	ssyncset.s32 @!p0 $0xFFFFF086;
	s6 =	sadd.s32 @!p0 s3, s7;
	s7 =	simm.s32 @!p0 $0x108  }
0x21: {  	s3 =	sadd.s32 s3, s9;
	s6 =	sadd.s32 @!p0 $0x88, s6;
	s7 =	simm.s32 @p2 $0x1082  }
0x22: {  	[simem:s7], [sflag:s8] =	dma.local @!p0 [hbm:s6], $0xF7A  }
0x23: {  	s9 =	sor.u32 $0xD0000000, s2;
	s6 =	simm.s32 $0x108;
	_ =	swait.ge @!p0 [sflag:s8], $0x0  }
0x24: {  	s3 =	sadd.s32 $0x88, s3;
	s6 =	simm.s32 @!p1 $0x1082;
	[sflag:s4] =	ssyncset.s32 $0xFFFFF086  }
0x25: {  	[simem:s6], [sflag:s4] =	dma.local [hbm:s3], $0xF7A  }
0x26: {  	[smem:$0x3F9F] =	sst s1;
	(tag) =	ssettag s2;
	_ =	strace s9  }
0x27: {  	s1 =	sld [smem:$0x3FAF]  }
0x28: {  	s2 =	sld [smem:$0x3FB0]  }
0x29: {  	s4 =	sld [smem:$0x3FB2]  }
0x2a: {  	p0 =	seq.s32 s5, $0x0;
	s5 =	sld [smem:$0x3FB3]  }
0x2b: {  	s6 =	sld [smem:$0x3FB4]  }
0x2c: {  	s7 =	sld [smem:$0x3FB5]  }
0x2d: {  	s3 =	simm.s32 $0x108;
	s8 =	sld [smem:$0x3FB6]  }
0x2e: {  	s3 =	simm.s32 @!p0 $0x1082;
	s9 =	sld [smem:$0x3FB7]  }
0x2f: {  	lr =	sadd.s32 s0, s3;
	s0 =	sld [smem:$0x3FAE]  }
0x30: {  	s3 =	sld [smem:$0x3FB1]  }
0x31: {  	[smem:$0x3FBA] =	sst s10  }
0x32: {  	s10 =	sld [smem:$0x3FB8];
	_ =	sdelay $0x3  }
0x33: {  	p0 =	seq.s32 s10, $0x1;
	s10 =	sld [smem:$0x3FBA];
	_ =	sdelay $0x3  }
0x34: {  	[smem:$0x3FBA] =	sst s10  }
0x35: {  	s10 =	sld [smem:$0x3FB9];
	_ =	sdelay $0x3  }
0x36: {  	p1 =	seq.s32 s10, $0x1;
	s10 =	sld [smem:$0x3FBA];
	_ =	sdelay $0x3  }
0x37: {  	[smem:$0x3FBA] =	sst s10  }
0x38: {  	s10 =	sld [smem:$0x3FBB]  }
0x39: {  	_ = 	snop;
	(pc) =	sbr.ind lr, $3  }
0x3a: {  	_ = 	snop  }
0x3b: {  	_ = 	snop  }
0x3c: {  	p2 =	seq.s32 s10, $0x1;
	s10 =	sld [smem:$0x3FBA]  }
0x3d: {  	_ =	shalt  }
0x3e: {  	_ =	shalt  }
0x3f: {  	_ =	shalt  }
0x40: {  	_ =	shalt  }
0x41: {  	_ =	shalt  }
0x42: {  	_ =	shalt  }
0x43: {  	_ =	shalt  }
0x44: {  	_ =	shalt  }
0x45: {  	_ =	shalt  }
0x46: {  	_ =	shalt  }
0x47: {  	_ =	shalt  }
0x48: {  	_ =	shalt  }
0x49: {  	_ =	shalt  }
0x4a: {  	_ =	shalt  }
0x4b: {  	_ =	shalt  }
0x4c: {  	_ =	shalt  }
0x4d: {  	_ =	shalt  }
0x4e: {  	_ =	shalt  }
0x4f: {  	_ =	shalt  }
0x50: {  	_ =	shalt  }
0x51: {  	_ =	shalt  }
0x52: {  	_ =	shalt  }
0x53: {  	_ =	shalt  }
0x54: {  	_ =	shalt  }
0x55: {  	_ =	shalt  }
0x56: {  	_ =	shalt  }
0x57: {  	_ =	shalt  }
0x58: {  	_ =	shalt  }
0x59: {  	_ =	shalt  }
0x5a: {  	_ =	shalt  }
0x5b: {  	_ =	shalt  }
0x5c: {  	_ =	shalt  }
0x5d: {  	_ =	shalt  }
0x5e: {  	_ =	shalt  }
0x5f: {  	_ =	shalt  }
0x60: {  	_ =	shalt  }
0x61: {  	_ =	shalt  }
0x62: {  	_ =	shalt  }
0x63: {  	_ =	shalt  }
0x64: {  	_ =	shalt  }
0x65: {  	_ =	shalt  }
0x66: {  	_ =	shalt  }
0x67: {  	_ =	shalt  }
0x68: {  	_ =	shalt  }
0x69: {  	_ =	shalt  }
0x6a: {  	_ =	shalt  }
0x6b: {  	_ =	shalt  }
0x6c: {  	_ =	shalt  }
0x6d: {  	_ =	shalt  }
0x6e: {  	_ =	shalt  }
0x6f: {  	_ =	shalt  }
0x70: {  	_ =	shalt  }
0x71: {  	_ =	shalt  }
0x72: {  	_ =	shalt  }
0x73: {  	_ =	shalt  }
0x74: {  	_ =	shalt  }
0x75: {  	_ =	shalt  }
0x76: {  	_ =	shalt  }
0x77: {  	_ =	shalt  }
0x78: {  	_ =	shalt  }
0x79: {  	_ =	shalt  }
0x7a: {  	_ =	shalt  }
0x7b: {  	_ =	shalt  }
0x7c: {  	_ =	shalt  }
0x7d: {  	_ =	shalt  }
0x7e: {  	_ =	shalt  }
0x7f: {  	_ =	shalt  }
0x80: {  	_ =	shalt  }
0x81: {  	_ =	shalt  }
0x82: {  	_ =	shalt  }
0x83: {  	_ =	shalt  }
0x84: {  	_ =	shalt  }
0x85: {  	_ =	shalt  }
0x86: {  	_ =	shalt  }
0x87: {  	_ =	shalt  }
.Lfunc_end0:
.L_simem_size_0:
called_computation_lowered:
.L_overlay_start_0:
0x88: {  	s2 =	sld [smem:$0x3FD9]  }
0x89: {  	s3 =	sld [smem:$0x3FFE];
	_ =	sdelay $0x1  }
0x8a: {  	s1 =	srdreg.scid  }
0x8b: {  	s0 =	sand.u32 $0x1, s1  }
0x8c: {  	s14 =	sshll.u32 s0, $0xA;
	s2 =	sadd.s32 s3, s2  }
0x8d: {  	s2 =	sadd.s32 s2, s14  }
0x8e: {  	[smem:$0x3FC6] =	sst s2  }
0x8f: {  	_ = 	snop  }
0x90: {  	s2 =	sld [smem:$0x3FD0];
	_ =	sdelay $0x2  }
0x91: {  	s15 =	simm.s32 $0xA;
	s4 =	simm.s32 $0x10  }
0x92: {  	[smem:s4], [sflag:s15] =	dma.local [hbm:s2], $0x1  }
0x93: {  	_ =	swait.eq [sflag:s15], $0x1  }
0x94: {  	[sflag:s15] =	ssyncset.done $0x0  }
0x95: {  	s16 =	sld [smem:$0x10];
	[sflag:s15] =	ssyncadd.s32 $0xFFFFFFFF  }
0x96: {  	s17 =	sld [smem:$0x11];
	(tm) =	ssettm $0x1  }
0x97: {  	s18 =	sld [smem:$0x3FFB];
	_ =	sdelay $0x3  }
0x98: {  	_ =	strace s18  }
0x99: {  	s4 =	sld [smem:$0x3FFC];
	_ =	sdelay $0x3  }
0x9a: {  	_ =	strace s4  }
0x9b: {  	s4 =	sld [smem:$0x3FFD];
	_ =	sdelay $0x3  }
0x9c: {  	_ =	strace s4  }
0x9d: {  	_ =	strace $0x8FFFFFFF  }
0x9e: {  	s19 =	sld [smem:$0x3FDB];
	_ =	sdelay $0x1  }
0x9f: {  	s5 =	simm.s32 $_scs_section_size  }
0xa0: {  	s6 =	simm.s32 $_size__tile_overlayer_lowered;
	s7 =	simm.s32 $_tile_overlayer_lowered  }
0xa1: {  	s22 =	simm.s32 $0x1BFF;
	s21 =	sshll.u32 s7, $0x1;
	s4 =	sadd.s32 s5, s19  }
0xa2: {  	s8 =	simm.s32 $0x0;
	s20 =	sshll.u32 s6, $0x1;
	s6 =	sadd.s32 s21, s4  }
0xa3: {  	[timem:s8], [sflag:s22] =	dma.local [hbm:s6], s20  }
0xa4: {  	_ =	swait.ge [sflag:s22], s20  }
0xa5: {  	s5 =	ssub.s32 $0x0, s20;
	[sflag:s22] =	ssyncset.done $0x0  }
0xa6: {  	[sflag:s22] =	ssyncadd.s32 s5;
	_ =	sdelay $0x1  }
0xa7: {  	s23 =	simm.s32 $0x1B8B  }
0xa8: {  	_ =	swait.ge [sflag:s23], $0x1  }
0xa9: {  	[sflag:s23] =	ssyncset.done $0x0  }
0xaa: {  	s25 =	simm.s32 $0x1B8E;
	s24 =	sld [smem:$0x3FFE];
	[sflag:s23] =	ssyncadd.s32 $0xFFFFFFFF  }
0xab: {  	s26 =	simm.s32 $execute0_lowered;
	[smem:$0x3FD2] =	sst s25  }
0xac: {  	s6 =	sshll.u32 s26, $0x1;
	_ =	strace $0x80000046;
	[dreg:$0x1] =	wrdreg $0xFFFFFFFF  }
0xad: {  	s28 =	simm.s32 $_size_execute0_lowered;
	s4 =	sadd.s32 s4, s6;
	[dreg:$0x0] =	wrdreg $0x0  }
0xae: {  	s6 =	sshll.u32 s28, $0x1;
	[dreg:$0x2] =	wrdreg s4  }
0xaf: {  	[dreg:$0x3] =	wrdreg s6  }
0xb0: {  	[dreg:$0x4] =	wrdreg $0xC0  }
0xb1: {  	_ =	task [dreg:s8], $0x5FFFF  }
0xb2: {  	[dreg:$0x1] =	wrdreg $0xFFFFFFFF  }
0xb3: {  	[dreg:$0x0] =	wrdreg $0x60  }
0xb4: {  	[dreg:$0x2] =	wrdreg s16  }
0xb5: {  	[dreg:$0x3] =	wrdreg s17  }
0xb6: {  	[dreg:$0x4] =	wrdreg s24  }
0xb7: {  	[dreg:$0x5] =	wrdreg $0x9  }
0xb8: {  	_ =	task.clear_ibuf [dreg:s8], $0x6FFFF;
	_ =	strace $0x90000046  }
0xb9: {  	s29 =	simm.s32 $0x9;
	_ =	strace $0x80000048  }
0xba: {  	_ =	swait.ge [sflag:s29], $0x1  }
0xbb: {  	[sflag:s29] =	ssyncadd.s32 $0xFFFFFFFF  }
0xbc: {  	_ =	strace $0x90000048  }
0xbd: {  	_ =	sfence  }
0xbe: {  	s30 =	sld [smem:$0x0];
	_ =	sdelay $0x2  }
0xbf: {  	s31 =	sshll.u32 s1, $0xD;
	s1 =	sshrl.u32 s1, $0x2  }
0xc0: {  	s3 =	sand.u32 $0x4000, s31;
	s1 =	sadd.s32 s1, s30  }
0xc1: {  	s0 =	sor.u32 s3, s0;
	s1 =	sshll.u32 s1, $0x11  }
0xc2: {  	s0 =	sor.u32 s1, s0  }
0xc3: {  	s0 =	sadd.s32 $0x8F2B, s0  }
0xc4: {  	[sflag:s0] =	ssyncadd.remote.s32 $0x1  }
0xc5: {  	_ =	sfence.sel $0xFFFF  }
0xc6: {  	[dreg:$0x0] =	wrdreg $0xFFFFFFFF;
	(pc) =	sbr.abs _section_cstart, $3  }
0xc7: {  	[dreg:$0x1] =	wrdreg $0xFFFFFFFF  }
0xc8: {  	_ =	task.clear_ibuf [dreg:s8], $0x2FFFF;
	_ =	strace $0x9FFFFFFF  }
0xc9: {  	(tm) =	ssettm $0x7FFFFFFF  }
tec
execute0_lowered:
.L_overlay_start_1:
0x0: {  	(tag) =	ssettag $0x1  }
0x1: {  	s5 =	rddreg [dreg:$0x0]  }
0x2: {  	s6 =	rddreg [dreg:$0x1]  }
0x3: {  	s7 =	rddreg [dreg:$0x2]  }
0x4: {  	s0 =	rddreg [dreg:$0x3];
	s2 =	simm.s32 $0x0;
	s4 =	srdreg.scid  }
0x5: {  	s1 =	stileid.u32;
	s14 =	simm.s32 $0xA100;
	s15 =	simm.s32 $0xC100  }
0x6: {  	s16 =	simm.s32 $0x0;
	[smem:$0x7FF] =	sst s2;
	s3 =	sadd.s32 $0x1800, s7  }
0x7: {  	s8 =	sand.u32 $0x1, s4;
	s9 =	sshll.u32 s1, $0x1;
	s4 =	sadd.s32 $0x1600, s7  }
0x8: {  	_ =	strace $0x80000047;
	s9 =	sor.u32 s8, s9;
	s8 =	ssub.s32 $0x2, s8  }
0x9: {  	s10 =	sshll.u32 s9, $0xA;
	s9 =	sshll.u32 s9, $0xC;
	s11 =	sshrl.u32 s8, $0x1  }
0xa: {  	s12 =	sadd.s32 s10, s7;
	s13 =	sadd.s32 s9, s7;
	s11 =	ssub.s32 s8, s11  }
0xb: {  	s5 =	sadd.s32 s5, s10;
	s6 =	sadd.s32 s6, s9;
	s10 =	simm.s32 $0x1  }
0xc: {  	s7 =	sadd.s32 $0x21A00, s12;
	s8 =	sadd.s32 $0x1A00, s13;
	s9 =	smax.u32 s11, $0x1  }
0xd: {  	v0 =	vimm.s32 $0x0;
	s11 =	simm.s32 $0x80;
	s12 =	simm.s32 $0x100;
	s13 =	simm.s32 $0x2100  }
.LBB2_1:
0xe: {  	[tilespmem:s2], [sflag:$0x1] =	stream.linear.gather [hbm4b:s3+s2], $0x80, $0x38;
	[tilespmem:$0x14100] =	vst v63  }
0xf: {  	_ =	swait.ge [sflag:s10], $0x80  }
0x10: {  	[sflag:s10] =	ssyncset.done $0x0  }
0x11: {  	[sflag:s10] =	ssyncadd.s32 $0xFFFFFF80  }
0x12: {  	[tilespmem:s11], [sflag:$0x1] =	stream.linear.gather [hbm4b:s4+s2], $0x80, $0x38;
	[tilespmem:$0x14100] =	vst v63  }
0x13: {  	_ =	swait.ge [sflag:s10], $0x80  }
0x14: {  	[sflag:s10] =	ssyncset.done $0x0  }
0x15: {  	[sflag:s10] =	ssyncadd.s32 $0xFFFFFF80  }
0x16: {  	[tilespmem:s12], [sflag:$0x1] =	stream.linear.gather [hbm4b:s5+s2], $0x2000, $0x38;
	[tilespmem:$0x14100] =	vst v63  }
0x17: {  	_ =	swait.ge [sflag:s10], $0x2000  }
0x18: {  	[sflag:s10] =	ssyncset.done $0x0  }
0x19: {  	[sflag:s10] =	ssyncadd.s32 $0xFFFFE000  }
0x1a: {  	[tilespmem:s13], [sflag:$0x1] =	stream.linear.gather [hbm4b:s6+s2], $0x8000, $0x38;
	[tilespmem:$0x14100] =	vst v63  }
0x1b: {  	_ =	swait.ge [sflag:s10], $0x8000  }
0x1c: {  	[sflag:s10] =	ssyncset.done $0x0  }
0x1d: {  	[sflag:s10] =	ssyncadd.s32 $0xFFFF8000  }
0x1e: {  	s17 =	simm.s32 $0x140;
	v2 =	vld [tilespmem:$0x0]  }
0x1f: {  	v1 =	vld [tilespmem:s17+$0xFFFFFFC0];
	_ =	sdelay $0x4  }
0x20: {  	vm0 =	vlt.f32 v1, v2  }
0x21: {  	s20 =	simm.s32 $0xA140;
	v3 =	vsel vm0, $0x1, v0  }
0x22: {  	v1 =	vld [tilespmem:$0x80];
	[tilespmem:s20+$0xFFFFFFC0] =	vst v3  }
0x23: {  	v3 =	vld [tilespmem:s17+$0xFFFFFFD0];
	_ =	sdelay $0x4  }
0x24: {  	vm9 =	vlt.f32 v3, v2  }
0x25: {  	v3 =	vsel vm9, $0x1, v0  }
0x26: {  	[tilespmem:s20+$0xFFFFFFD0] =	vst v3  }
0x27: {  	v3 =	vld [tilespmem:s17+$0xFFFFFFE0];
	_ =	sdelay $0x4  }
0x28: {  	vm10 =	vlt.f32 v3, v2  }
0x29: {  	v3 =	vsel vm10, $0x1, v0  }
0x2a: {  	[tilespmem:s20+$0xFFFFFFE0] =	vst v3  }
0x2b: {  	v3 =	vld [tilespmem:s17+$0xFFFFFFF0];
	_ =	sdelay $0x4  }
0x2c: {  	vm11 =	vlt.f32 v3, v2  }
0x2d: {  	v3 =	vsel vm11, $0x1, v0  }
0x2e: {  	[tilespmem:s20+$0xFFFFFFF0] =	vst v3  }
0x2f: {  	v3 =	vld [tilespmem:s17+$0x0];
	_ =	sdelay $0x4  }
0x30: {  	vm12 =	vlt.f32 v3, v2  }
0x31: {  	v3 =	vsel vm12, $0x1, v0  }
0x32: {  	[tilespmem:s20+$0x0] =	vst v3  }
0x33: {  	v3 =	vld [tilespmem:s17+$0x10];
	_ =	sdelay $0x4  }
0x34: {  	vm13 =	vlt.f32 v3, v2  }
0x35: {  	v3 =	vsel vm13, $0x1, v0  }
0x36: {  	[tilespmem:s20+$0x10] =	vst v3  }
0x37: {  	v3 =	vld [tilespmem:s17+$0x20];
	_ =	sdelay $0x4  }
0x38: {  	vm14 =	vlt.f32 v3, v2  }
0x39: {  	v3 =	vsel vm14, $0x1, v0  }
0x3a: {  	[tilespmem:s20+$0x20] =	vst v3  }
0x3b: {  	v3 =	vld [tilespmem:s17+$0x30];
	_ =	sdelay $0x4  }
0x3c: {  	vm15 =	vlt.f32 v3, v2  }
0x3d: {  	s21 =	simm.s32 $0x0;
	v3 =	vsel vm15, $0x1, v0  }
0x3e: {  	s19 =	simm.s32 $0x2140;
	s22 =	simm.s32 $0x1C0;
	s17 =	simm.s32 $0xC140;
	[tilespmem:s20+$0x30] =	vst v3  }
.LBB2_2:
0x3f: {  	v3 =	vld [tilespmem:s22+$0xFFFFFFC0];
	s21 =	sadd.s32 $0x8, s21  }
0x40: {  	p0 =	slt.u32 s21, $0x1F8;
	_ =	sdelay $0x3  }
0x41: {  	vm0 =	vlt.f32 v3, v2  }
0x42: {  	s20 =	sadd.s32 $0x80, s20;
	v3 =	vsel vm0, $0x1, v0  }
0x43: {  	[tilespmem:s20+$0xFFFFFFC0] =	vst v3  }
0x44: {  	v3 =	vld [tilespmem:s22+$0xFFFFFFD0];
	_ =	sdelay $0x4  }
0x45: {  	vm0 =	vlt.f32 v3, v2  }
0x46: {  	v3 =	vsel vm0, $0x1, v0  }
0x47: {  	[tilespmem:s20+$0xFFFFFFD0] =	vst v3  }
0x48: {  	v3 =	vld [tilespmem:s22+$0xFFFFFFE0];
	_ =	sdelay $0x4  }
0x49: {  	vm0 =	vlt.f32 v3, v2  }
0x4a: {  	v3 =	vsel vm0, $0x1, v0  }
0x4b: {  	[tilespmem:s20+$0xFFFFFFE0] =	vst v3  }
0x4c: {  	v3 =	vld [tilespmem:s22+$0xFFFFFFF0];
	_ =	sdelay $0x4  }
0x4d: {  	vm0 =	vlt.f32 v3, v2  }
0x4e: {  	v3 =	vsel vm0, $0x1, v0  }
0x4f: {  	[tilespmem:s20+$0xFFFFFFF0] =	vst v3  }
0x50: {  	v3 =	vld [tilespmem:s22+$0x0];
	_ =	sdelay $0x4  }
0x51: {  	vm0 =	vlt.f32 v3, v2  }
0x52: {  	v3 =	vsel vm0, $0x1, v0  }
0x53: {  	[tilespmem:s20+$0x0] =	vst v3  }
0x54: {  	v3 =	vld [tilespmem:s22+$0x10];
	_ =	sdelay $0x4  }
0x55: {  	vm0 =	vlt.f32 v3, v2  }
0x56: {  	v3 =	vsel vm0, $0x1, v0  }
0x57: {  	[tilespmem:s20+$0x10] =	vst v3  }
0x58: {  	v3 =	vld [tilespmem:s22+$0x20];
	_ =	sdelay $0x4  }
0x59: {  	vm0 =	vlt.f32 v3, v2  }
0x5a: {  	v3 =	vsel vm0, $0x1, v0  }
0x5b: {  	[tilespmem:s20+$0x20] =	vst v3  }
0x5c: {  	v3 =	vld [tilespmem:s22+$0x30];
	_ =	sdelay $0x2  }
.Ltmp0:
0x5d: {  	(pc) =	sbr.rel @p0 .LBB2_2-.Ltmp0, $4  }
0x5e: {  	_ = 	snop  }
0x5f: {  	vm0 =	vlt.f32 v3, v2  }
0x60: {  	v3 =	vsel vm0, $0x1, v0  }
0x61: {  	s18 =	simm.s32 $0x0;
	s22 =	sadd.s32 $0x80, s22;
	[tilespmem:s20+$0x30] =	vst v3  }
0x62: {  	s20 =	sand.u32 $0x80, s18;
	s21 =	sand.u32 $0x1F00, s18  }
0x63: {  	v2 =	vld [tilespmem:s19+$0xFFFFFFC0];
	s21 =	sor.u32 s20, s21  }
0x64: {  	v3 =	vld [tilespmem:s21+$0xA100];
	_ =	sdelay $0x4  }
0x65: {  	vm0 =	vlt.f32 v2, v1;
	vm1 =	veq.s32 v3, $0x0  }
0x66: {  	vm0 =	vmand vm1, vm0  }
0x67: {  	v2 =	vsel vm0, $0x1, v0  }
0x68: {  	[tilespmem:s17+$0xFFFFFFC0] =	vst v2  }
0x69: {  	v2 =	vld [tilespmem:s19+$0xFFFFFFD0]  }
0x6a: {  	v3 =	vld [tilespmem:s21+$0xA110];
	_ =	sdelay $0x4  }
0x6b: {  	vm4 =	vlt.f32 v2, v1;
	vm5 =	veq.s32 v3, $0x0  }
0x6c: {  	vm0 =	vmand vm5, vm4  }
0x6d: {  	v2 =	vsel vm0, $0x1, v0  }
0x6e: {  	[tilespmem:s17+$0xFFFFFFD0] =	vst v2  }
0x6f: {  	v2 =	vld [tilespmem:s21+$0xA120]  }
0x70: {  	v3 =	vld [tilespmem:s19+$0xFFFFFFE0];
	_ =	sdelay $0x4  }
0x71: {  	vm6 =	veq.s32 v2, $0x0;
	vm7 =	vlt.f32 v3, v1  }
0x72: {  	vm0 =	vmand vm6, vm7  }
0x73: {  	v2 =	vsel vm0, $0x1, v0  }
0x74: {  	[tilespmem:s17+$0xFFFFFFE0] =	vst v2  }
0x75: {  	v2 =	vld [tilespmem:s21+$0xA130]  }
0x76: {  	v3 =	vld [tilespmem:s19+$0xFFFFFFF0];
	_ =	sdelay $0x4  }
0x77: {  	vm8 =	veq.s32 v2, $0x0;
	vm9 =	vlt.f32 v3, v1  }
0x78: {  	vm0 =	vmand vm8, vm9  }
0x79: {  	v2 =	vsel vm0, $0x1, v0  }
0x7a: {  	[tilespmem:s17+$0xFFFFFFF0] =	vst v2  }
0x7b: {  	v2 =	vld [tilespmem:s21+$0xA140]  }
0x7c: {  	v3 =	vld [tilespmem:s19+$0x0];
	_ =	sdelay $0x4  }
0x7d: {  	vm10 =	veq.s32 v2, $0x0;
	vm11 =	vlt.f32 v3, v1  }
0x7e: {  	vm0 =	vmand vm10, vm11  }
0x7f: {  	v2 =	vsel vm0, $0x1, v0  }
0x80: {  	[tilespmem:s17+$0x0] =	vst v2  }
0x81: {  	v2 =	vld [tilespmem:s21+$0xA150]  }
0x82: {  	v3 =	vld [tilespmem:s19+$0x10];
	_ =	sdelay $0x4  }
0x83: {  	vm12 =	veq.s32 v2, $0x0;
	vm13 =	vlt.f32 v3, v1  }
0x84: {  	vm0 =	vmand vm12, vm13  }
0x85: {  	v2 =	vsel vm0, $0x1, v0  }
0x86: {  	[tilespmem:s17+$0x10] =	vst v2  }
0x87: {  	v2 =	vld [tilespmem:s21+$0xA160]  }
0x88: {  	v3 =	vld [tilespmem:s19+$0x20];
	_ =	sdelay $0x4  }
0x89: {  	vm14 =	veq.s32 v2, $0x0;
	vm15 =	vlt.f32 v3, v1  }
0x8a: {  	vm0 =	vmand vm14, vm15  }
0x8b: {  	v2 =	vsel vm0, $0x1, v0  }
0x8c: {  	[tilespmem:s17+$0x20] =	vst v2  }
0x8d: {  	s22 =	simm.s32 $0x0;
	v2 =	vld [tilespmem:s21+$0xA170]  }
0x8e: {  	s20 =	simm.s32 $0x0;
	v3 =	vld [tilespmem:s19+$0x30];
	s19 =	simm.s32 $0xC1C0;
	s21 =	simm.s32 $0x21C0  }
.LBB2_4:
0x8f: {  	s20 =	sadd.s32 $0x8, s20;
	s18 =	sadd.s32 $0x40, s18;
	s22 =	sadd.s32 $0x80, s22  }
0x90: {  	p0 =	slt.u32 s20, $0x7F8;
	_ =	sdelay $0x1  }
0x91: {  	vm0 =	veq.s32 v2, $0x0  }
0x92: {  	vm1 =	vlt.f32 v3, v1  }
0x93: {  	vm0 =	vmand vm0, vm1  }
0x94: {  	v2 =	vsel vm0, $0x1, v0  }
0x95: {  	s23 =	sand.u32 $0x80, s22;
	s24 =	sand.u32 $0x1F00, s18;
	[tilespmem:s17+$0x30] =	vst v2;
	s17 =	smov.u32 s19  }
0x96: {  	s23 =	sor.u32 s23, s24;
	v2 =	vld [tilespmem:s21+$0xFFFFFFC0]  }
0x97: {  	v3 =	vld [tilespmem:s23+$0xA100];
	_ =	sdelay $0x4  }
0x98: {  	vm0 =	vlt.f32 v2, v1;
	vm1 =	veq.s32 v3, $0x0  }
0x99: {  	vm0 =	vmand vm1, vm0  }
0x9a: {  	v2 =	vsel vm0, $0x1, v0  }
0x9b: {  	[tilespmem:s19+$0xFFFFFFC0] =	vst v2  }
0x9c: {  	v2 =	vld [tilespmem:s21+$0xFFFFFFD0]  }
0x9d: {  	v3 =	vld [tilespmem:s23+$0xA110];
	_ =	sdelay $0x3  }
0x9e: {  	vm0 =	vlt.f32 v2, v1  }
0x9f: {  	vm1 =	veq.s32 v3, $0x0  }
0xa0: {  	vm0 =	vmand vm1, vm0  }
0xa1: {  	v2 =	vsel vm0, $0x1, v0  }
0xa2: {  	[tilespmem:s19+$0xFFFFFFD0] =	vst v2  }
0xa3: {  	v2 =	vld [tilespmem:s23+$0xA120]  }
0xa4: {  	v3 =	vld [tilespmem:s21+$0xFFFFFFE0];
	_ =	sdelay $0x3  }
0xa5: {  	vm0 =	veq.s32 v2, $0x0  }
0xa6: {  	vm1 =	vlt.f32 v3, v1  }
0xa7: {  	vm0 =	vmand vm0, vm1  }
0xa8: {  	v2 =	vsel vm0, $0x1, v0  }
0xa9: {  	[tilespmem:s19+$0xFFFFFFE0] =	vst v2  }
0xaa: {  	v2 =	vld [tilespmem:s23+$0xA130]  }
0xab: {  	v3 =	vld [tilespmem:s21+$0xFFFFFFF0];
	_ =	sdelay $0x3  }
0xac: {  	vm0 =	veq.s32 v2, $0x0  }
0xad: {  	vm1 =	vlt.f32 v3, v1  }
0xae: {  	vm0 =	vmand vm0, vm1  }
0xaf: {  	v2 =	vsel vm0, $0x1, v0  }
0xb0: {  	[tilespmem:s19+$0xFFFFFFF0] =	vst v2  }
0xb1: {  	v2 =	vld [tilespmem:s23+$0xA140]  }
0xb2: {  	v3 =	vld [tilespmem:s21+$0x0];
	_ =	sdelay $0x3  }
0xb3: {  	vm0 =	veq.s32 v2, $0x0  }
0xb4: {  	vm1 =	vlt.f32 v3, v1  }
0xb5: {  	vm0 =	vmand vm0, vm1  }
0xb6: {  	v2 =	vsel vm0, $0x1, v0  }
0xb7: {  	[tilespmem:s19+$0x0] =	vst v2  }
0xb8: {  	v2 =	vld [tilespmem:s23+$0xA150]  }
0xb9: {  	v3 =	vld [tilespmem:s21+$0x10];
	_ =	sdelay $0x3  }
0xba: {  	vm0 =	veq.s32 v2, $0x0  }
0xbb: {  	vm1 =	vlt.f32 v3, v1  }
0xbc: {  	vm0 =	vmand vm0, vm1  }
0xbd: {  	v2 =	vsel vm0, $0x1, v0  }
0xbe: {  	[tilespmem:s19+$0x10] =	vst v2  }
0xbf: {  	v2 =	vld [tilespmem:s23+$0xA160]  }
0xc0: {  	v3 =	vld [tilespmem:s21+$0x20];
	_ =	sdelay $0x3  }
0xc1: {  	vm0 =	veq.s32 v2, $0x0  }
0xc2: {  	vm1 =	vlt.f32 v3, v1  }
.Ltmp1:
0xc3: {  	vm0 =	vmand vm0, vm1;
	(pc) =	sbr.rel @p0 .LBB2_4-.Ltmp1, $4  }
0xc4: {  	v2 =	vsel vm0, $0x1, v0  }
0xc5: {  	[tilespmem:s19+$0x20] =	vst v2  }
0xc6: {  	v2 =	vld [tilespmem:s23+$0xA170]  }
0xc7: {  	s19 =	sadd.s32 $0x80, s19;
	v3 =	vld [tilespmem:s21+$0x30];
	s21 =	sadd.s32 $0x80, s21  }
0xc8: {  	_ =	sdelay $0x3  }
0xc9: {  	vm0 =	veq.s32 v2, $0x0;
	vm1 =	vlt.f32 v3, v1  }
0xca: {  	vm0 =	vmand vm0, vm1  }
0xcb: {  	v1 =	vsel vm0, $0x1, v0  }
0xcc: {  	[tilespmem:s17+$0x30] =	vst v1  }
0xcd: {  	[hbm4b:s7+s2] =	stream.linear.scatter [tilespmem:s14], [sflag:$0x1], $0x2000, $0x38;
	[tilespmem:$0x14100] =	vst v63  }
0xce: {  	s16 =	sadd.s32 $0x1, s16;
	_ =	swait.ge [sflag:s10], $0x2000  }
0xcf: {  	p0 =	sne.s32 s16, s9;
	[sflag:s10] =	ssyncset.done $0x0  }
.Ltmp2:
0xd0: {  	[sflag:s10] =	ssyncadd.s32 $0xFFFFE000;
	(pc) =	sbr.rel @p0 .LBB2_1-.Ltmp2, $4  }
0xd1: {  	[hbm4b:s8+s2] =	stream.linear.scatter [tilespmem:s15], [sflag:$0x1], $0x8000, $0x38;
	[tilespmem:$0x14100] =	vst v63  }
0xd2: {  	_ =	swait.ge [sflag:s10], $0x8000  }
0xd3: {  	[sflag:s10] =	ssyncset.done $0x0  }
0xd4: {  	[sflag:s10] =	ssyncadd.s32 $0xFFFF8000  }
0xd5: {  	_ =	sfence.sel $0x180000  }
0xd6: {  	[bflag:$0x0] =	sbarrier.arrive $0xFFFF  }
0xd7: {  	p0 =	sne.s32 s1, $0x0;
	_ =	strace $0x90000047  }
0xd8: {  	s0 =	sadd.s32 @!p0 $0x100000, s0;
	[bflag:$0x2] =	sbarrier.arrive $0xFFFF  }
0xd9: {  	[sflag:s0] =	ssyncadd.tile.s32 @!p0 $0x1;
	_ =	shalt  }
.Lfunc_end2:
_tile_overlayer_lowered:
.L_overlay_start_2:
0xda: {  	(tag) =	ssettag $0x2  }
0xdb: {  	s0 =	rddreg [dreg:$0x0];
	s2 =	stileid.u32  }
0xdc: {  	s1 =	rddreg [dreg:$0x1];
	p0 =	sne.s32 s2, $0x0  }
0xdd: {  	s3 =	rddreg [dreg:$0x2];
	[bflag:$0x3] =	sbarrier.arrive $0xFFFF;
	s2 =	simm.s32 @!p0 $0x1C01  }
0xde: {  	[timem:s3], [sflag:s2] =	dma.local @!p0 [hbm:s0], s1  }
0xdf: {  	s0 =	simm.s32 @!p0 $0x1  }
0xe0: {  	_ =	swait.ge @!p0 [sflag:s0], s1  }
0xe1: {  	s1 =	ssub.s32 @!p0 $0x0, s1;
	[sflag:s0] =	ssyncset.done @!p0 $0x0  }
0xe2: {  	[sflag:s0] =	ssyncadd.s32 @!p0 s1  }
0xe3: {  	[bflag:$0x3] =	sbarrier.arrive $0xFFFF  }
0xe4: {  	_ =	shalt  }

</sc_bundles>
